<compile_context>
chip_gen: v7x
topology: tpu7x:2x2x1
jax: 0.10.2.dev20260603
libtpu: 0.0.44.dev20260713+nightly
codegen_flags: <defaults>
</compile_context>

<pallas_src>
import jax
import jax.numpy as jnp
from jax import lax
from jax.experimental import pallas as pl
from jax.experimental.pallas import tpu as pltpu
from jax.experimental.pallas import tpu_sc as plsc

B = 16384
D = 32
NC = 2
NS = 16
NW = NC * NS
BPW = B // NW
GROUPS = BPW // 16


def _sc_body(idx_hbm, ent_hbm, rel_hbm, out_hbm,
             hstage, rstage, tstage, hbuf, rbuf, tbuf, out_v, sem):
    wid = lax.axis_index("s") * NC + lax.axis_index("c")
    base = wid * BPW
    crow = wid * 4

    for c in range(4):
        pltpu.sync_copy(idx_hbm.at[0, crow + c], hstage.at[pl.ds(c * 128, 128)])
        pltpu.sync_copy(idx_hbm.at[1, crow + c], rstage.at[pl.ds(c * 128, 128)])
        pltpu.sync_copy(idx_hbm.at[2, crow + c], tstage.at[pl.ds(c * 128, 128)])

    lane16 = lax.iota(jnp.int32, 16)

    def fire(slot, he, re, te, lane):
        eh = pl.multiple_of((he[lane] >> 7) * 128, 128)
        er = pl.multiple_of((re[lane] >> 7) * 128, 128)
        et = pl.multiple_of((te[lane] >> 7) * 128, 128)
        dst = pl.ds(slot * 4, 4)
        return [
            pltpu.async_copy(ent_hbm.at[:, :, pl.ds(eh, 128)],
                             hbuf.at[dst], sem),
            pltpu.async_copy(rel_hbm.at[:, :, pl.ds(er, 128)],
                             rbuf.at[dst], sem),
            pltpu.async_copy(ent_hbm.at[:, :, pl.ds(et, 128)],
                             tbuf.at[dst], sem),
        ]

    def score(slot, he, re, te, lane, opos):
        dts_a = jnp.full((16,), slot * 4, jnp.int32) + (lane16 >> 3)
        dts_b = dts_a + 2
        dss = lane16 & 7
        lh = jnp.full((16,), he[lane] & 127, jnp.int32)
        lr = jnp.full((16,), re[lane] & 127, jnp.int32)
        lt = jnp.full((16,), te[lane] & 127, jnp.int32)
        pa = (plsc.load_gather(hbuf, [dts_a, dss, lh])
              * plsc.load_gather(rbuf, [dts_a, dss, lr])
              * plsc.load_gather(tbuf, [dts_a, dss, lt]))
        pb = (plsc.load_gather(hbuf, [dts_b, dss, lh])
              * plsc.load_gather(rbuf, [dts_b, dss, lr])
              * plsc.load_gather(tbuf, [dts_b, dss, lt]))
        s = jnp.sum(pa + pb)
        plsc.store_scatter(out_v, [jnp.full((16,), opos, jnp.int32)],
                           jnp.full((16,), s, jnp.float32),
                           mask=lane16 == 0)

    def g_body(g, carry):
        off = g * 16
        he = hstage[pl.ds(off, 16)]
        re = rstage[pl.ds(off, 16)]
        te = tstage[pl.ds(off, 16)]
        depth = 4
        inflight = [fire(i, he, re, te, i) for i in range(depth)]
        for lane in range(16):
            nxt = None
            if lane + depth < 16:
                nxt = fire((lane + depth) % 8, he, re, te, lane + depth)
            for cp in inflight[0]:
                cp.wait()
            score(lane % 8, he, re, te, lane, off + lane)
            inflight = inflight[1:] + [nxt]
        return carry

    lax.fori_loop(0, GROUPS, g_body, 0)
    pltpu.sync_copy(out_v, out_hbm.at[pl.ds(base, BPW)])


@jax.jit
def _score(idx, ent4, rel4):
    mesh = plsc.VectorSubcoreMesh(core_axis_name="c", subcore_axis_name="s")
    run = pl.kernel(
        _sc_body,
        out_type=jax.ShapeDtypeStruct((B,), jnp.float32),
        mesh=mesh,
        compiler_params=pltpu.CompilerParams(needs_layout_passes=False),
        scratch_types=[
            pltpu.VMEM((BPW,), jnp.int32),
            pltpu.VMEM((BPW,), jnp.int32),
            pltpu.VMEM((BPW,), jnp.int32),
            pltpu.VMEM((32, 8, 128), jnp.float32),
            pltpu.VMEM((32, 8, 128), jnp.float32),
            pltpu.VMEM((32, 8, 128), jnp.float32),
            pltpu.VMEM((BPW,), jnp.float32),
            pltpu.SemaphoreType.DMA,
        ],
    )
    return run(idx, ent4, rel4)


def kernel(sample, entity_embedding, relation_embedding):
    idx = sample.T.reshape(3, B // 128, 128)
    ent4 = entity_embedding.T.reshape(4, 8, 1000000)
    rel4 = relation_embedding.T.reshape(4, 8, 1000000)
    score = _score(idx, ent4, rel4)
    return score.reshape(B, 1)

# --- scband reference (transcript-rebuilt; emitter-appended) ---
"""Pipeline reference for scband-kgemodel-90872918049423 (READ-ONLY COPY).

The authoritative reference and input builder live on the scoring server;
editing this copy changes nothing except your own understanding.
"""

import jax, jax.numpy as jnp
import numpy as np

NENTITY = 1000000
NRELATION = 1000000
HIDDEN_DIM = 32
GAMMA = 12.0
EPSILON = 2.0
EMB_RANGE = (GAMMA + EPSILON) / HIDDEN_DIM  # 0.4375
BATCH = 16384


def setup_inputs(seed: int = 0) -> dict:
    key = jax.random.key(seed)
    k1, k2, k3 = jax.random.split(key, 3)
    sample = jax.random.randint(k1, (BATCH, 3), 0, NENTITY, dtype=jnp.int32)
    entity_embedding = jax.random.uniform(
        k2, (NENTITY, HIDDEN_DIM), minval=-EMB_RANGE, maxval=EMB_RANGE, dtype=jnp.float32)
    relation_embedding = jax.random.uniform(
        k3, (NRELATION, HIDDEN_DIM), minval=-EMB_RANGE, maxval=EMB_RANGE, dtype=jnp.float32)
    return {
        "sample": sample,
        "entity_embedding": entity_embedding,
        "relation_embedding": relation_embedding,
    }


def reference(sample, entity_embedding, relation_embedding):
    # mode == 'single': gather head/relation/tail rows, unsqueeze at dim 1
    head = jnp.take(entity_embedding, sample[:, 0], axis=0)[:, None, :]
    relation = jnp.take(relation_embedding, sample[:, 1], axis=0)[:, None, :]
    tail = jnp.take(entity_embedding, sample[:, 2], axis=0)[:, None, :]
    # DistMult score
    score = jnp.sum(head * relation * tail, axis=2)  # [B, 1]
    return score

if __name__ == "__main__":
    import jax
    _d = setup_inputs()
    print(jax.jit(kernel)(*tuple(_d.values())))

</pallas_src>

<mosaic_0001>
#map = affine_map<(d0, d1) -> (0, 0, 0)>
#map1 = affine_map<(d0, d1) -> (0)>
module attributes {stable_mosaic.version = 14 : i64} {
  func.func @_sc_body(%arg0: i32, %arg1: i32, %arg2: memref<3x128x128xi32, #tpu.memory_space<hbm>>, %arg3: memref<4x8x1000000xf32, #tpu.memory_space<hbm>>, %arg4: memref<4x8x1000000xf32, #tpu.memory_space<hbm>>, %arg5: memref<16384xf32, #tpu.memory_space<hbm>>, %arg6: memref<512xi32, #tpu.memory_space<vmem>>, %arg7: memref<512xi32, #tpu.memory_space<vmem>>, %arg8: memref<512xi32, #tpu.memory_space<vmem>>, %arg9: memref<32x8x128xf32, #tpu.memory_space<vmem>>, %arg10: memref<32x8x128xf32, #tpu.memory_space<vmem>>, %arg11: memref<32x8x128xf32, #tpu.memory_space<vmem>>, %arg12: memref<512xf32, #tpu.memory_space<vmem>>, %arg13: memref<!tpu.dma_semaphore, #tpu.memory_space<semaphore_mem>>) attributes {dimension_semantics = [#tpu.dimension_semantics<core_parallel>, #tpu.dimension_semantics<subcore_parallel>], iteration_bounds = array<i64: 2, 16>, scalar_prefetch = 0 : i64, scratch_operands = 8 : i64, tpu.core_type = #tpu.core_type<sc_vector_subcore>, window_params = [{transform_indices = #map}, {transform_indices = #map}, {transform_indices = #map}, {transform_indices = #map1}]} {
    %mul3A = arith.constant 2 : i32
    %mul3A_0 = arith.muli %arg1, %mul3A : i32
    %add3A = arith.addi %mul3A_0, %arg0 : i32
    %mul3A_1 = arith.constant 512 : i32
    %mul3A_2 = arith.muli %add3A, %mul3A_1 : i32
    %mul3A_3 = arith.constant 4 : i32
    %mul3A_4 = arith.muli %add3A, %mul3A_3 : i32
    %add3A_5 = arith.constant 0 : i32
    %add3A_6 = arith.addi %mul3A_4, %add3A_5 : i32
    %run_scoped3A = arith.constant 0 : i32
    "tpu.region"() ({
      %run_scoped3A_45 = tpu.sem_alloc : memref<!tpu.dma_semaphore, #tpu.memory_space<semaphore_mem>>
      %dma_start3A = arith.constant 0 : i32
      %dma_start3A_46 = tpu.memref_slice %arg6[%dma_start3A] : memref<512xi32, #tpu.memory_space<vmem>> -> memref<128xi32, #tpu.memory_space<vmem>>
      %dma_start3A_47 = arith.constant 0 : i32
      %dma_start3A_48 = tpu.memref_slice %arg2[%run_scoped3A, %add3A_6, %dma_start3A_47] : memref<3x128x128xi32, #tpu.memory_space<hbm>> -> memref<1x1x128xi32, #tpu.memory_space<hbm>>
      %dma_start3A_49 = tpu.memref_squeeze %dma_start3A_48 : memref<1x1x128xi32, #tpu.memory_space<hbm>> -> memref<128xi32, #tpu.memory_space<hbm>>
      %dma_start3A_50 = arith.constant 0 : i32
      %dma_start3A_51 = tpu.memref_slice %arg6[%dma_start3A_50] : memref<512xi32, #tpu.memory_space<vmem>> -> memref<128xi32, #tpu.memory_space<vmem>>
      %dma_start3A_52 = arith.constant 0 : i32
      %dma_start3A_53 = tpu.memref_slice %arg2[%run_scoped3A, %add3A_6, %dma_start3A_52] : memref<3x128x128xi32, #tpu.memory_space<hbm>> -> memref<1x1x128xi32, #tpu.memory_space<hbm>>
      %dma_start3A_54 = tpu.memref_squeeze %dma_start3A_53 : memref<1x1x128xi32, #tpu.memory_space<hbm>> -> memref<128xi32, #tpu.memory_space<hbm>>
      tpu.enqueue_dma source(%dma_start3A_54 : memref<128xi32, #tpu.memory_space<hbm>>) target(%dma_start3A_51 : memref<128xi32, #tpu.memory_space<vmem>>) target_semaphore(%run_scoped3A_45 : memref<!tpu.dma_semaphore, #tpu.memory_space<semaphore_mem>>)
      %dma_wait3A = arith.constant 0 : i32
      %dma_wait3A_55 = tpu.memref_slice %arg6[%dma_wait3A] : memref<512xi32, #tpu.memory_space<vmem>> -> memref<128xi32, #tpu.memory_space<vmem>>
      %dma_wait3A_56 = arith.constant 0 : i32
      %dma_wait3A_57 = tpu.memref_slice %arg2[%run_scoped3A, %add3A_6, %dma_wait3A_56] : memref<3x128x128xi32, #tpu.memory_space<hbm>> -> memref<1x1x128xi32, #tpu.memory_space<hbm>>
      %dma_wait3A_58 = tpu.memref_squeeze %dma_wait3A_57 : memref<1x1x128xi32, #tpu.memory_space<hbm>> -> memref<128xi32, #tpu.memory_space<hbm>>
      %dma_wait3A_59 = arith.constant 0 : i32
      %dma_wait3A_60 = tpu.memref_slice %arg6[%dma_wait3A_59] : memref<512xi32, #tpu.memory_space<vmem>> -> memref<128xi32, #tpu.memory_space<vmem>>
      %dma_wait3A_61 = arith.constant 0 : i32
      %dma_wait3A_62 = tpu.memref_slice %arg2[%run_scoped3A, %add3A_6, %dma_wait3A_61] : memref<3x128x128xi32, #tpu.memory_space<hbm>> -> memref<1x1x128xi32, #tpu.memory_space<hbm>>
      %dma_wait3A_63 = tpu.memref_squeeze %dma_wait3A_62 : memref<1x1x128xi32, #tpu.memory_space<hbm>> -> memref<128xi32, #tpu.memory_space<hbm>>
      tpu.wait_dma2 semaphore(%run_scoped3A_45 : memref<!tpu.dma_semaphore, #tpu.memory_space<semaphore_mem>>) src(%dma_wait3A_63 : memref<128xi32, #tpu.memory_space<hbm>>) dst(%dma_wait3A_60 : memref<128xi32, #tpu.memory_space<vmem>>)
      tpu.yield
    }) : () -> ()
    %add3A_7 = arith.constant 0 : i32
    %add3A_8 = arith.addi %mul3A_4, %add3A_7 : i32
    %run_scoped3A_9 = arith.constant 1 : i32
    "tpu.region"() ({
      %run_scoped3A_45 = tpu.sem_alloc : memref<!tpu.dma_semaphore, #tpu.memory_space<semaphore_mem>>
      %dma_start3A = arith.constant 0 : i32
      %dma_start3A_46 = tpu.memref_slice %arg7[%dma_start3A] : memref<512xi32, #tpu.memory_space<vmem>> -> memref<128xi32, #tpu.memory_space<vmem>>
      %dma_start3A_47 = arith.constant 0 : i32
      %dma_start3A_48 = tpu.memref_slice %arg2[%run_scoped3A_9, %add3A_8, %dma_start3A_47] : memref<3x128x128xi32, #tpu.memory_space<hbm>> -> memref<1x1x128xi32, #tpu.memory_space<hbm>>
      %dma_start3A_49 = tpu.memref_squeeze %dma_start3A_48 : memref<1x1x128xi32, #tpu.memory_space<hbm>> -> memref<128xi32, #tpu.memory_space<hbm>>
      %dma_start3A_50 = arith.constant 0 : i32
      %dma_start3A_51 = tpu.memref_slice %arg7[%dma_start3A_50] : memref<512xi32, #tpu.memory_space<vmem>> -> memref<128xi32, #tpu.memory_space<vmem>>
      %dma_start3A_52 = arith.constant 0 : i32
      %dma_start3A_53 = tpu.memref_slice %arg2[%run_scoped3A_9, %add3A_8, %dma_start3A_52] : memref<3x128x128xi32, #tpu.memory_space<hbm>> -> memref<1x1x128xi32, #tpu.memory_space<hbm>>
      %dma_start3A_54 = tpu.memref_squeeze %dma_start3A_53 : memref<1x1x128xi32, #tpu.memory_space<hbm>> -> memref<128xi32, #tpu.memory_space<hbm>>
      tpu.enqueue_dma source(%dma_start3A_54 : memref<128xi32, #tpu.memory_space<hbm>>) target(%dma_start3A_51 : memref<128xi32, #tpu.memory_space<vmem>>) target_semaphore(%run_scoped3A_45 : memref<!tpu.dma_semaphore, #tpu.memory_space<semaphore_mem>>)
      %dma_wait3A = arith.constant 0 : i32
      %dma_wait3A_55 = tpu.memref_slice %arg7[%dma_wait3A] : memref<512xi32, #tpu.memory_space<vmem>> -> memref<128xi32, #tpu.memory_space<vmem>>
      %dma_wait3A_56 = arith.constant 0 : i32
      %dma_wait3A_57 = tpu.memref_slice %arg2[%run_scoped3A_9, %add3A_8, %dma_wait3A_56] : memref<3x128x128xi32, #tpu.memory_space<hbm>> -> memref<1x1x128xi32, #tpu.memory_space<hbm>>
      %dma_wait3A_58 = tpu.memref_squeeze %dma_wait3A_57 : memref<1x1x128xi32, #tpu.memory_space<hbm>> -> memref<128xi32, #tpu.memory_space<hbm>>
      %dma_wait3A_59 = arith.constant 0 : i32
      %dma_wait3A_60 = tpu.memref_slice %arg7[%dma_wait3A_59] : memref<512xi32, #tpu.memory_space<vmem>> -> memref<128xi32, #tpu.memory_space<vmem>>
      %dma_wait3A_61 = arith.constant 0 : i32
      %dma_wait3A_62 = tpu.memref_slice %arg2[%run_scoped3A_9, %add3A_8, %dma_wait3A_61] : memref<3x128x128xi32, #tpu.memory_space<hbm>> -> memref<1x1x128xi32, #tpu.memory_space<hbm>>
      %dma_wait3A_63 = tpu.memref_squeeze %dma_wait3A_62 : memref<1x1x128xi32, #tpu.memory_space<hbm>> -> memref<128xi32, #tpu.memory_space<hbm>>
      tpu.wait_dma2 semaphore(%run_scoped3A_45 : memref<!tpu.dma_semaphore, #tpu.memory_space<semaphore_mem>>) src(%dma_wait3A_63 : memref<128xi32, #tpu.memory_space<hbm>>) dst(%dma_wait3A_60 : memref<128xi32, #tpu.memory_space<vmem>>)
      tpu.yield
    }) : () -> ()
    %add3A_10 = arith.constant 0 : i32
    %add3A_11 = arith.addi %mul3A_4, %add3A_10 : i32
    %run_scoped3A_12 = arith.constant 2 : i32
    "tpu.region"() ({
      %run_scoped3A_45 = tpu.sem_alloc : memref<!tpu.dma_semaphore, #tpu.memory_space<semaphore_mem>>
      %dma_start3A = arith.constant 0 : i32
      %dma_start3A_46 = tpu.memref_slice %arg8[%dma_start3A] : memref<512xi32, #tpu.memory_space<vmem>> -> memref<128xi32, #tpu.memory_space<vmem>>
      %dma_start3A_47 = arith.constant 0 : i32
      %dma_start3A_48 = tpu.memref_slice %arg2[%run_scoped3A_12, %add3A_11, %dma_start3A_47] : memref<3x128x128xi32, #tpu.memory_space<hbm>> -> memref<1x1x128xi32, #tpu.memory_space<hbm>>
      %dma_start3A_49 = tpu.memref_squeeze %dma_start3A_48 : memref<1x1x128xi32, #tpu.memory_space<hbm>> -> memref<128xi32, #tpu.memory_space<hbm>>
      %dma_start3A_50 = arith.constant 0 : i32
      %dma_start3A_51 = tpu.memref_slice %arg8[%dma_start3A_50] : memref<512xi32, #tpu.memory_space<vmem>> -> memref<128xi32, #tpu.memory_space<vmem>>
      %dma_start3A_52 = arith.constant 0 : i32
      %dma_start3A_53 = tpu.memref_slice %arg2[%run_scoped3A_12, %add3A_11, %dma_start3A_52] : memref<3x128x128xi32, #tpu.memory_space<hbm>> -> memref<1x1x128xi32, #tpu.memory_space<hbm>>
      %dma_start3A_54 = tpu.memref_squeeze %dma_start3A_53 : memref<1x1x128xi32, #tpu.memory_space<hbm>> -> memref<128xi32, #tpu.memory_space<hbm>>
      tpu.enqueue_dma source(%dma_start3A_54 : memref<128xi32, #tpu.memory_space<hbm>>) target(%dma_start3A_51 : memref<128xi32, #tpu.memory_space<vmem>>) target_semaphore(%run_scoped3A_45 : memref<!tpu.dma_semaphore, #tpu.memory_space<semaphore_mem>>)
      %dma_wait3A = arith.constant 0 : i32
      %dma_wait3A_55 = tpu.memref_slice %arg8[%dma_wait3A] : memref<512xi32, #tpu.memory_space<vmem>> -> memref<128xi32, #tpu.memory_space<vmem>>
      %dma_wait3A_56 = arith.constant 0 : i32
      %dma_wait3A_57 = tpu.memref_slice %arg2[%run_scoped3A_12, %add3A_11, %dma_wait3A_56] : memref<3x128x128xi32, #tpu.memory_space<hbm>> -> memref<1x1x128xi32, #tpu.memory_space<hbm>>
      %dma_wait3A_58 = tpu.memref_squeeze %dma_wait3A_57 : memref<1x1x128xi32, #tpu.memory_space<hbm>> -> memref<128xi32, #tpu.memory_space<hbm>>
      %dma_wait3A_59 = arith.constant 0 : i32
      %dma_wait3A_60 = tpu.memref_slice %arg8[%dma_wait3A_59] : memref<512xi32, #tpu.memory_space<vmem>> -> memref<128xi32, #tpu.memory_space<vmem>>
      %dma_wait3A_61 = arith.constant 0 : i32
      %dma_wait3A_62 = tpu.memref_slice %arg2[%run_scoped3A_12, %add3A_11, %dma_wait3A_61] : memref<3x128x128xi32, #tpu.memory_space<hbm>> -> memref<1x1x128xi32, #tpu.memory_space<hbm>>
      %dma_wait3A_63 = tpu.memref_squeeze %dma_wait3A_62 : memref<1x1x128xi32, #tpu.memory_space<hbm>> -> memref<128xi32, #tpu.memory_space<hbm>>
      tpu.wait_dma2 semaphore(%run_scoped3A_45 : memref<!tpu.dma_semaphore, #tpu.memory_space<semaphore_mem>>) src(%dma_wait3A_63 : memref<128xi32, #tpu.memory_space<hbm>>) dst(%dma_wait3A_60 : memref<128xi32, #tpu.memory_space<vmem>>)
      tpu.yield
    }) : () -> ()
    %add3A_13 = arith.constant 1 : i32
    %add3A_14 = arith.addi %mul3A_4, %add3A_13 : i32
    %run_scoped3A_15 = arith.constant 0 : i32
    "tpu.region"() ({
      %run_scoped3A_45 = tpu.sem_alloc : memref<!tpu.dma_semaphore, #tpu.memory_space<semaphore_mem>>
      %dma_start3A = arith.constant 128 : i32
      %dma_start3A_46 = tpu.memref_slice %arg6[%dma_start3A] : memref<512xi32, #tpu.memory_space<vmem>> -> memref<128xi32, #tpu.memory_space<vmem>>
      %dma_start3A_47 = arith.constant 0 : i32
      %dma_start3A_48 = tpu.memref_slice %arg2[%run_scoped3A_15, %add3A_14, %dma_start3A_47] : memref<3x128x128xi32, #tpu.memory_space<hbm>> -> memref<1x1x128xi32, #tpu.memory_space<hbm>>
      %dma_start3A_49 = tpu.memref_squeeze %dma_start3A_48 : memref<1x1x128xi32, #tpu.memory_space<hbm>> -> memref<128xi32, #tpu.memory_space<hbm>>
      %dma_start3A_50 = arith.constant 128 : i32
      %dma_start3A_51 = tpu.memref_slice %arg6[%dma_start3A_50] : memref<512xi32, #tpu.memory_space<vmem>> -> memref<128xi32, #tpu.memory_space<vmem>>
      %dma_start3A_52 = arith.constant 0 : i32
      %dma_start3A_53 = tpu.memref_slice %arg2[%run_scoped3A_15, %add3A_14, %dma_start3A_52] : memref<3x128x128xi32, #tpu.memory_space<hbm>> -> memref<1x1x128xi32, #tpu.memory_space<hbm>>
      %dma_start3A_54 = tpu.memref_squeeze %dma_start3A_53 : memref<1x1x128xi32, #tpu.memory_space<hbm>> -> memref<128xi32, #tpu.memory_space<hbm>>
      tpu.enqueue_dma source(%dma_start3A_54 : memref<128xi32, #tpu.memory_space<hbm>>) target(%dma_start3A_51 : memref<128xi32, #tpu.memory_space<vmem>>) target_semaphore(%run_scoped3A_45 : memref<!tpu.dma_semaphore, #tpu.memory_space<semaphore_mem>>)
      %dma_wait3A = arith.constant 128 : i32
      %dma_wait3A_55 = tpu.memref_slice %arg6[%dma_wait3A] : memref<512xi32, #tpu.memory_space<vmem>> -> memref<128xi32, #tpu.memory_space<vmem>>
      %dma_wait3A_56 = arith.constant 0 : i32
      %dma_wait3A_57 = tpu.memref_slice %arg2[%run_scoped3A_15, %add3A_14, %dma_wait3A_56] : memref<3x128x128xi32, #tpu.memory_space<hbm>> -> memref<1x1x128xi32, #tpu.memory_space<hbm>>
      %dma_wait3A_58 = tpu.memref_squeeze %dma_wait3A_57 : memref<1x1x128xi32, #tpu.memory_space<hbm>> -> memref<128xi32, #tpu.memory_space<hbm>>
      %dma_wait3A_59 = arith.constant 128 : i32
      %dma_wait3A_60 = tpu.memref_slice %arg6[%dma_wait3A_59] : memref<512xi32, #tpu.memory_space<vmem>> -> memref<128xi32, #tpu.memory_space<vmem>>
      %dma_wait3A_61 = arith.constant 0 : i32
      %dma_wait3A_62 = tpu.memref_slice %arg2[%run_scoped3A_15, %add3A_14, %dma_wait3A_61] : memref<3x128x128xi32, #tpu.memory_space<hbm>> -> memref<1x1x128xi32, #tpu.memory_space<hbm>>
      %dma_wait3A_63 = tpu.memref_squeeze %dma_wait3A_62 : memref<1x1x128xi32, #tpu.memory_space<hbm>> -> memref<128xi32, #tpu.memory_space<hbm>>
      tpu.wait_dma2 semaphore(%run_scoped3A_45 : memref<!tpu.dma_semaphore, #tpu.memory_space<semaphore_mem>>) src(%dma_wait3A_63 : memref<128xi32, #tpu.memory_space<hbm>>) dst(%dma_wait3A_60 : memref<128xi32, #tpu.memory_space<vmem>>)
      tpu.yield
    }) : () -> ()
    %add3A_16 = arith.constant 1 : i32
    %add3A_17 = arith.addi %mul3A_4, %add3A_16 : i32
    %run_scoped3A_18 = arith.constant 1 : i32
    "tpu.region"() ({
      %run_scoped3A_45 = tpu.sem_alloc : memref<!tpu.dma_semaphore, #tpu.memory_space<semaphore_mem>>
      %dma_start3A = arith.constant 128 : i32
      %dma_start3A_46 = tpu.memref_slice %arg7[%dma_start3A] : memref<512xi32, #tpu.memory_space<vmem>> -> memref<128xi32, #tpu.memory_space<vmem>>
      %dma_start3A_47 = arith.constant 0 : i32
      %dma_start3A_48 = tpu.memref_slice %arg2[%run_scoped3A_18, %add3A_17, %dma_start3A_47] : memref<3x128x128xi32, #tpu.memory_space<hbm>> -> memref<1x1x128xi32, #tpu.memory_space<hbm>>
      %dma_start3A_49 = tpu.memref_squeeze %dma_start3A_48 : memref<1x1x128xi32, #tpu.memory_space<hbm>> -> memref<128xi32, #tpu.memory_space<hbm>>
      %dma_start3A_50 = arith.constant 128 : i32
      %dma_start3A_51 = tpu.memref_slice %arg7[%dma_start3A_50] : memref<512xi32, #tpu.memory_space<vmem>> -> memref<128xi32, #tpu.memory_space<vmem>>
      %dma_start3A_52 = arith.constant 0 : i32
      %dma_start3A_53 = tpu.memref_slice %arg2[%run_scoped3A_18, %add3A_17, %dma_start3A_52] : memref<3x128x128xi32, #tpu.memory_space<hbm>> -> memref<1x1x128xi32, #tpu.memory_space<hbm>>
      %dma_start3A_54 = tpu.memref_squeeze %dma_start3A_53 : memref<1x1x128xi32, #tpu.memory_space<hbm>> -> memref<128xi32, #tpu.memory_space<hbm>>
      tpu.enqueue_dma source(%dma_start3A_54 : memref<128xi32, #tpu.memory_space<hbm>>) target(%dma_start3A_51 : memref<128xi32, #tpu.memory_space<vmem>>) target_semaphore(%run_scoped3A_45 : memref<!tpu.dma_semaphore, #tpu.memory_space<semaphore_mem>>)
      %dma_wait3A = arith.constant 128 : i32
      %dma_wait3A_55 = tpu.memref_slice %arg7[%dma_wait3A] : memref<512xi32, #tpu.memory_space<vmem>> -> memref<128xi32, #tpu.memory_space<vmem>>
      %dma_wait3A_56 = arith.constant 0 : i32
      %dma_wait3A_57 = tpu.memref_slice %arg2[%run_scoped3A_18, %add3A_17, %dma_wait3A_56] : memref<3x128x128xi32, #tpu.memory_space<hbm>> -> memref<1x1x128xi32, #tpu.memory_space<hbm>>
      %dma_wait3A_58 = tpu.memref_squeeze %dma_wait3A_57 : memref<1x1x128xi32, #tpu.memory_space<hbm>> -> memref<128xi32, #tpu.memory_space<hbm>>
      %dma_wait3A_59 = arith.constant 128 : i32
      %dma_wait3A_60 = tpu.memref_slice %arg7[%dma_wait3A_59] : memref<512xi32, #tpu.memory_space<vmem>> -> memref<128xi32, #tpu.memory_space<vmem>>
      %dma_wait3A_61 = arith.constant 0 : i32
      %dma_wait3A_62 = tpu.memref_slice %arg2[%run_scoped3A_18, %add3A_17, %dma_wait3A_61] : memref<3x128x128xi32, #tpu.memory_space<hbm>> -> memref<1x1x128xi32, #tpu.memory_space<hbm>>
      %dma_wait3A_63 = tpu.memref_squeeze %dma_wait3A_62 : memref<1x1x128xi32, #tpu.memory_space<hbm>> -> memref<128xi32, #tpu.memory_space<hbm>>
      tpu.wait_dma2 semaphore(%run_scoped3A_45 : memref<!tpu.dma_semaphore, #tpu.memory_space<semaphore_mem>>) src(%dma_wait3A_63 : memref<128xi32, #tpu.memory_space<hbm>>) dst(%dma_wait3A_60 : memref<128xi32, #tpu.memory_space<vmem>>)
      tpu.yield
    }) : () -> ()
    %add3A_19 = arith.constant 1 : i32
    %add3A_20 = arith.addi %mul3A_4, %add3A_19 : i32
    %run_scoped3A_21 = arith.constant 2 : i32
    "tpu.region"() ({
      %run_scoped3A_45 = tpu.sem_alloc : memref<!tpu.dma_semaphore, #tpu.memory_space<semaphore_mem>>
      %dma_start3A = arith.constant 128 : i32
      %dma_start3A_46 = tpu.memref_slice %arg8[%dma_start3A] : memref<512xi32, #tpu.memory_space<vmem>> -> memref<128xi32, #tpu.memory_space<vmem>>
      %dma_start3A_47 = arith.constant 0 : i32
      %dma_start3A_48 = tpu.memref_slice %arg2[%run_scoped3A_21, %add3A_20, %dma_start3A_47] : memref<3x128x128xi32, #tpu.memory_space<hbm>> -> memref<1x1x128xi32, #tpu.memory_space<hbm>>
      %dma_start3A_49 = tpu.memref_squeeze %dma_start3A_48 : memref<1x1x128xi32, #tpu.memory_space<hbm>> -> memref<128xi32, #tpu.memory_space<hbm>>
      %dma_start3A_50 = arith.constant 128 : i32
      %dma_start3A_51 = tpu.memref_slice %arg8[%dma_start3A_50] : memref<512xi32, #tpu.memory_space<vmem>> -> memref<128xi32, #tpu.memory_space<vmem>>
      %dma_start3A_52 = arith.constant 0 : i32
      %dma_start3A_53 = tpu.memref_slice %arg2[%run_scoped3A_21, %add3A_20, %dma_start3A_52] : memref<3x128x128xi32, #tpu.memory_space<hbm>> -> memref<1x1x128xi32, #tpu.memory_space<hbm>>
      %dma_start3A_54 = tpu.memref_squeeze %dma_start3A_53 : memref<1x1x128xi32, #tpu.memory_space<hbm>> -> memref<128xi32, #tpu.memory_space<hbm>>
      tpu.enqueue_dma source(%dma_start3A_54 : memref<128xi32, #tpu.memory_space<hbm>>) target(%dma_start3A_51 : memref<128xi32, #tpu.memory_space<vmem>>) target_semaphore(%run_scoped3A_45 : memref<!tpu.dma_semaphore, #tpu.memory_space<semaphore_mem>>)
      %dma_wait3A = arith.constant 128 : i32
      %dma_wait3A_55 = tpu.memref_slice %arg8[%dma_wait3A] : memref<512xi32, #tpu.memory_space<vmem>> -> memref<128xi32, #tpu.memory_space<vmem>>
      %dma_wait3A_56 = arith.constant 0 : i32
      %dma_wait3A_57 = tpu.memref_slice %arg2[%run_scoped3A_21, %add3A_20, %dma_wait3A_56] : memref<3x128x128xi32, #tpu.memory_space<hbm>> -> memref<1x1x128xi32, #tpu.memory_space<hbm>>
      %dma_wait3A_58 = tpu.memref_squeeze %dma_wait3A_57 : memref<1x1x128xi32, #tpu.memory_space<hbm>> -> memref<128xi32, #tpu.memory_space<hbm>>
      %dma_wait3A_59 = arith.constant 128 : i32
      %dma_wait3A_60 = tpu.memref_slice %arg8[%dma_wait3A_59] : memref<512xi32, #tpu.memory_space<vmem>> -> memref<128xi32, #tpu.memory_space<vmem>>
      %dma_wait3A_61 = arith.constant 0 : i32
      %dma_wait3A_62 = tpu.memref_slice %arg2[%run_scoped3A_21, %add3A_20, %dma_wait3A_61] : memref<3x128x128xi32, #tpu.memory_space<hbm>> -> memref<1x1x128xi32, #tpu.memory_space<hbm>>
      %dma_wait3A_63 = tpu.memref_squeeze %dma_wait3A_62 : memref<1x1x128xi32, #tpu.memory_space<hbm>> -> memref<128xi32, #tpu.memory_space<hbm>>
      tpu.wait_dma2 semaphore(%run_scoped3A_45 : memref<!tpu.dma_semaphore, #tpu.memory_space<semaphore_mem>>) src(%dma_wait3A_63 : memref<128xi32, #tpu.memory_space<hbm>>) dst(%dma_wait3A_60 : memref<128xi32, #tpu.memory_space<vmem>>)
      tpu.yield
    }) : () -> ()
    %add3A_22 = arith.constant 2 : i32
    %add3A_23 = arith.addi %mul3A_4, %add3A_22 : i32
    %run_scoped3A_24 = arith.constant 0 : i32
    "tpu.region"() ({
      %run_scoped3A_45 = tpu.sem_alloc : memref<!tpu.dma_semaphore, #tpu.memory_space<semaphore_mem>>
      %dma_start3A = arith.constant 256 : i32
      %dma_start3A_46 = tpu.memref_slice %arg6[%dma_start3A] : memref<512xi32, #tpu.memory_space<vmem>> -> memref<128xi32, #tpu.memory_space<vmem>>
      %dma_start3A_47 = arith.constant 0 : i32
      %dma_start3A_48 = tpu.memref_slice %arg2[%run_scoped3A_24, %add3A_23, %dma_start3A_47] : memref<3x128x128xi32, #tpu.memory_space<hbm>> -> memref<1x1x128xi32, #tpu.memory_space<hbm>>
      %dma_start3A_49 = tpu.memref_squeeze %dma_start3A_48 : memref<1x1x128xi32, #tpu.memory_space<hbm>> -> memref<128xi32, #tpu.memory_space<hbm>>
      %dma_start3A_50 = arith.constant 256 : i32
      %dma_start3A_51 = tpu.memref_slice %arg6[%dma_start3A_50] : memref<512xi32, #tpu.memory_space<vmem>> -> memref<128xi32, #tpu.memory_space<vmem>>
      %dma_start3A_52 = arith.constant 0 : i32
      %dma_start3A_53 = tpu.memref_slice %arg2[%run_scoped3A_24, %add3A_23, %dma_start3A_52] : memref<3x128x128xi32, #tpu.memory_space<hbm>> -> memref<1x1x128xi32, #tpu.memory_space<hbm>>
      %dma_start3A_54 = tpu.memref_squeeze %dma_start3A_53 : memref<1x1x128xi32, #tpu.memory_space<hbm>> -> memref<128xi32, #tpu.memory_space<hbm>>
      tpu.enqueue_dma source(%dma_start3A_54 : memref<128xi32, #tpu.memory_space<hbm>>) target(%dma_start3A_51 : memref<128xi32, #tpu.memory_space<vmem>>) target_semaphore(%run_scoped3A_45 : memref<!tpu.dma_semaphore, #tpu.memory_space<semaphore_mem>>)
      %dma_wait3A = arith.constant 256 : i32
      %dma_wait3A_55 = tpu.memref_slice %arg6[%dma_wait3A] : memref<512xi32, #tpu.memory_space<vmem>> -> memref<128xi32, #tpu.memory_space<vmem>>
      %dma_wait3A_56 = arith.constant 0 : i32
      %dma_wait3A_57 = tpu.memref_slice %arg2[%run_scoped3A_24, %add3A_23, %dma_wait3A_56] : memref<3x128x128xi32, #tpu.memory_space<hbm>> -> memref<1x1x128xi32, #tpu.memory_space<hbm>>
      %dma_wait3A_58 = tpu.memref_squeeze %dma_wait3A_57 : memref<1x1x128xi32, #tpu.memory_space<hbm>> -> memref<128xi32, #tpu.memory_space<hbm>>
      %dma_wait3A_59 = arith.constant 256 : i32
      %dma_wait3A_60 = tpu.memref_slice %arg6[%dma_wait3A_59] : memref<512xi32, #tpu.memory_space<vmem>> -> memref<128xi32, #tpu.memory_space<vmem>>
      %dma_wait3A_61 = arith.constant 0 : i32
      %dma_wait3A_62 = tpu.memref_slice %arg2[%run_scoped3A_24, %add3A_23, %dma_wait3A_61] : memref<3x128x128xi32, #tpu.memory_space<hbm>> -> memref<1x1x128xi32, #tpu.memory_space<hbm>>
      %dma_wait3A_63 = tpu.memref_squeeze %dma_wait3A_62 : memref<1x1x128xi32, #tpu.memory_space<hbm>> -> memref<128xi32, #tpu.memory_space<hbm>>
      tpu.wait_dma2 semaphore(%run_scoped3A_45 : memref<!tpu.dma_semaphore, #tpu.memory_space<semaphore_mem>>) src(%dma_wait3A_63 : memref<128xi32, #tpu.memory_space<hbm>>) dst(%dma_wait3A_60 : memref<128xi32, #tpu.memory_space<vmem>>)
      tpu.yield
    }) : () -> ()
    %add3A_25 = arith.constant 2 : i32
    %add3A_26 = arith.addi %mul3A_4, %add3A_25 : i32
    %run_scoped3A_27 = arith.constant 1 : i32
    "tpu.region"() ({
      %run_scoped3A_45 = tpu.sem_alloc : memref<!tpu.dma_semaphore, #tpu.memory_space<semaphore_mem>>
      %dma_start3A = arith.constant 256 : i32
      %dma_start3A_46 = tpu.memref_slice %arg7[%dma_start3A] : memref<512xi32, #tpu.memory_space<vmem>> -> memref<128xi32, #tpu.memory_space<vmem>>
      %dma_start3A_47 = arith.constant 0 : i32
      %dma_start3A_48 = tpu.memref_slice %arg2[%run_scoped3A_27, %add3A_26, %dma_start3A_47] : memref<3x128x128xi32, #tpu.memory_space<hbm>> -> memref<1x1x128xi32, #tpu.memory_space<hbm>>
      %dma_start3A_49 = tpu.memref_squeeze %dma_start3A_48 : memref<1x1x128xi32, #tpu.memory_space<hbm>> -> memref<128xi32, #tpu.memory_space<hbm>>
      %dma_start3A_50 = arith.constant 256 : i32
      %dma_start3A_51 = tpu.memref_slice %arg7[%dma_start3A_50] : memref<512xi32, #tpu.memory_space<vmem>> -> memref<128xi32, #tpu.memory_space<vmem>>
      %dma_start3A_52 = arith.constant 0 : i32
      %dma_start3A_53 = tpu.memref_slice %arg2[%run_scoped3A_27, %add3A_26, %dma_start3A_52] : memref<3x128x128xi32, #tpu.memory_space<hbm>> -> memref<1x1x128xi32, #tpu.memory_space<hbm>>
      %dma_start3A_54 = tpu.memref_squeeze %dma_start3A_53 : memref<1x1x128xi32, #tpu.memory_space<hbm>> -> memref<128xi32, #tpu.memory_space<hbm>>
      tpu.enqueue_dma source(%dma_start3A_54 : memref<128xi32, #tpu.memory_space<hbm>>) target(%dma_start3A_51 : memref<128xi32, #tpu.memory_space<vmem>>) target_semaphore(%run_scoped3A_45 : memref<!tpu.dma_semaphore, #tpu.memory_space<semaphore_mem>>)
      %dma_wait3A = arith.constant 256 : i32
      %dma_wait3A_55 = tpu.memref_slice %arg7[%dma_wait3A] : memref<512xi32, #tpu.memory_space<vmem>> -> memref<128xi32, #tpu.memory_space<vmem>>
      %dma_wait3A_56 = arith.constant 0 : i32
      %dma_wait3A_57 = tpu.memref_slice %arg2[%run_scoped3A_27, %add3A_26, %dma_wait3A_56] : memref<3x128x128xi32, #tpu.memory_space<hbm>> -> memref<1x1x128xi32, #tpu.memory_space<hbm>>
      %dma_wait3A_58 = tpu.memref_squeeze %dma_wait3A_57 : memref<1x1x128xi32, #tpu.memory_space<hbm>> -> memref<128xi32, #tpu.memory_space<hbm>>
      %dma_wait3A_59 = arith.constant 256 : i32
      %dma_wait3A_60 = tpu.memref_slice %arg7[%dma_wait3A_59] : memref<512xi32, #tpu.memory_space<vmem>> -> memref<128xi32, #tpu.memory_space<vmem>>
      %dma_wait3A_61 = arith.constant 0 : i32
      %dma_wait3A_62 = tpu.memref_slice %arg2[%run_scoped3A_27, %add3A_26, %dma_wait3A_61] : memref<3x128x128xi32, #tpu.memory_space<hbm>> -> memref<1x1x128xi32, #tpu.memory_space<hbm>>
      %dma_wait3A_63 = tpu.memref_squeeze %dma_wait3A_62 : memref<1x1x128xi32, #tpu.memory_space<hbm>> -> memref<128xi32, #tpu.memory_space<hbm>>
      tpu.wait_dma2 semaphore(%run_scoped3A_45 : memref<!tpu.dma_semaphore, #tpu.memory_space<semaphore_mem>>) src(%dma_wait3A_63 : memref<128xi32, #tpu.memory_space<hbm>>) dst(%dma_wait3A_60 : memref<128xi32, #tpu.memory_space<vmem>>)
      tpu.yield
    }) : () -> ()
    %add3A_28 = arith.constant 2 : i32
    %add3A_29 = arith.addi %mul3A_4, %add3A_28 : i32
    %run_scoped3A_30 = arith.constant 2 : i32
    "tpu.region"() ({
      %run_scoped3A_45 = tpu.sem_alloc : memref<!tpu.dma_semaphore, #tpu.memory_space<semaphore_mem>>
      %dma_start3A = arith.constant 256 : i32
      %dma_start3A_46 = tpu.memref_slice %arg8[%dma_start3A] : memref<512xi32, #tpu.memory_space<vmem>> -> memref<128xi32, #tpu.memory_space<vmem>>
      %dma_start3A_47 = arith.constant 0 : i32
      %dma_start3A_48 = tpu.memref_slice %arg2[%run_scoped3A_30, %add3A_29, %dma_start3A_47] : memref<3x128x128xi32, #tpu.memory_space<hbm>> -> memref<1x1x128xi32, #tpu.memory_space<hbm>>
      %dma_start3A_49 = tpu.memref_squeeze %dma_start3A_48 : memref<1x1x128xi32, #tpu.memory_space<hbm>> -> memref<128xi32, #tpu.memory_space<hbm>>
      %dma_start3A_50 = arith.constant 256 : i32
      %dma_start3A_51 = tpu.memref_slice %arg8[%dma_start3A_50] : memref<512xi32, #tpu.memory_space<vmem>> -> memref<128xi32, #tpu.memory_space<vmem>>
      %dma_start3A_52 = arith.constant 0 : i32
      %dma_start3A_53 = tpu.memref_slice %arg2[%run_scoped3A_30, %add3A_29, %dma_start3A_52] : memref<3x128x128xi32, #tpu.memory_space<hbm>> -> memref<1x1x128xi32, #tpu.memory_space<hbm>>
      %dma_start3A_54 = tpu.memref_squeeze %dma_start3A_53 : memref<1x1x128xi32, #tpu.memory_space<hbm>> -> memref<128xi32, #tpu.memory_space<hbm>>
      tpu.enqueue_dma source(%dma_start3A_54 : memref<128xi32, #tpu.memory_space<hbm>>) target(%dma_start3A_51 : memref<128xi32, #tpu.memory_space<vmem>>) target_semaphore(%run_scoped3A_45 : memref<!tpu.dma_semaphore, #tpu.memory_space<semaphore_mem>>)
      %dma_wait3A = arith.constant 256 : i32
      %dma_wait3A_55 = tpu.memref_slice %arg8[%dma_wait3A] : memref<512xi32, #tpu.memory_space<vmem>> -> memref<128xi32, #tpu.memory_space<vmem>>
      %dma_wait3A_56 = arith.constant 0 : i32
      %dma_wait3A_57 = tpu.memref_slice %arg2[%run_scoped3A_30, %add3A_29, %dma_wait3A_56] : memref<3x128x128xi32, #tpu.memory_space<hbm>> -> memref<1x1x128xi32, #tpu.memory_space<hbm>>
      %dma_wait3A_58 = tpu.memref_squeeze %dma_wait3A_57 : memref<1x1x128xi32, #tpu.memory_space<hbm>> -> memref<128xi32, #tpu.memory_space<hbm>>
      %dma_wait3A_59 = arith.constant 256 : i32
      %dma_wait3A_60 = tpu.memref_slice %arg8[%dma_wait3A_59] : memref<512xi32, #tpu.memory_space<vmem>> -> memref<128xi32, #tpu.memory_space<vmem>>
      %dma_wait3A_61 = arith.constant 0 : i32
      %dma_wait3A_62 = tpu.memref_slice %arg2[%run_scoped3A_30, %add3A_29, %dma_wait3A_61] : memref<3x128x128xi32, #tpu.memory_space<hbm>> -> memref<1x1x128xi32, #tpu.memory_space<hbm>>
      %dma_wait3A_63 = tpu.memref_squeeze %dma_wait3A_62 : memref<1x1x128xi32, #tpu.memory_space<hbm>> -> memref<128xi32, #tpu.memory_space<hbm>>
      tpu.wait_dma2 semaphore(%run_scoped3A_45 : memref<!tpu.dma_semaphore, #tpu.memory_space<semaphore_mem>>) src(%dma_wait3A_63 : memref<128xi32, #tpu.memory_space<hbm>>) dst(%dma_wait3A_60 : memref<128xi32, #tpu.memory_space<vmem>>)
      tpu.yield
    }) : () -> ()
    %add3A_31 = arith.constant 3 : i32
    %add3A_32 = arith.addi %mul3A_4, %add3A_31 : i32
    %run_scoped3A_33 = arith.constant 0 : i32
    "tpu.region"() ({
      %run_scoped3A_45 = tpu.sem_alloc : memref<!tpu.dma_semaphore, #tpu.memory_space<semaphore_mem>>
      %dma_start3A = arith.constant 384 : i32
      %dma_start3A_46 = tpu.memref_slice %arg6[%dma_start3A] : memref<512xi32, #tpu.memory_space<vmem>> -> memref<128xi32, #tpu.memory_space<vmem>>
      %dma_start3A_47 = arith.constant 0 : i32
      %dma_start3A_48 = tpu.memref_slice %arg2[%run_scoped3A_33, %add3A_32, %dma_start3A_47] : memref<3x128x128xi32, #tpu.memory_space<hbm>> -> memref<1x1x128xi32, #tpu.memory_space<hbm>>
      %dma_start3A_49 = tpu.memref_squeeze %dma_start3A_48 : memref<1x1x128xi32, #tpu.memory_space<hbm>> -> memref<128xi32, #tpu.memory_space<hbm>>
      %dma_start3A_50 = arith.constant 384 : i32
      %dma_start3A_51 = tpu.memref_slice %arg6[%dma_start3A_50] : memref<512xi32, #tpu.memory_space<vmem>> -> memref<128xi32, #tpu.memory_space<vmem>>
      %dma_start3A_52 = arith.constant 0 : i32
      %dma_start3A_53 = tpu.memref_slice %arg2[%run_scoped3A_33, %add3A_32, %dma_start3A_52] : memref<3x128x128xi32, #tpu.memory_space<hbm>> -> memref<1x1x128xi32, #tpu.memory_space<hbm>>
      %dma_start3A_54 = tpu.memref_squeeze %dma_start3A_53 : memref<1x1x128xi32, #tpu.memory_space<hbm>> -> memref<128xi32, #tpu.memory_space<hbm>>
      tpu.enqueue_dma source(%dma_start3A_54 : memref<128xi32, #tpu.memory_space<hbm>>) target(%dma_start3A_51 : memref<128xi32, #tpu.memory_space<vmem>>) target_semaphore(%run_scoped3A_45 : memref<!tpu.dma_semaphore, #tpu.memory_space<semaphore_mem>>)
      %dma_wait3A = arith.constant 384 : i32
      %dma_wait3A_55 = tpu.memref_slice %arg6[%dma_wait3A] : memref<512xi32, #tpu.memory_space<vmem>> -> memref<128xi32, #tpu.memory_space<vmem>>
      %dma_wait3A_56 = arith.constant 0 : i32
      %dma_wait3A_57 = tpu.memref_slice %arg2[%run_scoped3A_33, %add3A_32, %dma_wait3A_56] : memref<3x128x128xi32, #tpu.memory_space<hbm>> -> memref<1x1x128xi32, #tpu.memory_space<hbm>>
      %dma_wait3A_58 = tpu.memref_squeeze %dma_wait3A_57 : memref<1x1x128xi32, #tpu.memory_space<hbm>> -> memref<128xi32, #tpu.memory_space<hbm>>
      %dma_wait3A_59 = arith.constant 384 : i32
      %dma_wait3A_60 = tpu.memref_slice %arg6[%dma_wait3A_59] : memref<512xi32, #tpu.memory_space<vmem>> -> memref<128xi32, #tpu.memory_space<vmem>>
      %dma_wait3A_61 = arith.constant 0 : i32
      %dma_wait3A_62 = tpu.memref_slice %arg2[%run_scoped3A_33, %add3A_32, %dma_wait3A_61] : memref<3x128x128xi32, #tpu.memory_space<hbm>> -> memref<1x1x128xi32, #tpu.memory_space<hbm>>
      %dma_wait3A_63 = tpu.memref_squeeze %dma_wait3A_62 : memref<1x1x128xi32, #tpu.memory_space<hbm>> -> memref<128xi32, #tpu.memory_space<hbm>>
      tpu.wait_dma2 semaphore(%run_scoped3A_45 : memref<!tpu.dma_semaphore, #tpu.memory_space<semaphore_mem>>) src(%dma_wait3A_63 : memref<128xi32, #tpu.memory_space<hbm>>) dst(%dma_wait3A_60 : memref<128xi32, #tpu.memory_space<vmem>>)
      tpu.yield
    }) : () -> ()
    %add3A_34 = arith.constant 3 : i32
    %add3A_35 = arith.addi %mul3A_4, %add3A_34 : i32
    %run_scoped3A_36 = arith.constant 1 : i32
    "tpu.region"() ({
      %run_scoped3A_45 = tpu.sem_alloc : memref<!tpu.dma_semaphore, #tpu.memory_space<semaphore_mem>>
      %dma_start3A = arith.constant 384 : i32
      %dma_start3A_46 = tpu.memref_slice %arg7[%dma_start3A] : memref<512xi32, #tpu.memory_space<vmem>> -> memref<128xi32, #tpu.memory_space<vmem>>
      %dma_start3A_47 = arith.constant 0 : i32
      %dma_start3A_48 = tpu.memref_slice %arg2[%run_scoped3A_36, %add3A_35, %dma_start3A_47] : memref<3x128x128xi32, #tpu.memory_space<hbm>> -> memref<1x1x128xi32, #tpu.memory_space<hbm>>
      %dma_start3A_49 = tpu.memref_squeeze %dma_start3A_48 : memref<1x1x128xi32, #tpu.memory_space<hbm>> -> memref<128xi32, #tpu.memory_space<hbm>>
      %dma_start3A_50 = arith.constant 384 : i32
      %dma_start3A_51 = tpu.memref_slice %arg7[%dma_start3A_50] : memref<512xi32, #tpu.memory_space<vmem>> -> memref<128xi32, #tpu.memory_space<vmem>>
      %dma_start3A_52 = arith.constant 0 : i32
      %dma_start3A_53 = tpu.memref_slice %arg2[%run_scoped3A_36, %add3A_35, %dma_start3A_52] : memref<3x128x128xi32, #tpu.memory_space<hbm>> -> memref<1x1x128xi32, #tpu.memory_space<hbm>>
      %dma_start3A_54 = tpu.memref_squeeze %dma_start3A_53 : memref<1x1x128xi32, #tpu.memory_space<hbm>> -> memref<128xi32, #tpu.memory_space<hbm>>
      tpu.enqueue_dma source(%dma_start3A_54 : memref<128xi32, #tpu.memory_space<hbm>>) target(%dma_start3A_51 : memref<128xi32, #tpu.memory_space<vmem>>) target_semaphore(%run_scoped3A_45 : memref<!tpu.dma_semaphore, #tpu.memory_space<semaphore_mem>>)
      %dma_wait3A = arith.constant 384 : i32
      %dma_wait3A_55 = tpu.memref_slice %arg7[%dma_wait3A] : memref<512xi32, #tpu.memory_space<vmem>> -> memref<128xi32, #tpu.memory_space<vmem>>
      %dma_wait3A_56 = arith.constant 0 : i32
      %dma_wait3A_57 = tpu.memref_slice %arg2[%run_scoped3A_36, %add3A_35, %dma_wait3A_56] : memref<3x128x128xi32, #tpu.memory_space<hbm>> -> memref<1x1x128xi32, #tpu.memory_space<hbm>>
      %dma_wait3A_58 = tpu.memref_squeeze %dma_wait3A_57 : memref<1x1x128xi32, #tpu.memory_space<hbm>> -> memref<128xi32, #tpu.memory_space<hbm>>
      %dma_wait3A_59 = arith.constant 384 : i32
      %dma_wait3A_60 = tpu.memref_slice %arg7[%dma_wait3A_59] : memref<512xi32, #tpu.memory_space<vmem>> -> memref<128xi32, #tpu.memory_space<vmem>>
      %dma_wait3A_61 = arith.constant 0 : i32
      %dma_wait3A_62 = tpu.memref_slice %arg2[%run_scoped3A_36, %add3A_35, %dma_wait3A_61] : memref<3x128x128xi32, #tpu.memory_space<hbm>> -> memref<1x1x128xi32, #tpu.memory_space<hbm>>
      %dma_wait3A_63 = tpu.memref_squeeze %dma_wait3A_62 : memref<1x1x128xi32, #tpu.memory_space<hbm>> -> memref<128xi32, #tpu.memory_space<hbm>>
      tpu.wait_dma2 semaphore(%run_scoped3A_45 : memref<!tpu.dma_semaphore, #tpu.memory_space<semaphore_mem>>) src(%dma_wait3A_63 : memref<128xi32, #tpu.memory_space<hbm>>) dst(%dma_wait3A_60 : memref<128xi32, #tpu.memory_space<vmem>>)
      tpu.yield
    }) : () -> ()
    %add3A_37 = arith.constant 3 : i32
    %add3A_38 = arith.addi %mul3A_4, %add3A_37 : i32
    %run_scoped3A_39 = arith.constant 2 : i32
    "tpu.region"() ({
      %run_scoped3A_45 = tpu.sem_alloc : memref<!tpu.dma_semaphore, #tpu.memory_space<semaphore_mem>>
      %dma_start3A = arith.constant 384 : i32
      %dma_start3A_46 = tpu.memref_slice %arg8[%dma_start3A] : memref<512xi32, #tpu.memory_space<vmem>> -> memref<128xi32, #tpu.memory_space<vmem>>
      %dma_start3A_47 = arith.constant 0 : i32
      %dma_start3A_48 = tpu.memref_slice %arg2[%run_scoped3A_39, %add3A_38, %dma_start3A_47] : memref<3x128x128xi32, #tpu.memory_space<hbm>> -> memref<1x1x128xi32, #tpu.memory_space<hbm>>
      %dma_start3A_49 = tpu.memref_squeeze %dma_start3A_48 : memref<1x1x128xi32, #tpu.memory_space<hbm>> -> memref<128xi32, #tpu.memory_space<hbm>>
      %dma_start3A_50 = arith.constant 384 : i32
      %dma_start3A_51 = tpu.memref_slice %arg8[%dma_start3A_50] : memref<512xi32, #tpu.memory_space<vmem>> -> memref<128xi32, #tpu.memory_space<vmem>>
      %dma_start3A_52 = arith.constant 0 : i32
      %dma_start3A_53 = tpu.memref_slice %arg2[%run_scoped3A_39, %add3A_38, %dma_start3A_52] : memref<3x128x128xi32, #tpu.memory_space<hbm>> -> memref<1x1x128xi32, #tpu.memory_space<hbm>>
      %dma_start3A_54 = tpu.memref_squeeze %dma_start3A_53 : memref<1x1x128xi32, #tpu.memory_space<hbm>> -> memref<128xi32, #tpu.memory_space<hbm>>
      tpu.enqueue_dma source(%dma_start3A_54 : memref<128xi32, #tpu.memory_space<hbm>>) target(%dma_start3A_51 : memref<128xi32, #tpu.memory_space<vmem>>) target_semaphore(%run_scoped3A_45 : memref<!tpu.dma_semaphore, #tpu.memory_space<semaphore_mem>>)
      %dma_wait3A = arith.constant 384 : i32
      %dma_wait3A_55 = tpu.memref_slice %arg8[%dma_wait3A] : memref<512xi32, #tpu.memory_space<vmem>> -> memref<128xi32, #tpu.memory_space<vmem>>
      %dma_wait3A_56 = arith.constant 0 : i32
      %dma_wait3A_57 = tpu.memref_slice %arg2[%run_scoped3A_39, %add3A_38, %dma_wait3A_56] : memref<3x128x128xi32, #tpu.memory_space<hbm>> -> memref<1x1x128xi32, #tpu.memory_space<hbm>>
      %dma_wait3A_58 = tpu.memref_squeeze %dma_wait3A_57 : memref<1x1x128xi32, #tpu.memory_space<hbm>> -> memref<128xi32, #tpu.memory_space<hbm>>
      %dma_wait3A_59 = arith.constant 384 : i32
      %dma_wait3A_60 = tpu.memref_slice %arg8[%dma_wait3A_59] : memref<512xi32, #tpu.memory_space<vmem>> -> memref<128xi32, #tpu.memory_space<vmem>>
      %dma_wait3A_61 = arith.constant 0 : i32
      %dma_wait3A_62 = tpu.memref_slice %arg2[%run_scoped3A_39, %add3A_38, %dma_wait3A_61] : memref<3x128x128xi32, #tpu.memory_space<hbm>> -> memref<1x1x128xi32, #tpu.memory_space<hbm>>
      %dma_wait3A_63 = tpu.memref_squeeze %dma_wait3A_62 : memref<1x1x128xi32, #tpu.memory_space<hbm>> -> memref<128xi32, #tpu.memory_space<hbm>>
      tpu.wait_dma2 semaphore(%run_scoped3A_45 : memref<!tpu.dma_semaphore, #tpu.memory_space<semaphore_mem>>) src(%dma_wait3A_63 : memref<128xi32, #tpu.memory_space<hbm>>) dst(%dma_wait3A_60 : memref<128xi32, #tpu.memory_space<vmem>>)
      tpu.yield
    }) : () -> ()
    %iota3A = tpu.iota {dimensions = array<i32: 0>} : vector<16xi32>
    %scan3A = arith.constant 0 : i32
    %scan3A_40 = arith.constant 0 : i32
    %scan3A_41 = arith.constant 32 : i32
    %scan3A_42 = arith.addi %scan3A_40, %scan3A_41 : i32
    %scan3A_43 = arith.constant 1 : i32
    scf.for %scan3A_45 = %scan3A_40 to %scan3A_42 step %scan3A_43  : i32 {
      %mul3A_46 = arith.constant 16 : i32
      %mul3A_47 = arith.muli %scan3A_45, %mul3A_46 : i32
      %get3A = arith.index_cast %mul3A_47 : i32 to index
      %get3A_48 = tpu.vector_load %arg6[%get3A] {strides = array<i32>} : memref<512xi32, #tpu.memory_space<vmem>>, vector<16xi32>,
      %get3A_49 = arith.index_cast %mul3A_47 : i32 to index
      %get3A_50 = tpu.vector_load %arg7[%get3A_49] {strides = array<i32>} : memref<512xi32, #tpu.memory_space<vmem>>, vector<16xi32>,
      %get3A_51 = arith.index_cast %mul3A_47 : i32 to index
      %get3A_52 = tpu.vector_load %arg8[%get3A_51] {strides = array<i32>} : memref<512xi32, #tpu.memory_space<vmem>>, vector<16xi32>,
      %slice3A = vector.extract_strided_slice %get3A_48 {offsets = [0], sizes = [1], strides = [1]} : vector<16xi32> to vector<1xi32>
      %squeeze3A = vector.extract %slice3A[0] : i32 from vector<1xi32>
      %shift_right_arithmetic3A = arith.constant 7 : i32
      %shift_right_arithmetic3A_53 = arith.shrsi %squeeze3A, %shift_right_arithmetic3A : i32
      %mul3A_54 = arith.constant 128 : i32
      %mul3A_55 = arith.muli %shift_right_arithmetic3A_53, %mul3A_54 : i32
      %multiple_of3A = tpu.assume_multiple %mul3A_55, 128 : i32
      %slice3A_56 = vector.extract_strided_slice %get3A_50 {offsets = [0], sizes = [1], strides = [1]} : vector<16xi32> to vector<1xi32>
      %squeeze3A_57 = vector.extract %slice3A_56[0] : i32 from vector<1xi32>
      %shift_right_arithmetic3A_58 = arith.constant 7 : i32
      %shift_right_arithmetic3A_59 = arith.shrsi %squeeze3A_57, %shift_right_arithmetic3A_58 : i32
      %mul3A_60 = arith.constant 128 : i32
      %mul3A_61 = arith.muli %shift_right_arithmetic3A_59, %mul3A_60 : i32
      %multiple_of3A_62 = tpu.assume_multiple %mul3A_61, 128 : i32
      %slice3A_63 = vector.extract_strided_slice %get3A_52 {offsets = [0], sizes = [1], strides = [1]} : vector<16xi32> to vector<1xi32>
      %squeeze3A_64 = vector.extract %slice3A_63[0] : i32 from vector<1xi32>
      %shift_right_arithmetic3A_65 = arith.constant 7 : i32
      %shift_right_arithmetic3A_66 = arith.shrsi %squeeze3A_64, %shift_right_arithmetic3A_65 : i32
      %mul3A_67 = arith.constant 128 : i32
      %mul3A_68 = arith.muli %shift_right_arithmetic3A_66, %mul3A_67 : i32
      %multiple_of3A_69 = tpu.assume_multiple %mul3A_68, 128 : i32
      %dma_start3A = arith.constant 0 : i32
      %dma_start3A_70 = arith.constant 0 : i32
      %dma_start3A_71 = arith.constant 0 : i32
      %dma_start3A_72 = tpu.memref_slice %arg9[%dma_start3A, %dma_start3A_70, %dma_start3A_71] : memref<32x8x128xf32, #tpu.memory_space<vmem>> -> memref<4x8x128xf32, #tpu.memory_space<vmem>>
      %dma_start3A_73 = arith.constant 0 : i32
      %dma_start3A_74 = arith.constant 0 : i32
      %dma_start3A_75 = tpu.memref_slice %arg3[%dma_start3A_73, %dma_start3A_74, %multiple_of3A] : memref<4x8x1000000xf32, #tpu.memory_space<hbm>> -> memref<4x8x128xf32, #tpu.memory_space<hbm>>
      %dma_start3A_76 = arith.constant 0 : i32
      %dma_start3A_77 = arith.constant 0 : i32
      %dma_start3A_78 = arith.constant 0 : i32
      %dma_start3A_79 = tpu.memref_slice %arg9[%dma_start3A_76, %dma_start3A_77, %dma_start3A_78] : memref<32x8x128xf32, #tpu.memory_space<vmem>> -> memref<4x8x128xf32, #tpu.memory_space<vmem>>
      %dma_start3A_80 = arith.constant 0 : i32
      %dma_start3A_81 = arith.constant 0 : i32
      %dma_start3A_82 = tpu.memref_slice %arg3[%dma_start3A_80, %dma_start3A_81, %multiple_of3A] : memref<4x8x1000000xf32, #tpu.memory_space<hbm>> -> memref<4x8x128xf32, #tpu.memory_space<hbm>>
      tpu.enqueue_dma source(%dma_start3A_82 : memref<4x8x128xf32, #tpu.memory_space<hbm>>) target(%dma_start3A_79 : memref<4x8x128xf32, #tpu.memory_space<vmem>>) target_semaphore(%arg13 : memref<!tpu.dma_semaphore, #tpu.memory_space<semaphore_mem>>)
      %dma_start3A_83 = arith.constant 0 : i32
      %dma_start3A_84 = arith.constant 0 : i32
      %dma_start3A_85 = arith.constant 0 : i32
      %dma_start3A_86 = tpu.memref_slice %arg10[%dma_start3A_83, %dma_start3A_84, %dma_start3A_85] : memref<32x8x128xf32, #tpu.memory_space<vmem>> -> memref<4x8x128xf32, #tpu.memory_space<vmem>>
      %dma_start3A_87 = arith.constant 0 : i32
      %dma_start3A_88 = arith.constant 0 : i32
      %dma_start3A_89 = tpu.memref_slice %arg4[%dma_start3A_87, %dma_start3A_88, %multiple_of3A_62] : memref<4x8x1000000xf32, #tpu.memory_space<hbm>> -> memref<4x8x128xf32, #tpu.memory_space<hbm>>
      %dma_start3A_90 = arith.constant 0 : i32
      %dma_start3A_91 = arith.constant 0 : i32
      %dma_start3A_92 = arith.constant 0 : i32
      %dma_start3A_93 = tpu.memref_slice %arg10[%dma_start3A_90, %dma_start3A_91, %dma_start3A_92] : memref<32x8x128xf32, #tpu.memory_space<vmem>> -> memref<4x8x128xf32, #tpu.memory_space<vmem>>
      %dma_start3A_94 = arith.constant 0 : i32
      %dma_start3A_95 = arith.constant 0 : i32
      %dma_start3A_96 = tpu.memref_slice %arg4[%dma_start3A_94, %dma_start3A_95, %multiple_of3A_62] : memref<4x8x1000000xf32, #tpu.memory_space<hbm>> -> memref<4x8x128xf32, #tpu.memory_space<hbm>>
      tpu.enqueue_dma source(%dma_start3A_96 : memref<4x8x128xf32, #tpu.memory_space<hbm>>) target(%dma_start3A_93 : memref<4x8x128xf32, #tpu.memory_space<vmem>>) target_semaphore(%arg13 : memref<!tpu.dma_semaphore, #tpu.memory_space<semaphore_mem>>)
      %dma_start3A_97 = arith.constant 0 : i32
      %dma_start3A_98 = arith.constant 0 : i32
      %dma_start3A_99 = arith.constant 0 : i32
      %dma_start3A_100 = tpu.memref_slice %arg11[%dma_start3A_97, %dma_start3A_98, %dma_start3A_99] : memref<32x8x128xf32, #tpu.memory_space<vmem>> -> memref<4x8x128xf32, #tpu.memory_space<vmem>>
      %dma_start3A_101 = arith.constant 0 : i32
      %dma_start3A_102 = arith.constant 0 : i32
      %dma_start3A_103 = tpu.memref_slice %arg3[%dma_start3A_101, %dma_start3A_102, %multiple_of3A_69] : memref<4x8x1000000xf32, #tpu.memory_space<hbm>> -> memref<4x8x128xf32, #tpu.memory_space<hbm>>
      %dma_start3A_104 = arith.constant 0 : i32
      %dma_start3A_105 = arith.constant 0 : i32
      %dma_start3A_106 = arith.constant 0 : i32
      %dma_start3A_107 = tpu.memref_slice %arg11[%dma_start3A_104, %dma_start3A_105, %dma_start3A_106] : memref<32x8x128xf32, #tpu.memory_space<vmem>> -> memref<4x8x128xf32, #tpu.memory_space<vmem>>
      %dma_start3A_108 = arith.constant 0 : i32
      %dma_start3A_109 = arith.constant 0 : i32
      %dma_start3A_110 = tpu.memref_slice %arg3[%dma_start3A_108, %dma_start3A_109, %multiple_of3A_69] : memref<4x8x1000000xf32, #tpu.memory_space<hbm>> -> memref<4x8x128xf32, #tpu.memory_space<hbm>>
      tpu.enqueue_dma source(%dma_start3A_110 : memref<4x8x128xf32, #tpu.memory_space<hbm>>) target(%dma_start3A_107 : memref<4x8x128xf32, #tpu.memory_space<vmem>>) target_semaphore(%arg13 : memref<!tpu.dma_semaphore, #tpu.memory_space<semaphore_mem>>)
      %slice3A_111 = vector.extract_strided_slice %get3A_48 {offsets = [1], sizes = [1], strides = [1]} : vector<16xi32> to vector<1xi32>
      %squeeze3A_112 = vector.extract %slice3A_111[0] : i32 from vector<1xi32>
      %shift_right_arithmetic3A_113 = arith.constant 7 : i32
      %shift_right_arithmetic3A_114 = arith.shrsi %squeeze3A_112, %shift_right_arithmetic3A_113 : i32
      %mul3A_115 = arith.constant 128 : i32
      %mul3A_116 = arith.muli %shift_right_arithmetic3A_114, %mul3A_115 : i32
      %multiple_of3A_117 = tpu.assume_multiple %mul3A_116, 128 : i32
      %slice3A_118 = vector.extract_strided_slice %get3A_50 {offsets = [1], sizes = [1], strides = [1]} : vector<16xi32> to vector<1xi32>
      %squeeze3A_119 = vector.extract %slice3A_118[0] : i32 from vector<1xi32>
      %shift_right_arithmetic3A_120 = arith.constant 7 : i32
      %shift_right_arithmetic3A_121 = arith.shrsi %squeeze3A_119, %shift_right_arithmetic3A_120 : i32
      %mul3A_122 = arith.constant 128 : i32
      %mul3A_123 = arith.muli %shift_right_arithmetic3A_121, %mul3A_122 : i32
      %multiple_of3A_124 = tpu.assume_multiple %mul3A_123, 128 : i32
      %slice3A_125 = vector.extract_strided_slice %get3A_52 {offsets = [1], sizes = [1], strides = [1]} : vector<16xi32> to vector<1xi32>
      %squeeze3A_126 = vector.extract %slice3A_125[0] : i32 from vector<1xi32>
      %shift_right_arithmetic3A_127 = arith.constant 7 : i32
      %shift_right_arithmetic3A_128 = arith.shrsi %squeeze3A_126, %shift_right_arithmetic3A_127 : i32
      %mul3A_129 = arith.constant 128 : i32
      %mul3A_130 = arith.muli %shift_right_arithmetic3A_128, %mul3A_129 : i32
      %multiple_of3A_131 = tpu.assume_multiple %mul3A_130, 128 : i32
      %dma_start3A_132 = arith.constant 4 : i32
      %dma_start3A_133 = arith.constant 0 : i32
      %dma_start3A_134 = arith.constant 0 : i32
      %dma_start3A_135 = tpu.memref_slice %arg9[%dma_start3A_132, %dma_start3A_133, %dma_start3A_134] : memref<32x8x128xf32, #tpu.memory_space<vmem>> -> memref<4x8x128xf32, #tpu.memory_space<vmem>>
      %dma_start3A_136 = arith.constant 0 : i32
      %dma_start3A_137 = arith.constant 0 : i32
      %dma_start3A_138 = tpu.memref_slice %arg3[%dma_start3A_136, %dma_start3A_137, %multiple_of3A_117] : memref<4x8x1000000xf32, #tpu.memory_space<hbm>> -> memref<4x8x128xf32, #tpu.memory_space<hbm>>
      %dma_start3A_139 = arith.constant 4 : i32
      %dma_start3A_140 = arith.constant 0 : i32
      %dma_start3A_141 = arith.constant 0 : i32
      %dma_start3A_142 = tpu.memref_slice %arg9[%dma_start3A_139, %dma_start3A_140, %dma_start3A_141] : memref<32x8x128xf32, #tpu.memory_space<vmem>> -> memref<4x8x128xf32, #tpu.memory_space<vmem>>
      %dma_start3A_143 = arith.constant 0 : i32
      %dma_start3A_144 = arith.constant 0 : i32
      %dma_start3A_145 = tpu.memref_slice %arg3[%dma_start3A_143, %dma_start3A_144, %multiple_of3A_117] : memref<4x8x1000000xf32, #tpu.memory_space<hbm>> -> memref<4x8x128xf32, #tpu.memory_space<hbm>>
      tpu.enqueue_dma source(%dma_start3A_145 : memref<4x8x128xf32, #tpu.memory_space<hbm>>) target(%dma_start3A_142 : memref<4x8x128xf32, #tpu.memory_space<vmem>>) target_semaphore(%arg13 : memref<!tpu.dma_semaphore, #tpu.memory_space<semaphore_mem>>)
      %dma_start3A_146 = arith.constant 4 : i32
      %dma_start3A_147 = arith.constant 0 : i32
      %dma_start3A_148 = arith.constant 0 : i32
      %dma_start3A_149 = tpu.memref_slice %arg10[%dma_start3A_146, %dma_start3A_147, %dma_start3A_148] : memref<32x8x128xf32, #tpu.memory_space<vmem>> -> memref<4x8x128xf32, #tpu.memory_space<vmem>>
      %dma_start3A_150 = arith.constant 0 : i32
      %dma_start3A_151 = arith.constant 0 : i32
      %dma_start3A_152 = tpu.memref_slice %arg4[%dma_start3A_150, %dma_start3A_151, %multiple_of3A_124] : memref<4x8x1000000xf32, #tpu.memory_space<hbm>> -> memref<4x8x128xf32, #tpu.memory_space<hbm>>
      %dma_start3A_153 = arith.constant 4 : i32
      %dma_start3A_154 = arith.constant 0 : i32
      %dma_start3A_155 = arith.constant 0 : i32
      %dma_start3A_156 = tpu.memref_slice %arg10[%dma_start3A_153, %dma_start3A_154, %dma_start3A_155] : memref<32x8x128xf32, #tpu.memory_space<vmem>> -> memref<4x8x128xf32, #tpu.memory_space<vmem>>
      %dma_start3A_157 = arith.constant 0 : i32
      %dma_start3A_158 = arith.constant 0 : i32
      %dma_start3A_159 = tpu.memref_slice %arg4[%dma_start3A_157, %dma_start3A_158, %multiple_of3A_124] : memref<4x8x1000000xf32, #tpu.memory_space<hbm>> -> memref<4x8x128xf32, #tpu.memory_space<hbm>>
      tpu.enqueue_dma source(%dma_start3A_159 : memref<4x8x128xf32, #tpu.memory_space<hbm>>) target(%dma_start3A_156 : memref<4x8x128xf32, #tpu.memory_space<vmem>>) target_semaphore(%arg13 : memref<!tpu.dma_semaphore, #tpu.memory_space<semaphore_mem>>)
      %dma_start3A_160 = arith.constant 4 : i32
      %dma_start3A_161 = arith.constant 0 : i32
      %dma_start3A_162 = arith.constant 0 : i32
      %dma_start3A_163 = tpu.memref_slice %arg11[%dma_start3A_160, %dma_start3A_161, %dma_start3A_162] : memref<32x8x128xf32, #tpu.memory_space<vmem>> -> memref<4x8x128xf32, #tpu.memory_space<vmem>>
      %dma_start3A_164 = arith.constant 0 : i32
      %dma_start3A_165 = arith.constant 0 : i32
      %dma_start3A_166 = tpu.memref_slice %arg3[%dma_start3A_164, %dma_start3A_165, %multiple_of3A_131] : memref<4x8x1000000xf32, #tpu.memory_space<hbm>> -> memref<4x8x128xf32, #tpu.memory_space<hbm>>
      %dma_start3A_167 = arith.constant 4 : i32
      %dma_start3A_168 = arith.constant 0 : i32
      %dma_start3A_169 = arith.constant 0 : i32
      %dma_start3A_170 = tpu.memref_slice %arg11[%dma_start3A_167, %dma_start3A_168, %dma_start3A_169] : memref<32x8x128xf32, #tpu.memory_space<vmem>> -> memref<4x8x128xf32, #tpu.memory_space<vmem>>
      %dma_start3A_171 = arith.constant 0 : i32
      %dma_start3A_172 = arith.constant 0 : i32
      %dma_start3A_173 = tpu.memref_slice %arg3[%dma_start3A_171, %dma_start3A_172, %multiple_of3A_131] : memref<4x8x1000000xf32, #tpu.memory_space<hbm>> -> memref<4x8x128xf32, #tpu.memory_space<hbm>>
      tpu.enqueue_dma source(%dma_start3A_173 : memref<4x8x128xf32, #tpu.memory_space<hbm>>) target(%dma_start3A_170 : memref<4x8x128xf32, #tpu.memory_space<vmem>>) target_semaphore(%arg13 : memref<!tpu.dma_semaphore, #tpu.memory_space<semaphore_mem>>)
      %slice3A_174 = vector.extract_strided_slice %get3A_48 {offsets = [2], sizes = [1], strides = [1]} : vector<16xi32> to vector<1xi32>
      %squeeze3A_175 = vector.extract %slice3A_174[0] : i32 from vector<1xi32>
      %shift_right_arithmetic3A_176 = arith.constant 7 : i32
      %shift_right_arithmetic3A_177 = arith.shrsi %squeeze3A_175, %shift_right_arithmetic3A_176 : i32
      %mul3A_178 = arith.constant 128 : i32
      %mul3A_179 = arith.muli %shift_right_arithmetic3A_177, %mul3A_178 : i32
      %multiple_of3A_180 = tpu.assume_multiple %mul3A_179, 128 : i32
      %slice3A_181 = vector.extract_strided_slice %get3A_50 {offsets = [2], sizes = [1], strides = [1]} : vector<16xi32> to vector<1xi32>
      %squeeze3A_182 = vector.extract %slice3A_181[0] : i32 from vector<1xi32>
      %shift_right_arithmetic3A_183 = arith.constant 7 : i32
      %shift_right_arithmetic3A_184 = arith.shrsi %squeeze3A_182, %shift_right_arithmetic3A_183 : i32
      %mul3A_185 = arith.constant 128 : i32
      %mul3A_186 = arith.muli %shift_right_arithmetic3A_184, %mul3A_185 : i32
      %multiple_of3A_187 = tpu.assume_multiple %mul3A_186, 128 : i32
      %slice3A_188 = vector.extract_strided_slice %get3A_52 {offsets = [2], sizes = [1], strides = [1]} : vector<16xi32> to vector<1xi32>
      %squeeze3A_189 = vector.extract %slice3A_188[0] : i32 from vector<1xi32>
      %shift_right_arithmetic3A_190 = arith.constant 7 : i32
      %shift_right_arithmetic3A_191 = arith.shrsi %squeeze3A_189, %shift_right_arithmetic3A_190 : i32
      %mul3A_192 = arith.constant 128 : i32
      %mul3A_193 = arith.muli %shift_right_arithmetic3A_191, %mul3A_192 : i32
      %multiple_of3A_194 = tpu.assume_multiple %mul3A_193, 128 : i32
      %dma_start3A_195 = arith.constant 8 : i32
      %dma_start3A_196 = arith.constant 0 : i32
      %dma_start3A_197 = arith.constant 0 : i32
      %dma_start3A_198 = tpu.memref_slice %arg9[%dma_start3A_195, %dma_start3A_196, %dma_start3A_197] : memref<32x8x128xf32, #tpu.memory_space<vmem>> -> memref<4x8x128xf32, #tpu.memory_space<vmem>>
      %dma_start3A_199 = arith.constant 0 : i32
      %dma_start3A_200 = arith.constant 0 : i32
      %dma_start3A_201 = tpu.memref_slice %arg3[%dma_start3A_199, %dma_start3A_200, %multiple_of3A_180] : memref<4x8x1000000xf32, #tpu.memory_space<hbm>> -> memref<4x8x128xf32, #tpu.memory_space<hbm>>
      %dma_start3A_202 = arith.constant 8 : i32
      %dma_start3A_203 = arith.constant 0 : i32
      %dma_start3A_204 = arith.constant 0 : i32
      %dma_start3A_205 = tpu.memref_slice %arg9[%dma_start3A_202, %dma_start3A_203, %dma_start3A_204] : memref<32x8x128xf32, #tpu.memory_space<vmem>> -> memref<4x8x128xf32, #tpu.memory_space<vmem>>
      %dma_start3A_206 = arith.constant 0 : i32
      %dma_start3A_207 = arith.constant 0 : i32
      %dma_start3A_208 = tpu.memref_slice %arg3[%dma_start3A_206, %dma_start3A_207, %multiple_of3A_180] : memref<4x8x1000000xf32, #tpu.memory_space<hbm>> -> memref<4x8x128xf32, #tpu.memory_space<hbm>>
      tpu.enqueue_dma source(%dma_start3A_208 : memref<4x8x128xf32, #tpu.memory_space<hbm>>) target(%dma_start3A_205 : memref<4x8x128xf32, #tpu.memory_space<vmem>>) target_semaphore(%arg13 : memref<!tpu.dma_semaphore, #tpu.memory_space<semaphore_mem>>)
      %dma_start3A_209 = arith.constant 8 : i32
      %dma_start3A_210 = arith.constant 0 : i32
      %dma_start3A_211 = arith.constant 0 : i32
      %dma_start3A_212 = tpu.memref_slice %arg10[%dma_start3A_209, %dma_start3A_210, %dma_start3A_211] : memref<32x8x128xf32, #tpu.memory_space<vmem>> -> memref<4x8x128xf32, #tpu.memory_space<vmem>>
      %dma_start3A_213 = arith.constant 0 : i32
      %dma_start3A_214 = arith.constant 0 : i32
      %dma_start3A_215 = tpu.memref_slice %arg4[%dma_start3A_213, %dma_start3A_214, %multiple_of3A_187] : memref<4x8x1000000xf32, #tpu.memory_space<hbm>> -> memref<4x8x128xf32, #tpu.memory_space<hbm>>
      %dma_start3A_216 = arith.constant 8 : i32
      %dma_start3A_217 = arith.constant 0 : i32
      %dma_start3A_218 = arith.constant 0 : i32
      %dma_start3A_219 = tpu.memref_slice %arg10[%dma_start3A_216, %dma_start3A_217, %dma_start3A_218] : memref<32x8x128xf32, #tpu.memory_space<vmem>> -> memref<4x8x128xf32, #tpu.memory_space<vmem>>
      %dma_start3A_220 = arith.constant 0 : i32
      %dma_start3A_221 = arith.constant 0 : i32
      %dma_start3A_222 = tpu.memref_slice %arg4[%dma_start3A_220, %dma_start3A_221, %multiple_of3A_187] : memref<4x8x1000000xf32, #tpu.memory_space<hbm>> -> memref<4x8x128xf32, #tpu.memory_space<hbm>>
      tpu.enqueue_dma source(%dma_start3A_222 : memref<4x8x128xf32, #tpu.memory_space<hbm>>) target(%dma_start3A_219 : memref<4x8x128xf32, #tpu.memory_space<vmem>>) target_semaphore(%arg13 : memref<!tpu.dma_semaphore, #tpu.memory_space<semaphore_mem>>)
      %dma_start3A_223 = arith.constant 8 : i32
      %dma_start3A_224 = arith.constant 0 : i32
      %dma_start3A_225 = arith.constant 0 : i32
      %dma_start3A_226 = tpu.memref_slice %arg11[%dma_start3A_223, %dma_start3A_224, %dma_start3A_225] : memref<32x8x128xf32, #tpu.memory_space<vmem>> -> memref<4x8x128xf32, #tpu.memory_space<vmem>>
      %dma_start3A_227 = arith.constant 0 : i32
      %dma_start3A_228 = arith.constant 0 : i32
      %dma_start3A_229 = tpu.memref_slice %arg3[%dma_start3A_227, %dma_start3A_228, %multiple_of3A_194] : memref<4x8x1000000xf32, #tpu.memory_space<hbm>> -> memref<4x8x128xf32, #tpu.memory_space<hbm>>
      %dma_start3A_230 = arith.constant 8 : i32
      %dma_start3A_231 = arith.constant 0 : i32
      %dma_start3A_232 = arith.constant 0 : i32
      %dma_start3A_233 = tpu.memref_slice %arg11[%dma_start3A_230, %dma_start3A_231, %dma_start3A_232] : memref<32x8x128xf32, #tpu.memory_space<vmem>> -> memref<4x8x128xf32, #tpu.memory_space<vmem>>
      %dma_start3A_234 = arith.constant 0 : i32
      %dma_start3A_235 = arith.constant 0 : i32
      %dma_start3A_236 = tpu.memref_slice %arg3[%dma_start3A_234, %dma_start3A_235, %multiple_of3A_194] : memref<4x8x1000000xf32, #tpu.memory_space<hbm>> -> memref<4x8x128xf32, #tpu.memory_space<hbm>>
      tpu.enqueue_dma source(%dma_start3A_236 : memref<4x8x128xf32, #tpu.memory_space<hbm>>) target(%dma_start3A_233 : memref<4x8x128xf32, #tpu.memory_space<vmem>>) target_semaphore(%arg13 : memref<!tpu.dma_semaphore, #tpu.memory_space<semaphore_mem>>)
      %slice3A_237 = vector.extract_strided_slice %get3A_48 {offsets = [3], sizes = [1], strides = [1]} : vector<16xi32> to vector<1xi32>
      %squeeze3A_238 = vector.extract %slice3A_237[0] : i32 from vector<1xi32>
      %shift_right_arithmetic3A_239 = arith.constant 7 : i32
      %shift_right_arithmetic3A_240 = arith.shrsi %squeeze3A_238, %shift_right_arithmetic3A_239 : i32
      %mul3A_241 = arith.constant 128 : i32
      %mul3A_242 = arith.muli %shift_right_arithmetic3A_240, %mul3A_241 : i32
      %multiple_of3A_243 = tpu.assume_multiple %mul3A_242, 128 : i32
      %slice3A_244 = vector.extract_strided_slice %get3A_50 {offsets = [3], sizes = [1], strides = [1]} : vector<16xi32> to vector<1xi32>
      %squeeze3A_245 = vector.extract %slice3A_244[0] : i32 from vector<1xi32>
      %shift_right_arithmetic3A_246 = arith.constant 7 : i32
      %shift_right_arithmetic3A_247 = arith.shrsi %squeeze3A_245, %shift_right_arithmetic3A_246 : i32
      %mul3A_248 = arith.constant 128 : i32
      %mul3A_249 = arith.muli %shift_right_arithmetic3A_247, %mul3A_248 : i32
      %multiple_of3A_250 = tpu.assume_multiple %mul3A_249, 128 : i32
      %slice3A_251 = vector.extract_strided_slice %get3A_52 {offsets = [3], sizes = [1], strides = [1]} : vector<16xi32> to vector<1xi32>
      %squeeze3A_252 = vector.extract %slice3A_251[0] : i32 from vector<1xi32>
      %shift_right_arithmetic3A_253 = arith.constant 7 : i32
      %shift_right_arithmetic3A_254 = arith.shrsi %squeeze3A_252, %shift_right_arithmetic3A_253 : i32
      %mul3A_255 = arith.constant 128 : i32
      %mul3A_256 = arith.muli %shift_right_arithmetic3A_254, %mul3A_255 : i32
      %multiple_of3A_257 = tpu.assume_multiple %mul3A_256, 128 : i32
      %dma_start3A_258 = arith.constant 12 : i32
      %dma_start3A_259 = arith.constant 0 : i32
      %dma_start3A_260 = arith.constant 0 : i32
      %dma_start3A_261 = tpu.memref_slice %arg9[%dma_start3A_258, %dma_start3A_259, %dma_start3A_260] : memref<32x8x128xf32, #tpu.memory_space<vmem>> -> memref<4x8x128xf32, #tpu.memory_space<vmem>>
      %dma_start3A_262 = arith.constant 0 : i32
      %dma_start3A_263 = arith.constant 0 : i32
      %dma_start3A_264 = tpu.memref_slice %arg3[%dma_start3A_262, %dma_start3A_263, %multiple_of3A_243] : memref<4x8x1000000xf32, #tpu.memory_space<hbm>> -> memref<4x8x128xf32, #tpu.memory_space<hbm>>
      %dma_start3A_265 = arith.constant 12 : i32
      %dma_start3A_266 = arith.constant 0 : i32
      %dma_start3A_267 = arith.constant 0 : i32
      %dma_start3A_268 = tpu.memref_slice %arg9[%dma_start3A_265, %dma_start3A_266, %dma_start3A_267] : memref<32x8x128xf32, #tpu.memory_space<vmem>> -> memref<4x8x128xf32, #tpu.memory_space<vmem>>
      %dma_start3A_269 = arith.constant 0 : i32
      %dma_start3A_270 = arith.constant 0 : i32
      %dma_start3A_271 = tpu.memref_slice %arg3[%dma_start3A_269, %dma_start3A_270, %multiple_of3A_243] : memref<4x8x1000000xf32, #tpu.memory_space<hbm>> -> memref<4x8x128xf32, #tpu.memory_space<hbm>>
      tpu.enqueue_dma source(%dma_start3A_271 : memref<4x8x128xf32, #tpu.memory_space<hbm>>) target(%dma_start3A_268 : memref<4x8x128xf32, #tpu.memory_space<vmem>>) target_semaphore(%arg13 : memref<!tpu.dma_semaphore, #tpu.memory_space<semaphore_mem>>)
      %dma_start3A_272 = arith.constant 12 : i32
      %dma_start3A_273 = arith.constant 0 : i32
      %dma_start3A_274 = arith.constant 0 : i32
      %dma_start3A_275 = tpu.memref_slice %arg10[%dma_start3A_272, %dma_start3A_273, %dma_start3A_274] : memref<32x8x128xf32, #tpu.memory_space<vmem>> -> memref<4x8x128xf32, #tpu.memory_space<vmem>>
      %dma_start3A_276 = arith.constant 0 : i32
      %dma_start3A_277 = arith.constant 0 : i32
      %dma_start3A_278 = tpu.memref_slice %arg4[%dma_start3A_276, %dma_start3A_277, %multiple_of3A_250] : memref<4x8x1000000xf32, #tpu.memory_space<hbm>> -> memref<4x8x128xf32, #tpu.memory_space<hbm>>
      %dma_start3A_279 = arith.constant 12 : i32
      %dma_start3A_280 = arith.constant 0 : i32
      %dma_start3A_281 = arith.constant 0 : i32
      %dma_start3A_282 = tpu.memref_slice %arg10[%dma_start3A_279, %dma_start3A_280, %dma_start3A_281] : memref<32x8x128xf32, #tpu.memory_space<vmem>> -> memref<4x8x128xf32, #tpu.memory_space<vmem>>
      %dma_start3A_283 = arith.constant 0 : i32
      %dma_start3A_284 = arith.constant 0 : i32
      %dma_start3A_285 = tpu.memref_slice %arg4[%dma_start3A_283, %dma_start3A_284, %multiple_of3A_250] : memref<4x8x1000000xf32, #tpu.memory_space<hbm>> -> memref<4x8x128xf32, #tpu.memory_space<hbm>>
      tpu.enqueue_dma source(%dma_start3A_285 : memref<4x8x128xf32, #tpu.memory_space<hbm>>) target(%dma_start3A_282 : memref<4x8x128xf32, #tpu.memory_space<vmem>>) target_semaphore(%arg13 : memref<!tpu.dma_semaphore, #tpu.memory_space<semaphore_mem>>)
      %dma_start3A_286 = arith.constant 12 : i32
      %dma_start3A_287 = arith.constant 0 : i32
      %dma_start3A_288 = arith.constant 0 : i32
      %dma_start3A_289 = tpu.memref_slice %arg11[%dma_start3A_286, %dma_start3A_287, %dma_start3A_288] : memref<32x8x128xf32, #tpu.memory_space<vmem>> -> memref<4x8x128xf32, #tpu.memory_space<vmem>>
      %dma_start3A_290 = arith.constant 0 : i32
      %dma_start3A_291 = arith.constant 0 : i32
      %dma_start3A_292 = tpu.memref_slice %arg3[%dma_start3A_290, %dma_start3A_291, %multiple_of3A_257] : memref<4x8x1000000xf32, #tpu.memory_space<hbm>> -> memref<4x8x128xf32, #tpu.memory_space<hbm>>
      %dma_start3A_293 = arith.constant 12 : i32
      %dma_start3A_294 = arith.constant 0 : i32
      %dma_start3A_295 = arith.constant 0 : i32
      %dma_start3A_296 = tpu.memref_slice %arg11[%dma_start3A_293, %dma_start3A_294, %dma_start3A_295] : memref<32x8x128xf32, #tpu.memory_space<vmem>> -> memref<4x8x128xf32, #tpu.memory_space<vmem>>
      %dma_start3A_297 = arith.constant 0 : i32
      %dma_start3A_298 = arith.constant 0 : i32
      %dma_start3A_299 = tpu.memref_slice %arg3[%dma_start3A_297, %dma_start3A_298, %multiple_of3A_257] : memref<4x8x1000000xf32, #tpu.memory_space<hbm>> -> memref<4x8x128xf32, #tpu.memory_space<hbm>>
      tpu.enqueue_dma source(%dma_start3A_299 : memref<4x8x128xf32, #tpu.memory_space<hbm>>) target(%dma_start3A_296 : memref<4x8x128xf32, #tpu.memory_space<vmem>>) target_semaphore(%arg13 : memref<!tpu.dma_semaphore, #tpu.memory_space<semaphore_mem>>)
      %slice3A_300 = vector.extract_strided_slice %get3A_48 {offsets = [4], sizes = [1], strides = [1]} : vector<16xi32> to vector<1xi32>
      %squeeze3A_301 = vector.extract %slice3A_300[0] : i32 from vector<1xi32>
      %shift_right_arithmetic3A_302 = arith.constant 7 : i32
      %shift_right_arithmetic3A_303 = arith.shrsi %squeeze3A_301, %shift_right_arithmetic3A_302 : i32
      %mul3A_304 = arith.constant 128 : i32
      %mul3A_305 = arith.muli %shift_right_arithmetic3A_303, %mul3A_304 : i32
      %multiple_of3A_306 = tpu.assume_multiple %mul3A_305, 128 : i32
      %slice3A_307 = vector.extract_strided_slice %get3A_50 {offsets = [4], sizes = [1], strides = [1]} : vector<16xi32> to vector<1xi32>
      %squeeze3A_308 = vector.extract %slice3A_307[0] : i32 from vector<1xi32>
      %shift_right_arithmetic3A_309 = arith.constant 7 : i32
      %shift_right_arithmetic3A_310 = arith.shrsi %squeeze3A_308, %shift_right_arithmetic3A_309 : i32
      %mul3A_311 = arith.constant 128 : i32
      %mul3A_312 = arith.muli %shift_right_arithmetic3A_310, %mul3A_311 : i32
      %multiple_of3A_313 = tpu.assume_multiple %mul3A_312, 128 : i32
      %slice3A_314 = vector.extract_strided_slice %get3A_52 {offsets = [4], sizes = [1], strides = [1]} : vector<16xi32> to vector<1xi32>
      %squeeze3A_315 = vector.extract %slice3A_314[0] : i32 from vector<1xi32>
      %shift_right_arithmetic3A_316 = arith.constant 7 : i32
      %shift_right_arithmetic3A_317 = arith.shrsi %squeeze3A_315, %shift_right_arithmetic3A_316 : i32
      %mul3A_318 = arith.constant 128 : i32
      %mul3A_319 = arith.muli %shift_right_arithmetic3A_317, %mul3A_318 : i32
      %multiple_of3A_320 = tpu.assume_multiple %mul3A_319, 128 : i32
      %dma_start3A_321 = arith.constant 16 : i32
      %dma_start3A_322 = arith.constant 0 : i32
      %dma_start3A_323 = arith.constant 0 : i32
      %dma_start3A_324 = tpu.memref_slice %arg9[%dma_start3A_321, %dma_start3A_322, %dma_start3A_323] : memref<32x8x128xf32, #tpu.memory_space<vmem>> -> memref<4x8x128xf32, #tpu.memory_space<vmem>>
      %dma_start3A_325 = arith.constant 0 : i32
      %dma_start3A_326 = arith.constant 0 : i32
      %dma_start3A_327 = tpu.memref_slice %arg3[%dma_start3A_325, %dma_start3A_326, %multiple_of3A_306] : memref<4x8x1000000xf32, #tpu.memory_space<hbm>> -> memref<4x8x128xf32, #tpu.memory_space<hbm>>
      %dma_start3A_328 = arith.constant 16 : i32
      %dma_start3A_329 = arith.constant 0 : i32
      %dma_start3A_330 = arith.constant 0 : i32
      %dma_start3A_331 = tpu.memref_slice %arg9[%dma_start3A_328, %dma_start3A_329, %dma_start3A_330] : memref<32x8x128xf32, #tpu.memory_space<vmem>> -> memref<4x8x128xf32, #tpu.memory_space<vmem>>
      %dma_start3A_332 = arith.constant 0 : i32
      %dma_start3A_333 = arith.constant 0 : i32
      %dma_start3A_334 = tpu.memref_slice %arg3[%dma_start3A_332, %dma_start3A_333, %multiple_of3A_306] : memref<4x8x1000000xf32, #tpu.memory_space<hbm>> -> memref<4x8x128xf32, #tpu.memory_space<hbm>>
      tpu.enqueue_dma source(%dma_start3A_334 : memref<4x8x128xf32, #tpu.memory_space<hbm>>) target(%dma_start3A_331 : memref<4x8x128xf32, #tpu.memory_space<vmem>>) target_semaphore(%arg13 : memref<!tpu.dma_semaphore, #tpu.memory_space<semaphore_mem>>)
      %dma_start3A_335 = arith.constant 16 : i32
      %dma_start3A_336 = arith.constant 0 : i32
      %dma_start3A_337 = arith.constant 0 : i32
      %dma_start3A_338 = tpu.memref_slice %arg10[%dma_start3A_335, %dma_start3A_336, %dma_start3A_337] : memref<32x8x128xf32, #tpu.memory_space<vmem>> -> memref<4x8x128xf32, #tpu.memory_space<vmem>>
      %dma_start3A_339 = arith.constant 0 : i32
      %dma_start3A_340 = arith.constant 0 : i32
      %dma_start3A_341 = tpu.memref_slice %arg4[%dma_start3A_339, %dma_start3A_340, %multiple_of3A_313] : memref<4x8x1000000xf32, #tpu.memory_space<hbm>> -> memref<4x8x128xf32, #tpu.memory_space<hbm>>
      %dma_start3A_342 = arith.constant 16 : i32
      %dma_start3A_343 = arith.constant 0 : i32
      %dma_start3A_344 = arith.constant 0 : i32
      %dma_start3A_345 = tpu.memref_slice %arg10[%dma_start3A_342, %dma_start3A_343, %dma_start3A_344] : memref<32x8x128xf32, #tpu.memory_space<vmem>> -> memref<4x8x128xf32, #tpu.memory_space<vmem>>
      %dma_start3A_346 = arith.constant 0 : i32
      %dma_start3A_347 = arith.constant 0 : i32
      %dma_start3A_348 = tpu.memref_slice %arg4[%dma_start3A_346, %dma_start3A_347, %multiple_of3A_313] : memref<4x8x1000000xf32, #tpu.memory_space<hbm>> -> memref<4x8x128xf32, #tpu.memory_space<hbm>>
      tpu.enqueue_dma source(%dma_start3A_348 : memref<4x8x128xf32, #tpu.memory_space<hbm>>) target(%dma_start3A_345 : memref<4x8x128xf32, #tpu.memory_space<vmem>>) target_semaphore(%arg13 : memref<!tpu.dma_semaphore, #tpu.memory_space<semaphore_mem>>)
      %dma_start3A_349 = arith.constant 16 : i32
      %dma_start3A_350 = arith.constant 0 : i32
      %dma_start3A_351 = arith.constant 0 : i32
      %dma_start3A_352 = tpu.memref_slice %arg11[%dma_start3A_349, %dma_start3A_350, %dma_start3A_351] : memref<32x8x128xf32, #tpu.memory_space<vmem>> -> memref<4x8x128xf32, #tpu.memory_space<vmem>>
      %dma_start3A_353 = arith.constant 0 : i32
      %dma_start3A_354 = arith.constant 0 : i32
      %dma_start3A_355 = tpu.memref_slice %arg3[%dma_start3A_353, %dma_start3A_354, %multiple_of3A_320] : memref<4x8x1000000xf32, #tpu.memory_space<hbm>> -> memref<4x8x128xf32, #tpu.memory_space<hbm>>
      %dma_start3A_356 = arith.constant 16 : i32
      %dma_start3A_357 = arith.constant 0 : i32
      %dma_start3A_358 = arith.constant 0 : i32
      %dma_start3A_359 = tpu.memref_slice %arg11[%dma_start3A_356, %dma_start3A_357, %dma_start3A_358] : memref<32x8x128xf32, #tpu.memory_space<vmem>> -> memref<4x8x128xf32, #tpu.memory_space<vmem>>
      %dma_start3A_360 = arith.constant 0 : i32
      %dma_start3A_361 = arith.constant 0 : i32
      %dma_start3A_362 = tpu.memref_slice %arg3[%dma_start3A_360, %dma_start3A_361, %multiple_of3A_320] : memref<4x8x1000000xf32, #tpu.memory_space<hbm>> -> memref<4x8x128xf32, #tpu.memory_space<hbm>>
      tpu.enqueue_dma source(%dma_start3A_362 : memref<4x8x128xf32, #tpu.memory_space<hbm>>) target(%dma_start3A_359 : memref<4x8x128xf32, #tpu.memory_space<vmem>>) target_semaphore(%arg13 : memref<!tpu.dma_semaphore, #tpu.memory_space<semaphore_mem>>)
      %dma_wait3A = arith.constant 0 : i32
      %dma_wait3A_363 = arith.constant 0 : i32
      %dma_wait3A_364 = arith.constant 0 : i32
      %dma_wait3A_365 = tpu.memref_slice %arg9[%dma_wait3A, %dma_wait3A_363, %dma_wait3A_364] : memref<32x8x128xf32, #tpu.memory_space<vmem>> -> memref<4x8x128xf32, #tpu.memory_space<vmem>>
      %dma_wait3A_366 = arith.constant 0 : i32
      %dma_wait3A_367 = arith.constant 0 : i32
      %dma_wait3A_368 = tpu.memref_slice %arg3[%dma_wait3A_366, %dma_wait3A_367, %multiple_of3A] : memref<4x8x1000000xf32, #tpu.memory_space<hbm>> -> memref<4x8x128xf32, #tpu.memory_space<hbm>>
      %dma_wait3A_369 = arith.constant 0 : i32
      %dma_wait3A_370 = arith.constant 0 : i32
      %dma_wait3A_371 = arith.constant 0 : i32
      %dma_wait3A_372 = tpu.memref_slice %arg9[%dma_wait3A_369, %dma_wait3A_370, %dma_wait3A_371] : memref<32x8x128xf32, #tpu.memory_space<vmem>> -> memref<4x8x128xf32, #tpu.memory_space<vmem>>
      %dma_wait3A_373 = arith.constant 0 : i32
      %dma_wait3A_374 = arith.constant 0 : i32
      %dma_wait3A_375 = tpu.memref_slice %arg3[%dma_wait3A_373, %dma_wait3A_374, %multiple_of3A] : memref<4x8x1000000xf32, #tpu.memory_space<hbm>> -> memref<4x8x128xf32, #tpu.memory_space<hbm>>
      tpu.wait_dma2 semaphore(%arg13 : memref<!tpu.dma_semaphore, #tpu.memory_space<semaphore_mem>>) src(%dma_wait3A_375 : memref<4x8x128xf32, #tpu.memory_space<hbm>>) dst(%dma_wait3A_372 : memref<4x8x128xf32, #tpu.memory_space<vmem>>)
      %dma_wait3A_376 = arith.constant 0 : i32
      %dma_wait3A_377 = arith.constant 0 : i32
      %dma_wait3A_378 = arith.constant 0 : i32
      %dma_wait3A_379 = tpu.memref_slice %arg10[%dma_wait3A_376, %dma_wait3A_377, %dma_wait3A_378] : memref<32x8x128xf32, #tpu.memory_space<vmem>> -> memref<4x8x128xf32, #tpu.memory_space<vmem>>
      %dma_wait3A_380 = arith.constant 0 : i32
      %dma_wait3A_381 = arith.constant 0 : i32
      %dma_wait3A_382 = tpu.memref_slice %arg4[%dma_wait3A_380, %dma_wait3A_381, %multiple_of3A_62] : memref<4x8x1000000xf32, #tpu.memory_space<hbm>> -> memref<4x8x128xf32, #tpu.memory_space<hbm>>
      %dma_wait3A_383 = arith.constant 0 : i32
      %dma_wait3A_384 = arith.constant 0 : i32
      %dma_wait3A_385 = arith.constant 0 : i32
      %dma_wait3A_386 = tpu.memref_slice %arg10[%dma_wait3A_383, %dma_wait3A_384, %dma_wait3A_385] : memref<32x8x128xf32, #tpu.memory_space<vmem>> -> memref<4x8x128xf32, #tpu.memory_space<vmem>>
      %dma_wait3A_387 = arith.constant 0 : i32
      %dma_wait3A_388 = arith.constant 0 : i32
      %dma_wait3A_389 = tpu.memref_slice %arg4[%dma_wait3A_387, %dma_wait3A_388, %multiple_of3A_62] : memref<4x8x1000000xf32, #tpu.memory_space<hbm>> -> memref<4x8x128xf32, #tpu.memory_space<hbm>>
      tpu.wait_dma2 semaphore(%arg13 : memref<!tpu.dma_semaphore, #tpu.memory_space<semaphore_mem>>) src(%dma_wait3A_389 : memref<4x8x128xf32, #tpu.memory_space<hbm>>) dst(%dma_wait3A_386 : memref<4x8x128xf32, #tpu.memory_space<vmem>>)
      %dma_wait3A_390 = arith.constant 0 : i32
      %dma_wait3A_391 = arith.constant 0 : i32
      %dma_wait3A_392 = arith.constant 0 : i32
      %dma_wait3A_393 = tpu.memref_slice %arg11[%dma_wait3A_390, %dma_wait3A_391, %dma_wait3A_392] : memref<32x8x128xf32, #tpu.memory_space<vmem>> -> memref<4x8x128xf32, #tpu.memory_space<vmem>>
      %dma_wait3A_394 = arith.constant 0 : i32
      %dma_wait3A_395 = arith.constant 0 : i32
      %dma_wait3A_396 = tpu.memref_slice %arg3[%dma_wait3A_394, %dma_wait3A_395, %multiple_of3A_69] : memref<4x8x1000000xf32, #tpu.memory_space<hbm>> -> memref<4x8x128xf32, #tpu.memory_space<hbm>>
      %dma_wait3A_397 = arith.constant 0 : i32
      %dma_wait3A_398 = arith.constant 0 : i32
      %dma_wait3A_399 = arith.constant 0 : i32
      %dma_wait3A_400 = tpu.memref_slice %arg11[%dma_wait3A_397, %dma_wait3A_398, %dma_wait3A_399] : memref<32x8x128xf32, #tpu.memory_space<vmem>> -> memref<4x8x128xf32, #tpu.memory_space<vmem>>
      %dma_wait3A_401 = arith.constant 0 : i32
      %dma_wait3A_402 = arith.constant 0 : i32
      %dma_wait3A_403 = tpu.memref_slice %arg3[%dma_wait3A_401, %dma_wait3A_402, %multiple_of3A_69] : memref<4x8x1000000xf32, #tpu.memory_space<hbm>> -> memref<4x8x128xf32, #tpu.memory_space<hbm>>
      tpu.wait_dma2 semaphore(%arg13 : memref<!tpu.dma_semaphore, #tpu.memory_space<semaphore_mem>>) src(%dma_wait3A_403 : memref<4x8x128xf32, #tpu.memory_space<hbm>>) dst(%dma_wait3A_400 : memref<4x8x128xf32, #tpu.memory_space<vmem>>)
      %add3A_404 = arith.constant 0 : i32
      %add3A_405 = arith.addi %mul3A_47, %add3A_404 : i32
      %broadcast_in_dim3A = arith.constant 0 : i32
      %broadcast_in_dim3A_406 = vector.broadcast %broadcast_in_dim3A : i32 to vector<16xi32>
      %shift_right_arithmetic3A_407 = arith.constant 3 : i32
      %shift_right_arithmetic3A_408 = vector.broadcast %shift_right_arithmetic3A_407 : i32 to vector<16xi32>
      %shift_right_arithmetic3A_409 = arith.shrsi %iota3A, %shift_right_arithmetic3A_408 : vector<16xi32>
      %add3A_410 = arith.addi %broadcast_in_dim3A_406, %shift_right_arithmetic3A_409 : vector<16xi32>
      %add3A_411 = arith.constant 2 : i32
      %add3A_412 = vector.broadcast %add3A_411 : i32 to vector<16xi32>
      %add3A_413 = arith.addi %add3A_410, %add3A_412 : vector<16xi32>
      %and3A = arith.constant 7 : i32
      %and3A_414 = vector.broadcast %and3A : i32 to vector<16xi32>
      %and3A_415 = arith.andi %iota3A, %and3A_414 : vector<16xi32>
      %slice3A_416 = vector.extract_strided_slice %get3A_48 {offsets = [0], sizes = [1], strides = [1]} : vector<16xi32> to vector<1xi32>
      %squeeze3A_417 = vector.extract %slice3A_416[0] : i32 from vector<1xi32>
      %and3A_418 = arith.constant 127 : i32
      %and3A_419 = arith.andi %squeeze3A_417, %and3A_418 : i32
      %broadcast_in_dim3A_420 = vector.broadcast %and3A_419 : i32 to vector<16xi32>
      %slice3A_421 = vector.extract_strided_slice %get3A_50 {offsets = [0], sizes = [1], strides = [1]} : vector<16xi32> to vector<1xi32>
      %squeeze3A_422 = vector.extract %slice3A_421[0] : i32 from vector<1xi32>
      %and3A_423 = arith.constant 127 : i32
      %and3A_424 = arith.andi %squeeze3A_422, %and3A_423 : i32
      %broadcast_in_dim3A_425 = vector.broadcast %and3A_424 : i32 to vector<16xi32>
      %slice3A_426 = vector.extract_strided_slice %get3A_52 {offsets = [0], sizes = [1], strides = [1]} : vector<16xi32> to vector<1xi32>
      %squeeze3A_427 = vector.extract %slice3A_426[0] : i32 from vector<1xi32>
      %and3A_428 = arith.constant 127 : i32
      %and3A_429 = arith.andi %squeeze3A_427, %and3A_428 : i32
      %broadcast_in_dim3A_430 = vector.broadcast %and3A_429 : i32 to vector<16xi32>
      %gather3A = tpu.vector_load_idx %arg9[%add3A_410, %and3A_415, %broadcast_in_dim3A_420] : memref<32x8x128xf32, #tpu.memory_space<vmem>>[vector<16xi32>, vector<16xi32>, vector<16xi32>], vector<16xf32>,
      %gather3A_431 = tpu.vector_load_idx %arg10[%add3A_410, %and3A_415, %broadcast_in_dim3A_425] : memref<32x8x128xf32, #tpu.memory_space<vmem>>[vector<16xi32>, vector<16xi32>, vector<16xi32>], vector<16xf32>,
      %mul3A_432 = arith.mulf %gather3A, %gather3A_431 : vector<16xf32>
      %gather3A_433 = tpu.vector_load_idx %arg11[%add3A_410, %and3A_415, %broadcast_in_dim3A_430] : memref<32x8x128xf32, #tpu.memory_space<vmem>>[vector<16xi32>, vector<16xi32>, vector<16xi32>], vector<16xf32>,
      %mul3A_434 = arith.mulf %mul3A_432, %gather3A_433 : vector<16xf32>
      %gather3A_435 = tpu.vector_load_idx %arg9[%add3A_413, %and3A_415, %broadcast_in_dim3A_420] : memref<32x8x128xf32, #tpu.memory_space<vmem>>[vector<16xi32>, vector<16xi32>, vector<16xi32>], vector<16xf32>,
      %gather3A_436 = tpu.vector_load_idx %arg10[%add3A_413, %and3A_415, %broadcast_in_dim3A_425] : memref<32x8x128xf32, #tpu.memory_space<vmem>>[vector<16xi32>, vector<16xi32>, vector<16xi32>], vector<16xf32>,
      %mul3A_437 = arith.mulf %gather3A_435, %gather3A_436 : vector<16xf32>
      %gather3A_438 = tpu.vector_load_idx %arg11[%add3A_413, %and3A_415, %broadcast_in_dim3A_430] : memref<32x8x128xf32, #tpu.memory_space<vmem>>[vector<16xi32>, vector<16xi32>, vector<16xi32>], vector<16xf32>,
      %mul3A_439 = arith.mulf %mul3A_437, %gather3A_438 : vector<16xf32>
      %add3A_440 = arith.addf %mul3A_434, %mul3A_439 : vector<16xf32>
      %reduce_sum3A = arith.constant true
      %reduce_sum3A_441 = vector.broadcast %reduce_sum3A : i1 to vector<16xi1>
      %reduce_sum3A_442 = tpu.scan <sum>, %add3A_440 masked %reduce_sum3A_441 : vector<16xf32>, vector<16xi1> -> vector<16xf32>
      %reduce_sum3A_443 = vector.extract %reduce_sum3A_442[15] : f32 from vector<16xf32>
      %broadcast_in_dim3A_444 = vector.broadcast %add3A_405 : i32 to vector<16xi32>
      %broadcast_in_dim3A_445 = vector.broadcast %reduce_sum3A_443 : f32 to vector<16xf32>
      %eq3A = arith.constant 0 : i32
      %eq3A_446 = vector.broadcast %eq3A : i32 to vector<16xi32>
      %eq3A_447 = arith.cmpi eq, %iota3A, %eq3A_446 : vector<16xi32>
      tpu.vector_store_idx %arg12[%broadcast_in_dim3A_444], %broadcast_in_dim3A_445 masked %eq3A_447 : memref<512xf32, #tpu.memory_space<vmem>>[vector<16xi32>], vector<16xf32>, vector<16xi1>
      %slice3A_448 = vector.extract_strided_slice %get3A_48 {offsets = [5], sizes = [1], strides = [1]} : vector<16xi32> to vector<1xi32>
      %squeeze3A_449 = vector.extract %slice3A_448[0] : i32 from vector<1xi32>
      %shift_right_arithmetic3A_450 = arith.constant 7 : i32
      %shift_right_arithmetic3A_451 = arith.shrsi %squeeze3A_449, %shift_right_arithmetic3A_450 : i32
      %mul3A_452 = arith.constant 128 : i32
      %mul3A_453 = arith.muli %shift_right_arithmetic3A_451, %mul3A_452 : i32
      %multiple_of3A_454 = tpu.assume_multiple %mul3A_453, 128 : i32
      %slice3A_455 = vector.extract_strided_slice %get3A_50 {offsets = [5], sizes = [1], strides = [1]} : vector<16xi32> to vector<1xi32>
      %squeeze3A_456 = vector.extract %slice3A_455[0] : i32 from vector<1xi32>
      %shift_right_arithmetic3A_457 = arith.constant 7 : i32
      %shift_right_arithmetic3A_458 = arith.shrsi %squeeze3A_456, %shift_right_arithmetic3A_457 : i32
      %mul3A_459 = arith.constant 128 : i32
      %mul3A_460 = arith.muli %shift_right_arithmetic3A_458, %mul3A_459 : i32
      %multiple_of3A_461 = tpu.assume_multiple %mul3A_460, 128 : i32
      %slice3A_462 = vector.extract_strided_slice %get3A_52 {offsets = [5], sizes = [1], strides = [1]} : vector<16xi32> to vector<1xi32>
      %squeeze3A_463 = vector.extract %slice3A_462[0] : i32 from vector<1xi32>
      %shift_right_arithmetic3A_464 = arith.constant 7 : i32
      %shift_right_arithmetic3A_465 = arith.shrsi %squeeze3A_463, %shift_right_arithmetic3A_464 : i32
      %mul3A_466 = arith.constant 128 : i32
      %mul3A_467 = arith.muli %shift_right_arithmetic3A_465, %mul3A_466 : i32
      %multiple_of3A_468 = tpu.assume_multiple %mul3A_467, 128 : i32
      %dma_start3A_469 = arith.constant 20 : i32
      %dma_start3A_470 = arith.constant 0 : i32
      %dma_start3A_471 = arith.constant 0 : i32
      %dma_start3A_472 = tpu.memref_slice %arg9[%dma_start3A_469, %dma_start3A_470, %dma_start3A_471] : memref<32x8x128xf32, #tpu.memory_space<vmem>> -> memref<4x8x128xf32, #tpu.memory_space<vmem>>
      %dma_start3A_473 = arith.constant 0 : i32
      %dma_start3A_474 = arith.constant 0 : i32
      %dma_start3A_475 = tpu.memref_slice %arg3[%dma_start3A_473, %dma_start3A_474, %multiple_of3A_454] : memref<4x8x1000000xf32, #tpu.memory_space<hbm>> -> memref<4x8x128xf32, #tpu.memory_space<hbm>>
      %dma_start3A_476 = arith.constant 20 : i32
      %dma_start3A_477 = arith.constant 0 : i32
      %dma_start3A_478 = arith.constant 0 : i32
      %dma_start3A_479 = tpu.memref_slice %arg9[%dma_start3A_476, %dma_start3A_477, %dma_start3A_478] : memref<32x8x128xf32, #tpu.memory_space<vmem>> -> memref<4x8x128xf32, #tpu.memory_space<vmem>>
      %dma_start3A_480 = arith.constant 0 : i32
      %dma_start3A_481 = arith.constant 0 : i32
      %dma_start3A_482 = tpu.memref_slice %arg3[%dma_start3A_480, %dma_start3A_481, %multiple_of3A_454] : memref<4x8x1000000xf32, #tpu.memory_space<hbm>> -> memref<4x8x128xf32, #tpu.memory_space<hbm>>
      tpu.enqueue_dma source(%dma_start3A_482 : memref<4x8x128xf32, #tpu.memory_space<hbm>>) target(%dma_start3A_479 : memref<4x8x128xf32, #tpu.memory_space<vmem>>) target_semaphore(%arg13 : memref<!tpu.dma_semaphore, #tpu.memory_space<semaphore_mem>>)
      %dma_start3A_483 = arith.constant 20 : i32
      %dma_start3A_484 = arith.constant 0 : i32
      %dma_start3A_485 = arith.constant 0 : i32
      %dma_start3A_486 = tpu.memref_slice %arg10[%dma_start3A_483, %dma_start3A_484, %dma_start3A_485] : memref<32x8x128xf32, #tpu.memory_space<vmem>> -> memref<4x8x128xf32, #tpu.memory_space<vmem>>
      %dma_start3A_487 = arith.constant 0 : i32
      %dma_start3A_488 = arith.constant 0 : i32
      %dma_start3A_489 = tpu.memref_slice %arg4[%dma_start3A_487, %dma_start3A_488, %multiple_of3A_461] : memref<4x8x1000000xf32, #tpu.memory_space<hbm>> -> memref<4x8x128xf32, #tpu.memory_space<hbm>>
      %dma_start3A_490 = arith.constant 20 : i32
      %dma_start3A_491 = arith.constant 0 : i32
      %dma_start3A_492 = arith.constant 0 : i32
      %dma_start3A_493 = tpu.memref_slice %arg10[%dma_start3A_490, %dma_start3A_491, %dma_start3A_492] : memref<32x8x128xf32, #tpu.memory_space<vmem>> -> memref<4x8x128xf32, #tpu.memory_space<vmem>>
      %dma_start3A_494 = arith.constant 0 : i32
      %dma_start3A_495 = arith.constant 0 : i32
      %dma_start3A_496 = tpu.memref_slice %arg4[%dma_start3A_494, %dma_start3A_495, %multiple_of3A_461] : memref<4x8x1000000xf32, #tpu.memory_space<hbm>> -> memref<4x8x128xf32, #tpu.memory_space<hbm>>
      tpu.enqueue_dma source(%dma_start3A_496 : memref<4x8x128xf32, #tpu.memory_space<hbm>>) target(%dma_start3A_493 : memref<4x8x128xf32, #tpu.memory_space<vmem>>) target_semaphore(%arg13 : memref<!tpu.dma_semaphore, #tpu.memory_space<semaphore_mem>>)
      %dma_start3A_497 = arith.constant 20 : i32
      %dma_start3A_498 = arith.constant 0 : i32
      %dma_start3A_499 = arith.constant 0 : i32
      %dma_start3A_500 = tpu.memref_slice %arg11[%dma_start3A_497, %dma_start3A_498, %dma_start3A_499] : memref<32x8x128xf32, #tpu.memory_space<vmem>> -> memref<4x8x128xf32, #tpu.memory_space<vmem>>
      %dma_start3A_501 = arith.constant 0 : i32
      %dma_start3A_502 = arith.constant 0 : i32
      %dma_start3A_503 = tpu.memref_slice %arg3[%dma_start3A_501, %dma_start3A_502, %multiple_of3A_468] : memref<4x8x1000000xf32, #tpu.memory_space<hbm>> -> memref<4x8x128xf32, #tpu.memory_space<hbm>>
      %dma_start3A_504 = arith.constant 20 : i32
      %dma_start3A_505 = arith.constant 0 : i32
      %dma_start3A_506 = arith.constant 0 : i32
      %dma_start3A_507 = tpu.memref_slice %arg11[%dma_start3A_504, %dma_start3A_505, %dma_start3A_506] : memref<32x8x128xf32, #tpu.memory_space<vmem>> -> memref<4x8x128xf32, #tpu.memory_space<vmem>>
      %dma_start3A_508 = arith.constant 0 : i32
      %dma_start3A_509 = arith.constant 0 : i32
      %dma_start3A_510 = tpu.memref_slice %arg3[%dma_start3A_508, %dma_start3A_509, %multiple_of3A_468] : memref<4x8x1000000xf32, #tpu.memory_space<hbm>> -> memref<4x8x128xf32, #tpu.memory_space<hbm>>
      tpu.enqueue_dma source(%dma_start3A_510 : memref<4x8x128xf32, #tpu.memory_space<hbm>>) target(%dma_start3A_507 : memref<4x8x128xf32, #tpu.memory_space<vmem>>) target_semaphore(%arg13 : memref<!tpu.dma_semaphore, #tpu.memory_space<semaphore_mem>>)
      %dma_wait3A_511 = arith.constant 4 : i32
      %dma_wait3A_512 = arith.constant 0 : i32
      %dma_wait3A_513 = arith.constant 0 : i32
      %dma_wait3A_514 = tpu.memref_slice %arg9[%dma_wait3A_511, %dma_wait3A_512, %dma_wait3A_513] : memref<32x8x128xf32, #tpu.memory_space<vmem>> -> memref<4x8x128xf32, #tpu.memory_space<vmem>>
      %dma_wait3A_515 = arith.constant 0 : i32
      %dma_wait3A_516 = arith.constant 0 : i32
      %dma_wait3A_517 = tpu.memref_slice %arg3[%dma_wait3A_515, %dma_wait3A_516, %multiple_of3A_117] : memref<4x8x1000000xf32, #tpu.memory_space<hbm>> -> memref<4x8x128xf32, #tpu.memory_space<hbm>>
      %dma_wait3A_518 = arith.constant 4 : i32
      %dma_wait3A_519 = arith.constant 0 : i32
      %dma_wait3A_520 = arith.constant 0 : i32
      %dma_wait3A_521 = tpu.memref_slice %arg9[%dma_wait3A_518, %dma_wait3A_519, %dma_wait3A_520] : memref<32x8x128xf32, #tpu.memory_space<vmem>> -> memref<4x8x128xf32, #tpu.memory_space<vmem>>
      %dma_wait3A_522 = arith.constant 0 : i32
      %dma_wait3A_523 = arith.constant 0 : i32
      %dma_wait3A_524 = tpu.memref_slice %arg3[%dma_wait3A_522, %dma_wait3A_523, %multiple_of3A_117] : memref<4x8x1000000xf32, #tpu.memory_space<hbm>> -> memref<4x8x128xf32, #tpu.memory_space<hbm>>
      tpu.wait_dma2 semaphore(%arg13 : memref<!tpu.dma_semaphore, #tpu.memory_space<semaphore_mem>>) src(%dma_wait3A_524 : memref<4x8x128xf32, #tpu.memory_space<hbm>>) dst(%dma_wait3A_521 : memref<4x8x128xf32, #tpu.memory_space<vmem>>)
      %dma_wait3A_525 = arith.constant 4 : i32
      %dma_wait3A_526 = arith.constant 0 : i32
      %dma_wait3A_527 = arith.constant 0 : i32
      %dma_wait3A_528 = tpu.memref_slice %arg10[%dma_wait3A_525, %dma_wait3A_526, %dma_wait3A_527] : memref<32x8x128xf32, #tpu.memory_space<vmem>> -> memref<4x8x128xf32, #tpu.memory_space<vmem>>
      %dma_wait3A_529 = arith.constant 0 : i32
      %dma_wait3A_530 = arith.constant 0 : i32
      %dma_wait3A_531 = tpu.memref_slice %arg4[%dma_wait3A_529, %dma_wait3A_530, %multiple_of3A_124] : memref<4x8x1000000xf32, #tpu.memory_space<hbm>> -> memref<4x8x128xf32, #tpu.memory_space<hbm>>
      %dma_wait3A_532 = arith.constant 4 : i32
      %dma_wait3A_533 = arith.constant 0 : i32
      %dma_wait3A_534 = arith.constant 0 : i32
      %dma_wait3A_535 = tpu.memref_slice %arg10[%dma_wait3A_532, %dma_wait3A_533, %dma_wait3A_534] : memref<32x8x128xf32, #tpu.memory_space<vmem>> -> memref<4x8x128xf32, #tpu.memory_space<vmem>>
      %dma_wait3A_536 = arith.constant 0 : i32
      %dma_wait3A_537 = arith.constant 0 : i32
      %dma_wait3A_538 = tpu.memref_slice %arg4[%dma_wait3A_536, %dma_wait3A_537, %multiple_of3A_124] : memref<4x8x1000000xf32, #tpu.memory_space<hbm>> -> memref<4x8x128xf32, #tpu.memory_space<hbm>>
      tpu.wait_dma2 semaphore(%arg13 : memref<!tpu.dma_semaphore, #tpu.memory_space<semaphore_mem>>) src(%dma_wait3A_538 : memref<4x8x128xf32, #tpu.memory_space<hbm>>) dst(%dma_wait3A_535 : memref<4x8x128xf32, #tpu.memory_space<vmem>>)
      %dma_wait3A_539 = arith.constant 4 : i32
      %dma_wait3A_540 = arith.constant 0 : i32
      %dma_wait3A_541 = arith.constant 0 : i32
      %dma_wait3A_542 = tpu.memref_slice %arg11[%dma_wait3A_539, %dma_wait3A_540, %dma_wait3A_541] : memref<32x8x128xf32, #tpu.memory_space<vmem>> -> memref<4x8x128xf32, #tpu.memory_space<vmem>>
      %dma_wait3A_543 = arith.constant 0 : i32
      %dma_wait3A_544 = arith.constant 0 : i32
      %dma_wait3A_545 = tpu.memref_slice %arg3[%dma_wait3A_543, %dma_wait3A_544, %multiple_of3A_131] : memref<4x8x1000000xf32, #tpu.memory_space<hbm>> -> memref<4x8x128xf32, #tpu.memory_space<hbm>>
      %dma_wait3A_546 = arith.constant 4 : i32
      %dma_wait3A_547 = arith.constant 0 : i32
      %dma_wait3A_548 = arith.constant 0 : i32
      %dma_wait3A_549 = tpu.memref_slice %arg11[%dma_wait3A_546, %dma_wait3A_547, %dma_wait3A_548] : memref<32x8x128xf32, #tpu.memory_space<vmem>> -> memref<4x8x128xf32, #tpu.memory_space<vmem>>
      %dma_wait3A_550 = arith.constant 0 : i32
      %dma_wait3A_551 = arith.constant 0 : i32
      %dma_wait3A_552 = tpu.memref_slice %arg3[%dma_wait3A_550, %dma_wait3A_551, %multiple_of3A_131] : memref<4x8x1000000xf32, #tpu.memory_space<hbm>> -> memref<4x8x128xf32, #tpu.memory_space<hbm>>
      tpu.wait_dma2 semaphore(%arg13 : memref<!tpu.dma_semaphore, #tpu.memory_space<semaphore_mem>>) src(%dma_wait3A_552 : memref<4x8x128xf32, #tpu.memory_space<hbm>>) dst(%dma_wait3A_549 : memref<4x8x128xf32, #tpu.memory_space<vmem>>)
      %add3A_553 = arith.constant 1 : i32
      %add3A_554 = arith.addi %mul3A_47, %add3A_553 : i32
      %broadcast_in_dim3A_555 = arith.constant 4 : i32
      %broadcast_in_dim3A_556 = vector.broadcast %broadcast_in_dim3A_555 : i32 to vector<16xi32>
      %shift_right_arithmetic3A_557 = arith.constant 3 : i32
      %shift_right_arithmetic3A_558 = vector.broadcast %shift_right_arithmetic3A_557 : i32 to vector<16xi32>
      %shift_right_arithmetic3A_559 = arith.shrsi %iota3A, %shift_right_arithmetic3A_558 : vector<16xi32>
      %add3A_560 = arith.addi %broadcast_in_dim3A_556, %shift_right_arithmetic3A_559 : vector<16xi32>
      %add3A_561 = arith.constant 2 : i32
      %add3A_562 = vector.broadcast %add3A_561 : i32 to vector<16xi32>
      %add3A_563 = arith.addi %add3A_560, %add3A_562 : vector<16xi32>
      %and3A_564 = arith.constant 7 : i32
      %and3A_565 = vector.broadcast %and3A_564 : i32 to vector<16xi32>
      %and3A_566 = arith.andi %iota3A, %and3A_565 : vector<16xi32>
      %slice3A_567 = vector.extract_strided_slice %get3A_48 {offsets = [1], sizes = [1], strides = [1]} : vector<16xi32> to vector<1xi32>
      %squeeze3A_568 = vector.extract %slice3A_567[0] : i32 from vector<1xi32>
      %and3A_569 = arith.constant 127 : i32
      %and3A_570 = arith.andi %squeeze3A_568, %and3A_569 : i32
      %broadcast_in_dim3A_571 = vector.broadcast %and3A_570 : i32 to vector<16xi32>
      %slice3A_572 = vector.extract_strided_slice %get3A_50 {offsets = [1], sizes = [1], strides = [1]} : vector<16xi32> to vector<1xi32>
      %squeeze3A_573 = vector.extract %slice3A_572[0] : i32 from vector<1xi32>
      %and3A_574 = arith.constant 127 : i32
      %and3A_575 = arith.andi %squeeze3A_573, %and3A_574 : i32
      %broadcast_in_dim3A_576 = vector.broadcast %and3A_575 : i32 to vector<16xi32>
      %slice3A_577 = vector.extract_strided_slice %get3A_52 {offsets = [1], sizes = [1], strides = [1]} : vector<16xi32> to vector<1xi32>
      %squeeze3A_578 = vector.extract %slice3A_577[0] : i32 from vector<1xi32>
      %and3A_579 = arith.constant 127 : i32
      %and3A_580 = arith.andi %squeeze3A_578, %and3A_579 : i32
      %broadcast_in_dim3A_581 = vector.broadcast %and3A_580 : i32 to vector<16xi32>
      %gather3A_582 = tpu.vector_load_idx %arg9[%add3A_560, %and3A_566, %broadcast_in_dim3A_571] : memref<32x8x128xf32, #tpu.memory_space<vmem>>[vector<16xi32>, vector<16xi32>, vector<16xi32>], vector<16xf32>,
      %gather3A_583 = tpu.vector_load_idx %arg10[%add3A_560, %and3A_566, %broadcast_in_dim3A_576] : memref<32x8x128xf32, #tpu.memory_space<vmem>>[vector<16xi32>, vector<16xi32>, vector<16xi32>], vector<16xf32>,
      %mul3A_584 = arith.mulf %gather3A_582, %gather3A_583 : vector<16xf32>
      %gather3A_585 = tpu.vector_load_idx %arg11[%add3A_560, %and3A_566, %broadcast_in_dim3A_581] : memref<32x8x128xf32, #tpu.memory_space<vmem>>[vector<16xi32>, vector<16xi32>, vector<16xi32>], vector<16xf32>,
      %mul3A_586 = arith.mulf %mul3A_584, %gather3A_585 : vector<16xf32>
      %gather3A_587 = tpu.vector_load_idx %arg9[%add3A_563, %and3A_566, %broadcast_in_dim3A_571] : memref<32x8x128xf32, #tpu.memory_space<vmem>>[vector<16xi32>, vector<16xi32>, vector<16xi32>], vector<16xf32>,
      %gather3A_588 = tpu.vector_load_idx %arg10[%add3A_563, %and3A_566, %broadcast_in_dim3A_576] : memref<32x8x128xf32, #tpu.memory_space<vmem>>[vector<16xi32>, vector<16xi32>, vector<16xi32>], vector<16xf32>,
      %mul3A_589 = arith.mulf %gather3A_587, %gather3A_588 : vector<16xf32>
      %gather3A_590 = tpu.vector_load_idx %arg11[%add3A_563, %and3A_566, %broadcast_in_dim3A_581] : memref<32x8x128xf32, #tpu.memory_space<vmem>>[vector<16xi32>, vector<16xi32>, vector<16xi32>], vector<16xf32>,
      %mul3A_591 = arith.mulf %mul3A_589, %gather3A_590 : vector<16xf32>
      %add3A_592 = arith.addf %mul3A_586, %mul3A_591 : vector<16xf32>
      %reduce_sum3A_593 = arith.constant true
      %reduce_sum3A_594 = vector.broadcast %reduce_sum3A_593 : i1 to vector<16xi1>
      %reduce_sum3A_595 = tpu.scan <sum>, %add3A_592 masked %reduce_sum3A_594 : vector<16xf32>, vector<16xi1> -> vector<16xf32>
      %reduce_sum3A_596 = vector.extract %reduce_sum3A_595[15] : f32 from vector<16xf32>
      %broadcast_in_dim3A_597 = vector.broadcast %add3A_554 : i32 to vector<16xi32>
      %broadcast_in_dim3A_598 = vector.broadcast %reduce_sum3A_596 : f32 to vector<16xf32>
      %eq3A_599 = arith.constant 0 : i32
      %eq3A_600 = vector.broadcast %eq3A_599 : i32 to vector<16xi32>
      %eq3A_601 = arith.cmpi eq, %iota3A, %eq3A_600 : vector<16xi32>
      tpu.vector_store_idx %arg12[%broadcast_in_dim3A_597], %broadcast_in_dim3A_598 masked %eq3A_601 : memref<512xf32, #tpu.memory_space<vmem>>[vector<16xi32>], vector<16xf32>, vector<16xi1>
      %slice3A_602 = vector.extract_strided_slice %get3A_48 {offsets = [6], sizes = [1], strides = [1]} : vector<16xi32> to vector<1xi32>
      %squeeze3A_603 = vector.extract %slice3A_602[0] : i32 from vector<1xi32>
      %shift_right_arithmetic3A_604 = arith.constant 7 : i32
      %shift_right_arithmetic3A_605 = arith.shrsi %squeeze3A_603, %shift_right_arithmetic3A_604 : i32
      %mul3A_606 = arith.constant 128 : i32
      %mul3A_607 = arith.muli %shift_right_arithmetic3A_605, %mul3A_606 : i32
      %multiple_of3A_608 = tpu.assume_multiple %mul3A_607, 128 : i32
      %slice3A_609 = vector.extract_strided_slice %get3A_50 {offsets = [6], sizes = [1], strides = [1]} : vector<16xi32> to vector<1xi32>
      %squeeze3A_610 = vector.extract %slice3A_609[0] : i32 from vector<1xi32>
      %shift_right_arithmetic3A_611 = arith.constant 7 : i32
      %shift_right_arithmetic3A_612 = arith.shrsi %squeeze3A_610, %shift_right_arithmetic3A_611 : i32
      %mul3A_613 = arith.constant 128 : i32
      %mul3A_614 = arith.muli %shift_right_arithmetic3A_612, %mul3A_613 : i32
      %multiple_of3A_615 = tpu.assume_multiple %mul3A_614, 128 : i32
      %slice3A_616 = vector.extract_strided_slice %get3A_52 {offsets = [6], sizes = [1], strides = [1]} : vector<16xi32> to vector<1xi32>
      %squeeze3A_617 = vector.extract %slice3A_616[0] : i32 from vector<1xi32>
      %shift_right_arithmetic3A_618 = arith.constant 7 : i32
      %shift_right_arithmetic3A_619 = arith.shrsi %squeeze3A_617, %shift_right_arithmetic3A_618 : i32
      %mul3A_620 = arith.constant 128 : i32
      %mul3A_621 = arith.muli %shift_right_arithmetic3A_619, %mul3A_620 : i32
      %multiple_of3A_622 = tpu.assume_multiple %mul3A_621, 128 : i32
      %dma_start3A_623 = arith.constant 24 : i32
      %dma_start3A_624 = arith.constant 0 : i32
      %dma_start3A_625 = arith.constant 0 : i32
      %dma_start3A_626 = tpu.memref_slice %arg9[%dma_start3A_623, %dma_start3A_624, %dma_start3A_625] : memref<32x8x128xf32, #tpu.memory_space<vmem>> -> memref<4x8x128xf32, #tpu.memory_space<vmem>>
      %dma_start3A_627 = arith.constant 0 : i32
      %dma_start3A_628 = arith.constant 0 : i32
      %dma_start3A_629 = tpu.memref_slice %arg3[%dma_start3A_627, %dma_start3A_628, %multiple_of3A_608] : memref<4x8x1000000xf32, #tpu.memory_space<hbm>> -> memref<4x8x128xf32, #tpu.memory_space<hbm>>
      %dma_start3A_630 = arith.constant 24 : i32
      %dma_start3A_631 = arith.constant 0 : i32
      %dma_start3A_632 = arith.constant 0 : i32
      %dma_start3A_633 = tpu.memref_slice %arg9[%dma_start3A_630, %dma_start3A_631, %dma_start3A_632] : memref<32x8x128xf32, #tpu.memory_space<vmem>> -> memref<4x8x128xf32, #tpu.memory_space<vmem>>
      %dma_start3A_634 = arith.constant 0 : i32
      %dma_start3A_635 = arith.constant 0 : i32
      %dma_start3A_636 = tpu.memref_slice %arg3[%dma_start3A_634, %dma_start3A_635, %multiple_of3A_608] : memref<4x8x1000000xf32, #tpu.memory_space<hbm>> -> memref<4x8x128xf32, #tpu.memory_space<hbm>>
      tpu.enqueue_dma source(%dma_start3A_636 : memref<4x8x128xf32, #tpu.memory_space<hbm>>) target(%dma_start3A_633 : memref<4x8x128xf32, #tpu.memory_space<vmem>>) target_semaphore(%arg13 : memref<!tpu.dma_semaphore, #tpu.memory_space<semaphore_mem>>)
      %dma_start3A_637 = arith.constant 24 : i32
      %dma_start3A_638 = arith.constant 0 : i32
      %dma_start3A_639 = arith.constant 0 : i32
      %dma_start3A_640 = tpu.memref_slice %arg10[%dma_start3A_637, %dma_start3A_638, %dma_start3A_639] : memref<32x8x128xf32, #tpu.memory_space<vmem>> -> memref<4x8x128xf32, #tpu.memory_space<vmem>>
      %dma_start3A_641 = arith.constant 0 : i32
      %dma_start3A_642 = arith.constant 0 : i32
      %dma_start3A_643 = tpu.memref_slice %arg4[%dma_start3A_641, %dma_start3A_642, %multiple_of3A_615] : memref<4x8x1000000xf32, #tpu.memory_space<hbm>> -> memref<4x8x128xf32, #tpu.memory_space<hbm>>
      %dma_start3A_644 = arith.constant 24 : i32
      %dma_start3A_645 = arith.constant 0 : i32
      %dma_start3A_646 = arith.constant 0 : i32
      %dma_start3A_647 = tpu.memref_slice %arg10[%dma_start3A_644, %dma_start3A_645, %dma_start3A_646] : memref<32x8x128xf32, #tpu.memory_space<vmem>> -> memref<4x8x128xf32, #tpu.memory_space<vmem>>
      %dma_start3A_648 = arith.constant 0 : i32
      %dma_start3A_649 = arith.constant 0 : i32
      %dma_start3A_650 = tpu.memref_slice %arg4[%dma_start3A_648, %dma_start3A_649, %multiple_of3A_615] : memref<4x8x1000000xf32, #tpu.memory_space<hbm>> -> memref<4x8x128xf32, #tpu.memory_space<hbm>>
      tpu.enqueue_dma source(%dma_start3A_650 : memref<4x8x128xf32, #tpu.memory_space<hbm>>) target(%dma_start3A_647 : memref<4x8x128xf32, #tpu.memory_space<vmem>>) target_semaphore(%arg13 : memref<!tpu.dma_semaphore, #tpu.memory_space<semaphore_mem>>)
      %dma_start3A_651 = arith.constant 24 : i32
      %dma_start3A_652 = arith.constant 0 : i32
      %dma_start3A_653 = arith.constant 0 : i32
      %dma_start3A_654 = tpu.memref_slice %arg11[%dma_start3A_651, %dma_start3A_652, %dma_start3A_653] : memref<32x8x128xf32, #tpu.memory_space<vmem>> -> memref<4x8x128xf32, #tpu.memory_space<vmem>>
      %dma_start3A_655 = arith.constant 0 : i32
      %dma_start3A_656 = arith.constant 0 : i32
      %dma_start3A_657 = tpu.memref_slice %arg3[%dma_start3A_655, %dma_start3A_656, %multiple_of3A_622] : memref<4x8x1000000xf32, #tpu.memory_space<hbm>> -> memref<4x8x128xf32, #tpu.memory_space<hbm>>
      %dma_start3A_658 = arith.constant 24 : i32
      %dma_start3A_659 = arith.constant 0 : i32
      %dma_start3A_660 = arith.constant 0 : i32
      %dma_start3A_661 = tpu.memref_slice %arg11[%dma_start3A_658, %dma_start3A_659, %dma_start3A_660] : memref<32x8x128xf32, #tpu.memory_space<vmem>> -> memref<4x8x128xf32, #tpu.memory_space<vmem>>
      %dma_start3A_662 = arith.constant 0 : i32
      %dma_start3A_663 = arith.constant 0 : i32
      %dma_start3A_664 = tpu.memref_slice %arg3[%dma_start3A_662, %dma_start3A_663, %multiple_of3A_622] : memref<4x8x1000000xf32, #tpu.memory_space<hbm>> -> memref<4x8x128xf32, #tpu.memory_space<hbm>>
      tpu.enqueue_dma source(%dma_start3A_664 : memref<4x8x128xf32, #tpu.memory_space<hbm>>) target(%dma_start3A_661 : memref<4x8x128xf32, #tpu.memory_space<vmem>>) target_semaphore(%arg13 : memref<!tpu.dma_semaphore, #tpu.memory_space<semaphore_mem>>)
      %dma_wait3A_665 = arith.constant 8 : i32
      %dma_wait3A_666 = arith.constant 0 : i32
      %dma_wait3A_667 = arith.constant 0 : i32
      %dma_wait3A_668 = tpu.memref_slice %arg9[%dma_wait3A_665, %dma_wait3A_666, %dma_wait3A_667] : memref<32x8x128xf32, #tpu.memory_space<vmem>> -> memref<4x8x128xf32, #tpu.memory_space<vmem>>
      %dma_wait3A_669 = arith.constant 0 : i32
      %dma_wait3A_670 = arith.constant 0 : i32
      %dma_wait3A_671 = tpu.memref_slice %arg3[%dma_wait3A_669, %dma_wait3A_670, %multiple_of3A_180] : memref<4x8x1000000xf32, #tpu.memory_space<hbm>> -> memref<4x8x128xf32, #tpu.memory_space<hbm>>
      %dma_wait3A_672 = arith.constant 8 : i32
      %dma_wait3A_673 = arith.constant 0 : i32
      %dma_wait3A_674 = arith.constant 0 : i32
      %dma_wait3A_675 = tpu.memref_slice %arg9[%dma_wait3A_672, %dma_wait3A_673, %dma_wait3A_674] : memref<32x8x128xf32, #tpu.memory_space<vmem>> -> memref<4x8x128xf32, #tpu.memory_space<vmem>>
      %dma_wait3A_676 = arith.constant 0 : i32
      %dma_wait3A_677 = arith.constant 0 : i32
      %dma_wait3A_678 = tpu.memref_slice %arg3[%dma_wait3A_676, %dma_wait3A_677, %multiple_of3A_180] : memref<4x8x1000000xf32, #tpu.memory_space<hbm>> -> memref<4x8x128xf32, #tpu.memory_space<hbm>>
      tpu.wait_dma2 semaphore(%arg13 : memref<!tpu.dma_semaphore, #tpu.memory_space<semaphore_mem>>) src(%dma_wait3A_678 : memref<4x8x128xf32, #tpu.memory_space<hbm>>) dst(%dma_wait3A_675 : memref<4x8x128xf32, #tpu.memory_space<vmem>>)
      %dma_wait3A_679 = arith.constant 8 : i32
      %dma_wait3A_680 = arith.constant 0 : i32
      %dma_wait3A_681 = arith.constant 0 : i32
      %dma_wait3A_682 = tpu.memref_slice %arg10[%dma_wait3A_679, %dma_wait3A_680, %dma_wait3A_681] : memref<32x8x128xf32, #tpu.memory_space<vmem>> -> memref<4x8x128xf32, #tpu.memory_space<vmem>>
      %dma_wait3A_683 = arith.constant 0 : i32
      %dma_wait3A_684 = arith.constant 0 : i32
      %dma_wait3A_685 = tpu.memref_slice %arg4[%dma_wait3A_683, %dma_wait3A_684, %multiple_of3A_187] : memref<4x8x1000000xf32, #tpu.memory_space<hbm>> -> memref<4x8x128xf32, #tpu.memory_space<hbm>>
      %dma_wait3A_686 = arith.constant 8 : i32
      %dma_wait3A_687 = arith.constant 0 : i32
      %dma_wait3A_688 = arith.constant 0 : i32
      %dma_wait3A_689 = tpu.memref_slice %arg10[%dma_wait3A_686, %dma_wait3A_687, %dma_wait3A_688] : memref<32x8x128xf32, #tpu.memory_space<vmem>> -> memref<4x8x128xf32, #tpu.memory_space<vmem>>
      %dma_wait3A_690 = arith.constant 0 : i32
      %dma_wait3A_691 = arith.constant 0 : i32
      %dma_wait3A_692 = tpu.memref_slice %arg4[%dma_wait3A_690, %dma_wait3A_691, %multiple_of3A_187] : memref<4x8x1000000xf32, #tpu.memory_space<hbm>> -> memref<4x8x128xf32, #tpu.memory_space<hbm>>
      tpu.wait_dma2 semaphore(%arg13 : memref<!tpu.dma_semaphore, #tpu.memory_space<semaphore_mem>>) src(%dma_wait3A_692 : memref<4x8x128xf32, #tpu.memory_space<hbm>>) dst(%dma_wait3A_689 : memref<4x8x128xf32, #tpu.memory_space<vmem>>)
      %dma_wait3A_693 = arith.constant 8 : i32
      %dma_wait3A_694 = arith.constant 0 : i32
      %dma_wait3A_695 = arith.constant 0 : i32
      %dma_wait3A_696 = tpu.memref_slice %arg11[%dma_wait3A_693, %dma_wait3A_694, %dma_wait3A_695] : memref<32x8x128xf32, #tpu.memory_space<vmem>> -> memref<4x8x128xf32, #tpu.memory_space<vmem>>
      %dma_wait3A_697 = arith.constant 0 : i32
      %dma_wait3A_698 = arith.constant 0 : i32
      %dma_wait3A_699 = tpu.memref_slice %arg3[%dma_wait3A_697, %dma_wait3A_698, %multiple_of3A_194] : memref<4x8x1000000xf32, #tpu.memory_space<hbm>> -> memref<4x8x128xf32, #tpu.memory_space<hbm>>
      %dma_wait3A_700 = arith.constant 8 : i32
      %dma_wait3A_701 = arith.constant 0 : i32
      %dma_wait3A_702 = arith.constant 0 : i32
      %dma_wait3A_703 = tpu.memref_slice %arg11[%dma_wait3A_700, %dma_wait3A_701, %dma_wait3A_702] : memref<32x8x128xf32, #tpu.memory_space<vmem>> -> memref<4x8x128xf32, #tpu.memory_space<vmem>>
      %dma_wait3A_704 = arith.constant 0 : i32
      %dma_wait3A_705 = arith.constant 0 : i32
      %dma_wait3A_706 = tpu.memref_slice %arg3[%dma_wait3A_704, %dma_wait3A_705, %multiple_of3A_194] : memref<4x8x1000000xf32, #tpu.memory_space<hbm>> -> memref<4x8x128xf32, #tpu.memory_space<hbm>>
      tpu.wait_dma2 semaphore(%arg13 : memref<!tpu.dma_semaphore, #tpu.memory_space<semaphore_mem>>) src(%dma_wait3A_706 : memref<4x8x128xf32, #tpu.memory_space<hbm>>) dst(%dma_wait3A_703 : memref<4x8x128xf32, #tpu.memory_space<vmem>>)
      %add3A_707 = arith.constant 2 : i32
      %add3A_708 = arith.addi %mul3A_47, %add3A_707 : i32
      %broadcast_in_dim3A_709 = arith.constant 8 : i32
      %broadcast_in_dim3A_710 = vector.broadcast %broadcast_in_dim3A_709 : i32 to vector<16xi32>
      %shift_right_arithmetic3A_711 = arith.constant 3 : i32
      %shift_right_arithmetic3A_712 = vector.broadcast %shift_right_arithmetic3A_711 : i32 to vector<16xi32>
      %shift_right_arithmetic3A_713 = arith.shrsi %iota3A, %shift_right_arithmetic3A_712 : vector<16xi32>
      %add3A_714 = arith.addi %broadcast_in_dim3A_710, %shift_right_arithmetic3A_713 : vector<16xi32>
      %add3A_715 = arith.constant 2 : i32
      %add3A_716 = vector.broadcast %add3A_715 : i32 to vector<16xi32>
      %add3A_717 = arith.addi %add3A_714, %add3A_716 : vector<16xi32>
      %and3A_718 = arith.constant 7 : i32
      %and3A_719 = vector.broadcast %and3A_718 : i32 to vector<16xi32>
      %and3A_720 = arith.andi %iota3A, %and3A_719 : vector<16xi32>
      %slice3A_721 = vector.extract_strided_slice %get3A_48 {offsets = [2], sizes = [1], strides = [1]} : vector<16xi32> to vector<1xi32>
      %squeeze3A_722 = vector.extract %slice3A_721[0] : i32 from vector<1xi32>
      %and3A_723 = arith.constant 127 : i32
      %and3A_724 = arith.andi %squeeze3A_722, %and3A_723 : i32
      %broadcast_in_dim3A_725 = vector.broadcast %and3A_724 : i32 to vector<16xi32>
      %slice3A_726 = vector.extract_strided_slice %get3A_50 {offsets = [2], sizes = [1], strides = [1]} : vector<16xi32> to vector<1xi32>
      %squeeze3A_727 = vector.extract %slice3A_726[0] : i32 from vector<1xi32>
      %and3A_728 = arith.constant 127 : i32
      %and3A_729 = arith.andi %squeeze3A_727, %and3A_728 : i32
      %broadcast_in_dim3A_730 = vector.broadcast %and3A_729 : i32 to vector<16xi32>
      %slice3A_731 = vector.extract_strided_slice %get3A_52 {offsets = [2], sizes = [1], strides = [1]} : vector<16xi32> to vector<1xi32>
      %squeeze3A_732 = vector.extract %slice3A_731[0] : i32 from vector<1xi32>
      %and3A_733 = arith.constant 127 : i32
      %and3A_734 = arith.andi %squeeze3A_732, %and3A_733 : i32
      %broadcast_in_dim3A_735 = vector.broadcast %and3A_734 : i32 to vector<16xi32>
      %gather3A_736 = tpu.vector_load_idx %arg9[%add3A_714, %and3A_720, %broadcast_in_dim3A_725] : memref<32x8x128xf32, #tpu.memory_space<vmem>>[vector<16xi32>, vector<16xi32>, vector<16xi32>], vector<16xf32>,
      %gather3A_737 = tpu.vector_load_idx %arg10[%add3A_714, %and3A_720, %broadcast_in_dim3A_730] : memref<32x8x128xf32, #tpu.memory_space<vmem>>[vector<16xi32>, vector<16xi32>, vector<16xi32>], vector<16xf32>,
      %mul3A_738 = arith.mulf %gather3A_736, %gather3A_737 : vector<16xf32>
      %gather3A_739 = tpu.vector_load_idx %arg11[%add3A_714, %and3A_720, %broadcast_in_dim3A_735] : memref<32x8x128xf32, #tpu.memory_space<vmem>>[vector<16xi32>, vector<16xi32>, vector<16xi32>], vector<16xf32>,
      %mul3A_740 = arith.mulf %mul3A_738, %gather3A_739 : vector<16xf32>
      %gather3A_741 = tpu.vector_load_idx %arg9[%add3A_717, %and3A_720, %broadcast_in_dim3A_725] : memref<32x8x128xf32, #tpu.memory_space<vmem>>[vector<16xi32>, vector<16xi32>, vector<16xi32>], vector<16xf32>,
      %gather3A_742 = tpu.vector_load_idx %arg10[%add3A_717, %and3A_720, %broadcast_in_dim3A_730] : memref<32x8x128xf32, #tpu.memory_space<vmem>>[vector<16xi32>, vector<16xi32>, vector<16xi32>], vector<16xf32>,
      %mul3A_743 = arith.mulf %gather3A_741, %gather3A_742 : vector<16xf32>
      %gather3A_744 = tpu.vector_load_idx %arg11[%add3A_717, %and3A_720, %broadcast_in_dim3A_735] : memref<32x8x128xf32, #tpu.memory_space<vmem>>[vector<16xi32>, vector<16xi32>, vector<16xi32>], vector<16xf32>,
      %mul3A_745 = arith.mulf %mul3A_743, %gather3A_744 : vector<16xf32>
      %add3A_746 = arith.addf %mul3A_740, %mul3A_745 : vector<16xf32>
      %reduce_sum3A_747 = arith.constant true
      %reduce_sum3A_748 = vector.broadcast %reduce_sum3A_747 : i1 to vector<16xi1>
      %reduce_sum3A_749 = tpu.scan <sum>, %add3A_746 masked %reduce_sum3A_748 : vector<16xf32>, vector<16xi1> -> vector<16xf32>
      %reduce_sum3A_750 = vector.extract %reduce_sum3A_749[15] : f32 from vector<16xf32>
      %broadcast_in_dim3A_751 = vector.broadcast %add3A_708 : i32 to vector<16xi32>
      %broadcast_in_dim3A_752 = vector.broadcast %reduce_sum3A_750 : f32 to vector<16xf32>
      %eq3A_753 = arith.constant 0 : i32
      %eq3A_754 = vector.broadcast %eq3A_753 : i32 to vector<16xi32>
      %eq3A_755 = arith.cmpi eq, %iota3A, %eq3A_754 : vector<16xi32>
      tpu.vector_store_idx %arg12[%broadcast_in_dim3A_751], %broadcast_in_dim3A_752 masked %eq3A_755 : memref<512xf32, #tpu.memory_space<vmem>>[vector<16xi32>], vector<16xf32>, vector<16xi1>
      %slice3A_756 = vector.extract_strided_slice %get3A_48 {offsets = [7], sizes = [1], strides = [1]} : vector<16xi32> to vector<1xi32>
      %squeeze3A_757 = vector.extract %slice3A_756[0] : i32 from vector<1xi32>
      %shift_right_arithmetic3A_758 = arith.constant 7 : i32
      %shift_right_arithmetic3A_759 = arith.shrsi %squeeze3A_757, %shift_right_arithmetic3A_758 : i32
      %mul3A_760 = arith.constant 128 : i32
      %mul3A_761 = arith.muli %shift_right_arithmetic3A_759, %mul3A_760 : i32
      %multiple_of3A_762 = tpu.assume_multiple %mul3A_761, 128 : i32
      %slice3A_763 = vector.extract_strided_slice %get3A_50 {offsets = [7], sizes = [1], strides = [1]} : vector<16xi32> to vector<1xi32>
      %squeeze3A_764 = vector.extract %slice3A_763[0] : i32 from vector<1xi32>
      %shift_right_arithmetic3A_765 = arith.constant 7 : i32
      %shift_right_arithmetic3A_766 = arith.shrsi %squeeze3A_764, %shift_right_arithmetic3A_765 : i32
      %mul3A_767 = arith.constant 128 : i32
      %mul3A_768 = arith.muli %shift_right_arithmetic3A_766, %mul3A_767 : i32
      %multiple_of3A_769 = tpu.assume_multiple %mul3A_768, 128 : i32
      %slice3A_770 = vector.extract_strided_slice %get3A_52 {offsets = [7], sizes = [1], strides = [1]} : vector<16xi32> to vector<1xi32>
      %squeeze3A_771 = vector.extract %slice3A_770[0] : i32 from vector<1xi32>
      %shift_right_arithmetic3A_772 = arith.constant 7 : i32
      %shift_right_arithmetic3A_773 = arith.shrsi %squeeze3A_771, %shift_right_arithmetic3A_772 : i32
      %mul3A_774 = arith.constant 128 : i32
      %mul3A_775 = arith.muli %shift_right_arithmetic3A_773, %mul3A_774 : i32
      %multiple_of3A_776 = tpu.assume_multiple %mul3A_775, 128 : i32
      %dma_start3A_777 = arith.constant 28 : i32
      %dma_start3A_778 = arith.constant 0 : i32
      %dma_start3A_779 = arith.constant 0 : i32
      %dma_start3A_780 = tpu.memref_slice %arg9[%dma_start3A_777, %dma_start3A_778, %dma_start3A_779] : memref<32x8x128xf32, #tpu.memory_space<vmem>> -> memref<4x8x128xf32, #tpu.memory_space<vmem>>
      %dma_start3A_781 = arith.constant 0 : i32
      %dma_start3A_782 = arith.constant 0 : i32
      %dma_start3A_783 = tpu.memref_slice %arg3[%dma_start3A_781, %dma_start3A_782, %multiple_of3A_762] : memref<4x8x1000000xf32, #tpu.memory_space<hbm>> -> memref<4x8x128xf32, #tpu.memory_space<hbm>>
      %dma_start3A_784 = arith.constant 28 : i32
      %dma_start3A_785 = arith.constant 0 : i32
      %dma_start3A_786 = arith.constant 0 : i32
      %dma_start3A_787 = tpu.memref_slice %arg9[%dma_start3A_784, %dma_start3A_785, %dma_start3A_786] : memref<32x8x128xf32, #tpu.memory_space<vmem>> -> memref<4x8x128xf32, #tpu.memory_space<vmem>>
      %dma_start3A_788 = arith.constant 0 : i32
      %dma_start3A_789 = arith.constant 0 : i32
      %dma_start3A_790 = tpu.memref_slice %arg3[%dma_start3A_788, %dma_start3A_789, %multiple_of3A_762] : memref<4x8x1000000xf32, #tpu.memory_space<hbm>> -> memref<4x8x128xf32, #tpu.memory_space<hbm>>
      tpu.enqueue_dma source(%dma_start3A_790 : memref<4x8x128xf32, #tpu.memory_space<hbm>>) target(%dma_start3A_787 : memref<4x8x128xf32, #tpu.memory_space<vmem>>) target_semaphore(%arg13 : memref<!tpu.dma_semaphore, #tpu.memory_space<semaphore_mem>>)
      %dma_start3A_791 = arith.constant 28 : i32
      %dma_start3A_792 = arith.constant 0 : i32
      %dma_start3A_793 = arith.constant 0 : i32
      %dma_start3A_794 = tpu.memref_slice %arg10[%dma_start3A_791, %dma_start3A_792, %dma_start3A_793] : memref<32x8x128xf32, #tpu.memory_space<vmem>> -> memref<4x8x128xf32, #tpu.memory_space<vmem>>
      %dma_start3A_795 = arith.constant 0 : i32
      %dma_start3A_796 = arith.constant 0 : i32
      %dma_start3A_797 = tpu.memref_slice %arg4[%dma_start3A_795, %dma_start3A_796, %multiple_of3A_769] : memref<4x8x1000000xf32, #tpu.memory_space<hbm>> -> memref<4x8x128xf32, #tpu.memory_space<hbm>>
      %dma_start3A_798 = arith.constant 28 : i32
      %dma_start3A_799 = arith.constant 0 : i32
      %dma_start3A_800 = arith.constant 0 : i32
      %dma_start3A_801 = tpu.memref_slice %arg10[%dma_start3A_798, %dma_start3A_799, %dma_start3A_800] : memref<32x8x128xf32, #tpu.memory_space<vmem>> -> memref<4x8x128xf32, #tpu.memory_space<vmem>>
      %dma_start3A_802 = arith.constant 0 : i32
      %dma_start3A_803 = arith.constant 0 : i32
      %dma_start3A_804 = tpu.memref_slice %arg4[%dma_start3A_802, %dma_start3A_803, %multiple_of3A_769] : memref<4x8x1000000xf32, #tpu.memory_space<hbm>> -> memref<4x8x128xf32, #tpu.memory_space<hbm>>
      tpu.enqueue_dma source(%dma_start3A_804 : memref<4x8x128xf32, #tpu.memory_space<hbm>>) target(%dma_start3A_801 : memref<4x8x128xf32, #tpu.memory_space<vmem>>) target_semaphore(%arg13 : memref<!tpu.dma_semaphore, #tpu.memory_space<semaphore_mem>>)
      %dma_start3A_805 = arith.constant 28 : i32
      %dma_start3A_806 = arith.constant 0 : i32
      %dma_start3A_807 = arith.constant 0 : i32
      %dma_start3A_808 = tpu.memref_slice %arg11[%dma_start3A_805, %dma_start3A_806, %dma_start3A_807] : memref<32x8x128xf32, #tpu.memory_space<vmem>> -> memref<4x8x128xf32, #tpu.memory_space<vmem>>
      %dma_start3A_809 = arith.constant 0 : i32
      %dma_start3A_810 = arith.constant 0 : i32
      %dma_start3A_811 = tpu.memref_slice %arg3[%dma_start3A_809, %dma_start3A_810, %multiple_of3A_776] : memref<4x8x1000000xf32, #tpu.memory_space<hbm>> -> memref<4x8x128xf32, #tpu.memory_space<hbm>>
      %dma_start3A_812 = arith.constant 28 : i32
      %dma_start3A_813 = arith.constant 0 : i32
      %dma_start3A_814 = arith.constant 0 : i32
      %dma_start3A_815 = tpu.memref_slice %arg11[%dma_start3A_812, %dma_start3A_813, %dma_start3A_814] : memref<32x8x128xf32, #tpu.memory_space<vmem>> -> memref<4x8x128xf32, #tpu.memory_space<vmem>>
      %dma_start3A_816 = arith.constant 0 : i32
      %dma_start3A_817 = arith.constant 0 : i32
      %dma_start3A_818 = tpu.memref_slice %arg3[%dma_start3A_816, %dma_start3A_817, %multiple_of3A_776] : memref<4x8x1000000xf32, #tpu.memory_space<hbm>> -> memref<4x8x128xf32, #tpu.memory_space<hbm>>
      tpu.enqueue_dma source(%dma_start3A_818 : memref<4x8x128xf32, #tpu.memory_space<hbm>>) target(%dma_start3A_815 : memref<4x8x128xf32, #tpu.memory_space<vmem>>) target_semaphore(%arg13 : memref<!tpu.dma_semaphore, #tpu.memory_space<semaphore_mem>>)
      %dma_wait3A_819 = arith.constant 12 : i32
      %dma_wait3A_820 = arith.constant 0 : i32
      %dma_wait3A_821 = arith.constant 0 : i32
      %dma_wait3A_822 = tpu.memref_slice %arg9[%dma_wait3A_819, %dma_wait3A_820, %dma_wait3A_821] : memref<32x8x128xf32, #tpu.memory_space<vmem>> -> memref<4x8x128xf32, #tpu.memory_space<vmem>>
      %dma_wait3A_823 = arith.constant 0 : i32
      %dma_wait3A_824 = arith.constant 0 : i32
      %dma_wait3A_825 = tpu.memref_slice %arg3[%dma_wait3A_823, %dma_wait3A_824, %multiple_of3A_243] : memref<4x8x1000000xf32, #tpu.memory_space<hbm>> -> memref<4x8x128xf32, #tpu.memory_space<hbm>>
      %dma_wait3A_826 = arith.constant 12 : i32
      %dma_wait3A_827 = arith.constant 0 : i32
      %dma_wait3A_828 = arith.constant 0 : i32
      %dma_wait3A_829 = tpu.memref_slice %arg9[%dma_wait3A_826, %dma_wait3A_827, %dma_wait3A_828] : memref<32x8x128xf32, #tpu.memory_space<vmem>> -> memref<4x8x128xf32, #tpu.memory_space<vmem>>
      %dma_wait3A_830 = arith.constant 0 : i32
      %dma_wait3A_831 = arith.constant 0 : i32
      %dma_wait3A_832 = tpu.memref_slice %arg3[%dma_wait3A_830, %dma_wait3A_831, %multiple_of3A_243] : memref<4x8x1000000xf32, #tpu.memory_space<hbm>> -> memref<4x8x128xf32, #tpu.memory_space<hbm>>
      tpu.wait_dma2 semaphore(%arg13 : memref<!tpu.dma_semaphore, #tpu.memory_space<semaphore_mem>>) src(%dma_wait3A_832 : memref<4x8x128xf32, #tpu.memory_space<hbm>>) dst(%dma_wait3A_829 : memref<4x8x128xf32, #tpu.memory_space<vmem>>)
      %dma_wait3A_833 = arith.constant 12 : i32
      %dma_wait3A_834 = arith.constant 0 : i32
      %dma_wait3A_835 = arith.constant 0 : i32
      %dma_wait3A_836 = tpu.memref_slice %arg10[%dma_wait3A_833, %dma_wait3A_834, %dma_wait3A_835] : memref<32x8x128xf32, #tpu.memory_space<vmem>> -> memref<4x8x128xf32, #tpu.memory_space<vmem>>
      %dma_wait3A_837 = arith.constant 0 : i32
      %dma_wait3A_838 = arith.constant 0 : i32
      %dma_wait3A_839 = tpu.memref_slice %arg4[%dma_wait3A_837, %dma_wait3A_838, %multiple_of3A_250] : memref<4x8x1000000xf32, #tpu.memory_space<hbm>> -> memref<4x8x128xf32, #tpu.memory_space<hbm>>
      %dma_wait3A_840 = arith.constant 12 : i32
      %dma_wait3A_841 = arith.constant 0 : i32
      %dma_wait3A_842 = arith.constant 0 : i32
      %dma_wait3A_843 = tpu.memref_slice %arg10[%dma_wait3A_840, %dma_wait3A_841, %dma_wait3A_842] : memref<32x8x128xf32, #tpu.memory_space<vmem>> -> memref<4x8x128xf32, #tpu.memory_space<vmem>>
      %dma_wait3A_844 = arith.constant 0 : i32
      %dma_wait3A_845 = arith.constant 0 : i32
      %dma_wait3A_846 = tpu.memref_slice %arg4[%dma_wait3A_844, %dma_wait3A_845, %multiple_of3A_250] : memref<4x8x1000000xf32, #tpu.memory_space<hbm>> -> memref<4x8x128xf32, #tpu.memory_space<hbm>>
      tpu.wait_dma2 semaphore(%arg13 : memref<!tpu.dma_semaphore, #tpu.memory_space<semaphore_mem>>) src(%dma_wait3A_846 : memref<4x8x128xf32, #tpu.memory_space<hbm>>) dst(%dma_wait3A_843 : memref<4x8x128xf32, #tpu.memory_space<vmem>>)
      %dma_wait3A_847 = arith.constant 12 : i32
      %dma_wait3A_848 = arith.constant 0 : i32
      %dma_wait3A_849 = arith.constant 0 : i32
      %dma_wait3A_850 = tpu.memref_slice %arg11[%dma_wait3A_847, %dma_wait3A_848, %dma_wait3A_849] : memref<32x8x128xf32, #tpu.memory_space<vmem>> -> memref<4x8x128xf32, #tpu.memory_space<vmem>>
      %dma_wait3A_851 = arith.constant 0 : i32
      %dma_wait3A_852 = arith.constant 0 : i32
      %dma_wait3A_853 = tpu.memref_slice %arg3[%dma_wait3A_851, %dma_wait3A_852, %multiple_of3A_257] : memref<4x8x1000000xf32, #tpu.memory_space<hbm>> -> memref<4x8x128xf32, #tpu.memory_space<hbm>>
      %dma_wait3A_854 = arith.constant 12 : i32
      %dma_wait3A_855 = arith.constant 0 : i32
      %dma_wait3A_856 = arith.constant 0 : i32
      %dma_wait3A_857 = tpu.memref_slice %arg11[%dma_wait3A_854, %dma_wait3A_855, %dma_wait3A_856] : memref<32x8x128xf32, #tpu.memory_space<vmem>> -> memref<4x8x128xf32, #tpu.memory_space<vmem>>
      %dma_wait3A_858 = arith.constant 0 : i32
      %dma_wait3A_859 = arith.constant 0 : i32
      %dma_wait3A_860 = tpu.memref_slice %arg3[%dma_wait3A_858, %dma_wait3A_859, %multiple_of3A_257] : memref<4x8x1000000xf32, #tpu.memory_space<hbm>> -> memref<4x8x128xf32, #tpu.memory_space<hbm>>
      tpu.wait_dma2 semaphore(%arg13 : memref<!tpu.dma_semaphore, #tpu.memory_space<semaphore_mem>>) src(%dma_wait3A_860 : memref<4x8x128xf32, #tpu.memory_space<hbm>>) dst(%dma_wait3A_857 : memref<4x8x128xf32, #tpu.memory_space<vmem>>)
      %add3A_861 = arith.constant 3 : i32
      %add3A_862 = arith.addi %mul3A_47, %add3A_861 : i32
      %broadcast_in_dim3A_863 = arith.constant 12 : i32
      %broadcast_in_dim3A_864 = vector.broadcast %broadcast_in_dim3A_863 : i32 to vector<16xi32>
      %shift_right_arithmetic3A_865 = arith.constant 3 : i32
      %shift_right_arithmetic3A_866 = vector.broadcast %shift_right_arithmetic3A_865 : i32 to vector<16xi32>
      %shift_right_arithmetic3A_867 = arith.shrsi %iota3A, %shift_right_arithmetic3A_866 : vector<16xi32>
      %add3A_868 = arith.addi %broadcast_in_dim3A_864, %shift_right_arithmetic3A_867 : vector<16xi32>
      %add3A_869 = arith.constant 2 : i32
      %add3A_870 = vector.broadcast %add3A_869 : i32 to vector<16xi32>
      %add3A_871 = arith.addi %add3A_868, %add3A_870 : vector<16xi32>
      %and3A_872 = arith.constant 7 : i32
      %and3A_873 = vector.broadcast %and3A_872 : i32 to vector<16xi32>
      %and3A_874 = arith.andi %iota3A, %and3A_873 : vector<16xi32>
      %slice3A_875 = vector.extract_strided_slice %get3A_48 {offsets = [3], sizes = [1], strides = [1]} : vector<16xi32> to vector<1xi32>
      %squeeze3A_876 = vector.extract %slice3A_875[0] : i32 from vector<1xi32>
      %and3A_877 = arith.constant 127 : i32
      %and3A_878 = arith.andi %squeeze3A_876, %and3A_877 : i32
      %broadcast_in_dim3A_879 = vector.broadcast %and3A_878 : i32 to vector<16xi32>
      %slice3A_880 = vector.extract_strided_slice %get3A_50 {offsets = [3], sizes = [1], strides = [1]} : vector<16xi32> to vector<1xi32>
      %squeeze3A_881 = vector.extract %slice3A_880[0] : i32 from vector<1xi32>
      %and3A_882 = arith.constant 127 : i32
      %and3A_883 = arith.andi %squeeze3A_881, %and3A_882 : i32
      %broadcast_in_dim3A_884 = vector.broadcast %and3A_883 : i32 to vector<16xi32>
      %slice3A_885 = vector.extract_strided_slice %get3A_52 {offsets = [3], sizes = [1], strides = [1]} : vector<16xi32> to vector<1xi32>
      %squeeze3A_886 = vector.extract %slice3A_885[0] : i32 from vector<1xi32>
      %and3A_887 = arith.constant 127 : i32
      %and3A_888 = arith.andi %squeeze3A_886, %and3A_887 : i32
      %broadcast_in_dim3A_889 = vector.broadcast %and3A_888 : i32 to vector<16xi32>
      %gather3A_890 = tpu.vector_load_idx %arg9[%add3A_868, %and3A_874, %broadcast_in_dim3A_879] : memref<32x8x128xf32, #tpu.memory_space<vmem>>[vector<16xi32>, vector<16xi32>, vector<16xi32>], vector<16xf32>,
      %gather3A_891 = tpu.vector_load_idx %arg10[%add3A_868, %and3A_874, %broadcast_in_dim3A_884] : memref<32x8x128xf32, #tpu.memory_space<vmem>>[vector<16xi32>, vector<16xi32>, vector<16xi32>], vector<16xf32>,
      %mul3A_892 = arith.mulf %gather3A_890, %gather3A_891 : vector<16xf32>
      %gather3A_893 = tpu.vector_load_idx %arg11[%add3A_868, %and3A_874, %broadcast_in_dim3A_889] : memref<32x8x128xf32, #tpu.memory_space<vmem>>[vector<16xi32>, vector<16xi32>, vector<16xi32>], vector<16xf32>,
      %mul3A_894 = arith.mulf %mul3A_892, %gather3A_893 : vector<16xf32>
      %gather3A_895 = tpu.vector_load_idx %arg9[%add3A_871, %and3A_874, %broadcast_in_dim3A_879] : memref<32x8x128xf32, #tpu.memory_space<vmem>>[vector<16xi32>, vector<16xi32>, vector<16xi32>], vector<16xf32>,
      %gather3A_896 = tpu.vector_load_idx %arg10[%add3A_871, %and3A_874, %broadcast_in_dim3A_884] : memref<32x8x128xf32, #tpu.memory_space<vmem>>[vector<16xi32>, vector<16xi32>, vector<16xi32>], vector<16xf32>,
      %mul3A_897 = arith.mulf %gather3A_895, %gather3A_896 : vector<16xf32>
      %gather3A_898 = tpu.vector_load_idx %arg11[%add3A_871, %and3A_874, %broadcast_in_dim3A_889] : memref<32x8x128xf32, #tpu.memory_space<vmem>>[vector<16xi32>, vector<16xi32>, vector<16xi32>], vector<16xf32>,
      %mul3A_899 = arith.mulf %mul3A_897, %gather3A_898 : vector<16xf32>
      %add3A_900 = arith.addf %mul3A_894, %mul3A_899 : vector<16xf32>
      %reduce_sum3A_901 = arith.constant true
      %reduce_sum3A_902 = vector.broadcast %reduce_sum3A_901 : i1 to vector<16xi1>
      %reduce_sum3A_903 = tpu.scan <sum>, %add3A_900 masked %reduce_sum3A_902 : vector<16xf32>, vector<16xi1> -> vector<16xf32>
      %reduce_sum3A_904 = vector.extract %reduce_sum3A_903[15] : f32 from vector<16xf32>
      %broadcast_in_dim3A_905 = vector.broadcast %add3A_862 : i32 to vector<16xi32>
      %broadcast_in_dim3A_906 = vector.broadcast %reduce_sum3A_904 : f32 to vector<16xf32>
      %eq3A_907 = arith.constant 0 : i32
      %eq3A_908 = vector.broadcast %eq3A_907 : i32 to vector<16xi32>
      %eq3A_909 = arith.cmpi eq, %iota3A, %eq3A_908 : vector<16xi32>
      tpu.vector_store_idx %arg12[%broadcast_in_dim3A_905], %broadcast_in_dim3A_906 masked %eq3A_909 : memref<512xf32, #tpu.memory_space<vmem>>[vector<16xi32>], vector<16xf32>, vector<16xi1>
      %slice3A_910 = vector.extract_strided_slice %get3A_48 {offsets = [8], sizes = [1], strides = [1]} : vector<16xi32> to vector<1xi32>
      %squeeze3A_911 = vector.extract %slice3A_910[0] : i32 from vector<1xi32>
      %shift_right_arithmetic3A_912 = arith.constant 7 : i32
      %shift_right_arithmetic3A_913 = arith.shrsi %squeeze3A_911, %shift_right_arithmetic3A_912 : i32
      %mul3A_914 = arith.constant 128 : i32
      %mul3A_915 = arith.muli %shift_right_arithmetic3A_913, %mul3A_914 : i32
      %multiple_of3A_916 = tpu.assume_multiple %mul3A_915, 128 : i32
      %slice3A_917 = vector.extract_strided_slice %get3A_50 {offsets = [8], sizes = [1], strides = [1]} : vector<16xi32> to vector<1xi32>
      %squeeze3A_918 = vector.extract %slice3A_917[0] : i32 from vector<1xi32>
      %shift_right_arithmetic3A_919 = arith.constant 7 : i32
      %shift_right_arithmetic3A_920 = arith.shrsi %squeeze3A_918, %shift_right_arithmetic3A_919 : i32
      %mul3A_921 = arith.constant 128 : i32
      %mul3A_922 = arith.muli %shift_right_arithmetic3A_920, %mul3A_921 : i32
      %multiple_of3A_923 = tpu.assume_multiple %mul3A_922, 128 : i32
      %slice3A_924 = vector.extract_strided_slice %get3A_52 {offsets = [8], sizes = [1], strides = [1]} : vector<16xi32> to vector<1xi32>
      %squeeze3A_925 = vector.extract %slice3A_924[0] : i32 from vector<1xi32>
      %shift_right_arithmetic3A_926 = arith.constant 7 : i32
      %shift_right_arithmetic3A_927 = arith.shrsi %squeeze3A_925, %shift_right_arithmetic3A_926 : i32
      %mul3A_928 = arith.constant 128 : i32
      %mul3A_929 = arith.muli %shift_right_arithmetic3A_927, %mul3A_928 : i32
      %multiple_of3A_930 = tpu.assume_multiple %mul3A_929, 128 : i32
      %dma_start3A_931 = arith.constant 0 : i32
      %dma_start3A_932 = arith.constant 0 : i32
      %dma_start3A_933 = arith.constant 0 : i32
      %dma_start3A_934 = tpu.memref_slice %arg9[%dma_start3A_931, %dma_start3A_932, %dma_start3A_933] : memref<32x8x128xf32, #tpu.memory_space<vmem>> -> memref<4x8x128xf32, #tpu.memory_space<vmem>>
      %dma_start3A_935 = arith.constant 0 : i32
      %dma_start3A_936 = arith.constant 0 : i32
      %dma_start3A_937 = tpu.memref_slice %arg3[%dma_start3A_935, %dma_start3A_936, %multiple_of3A_916] : memref<4x8x1000000xf32, #tpu.memory_space<hbm>> -> memref<4x8x128xf32, #tpu.memory_space<hbm>>
      %dma_start3A_938 = arith.constant 0 : i32
      %dma_start3A_939 = arith.constant 0 : i32
      %dma_start3A_940 = arith.constant 0 : i32
      %dma_start3A_941 = tpu.memref_slice %arg9[%dma_start3A_938, %dma_start3A_939, %dma_start3A_940] : memref<32x8x128xf32, #tpu.memory_space<vmem>> -> memref<4x8x128xf32, #tpu.memory_space<vmem>>
      %dma_start3A_942 = arith.constant 0 : i32
      %dma_start3A_943 = arith.constant 0 : i32
      %dma_start3A_944 = tpu.memref_slice %arg3[%dma_start3A_942, %dma_start3A_943, %multiple_of3A_916] : memref<4x8x1000000xf32, #tpu.memory_space<hbm>> -> memref<4x8x128xf32, #tpu.memory_space<hbm>>
      tpu.enqueue_dma source(%dma_start3A_944 : memref<4x8x128xf32, #tpu.memory_space<hbm>>) target(%dma_start3A_941 : memref<4x8x128xf32, #tpu.memory_space<vmem>>) target_semaphore(%arg13 : memref<!tpu.dma_semaphore, #tpu.memory_space<semaphore_mem>>)
      %dma_start3A_945 = arith.constant 0 : i32
      %dma_start3A_946 = arith.constant 0 : i32
      %dma_start3A_947 = arith.constant 0 : i32
      %dma_start3A_948 = tpu.memref_slice %arg10[%dma_start3A_945, %dma_start3A_946, %dma_start3A_947] : memref<32x8x128xf32, #tpu.memory_space<vmem>> -> memref<4x8x128xf32, #tpu.memory_space<vmem>>
      %dma_start3A_949 = arith.constant 0 : i32
      %dma_start3A_950 = arith.constant 0 : i32
      %dma_start3A_951 = tpu.memref_slice %arg4[%dma_start3A_949, %dma_start3A_950, %multiple_of3A_923] : memref<4x8x1000000xf32, #tpu.memory_space<hbm>> -> memref<4x8x128xf32, #tpu.memory_space<hbm>>
      %dma_start3A_952 = arith.constant 0 : i32
      %dma_start3A_953 = arith.constant 0 : i32
      %dma_start3A_954 = arith.constant 0 : i32
      %dma_start3A_955 = tpu.memref_slice %arg10[%dma_start3A_952, %dma_start3A_953, %dma_start3A_954] : memref<32x8x128xf32, #tpu.memory_space<vmem>> -> memref<4x8x128xf32, #tpu.memory_space<vmem>>
      %dma_start3A_956 = arith.constant 0 : i32
      %dma_start3A_957 = arith.constant 0 : i32
      %dma_start3A_958 = tpu.memref_slice %arg4[%dma_start3A_956, %dma_start3A_957, %multiple_of3A_923] : memref<4x8x1000000xf32, #tpu.memory_space<hbm>> -> memref<4x8x128xf32, #tpu.memory_space<hbm>>
      tpu.enqueue_dma source(%dma_start3A_958 : memref<4x8x128xf32, #tpu.memory_space<hbm>>) target(%dma_start3A_955 : memref<4x8x128xf32, #tpu.memory_space<vmem>>) target_semaphore(%arg13 : memref<!tpu.dma_semaphore, #tpu.memory_space<semaphore_mem>>)
      %dma_start3A_959 = arith.constant 0 : i32
      %dma_start3A_960 = arith.constant 0 : i32
      %dma_start3A_961 = arith.constant 0 : i32
      %dma_start3A_962 = tpu.memref_slice %arg11[%dma_start3A_959, %dma_start3A_960, %dma_start3A_961] : memref<32x8x128xf32, #tpu.memory_space<vmem>> -> memref<4x8x128xf32, #tpu.memory_space<vmem>>
      %dma_start3A_963 = arith.constant 0 : i32
      %dma_start3A_964 = arith.constant 0 : i32
      %dma_start3A_965 = tpu.memref_slice %arg3[%dma_start3A_963, %dma_start3A_964, %multiple_of3A_930] : memref<4x8x1000000xf32, #tpu.memory_space<hbm>> -> memref<4x8x128xf32, #tpu.memory_space<hbm>>
      %dma_start3A_966 = arith.constant 0 : i32
      %dma_start3A_967 = arith.constant 0 : i32
      %dma_start3A_968 = arith.constant 0 : i32
      %dma_start3A_969 = tpu.memref_slice %arg11[%dma_start3A_966, %dma_start3A_967, %dma_start3A_968] : memref<32x8x128xf32, #tpu.memory_space<vmem>> -> memref<4x8x128xf32, #tpu.memory_space<vmem>>
      %dma_start3A_970 = arith.constant 0 : i32
      %dma_start3A_971 = arith.constant 0 : i32
      %dma_start3A_972 = tpu.memref_slice %arg3[%dma_start3A_970, %dma_start3A_971, %multiple_of3A_930] : memref<4x8x1000000xf32, #tpu.memory_space<hbm>> -> memref<4x8x128xf32, #tpu.memory_space<hbm>>
      tpu.enqueue_dma source(%dma_start3A_972 : memref<4x8x128xf32, #tpu.memory_space<hbm>>) target(%dma_start3A_969 : memref<4x8x128xf32, #tpu.memory_space<vmem>>) target_semaphore(%arg13 : memref<!tpu.dma_semaphore, #tpu.memory_space<semaphore_mem>>)
      %dma_wait3A_973 = arith.constant 16 : i32
      %dma_wait3A_974 = arith.constant 0 : i32
      %dma_wait3A_975 = arith.constant 0 : i32
      %dma_wait3A_976 = tpu.memref_slice %arg9[%dma_wait3A_973, %dma_wait3A_974, %dma_wait3A_975] : memref<32x8x128xf32, #tpu.memory_space<vmem>> -> memref<4x8x128xf32, #tpu.memory_space<vmem>>
      %dma_wait3A_977 = arith.constant 0 : i32
      %dma_wait3A_978 = arith.constant 0 : i32
      %dma_wait3A_979 = tpu.memref_slice %arg3[%dma_wait3A_977, %dma_wait3A_978, %multiple_of3A_306] : memref<4x8x1000000xf32, #tpu.memory_space<hbm>> -> memref<4x8x128xf32, #tpu.memory_space<hbm>>
      %dma_wait3A_980 = arith.constant 16 : i32
      %dma_wait3A_981 = arith.constant 0 : i32
      %dma_wait3A_982 = arith.constant 0 : i32
      %dma_wait3A_983 = tpu.memref_slice %arg9[%dma_wait3A_980, %dma_wait3A_981, %dma_wait3A_982] : memref<32x8x128xf32, #tpu.memory_space<vmem>> -> memref<4x8x128xf32, #tpu.memory_space<vmem>>
      %dma_wait3A_984 = arith.constant 0 : i32
      %dma_wait3A_985 = arith.constant 0 : i32
      %dma_wait3A_986 = tpu.memref_slice %arg3[%dma_wait3A_984, %dma_wait3A_985, %multiple_of3A_306] : memref<4x8x1000000xf32, #tpu.memory_space<hbm>> -> memref<4x8x128xf32, #tpu.memory_space<hbm>>
      tpu.wait_dma2 semaphore(%arg13 : memref<!tpu.dma_semaphore, #tpu.memory_space<semaphore_mem>>) src(%dma_wait3A_986 : memref<4x8x128xf32, #tpu.memory_space<hbm>>) dst(%dma_wait3A_983 : memref<4x8x128xf32, #tpu.memory_space<vmem>>)
      %dma_wait3A_987 = arith.constant 16 : i32
      %dma_wait3A_988 = arith.constant 0 : i32
      %dma_wait3A_989 = arith.constant 0 : i32
      %dma_wait3A_990 = tpu.memref_slice %arg10[%dma_wait3A_987, %dma_wait3A_988, %dma_wait3A_989] : memref<32x8x128xf32, #tpu.memory_space<vmem>> -> memref<4x8x128xf32, #tpu.memory_space<vmem>>
      %dma_wait3A_991 = arith.constant 0 : i32
      %dma_wait3A_992 = arith.constant 0 : i32
      %dma_wait3A_993 = tpu.memref_slice %arg4[%dma_wait3A_991, %dma_wait3A_992, %multiple_of3A_313] : memref<4x8x1000000xf32, #tpu.memory_space<hbm>> -> memref<4x8x128xf32, #tpu.memory_space<hbm>>
      %dma_wait3A_994 = arith.constant 16 : i32
      %dma_wait3A_995 = arith.constant 0 : i32
      %dma_wait3A_996 = arith.constant 0 : i32
      %dma_wait3A_997 = tpu.memref_slice %arg10[%dma_wait3A_994, %dma_wait3A_995, %dma_wait3A_996] : memref<32x8x128xf32, #tpu.memory_space<vmem>> -> memref<4x8x128xf32, #tpu.memory_space<vmem>>
      %dma_wait3A_998 = arith.constant 0 : i32
      %dma_wait3A_999 = arith.constant 0 : i32
      %dma_wait3A_1000 = tpu.memref_slice %arg4[%dma_wait3A_998, %dma_wait3A_999, %multiple_of3A_313] : memref<4x8x1000000xf32, #tpu.memory_space<hbm>> -> memref<4x8x128xf32, #tpu.memory_space<hbm>>
      tpu.wait_dma2 semaphore(%arg13 : memref<!tpu.dma_semaphore, #tpu.memory_space<semaphore_mem>>) src(%dma_wait3A_1000 : memref<4x8x128xf32, #tpu.memory_space<hbm>>) dst(%dma_wait3A_997 : memref<4x8x128xf32, #tpu.memory_space<vmem>>)
      %dma_wait3A_1001 = arith.constant 16 : i32
      %dma_wait3A_1002 = arith.constant 0 : i32
      %dma_wait3A_1003 = arith.constant 0 : i32
      %dma_wait3A_1004 = tpu.memref_slice %arg11[%dma_wait3A_1001, %dma_wait3A_1002, %dma_wait3A_1003] : memref<32x8x128xf32, #tpu.memory_space<vmem>> -> memref<4x8x128xf32, #tpu.memory_space<vmem>>
      %dma_wait3A_1005 = arith.constant 0 : i32
      %dma_wait3A_1006 = arith.constant 0 : i32
      %dma_wait3A_1007 = tpu.memref_slice %arg3[%dma_wait3A_1005, %dma_wait3A_1006, %multiple_of3A_320] : memref<4x8x1000000xf32, #tpu.memory_space<hbm>> -> memref<4x8x128xf32, #tpu.memory_space<hbm>>
      %dma_wait3A_1008 = arith.constant 16 : i32
      %dma_wait3A_1009 = arith.constant 0 : i32
      %dma_wait3A_1010 = arith.constant 0 : i32
      %dma_wait3A_1011 = tpu.memref_slice %arg11[%dma_wait3A_1008, %dma_wait3A_1009, %dma_wait3A_1010] : memref<32x8x128xf32, #tpu.memory_space<vmem>> -> memref<4x8x128xf32, #tpu.memory_space<vmem>>
      %dma_wait3A_1012 = arith.constant 0 : i32
      %dma_wait3A_1013 = arith.constant 0 : i32
      %dma_wait3A_1014 = tpu.memref_slice %arg3[%dma_wait3A_1012, %dma_wait3A_1013, %multiple_of3A_320] : memref<4x8x1000000xf32, #tpu.memory_space<hbm>> -> memref<4x8x128xf32, #tpu.memory_space<hbm>>
      tpu.wait_dma2 semaphore(%arg13 : memref<!tpu.dma_semaphore, #tpu.memory_space<semaphore_mem>>) src(%dma_wait3A_1014 : memref<4x8x128xf32, #tpu.memory_space<hbm>>) dst(%dma_wait3A_1011 : memref<4x8x128xf32, #tpu.memory_space<vmem>>)
      %add3A_1015 = arith.constant 4 : i32
      %add3A_1016 = arith.addi %mul3A_47, %add3A_1015 : i32
      %broadcast_in_dim3A_1017 = arith.constant 16 : i32
      %broadcast_in_dim3A_1018 = vector.broadcast %broadcast_in_dim3A_1017 : i32 to vector<16xi32>
      %shift_right_arithmetic3A_1019 = arith.constant 3 : i32
      %shift_right_arithmetic3A_1020 = vector.broadcast %shift_right_arithmetic3A_1019 : i32 to vector<16xi32>
      %shift_right_arithmetic3A_1021 = arith.shrsi %iota3A, %shift_right_arithmetic3A_1020 : vector<16xi32>
      %add3A_1022 = arith.addi %broadcast_in_dim3A_1018, %shift_right_arithmetic3A_1021 : vector<16xi32>
      %add3A_1023 = arith.constant 2 : i32
      %add3A_1024 = vector.broadcast %add3A_1023 : i32 to vector<16xi32>
      %add3A_1025 = arith.addi %add3A_1022, %add3A_1024 : vector<16xi32>
      %and3A_1026 = arith.constant 7 : i32
      %and3A_1027 = vector.broadcast %and3A_1026 : i32 to vector<16xi32>
      %and3A_1028 = arith.andi %iota3A, %and3A_1027 : vector<16xi32>
      %slice3A_1029 = vector.extract_strided_slice %get3A_48 {offsets = [4], sizes = [1], strides = [1]} : vector<16xi32> to vector<1xi32>
      %squeeze3A_1030 = vector.extract %slice3A_1029[0] : i32 from vector<1xi32>
      %and3A_1031 = arith.constant 127 : i32
      %and3A_1032 = arith.andi %squeeze3A_1030, %and3A_1031 : i32
      %broadcast_in_dim3A_1033 = vector.broadcast %and3A_1032 : i32 to vector<16xi32>
      %slice3A_1034 = vector.extract_strided_slice %get3A_50 {offsets = [4], sizes = [1], strides = [1]} : vector<16xi32> to vector<1xi32>
      %squeeze3A_1035 = vector.extract %slice3A_1034[0] : i32 from vector<1xi32>
      %and3A_1036 = arith.constant 127 : i32
      %and3A_1037 = arith.andi %squeeze3A_1035, %and3A_1036 : i32
      %broadcast_in_dim3A_1038 = vector.broadcast %and3A_1037 : i32 to vector<16xi32>
      %slice3A_1039 = vector.extract_strided_slice %get3A_52 {offsets = [4], sizes = [1], strides = [1]} : vector<16xi32> to vector<1xi32>
      %squeeze3A_1040 = vector.extract %slice3A_1039[0] : i32 from vector<1xi32>
      %and3A_1041 = arith.constant 127 : i32
      %and3A_1042 = arith.andi %squeeze3A_1040, %and3A_1041 : i32
      %broadcast_in_dim3A_1043 = vector.broadcast %and3A_1042 : i32 to vector<16xi32>
      %gather3A_1044 = tpu.vector_load_idx %arg9[%add3A_1022, %and3A_1028, %broadcast_in_dim3A_1033] : memref<32x8x128xf32, #tpu.memory_space<vmem>>[vector<16xi32>, vector<16xi32>, vector<16xi32>], vector<16xf32>,
      %gather3A_1045 = tpu.vector_load_idx %arg10[%add3A_1022, %and3A_1028, %broadcast_in_dim3A_1038] : memref<32x8x128xf32, #tpu.memory_space<vmem>>[vector<16xi32>, vector<16xi32>, vector<16xi32>], vector<16xf32>,
      %mul3A_1046 = arith.mulf %gather3A_1044, %gather3A_1045 : vector<16xf32>
      %gather3A_1047 = tpu.vector_load_idx %arg11[%add3A_1022, %and3A_1028, %broadcast_in_dim3A_1043] : memref<32x8x128xf32, #tpu.memory_space<vmem>>[vector<16xi32>, vector<16xi32>, vector<16xi32>], vector<16xf32>,
      %mul3A_1048 = arith.mulf %mul3A_1046, %gather3A_1047 : vector<16xf32>
      %gather3A_1049 = tpu.vector_load_idx %arg9[%add3A_1025, %and3A_1028, %broadcast_in_dim3A_1033] : memref<32x8x128xf32, #tpu.memory_space<vmem>>[vector<16xi32>, vector<16xi32>, vector<16xi32>], vector<16xf32>,
      %gather3A_1050 = tpu.vector_load_idx %arg10[%add3A_1025, %and3A_1028, %broadcast_in_dim3A_1038] : memref<32x8x128xf32, #tpu.memory_space<vmem>>[vector<16xi32>, vector<16xi32>, vector<16xi32>], vector<16xf32>,
      %mul3A_1051 = arith.mulf %gather3A_1049, %gather3A_1050 : vector<16xf32>
      %gather3A_1052 = tpu.vector_load_idx %arg11[%add3A_1025, %and3A_1028, %broadcast_in_dim3A_1043] : memref<32x8x128xf32, #tpu.memory_space<vmem>>[vector<16xi32>, vector<16xi32>, vector<16xi32>], vector<16xf32>,
      %mul3A_1053 = arith.mulf %mul3A_1051, %gather3A_1052 : vector<16xf32>
      %add3A_1054 = arith.addf %mul3A_1048, %mul3A_1053 : vector<16xf32>
      %reduce_sum3A_1055 = arith.constant true
      %reduce_sum3A_1056 = vector.broadcast %reduce_sum3A_1055 : i1 to vector<16xi1>
      %reduce_sum3A_1057 = tpu.scan <sum>, %add3A_1054 masked %reduce_sum3A_1056 : vector<16xf32>, vector<16xi1> -> vector<16xf32>
      %reduce_sum3A_1058 = vector.extract %reduce_sum3A_1057[15] : f32 from vector<16xf32>
      %broadcast_in_dim3A_1059 = vector.broadcast %add3A_1016 : i32 to vector<16xi32>
      %broadcast_in_dim3A_1060 = vector.broadcast %reduce_sum3A_1058 : f32 to vector<16xf32>
      %eq3A_1061 = arith.constant 0 : i32
      %eq3A_1062 = vector.broadcast %eq3A_1061 : i32 to vector<16xi32>
      %eq3A_1063 = arith.cmpi eq, %iota3A, %eq3A_1062 : vector<16xi32>
      tpu.vector_store_idx %arg12[%broadcast_in_dim3A_1059], %broadcast_in_dim3A_1060 masked %eq3A_1063 : memref<512xf32, #tpu.memory_space<vmem>>[vector<16xi32>], vector<16xf32>, vector<16xi1>
      %slice3A_1064 = vector.extract_strided_slice %get3A_48 {offsets = [9], sizes = [1], strides = [1]} : vector<16xi32> to vector<1xi32>
      %squeeze3A_1065 = vector.extract %slice3A_1064[0] : i32 from vector<1xi32>
      %shift_right_arithmetic3A_1066 = arith.constant 7 : i32
      %shift_right_arithmetic3A_1067 = arith.shrsi %squeeze3A_1065, %shift_right_arithmetic3A_1066 : i32
      %mul3A_1068 = arith.constant 128 : i32
      %mul3A_1069 = arith.muli %shift_right_arithmetic3A_1067, %mul3A_1068 : i32
      %multiple_of3A_1070 = tpu.assume_multiple %mul3A_1069, 128 : i32
      %slice3A_1071 = vector.extract_strided_slice %get3A_50 {offsets = [9], sizes = [1], strides = [1]} : vector<16xi32> to vector<1xi32>
      %squeeze3A_1072 = vector.extract %slice3A_1071[0] : i32 from vector<1xi32>
      %shift_right_arithmetic3A_1073 = arith.constant 7 : i32
      %shift_right_arithmetic3A_1074 = arith.shrsi %squeeze3A_1072, %shift_right_arithmetic3A_1073 : i32
      %mul3A_1075 = arith.constant 128 : i32
      %mul3A_1076 = arith.muli %shift_right_arithmetic3A_1074, %mul3A_1075 : i32
      %multiple_of3A_1077 = tpu.assume_multiple %mul3A_1076, 128 : i32
      %slice3A_1078 = vector.extract_strided_slice %get3A_52 {offsets = [9], sizes = [1], strides = [1]} : vector<16xi32> to vector<1xi32>
      %squeeze3A_1079 = vector.extract %slice3A_1078[0] : i32 from vector<1xi32>
      %shift_right_arithmetic3A_1080 = arith.constant 7 : i32
      %shift_right_arithmetic3A_1081 = arith.shrsi %squeeze3A_1079, %shift_right_arithmetic3A_1080 : i32
      %mul3A_1082 = arith.constant 128 : i32
      %mul3A_1083 = arith.muli %shift_right_arithmetic3A_1081, %mul3A_1082 : i32
      %multiple_of3A_1084 = tpu.assume_multiple %mul3A_1083, 128 : i32
      %dma_start3A_1085 = arith.constant 4 : i32
      %dma_start3A_1086 = arith.constant 0 : i32
      %dma_start3A_1087 = arith.constant 0 : i32
      %dma_start3A_1088 = tpu.memref_slice %arg9[%dma_start3A_1085, %dma_start3A_1086, %dma_start3A_1087] : memref<32x8x128xf32, #tpu.memory_space<vmem>> -> memref<4x8x128xf32, #tpu.memory_space<vmem>>
      %dma_start3A_1089 = arith.constant 0 : i32
      %dma_start3A_1090 = arith.constant 0 : i32
      %dma_start3A_1091 = tpu.memref_slice %arg3[%dma_start3A_1089, %dma_start3A_1090, %multiple_of3A_1070] : memref<4x8x1000000xf32, #tpu.memory_space<hbm>> -> memref<4x8x128xf32, #tpu.memory_space<hbm>>
      %dma_start3A_1092 = arith.constant 4 : i32
      %dma_start3A_1093 = arith.constant 0 : i32
      %dma_start3A_1094 = arith.constant 0 : i32
      %dma_start3A_1095 = tpu.memref_slice %arg9[%dma_start3A_1092, %dma_start3A_1093, %dma_start3A_1094] : memref<32x8x128xf32, #tpu.memory_space<vmem>> -> memref<4x8x128xf32, #tpu.memory_space<vmem>>
      %dma_start3A_1096 = arith.constant 0 : i32
      %dma_start3A_1097 = arith.constant 0 : i32
      %dma_start3A_1098 = tpu.memref_slice %arg3[%dma_start3A_1096, %dma_start3A_1097, %multiple_of3A_1070] : memref<4x8x1000000xf32, #tpu.memory_space<hbm>> -> memref<4x8x128xf32, #tpu.memory_space<hbm>>
      tpu.enqueue_dma source(%dma_start3A_1098 : memref<4x8x128xf32, #tpu.memory_space<hbm>>) target(%dma_start3A_1095 : memref<4x8x128xf32, #tpu.memory_space<vmem>>) target_semaphore(%arg13 : memref<!tpu.dma_semaphore, #tpu.memory_space<semaphore_mem>>)
      %dma_start3A_1099 = arith.constant 4 : i32
      %dma_start3A_1100 = arith.constant 0 : i32
      %dma_start3A_1101 = arith.constant 0 : i32
      %dma_start3A_1102 = tpu.memref_slice %arg10[%dma_start3A_1099, %dma_start3A_1100, %dma_start3A_1101] : memref<32x8x128xf32, #tpu.memory_space<vmem>> -> memref<4x8x128xf32, #tpu.memory_space<vmem>>
      %dma_start3A_1103 = arith.constant 0 : i32
      %dma_start3A_1104 = arith.constant 0 : i32
      %dma_start3A_1105 = tpu.memref_slice %arg4[%dma_start3A_1103, %dma_start3A_1104, %multiple_of3A_1077] : memref<4x8x1000000xf32, #tpu.memory_space<hbm>> -> memref<4x8x128xf32, #tpu.memory_space<hbm>>
      %dma_start3A_1106 = arith.constant 4 : i32
      %dma_start3A_1107 = arith.constant 0 : i32
      %dma_start3A_1108 = arith.constant 0 : i32
      %dma_start3A_1109 = tpu.memref_slice %arg10[%dma_start3A_1106, %dma_start3A_1107, %dma_start3A_1108] : memref<32x8x128xf32, #tpu.memory_space<vmem>> -> memref<4x8x128xf32, #tpu.memory_space<vmem>>
      %dma_start3A_1110 = arith.constant 0 : i32
      %dma_start3A_1111 = arith.constant 0 : i32
      %dma_start3A_1112 = tpu.memref_slice %arg4[%dma_start3A_1110, %dma_start3A_1111, %multiple_of3A_1077] : memref<4x8x1000000xf32, #tpu.memory_space<hbm>> -> memref<4x8x128xf32, #tpu.memory_space<hbm>>
      tpu.enqueue_dma source(%dma_start3A_1112 : memref<4x8x128xf32, #tpu.memory_space<hbm>>) target(%dma_start3A_1109 : memref<4x8x128xf32, #tpu.memory_space<vmem>>) target_semaphore(%arg13 : memref<!tpu.dma_semaphore, #tpu.memory_space<semaphore_mem>>)
      %dma_start3A_1113 = arith.constant 4 : i32
      %dma_start3A_1114 = arith.constant 0 : i32
      %dma_start3A_1115 = arith.constant 0 : i32
      %dma_start3A_1116 = tpu.memref_slice %arg11[%dma_start3A_1113, %dma_start3A_1114, %dma_start3A_1115] : memref<32x8x128xf32, #tpu.memory_space<vmem>> -> memref<4x8x128xf32, #tpu.memory_space<vmem>>
      %dma_start3A_1117 = arith.constant 0 : i32
      %dma_start3A_1118 = arith.constant 0 : i32
      %dma_start3A_1119 = tpu.memref_slice %arg3[%dma_start3A_1117, %dma_start3A_1118, %multiple_of3A_1084] : memref<4x8x1000000xf32, #tpu.memory_space<hbm>> -> memref<4x8x128xf32, #tpu.memory_space<hbm>>
      %dma_start3A_1120 = arith.constant 4 : i32
      %dma_start3A_1121 = arith.constant 0 : i32
      %dma_start3A_1122 = arith.constant 0 : i32
      %dma_start3A_1123 = tpu.memref_slice %arg11[%dma_start3A_1120, %dma_start3A_1121, %dma_start3A_1122] : memref<32x8x128xf32, #tpu.memory_space<vmem>> -> memref<4x8x128xf32, #tpu.memory_space<vmem>>
      %dma_start3A_1124 = arith.constant 0 : i32
      %dma_start3A_1125 = arith.constant 0 : i32
      %dma_start3A_1126 = tpu.memref_slice %arg3[%dma_start3A_1124, %dma_start3A_1125, %multiple_of3A_1084] : memref<4x8x1000000xf32, #tpu.memory_space<hbm>> -> memref<4x8x128xf32, #tpu.memory_space<hbm>>
      tpu.enqueue_dma source(%dma_start3A_1126 : memref<4x8x128xf32, #tpu.memory_space<hbm>>) target(%dma_start3A_1123 : memref<4x8x128xf32, #tpu.memory_space<vmem>>) target_semaphore(%arg13 : memref<!tpu.dma_semaphore, #tpu.memory_space<semaphore_mem>>)
      %dma_wait3A_1127 = arith.constant 20 : i32
      %dma_wait3A_1128 = arith.constant 0 : i32
      %dma_wait3A_1129 = arith.constant 0 : i32
      %dma_wait3A_1130 = tpu.memref_slice %arg9[%dma_wait3A_1127, %dma_wait3A_1128, %dma_wait3A_1129] : memref<32x8x128xf32, #tpu.memory_space<vmem>> -> memref<4x8x128xf32, #tpu.memory_space<vmem>>
      %dma_wait3A_1131 = arith.constant 0 : i32
      %dma_wait3A_1132 = arith.constant 0 : i32
      %dma_wait3A_1133 = tpu.memref_slice %arg3[%dma_wait3A_1131, %dma_wait3A_1132, %multiple_of3A_454] : memref<4x8x1000000xf32, #tpu.memory_space<hbm>> -> memref<4x8x128xf32, #tpu.memory_space<hbm>>
      %dma_wait3A_1134 = arith.constant 20 : i32
      %dma_wait3A_1135 = arith.constant 0 : i32
      %dma_wait3A_1136 = arith.constant 0 : i32
      %dma_wait3A_1137 = tpu.memref_slice %arg9[%dma_wait3A_1134, %dma_wait3A_1135, %dma_wait3A_1136] : memref<32x8x128xf32, #tpu.memory_space<vmem>> -> memref<4x8x128xf32, #tpu.memory_space<vmem>>
      %dma_wait3A_1138 = arith.constant 0 : i32
      %dma_wait3A_1139 = arith.constant 0 : i32
      %dma_wait3A_1140 = tpu.memref_slice %arg3[%dma_wait3A_1138, %dma_wait3A_1139, %multiple_of3A_454] : memref<4x8x1000000xf32, #tpu.memory_space<hbm>> -> memref<4x8x128xf32, #tpu.memory_space<hbm>>
      tpu.wait_dma2 semaphore(%arg13 : memref<!tpu.dma_semaphore, #tpu.memory_space<semaphore_mem>>) src(%dma_wait3A_1140 : memref<4x8x128xf32, #tpu.memory_space<hbm>>) dst(%dma_wait3A_1137 : memref<4x8x128xf32, #tpu.memory_space<vmem>>)
      %dma_wait3A_1141 = arith.constant 20 : i32
      %dma_wait3A_1142 = arith.constant 0 : i32
      %dma_wait3A_1143 = arith.constant 0 : i32
      %dma_wait3A_1144 = tpu.memref_slice %arg10[%dma_wait3A_1141, %dma_wait3A_1142, %dma_wait3A_1143] : memref<32x8x128xf32, #tpu.memory_space<vmem>> -> memref<4x8x128xf32, #tpu.memory_space<vmem>>
      %dma_wait3A_1145 = arith.constant 0 : i32
      %dma_wait3A_1146 = arith.constant 0 : i32
      %dma_wait3A_1147 = tpu.memref_slice %arg4[%dma_wait3A_1145, %dma_wait3A_1146, %multiple_of3A_461] : memref<4x8x1000000xf32, #tpu.memory_space<hbm>> -> memref<4x8x128xf32, #tpu.memory_space<hbm>>
      %dma_wait3A_1148 = arith.constant 20 : i32
      %dma_wait3A_1149 = arith.constant 0 : i32
      %dma_wait3A_1150 = arith.constant 0 : i32
      %dma_wait3A_1151 = tpu.memref_slice %arg10[%dma_wait3A_1148, %dma_wait3A_1149, %dma_wait3A_1150] : memref<32x8x128xf32, #tpu.memory_space<vmem>> -> memref<4x8x128xf32, #tpu.memory_space<vmem>>
      %dma_wait3A_1152 = arith.constant 0 : i32
      %dma_wait3A_1153 = arith.constant 0 : i32
      %dma_wait3A_1154 = tpu.memref_slice %arg4[%dma_wait3A_1152, %dma_wait3A_1153, %multiple_of3A_461] : memref<4x8x1000000xf32, #tpu.memory_space<hbm>> -> memref<4x8x128xf32, #tpu.memory_space<hbm>>
      tpu.wait_dma2 semaphore(%arg13 : memref<!tpu.dma_semaphore, #tpu.memory_space<semaphore_mem>>) src(%dma_wait3A_1154 : memref<4x8x128xf32, #tpu.memory_space<hbm>>) dst(%dma_wait3A_1151 : memref<4x8x128xf32, #tpu.memory_space<vmem>>)
      %dma_wait3A_1155 = arith.constant 20 : i32
      %dma_wait3A_1156 = arith.constant 0 : i32
      %dma_wait3A_1157 = arith.constant 0 : i32
      %dma_wait3A_1158 = tpu.memref_slice %arg11[%dma_wait3A_1155, %dma_wait3A_1156, %dma_wait3A_1157] : memref<32x8x128xf32, #tpu.memory_space<vmem>> -> memref<4x8x128xf32, #tpu.memory_space<vmem>>
      %dma_wait3A_1159 = arith.constant 0 : i32
      %dma_wait3A_1160 = arith.constant 0 : i32
      %dma_wait3A_1161 = tpu.memref_slice %arg3[%dma_wait3A_1159, %dma_wait3A_1160, %multiple_of3A_468] : memref<4x8x1000000xf32, #tpu.memory_space<hbm>> -> memref<4x8x128xf32, #tpu.memory_space<hbm>>
      %dma_wait3A_1162 = arith.constant 20 : i32
      %dma_wait3A_1163 = arith.constant 0 : i32
      %dma_wait3A_1164 = arith.constant 0 : i32
      %dma_wait3A_1165 = tpu.memref_slice %arg11[%dma_wait3A_1162, %dma_wait3A_1163, %dma_wait3A_1164] : memref<32x8x128xf32, #tpu.memory_space<vmem>> -> memref<4x8x128xf32, #tpu.memory_space<vmem>>
      %dma_wait3A_1166 = arith.constant 0 : i32
      %dma_wait3A_1167 = arith.constant 0 : i32
      %dma_wait3A_1168 = tpu.memref_slice %arg3[%dma_wait3A_1166, %dma_wait3A_1167, %multiple_of3A_468] : memref<4x8x1000000xf32, #tpu.memory_space<hbm>> -> memref<4x8x128xf32, #tpu.memory_space<hbm>>
      tpu.wait_dma2 semaphore(%arg13 : memref<!tpu.dma_semaphore, #tpu.memory_space<semaphore_mem>>) src(%dma_wait3A_1168 : memref<4x8x128xf32, #tpu.memory_space<hbm>>) dst(%dma_wait3A_1165 : memref<4x8x128xf32, #tpu.memory_space<vmem>>)
      %add3A_1169 = arith.constant 5 : i32
      %add3A_1170 = arith.addi %mul3A_47, %add3A_1169 : i32
      %broadcast_in_dim3A_1171 = arith.constant 20 : i32
      %broadcast_in_dim3A_1172 = vector.broadcast %broadcast_in_dim3A_1171 : i32 to vector<16xi32>
      %shift_right_arithmetic3A_1173 = arith.constant 3 : i32
      %shift_right_arithmetic3A_1174 = vector.broadcast %shift_right_arithmetic3A_1173 : i32 to vector<16xi32>
      %shift_right_arithmetic3A_1175 = arith.shrsi %iota3A, %shift_right_arithmetic3A_1174 : vector<16xi32>
      %add3A_1176 = arith.addi %broadcast_in_dim3A_1172, %shift_right_arithmetic3A_1175 : vector<16xi32>
      %add3A_1177 = arith.constant 2 : i32
      %add3A_1178 = vector.broadcast %add3A_1177 : i32 to vector<16xi32>
      %add3A_1179 = arith.addi %add3A_1176, %add3A_1178 : vector<16xi32>
      %and3A_1180 = arith.constant 7 : i32
      %and3A_1181 = vector.broadcast %and3A_1180 : i32 to vector<16xi32>
      %and3A_1182 = arith.andi %iota3A, %and3A_1181 : vector<16xi32>
      %slice3A_1183 = vector.extract_strided_slice %get3A_48 {offsets = [5], sizes = [1], strides = [1]} : vector<16xi32> to vector<1xi32>
      %squeeze3A_1184 = vector.extract %slice3A_1183[0] : i32 from vector<1xi32>
      %and3A_1185 = arith.constant 127 : i32
      %and3A_1186 = arith.andi %squeeze3A_1184, %and3A_1185 : i32
      %broadcast_in_dim3A_1187 = vector.broadcast %and3A_1186 : i32 to vector<16xi32>
      %slice3A_1188 = vector.extract_strided_slice %get3A_50 {offsets = [5], sizes = [1], strides = [1]} : vector<16xi32> to vector<1xi32>
      %squeeze3A_1189 = vector.extract %slice3A_1188[0] : i32 from vector<1xi32>
      %and3A_1190 = arith.constant 127 : i32
      %and3A_1191 = arith.andi %squeeze3A_1189, %and3A_1190 : i32
      %broadcast_in_dim3A_1192 = vector.broadcast %and3A_1191 : i32 to vector<16xi32>
      %slice3A_1193 = vector.extract_strided_slice %get3A_52 {offsets = [5], sizes = [1], strides = [1]} : vector<16xi32> to vector<1xi32>
      %squeeze3A_1194 = vector.extract %slice3A_1193[0] : i32 from vector<1xi32>
      %and3A_1195 = arith.constant 127 : i32
      %and3A_1196 = arith.andi %squeeze3A_1194, %and3A_1195 : i32
      %broadcast_in_dim3A_1197 = vector.broadcast %and3A_1196 : i32 to vector<16xi32>
      %gather3A_1198 = tpu.vector_load_idx %arg9[%add3A_1176, %and3A_1182, %broadcast_in_dim3A_1187] : memref<32x8x128xf32, #tpu.memory_space<vmem>>[vector<16xi32>, vector<16xi32>, vector<16xi32>], vector<16xf32>,
      %gather3A_1199 = tpu.vector_load_idx %arg10[%add3A_1176, %and3A_1182, %broadcast_in_dim3A_1192] : memref<32x8x128xf32, #tpu.memory_space<vmem>>[vector<16xi32>, vector<16xi32>, vector<16xi32>], vector<16xf32>,
      %mul3A_1200 = arith.mulf %gather3A_1198, %gather3A_1199 : vector<16xf32>
      %gather3A_1201 = tpu.vector_load_idx %arg11[%add3A_1176, %and3A_1182, %broadcast_in_dim3A_1197] : memref<32x8x128xf32, #tpu.memory_space<vmem>>[vector<16xi32>, vector<16xi32>, vector<16xi32>], vector<16xf32>,
      %mul3A_1202 = arith.mulf %mul3A_1200, %gather3A_1201 : vector<16xf32>
      %gather3A_1203 = tpu.vector_load_idx %arg9[%add3A_1179, %and3A_1182, %broadcast_in_dim3A_1187] : memref<32x8x128xf32, #tpu.memory_space<vmem>>[vector<16xi32>, vector<16xi32>, vector<16xi32>], vector<16xf32>,
      %gather3A_1204 = tpu.vector_load_idx %arg10[%add3A_1179, %and3A_1182, %broadcast_in_dim3A_1192] : memref<32x8x128xf32, #tpu.memory_space<vmem>>[vector<16xi32>, vector<16xi32>, vector<16xi32>], vector<16xf32>,
      %mul3A_1205 = arith.mulf %gather3A_1203, %gather3A_1204 : vector<16xf32>
      %gather3A_1206 = tpu.vector_load_idx %arg11[%add3A_1179, %and3A_1182, %broadcast_in_dim3A_1197] : memref<32x8x128xf32, #tpu.memory_space<vmem>>[vector<16xi32>, vector<16xi32>, vector<16xi32>], vector<16xf32>,
      %mul3A_1207 = arith.mulf %mul3A_1205, %gather3A_1206 : vector<16xf32>
      %add3A_1208 = arith.addf %mul3A_1202, %mul3A_1207 : vector<16xf32>
      %reduce_sum3A_1209 = arith.constant true
      %reduce_sum3A_1210 = vector.broadcast %reduce_sum3A_1209 : i1 to vector<16xi1>
      %reduce_sum3A_1211 = tpu.scan <sum>, %add3A_1208 masked %reduce_sum3A_1210 : vector<16xf32>, vector<16xi1> -> vector<16xf32>
      %reduce_sum3A_1212 = vector.extract %reduce_sum3A_1211[15] : f32 from vector<16xf32>
      %broadcast_in_dim3A_1213 = vector.broadcast %add3A_1170 : i32 to vector<16xi32>
      %broadcast_in_dim3A_1214 = vector.broadcast %reduce_sum3A_1212 : f32 to vector<16xf32>
      %eq3A_1215 = arith.constant 0 : i32
      %eq3A_1216 = vector.broadcast %eq3A_1215 : i32 to vector<16xi32>
      %eq3A_1217 = arith.cmpi eq, %iota3A, %eq3A_1216 : vector<16xi32>
      tpu.vector_store_idx %arg12[%broadcast_in_dim3A_1213], %broadcast_in_dim3A_1214 masked %eq3A_1217 : memref<512xf32, #tpu.memory_space<vmem>>[vector<16xi32>], vector<16xf32>, vector<16xi1>
      %slice3A_1218 = vector.extract_strided_slice %get3A_48 {offsets = [10], sizes = [1], strides = [1]} : vector<16xi32> to vector<1xi32>
      %squeeze3A_1219 = vector.extract %slice3A_1218[0] : i32 from vector<1xi32>
      %shift_right_arithmetic3A_1220 = arith.constant 7 : i32
      %shift_right_arithmetic3A_1221 = arith.shrsi %squeeze3A_1219, %shift_right_arithmetic3A_1220 : i32
      %mul3A_1222 = arith.constant 128 : i32
      %mul3A_1223 = arith.muli %shift_right_arithmetic3A_1221, %mul3A_1222 : i32
      %multiple_of3A_1224 = tpu.assume_multiple %mul3A_1223, 128 : i32
      %slice3A_1225 = vector.extract_strided_slice %get3A_50 {offsets = [10], sizes = [1], strides = [1]} : vector<16xi32> to vector<1xi32>
      %squeeze3A_1226 = vector.extract %slice3A_1225[0] : i32 from vector<1xi32>
      %shift_right_arithmetic3A_1227 = arith.constant 7 : i32
      %shift_right_arithmetic3A_1228 = arith.shrsi %squeeze3A_1226, %shift_right_arithmetic3A_1227 : i32
      %mul3A_1229 = arith.constant 128 : i32
      %mul3A_1230 = arith.muli %shift_right_arithmetic3A_1228, %mul3A_1229 : i32
      %multiple_of3A_1231 = tpu.assume_multiple %mul3A_1230, 128 : i32
      %slice3A_1232 = vector.extract_strided_slice %get3A_52 {offsets = [10], sizes = [1], strides = [1]} : vector<16xi32> to vector<1xi32>
      %squeeze3A_1233 = vector.extract %slice3A_1232[0] : i32 from vector<1xi32>
      %shift_right_arithmetic3A_1234 = arith.constant 7 : i32
      %shift_right_arithmetic3A_1235 = arith.shrsi %squeeze3A_1233, %shift_right_arithmetic3A_1234 : i32
      %mul3A_1236 = arith.constant 128 : i32
      %mul3A_1237 = arith.muli %shift_right_arithmetic3A_1235, %mul3A_1236 : i32
      %multiple_of3A_1238 = tpu.assume_multiple %mul3A_1237, 128 : i32
      %dma_start3A_1239 = arith.constant 8 : i32
      %dma_start3A_1240 = arith.constant 0 : i32
      %dma_start3A_1241 = arith.constant 0 : i32
      %dma_start3A_1242 = tpu.memref_slice %arg9[%dma_start3A_1239, %dma_start3A_1240, %dma_start3A_1241] : memref<32x8x128xf32, #tpu.memory_space<vmem>> -> memref<4x8x128xf32, #tpu.memory_space<vmem>>
      %dma_start3A_1243 = arith.constant 0 : i32
      %dma_start3A_1244 = arith.constant 0 : i32
      %dma_start3A_1245 = tpu.memref_slice %arg3[%dma_start3A_1243, %dma_start3A_1244, %multiple_of3A_1224] : memref<4x8x1000000xf32, #tpu.memory_space<hbm>> -> memref<4x8x128xf32, #tpu.memory_space<hbm>>
      %dma_start3A_1246 = arith.constant 8 : i32
      %dma_start3A_1247 = arith.constant 0 : i32
      %dma_start3A_1248 = arith.constant 0 : i32
      %dma_start3A_1249 = tpu.memref_slice %arg9[%dma_start3A_1246, %dma_start3A_1247, %dma_start3A_1248] : memref<32x8x128xf32, #tpu.memory_space<vmem>> -> memref<4x8x128xf32, #tpu.memory_space<vmem>>
      %dma_start3A_1250 = arith.constant 0 : i32
      %dma_start3A_1251 = arith.constant 0 : i32
      %dma_start3A_1252 = tpu.memref_slice %arg3[%dma_start3A_1250, %dma_start3A_1251, %multiple_of3A_1224] : memref<4x8x1000000xf32, #tpu.memory_space<hbm>> -> memref<4x8x128xf32, #tpu.memory_space<hbm>>
      tpu.enqueue_dma source(%dma_start3A_1252 : memref<4x8x128xf32, #tpu.memory_space<hbm>>) target(%dma_start3A_1249 : memref<4x8x128xf32, #tpu.memory_space<vmem>>) target_semaphore(%arg13 : memref<!tpu.dma_semaphore, #tpu.memory_space<semaphore_mem>>)
      %dma_start3A_1253 = arith.constant 8 : i32
      %dma_start3A_1254 = arith.constant 0 : i32
      %dma_start3A_1255 = arith.constant 0 : i32
      %dma_start3A_1256 = tpu.memref_slice %arg10[%dma_start3A_1253, %dma_start3A_1254, %dma_start3A_1255] : memref<32x8x128xf32, #tpu.memory_space<vmem>> -> memref<4x8x128xf32, #tpu.memory_space<vmem>>
      %dma_start3A_1257 = arith.constant 0 : i32
      %dma_start3A_1258 = arith.constant 0 : i32
      %dma_start3A_1259 = tpu.memref_slice %arg4[%dma_start3A_1257, %dma_start3A_1258, %multiple_of3A_1231] : memref<4x8x1000000xf32, #tpu.memory_space<hbm>> -> memref<4x8x128xf32, #tpu.memory_space<hbm>>
      %dma_start3A_1260 = arith.constant 8 : i32
      %dma_start3A_1261 = arith.constant 0 : i32
      %dma_start3A_1262 = arith.constant 0 : i32
      %dma_start3A_1263 = tpu.memref_slice %arg10[%dma_start3A_1260, %dma_start3A_1261, %dma_start3A_1262] : memref<32x8x128xf32, #tpu.memory_space<vmem>> -> memref<4x8x128xf32, #tpu.memory_space<vmem>>
      %dma_start3A_1264 = arith.constant 0 : i32
      %dma_start3A_1265 = arith.constant 0 : i32
      %dma_start3A_1266 = tpu.memref_slice %arg4[%dma_start3A_1264, %dma_start3A_1265, %multiple_of3A_1231] : memref<4x8x1000000xf32, #tpu.memory_space<hbm>> -> memref<4x8x128xf32, #tpu.memory_space<hbm>>
      tpu.enqueue_dma source(%dma_start3A_1266 : memref<4x8x128xf32, #tpu.memory_space<hbm>>) target(%dma_start3A_1263 : memref<4x8x128xf32, #tpu.memory_space<vmem>>) target_semaphore(%arg13 : memref<!tpu.dma_semaphore, #tpu.memory_space<semaphore_mem>>)
      %dma_start3A_1267 = arith.constant 8 : i32
      %dma_start3A_1268 = arith.constant 0 : i32
      %dma_start3A_1269 = arith.constant 0 : i32
      %dma_start3A_1270 = tpu.memref_slice %arg11[%dma_start3A_1267, %dma_start3A_1268, %dma_start3A_1269] : memref<32x8x128xf32, #tpu.memory_space<vmem>> -> memref<4x8x128xf32, #tpu.memory_space<vmem>>
      %dma_start3A_1271 = arith.constant 0 : i32
      %dma_start3A_1272 = arith.constant 0 : i32
      %dma_start3A_1273 = tpu.memref_slice %arg3[%dma_start3A_1271, %dma_start3A_1272, %multiple_of3A_1238] : memref<4x8x1000000xf32, #tpu.memory_space<hbm>> -> memref<4x8x128xf32, #tpu.memory_space<hbm>>
      %dma_start3A_1274 = arith.constant 8 : i32
      %dma_start3A_1275 = arith.constant 0 : i32
      %dma_start3A_1276 = arith.constant 0 : i32
      %dma_start3A_1277 = tpu.memref_slice %arg11[%dma_start3A_1274, %dma_start3A_1275, %dma_start3A_1276] : memref<32x8x128xf32, #tpu.memory_space<vmem>> -> memref<4x8x128xf32, #tpu.memory_space<vmem>>
      %dma_start3A_1278 = arith.constant 0 : i32
      %dma_start3A_1279 = arith.constant 0 : i32
      %dma_start3A_1280 = tpu.memref_slice %arg3[%dma_start3A_1278, %dma_start3A_1279, %multiple_of3A_1238] : memref<4x8x1000000xf32, #tpu.memory_space<hbm>> -> memref<4x8x128xf32, #tpu.memory_space<hbm>>
      tpu.enqueue_dma source(%dma_start3A_1280 : memref<4x8x128xf32, #tpu.memory_space<hbm>>) target(%dma_start3A_1277 : memref<4x8x128xf32, #tpu.memory_space<vmem>>) target_semaphore(%arg13 : memref<!tpu.dma_semaphore, #tpu.memory_space<semaphore_mem>>)
      %dma_wait3A_1281 = arith.constant 24 : i32
      %dma_wait3A_1282 = arith.constant 0 : i32
      %dma_wait3A_1283 = arith.constant 0 : i32
      %dma_wait3A_1284 = tpu.memref_slice %arg9[%dma_wait3A_1281, %dma_wait3A_1282, %dma_wait3A_1283] : memref<32x8x128xf32, #tpu.memory_space<vmem>> -> memref<4x8x128xf32, #tpu.memory_space<vmem>>
      %dma_wait3A_1285 = arith.constant 0 : i32
      %dma_wait3A_1286 = arith.constant 0 : i32
      %dma_wait3A_1287 = tpu.memref_slice %arg3[%dma_wait3A_1285, %dma_wait3A_1286, %multiple_of3A_608] : memref<4x8x1000000xf32, #tpu.memory_space<hbm>> -> memref<4x8x128xf32, #tpu.memory_space<hbm>>
      %dma_wait3A_1288 = arith.constant 24 : i32
      %dma_wait3A_1289 = arith.constant 0 : i32
      %dma_wait3A_1290 = arith.constant 0 : i32
      %dma_wait3A_1291 = tpu.memref_slice %arg9[%dma_wait3A_1288, %dma_wait3A_1289, %dma_wait3A_1290] : memref<32x8x128xf32, #tpu.memory_space<vmem>> -> memref<4x8x128xf32, #tpu.memory_space<vmem>>
      %dma_wait3A_1292 = arith.constant 0 : i32
      %dma_wait3A_1293 = arith.constant 0 : i32
      %dma_wait3A_1294 = tpu.memref_slice %arg3[%dma_wait3A_1292, %dma_wait3A_1293, %multiple_of3A_608] : memref<4x8x1000000xf32, #tpu.memory_space<hbm>> -> memref<4x8x128xf32, #tpu.memory_space<hbm>>
      tpu.wait_dma2 semaphore(%arg13 : memref<!tpu.dma_semaphore, #tpu.memory_space<semaphore_mem>>) src(%dma_wait3A_1294 : memref<4x8x128xf32, #tpu.memory_space<hbm>>) dst(%dma_wait3A_1291 : memref<4x8x128xf32, #tpu.memory_space<vmem>>)
      %dma_wait3A_1295 = arith.constant 24 : i32
      %dma_wait3A_1296 = arith.constant 0 : i32
      %dma_wait3A_1297 = arith.constant 0 : i32
      %dma_wait3A_1298 = tpu.memref_slice %arg10[%dma_wait3A_1295, %dma_wait3A_1296, %dma_wait3A_1297] : memref<32x8x128xf32, #tpu.memory_space<vmem>> -> memref<4x8x128xf32, #tpu.memory_space<vmem>>
      %dma_wait3A_1299 = arith.constant 0 : i32
      %dma_wait3A_1300 = arith.constant 0 : i32
      %dma_wait3A_1301 = tpu.memref_slice %arg4[%dma_wait3A_1299, %dma_wait3A_1300, %multiple_of3A_615] : memref<4x8x1000000xf32, #tpu.memory_space<hbm>> -> memref<4x8x128xf32, #tpu.memory_space<hbm>>
      %dma_wait3A_1302 = arith.constant 24 : i32
      %dma_wait3A_1303 = arith.constant 0 : i32
      %dma_wait3A_1304 = arith.constant 0 : i32
      %dma_wait3A_1305 = tpu.memref_slice %arg10[%dma_wait3A_1302, %dma_wait3A_1303, %dma_wait3A_1304] : memref<32x8x128xf32, #tpu.memory_space<vmem>> -> memref<4x8x128xf32, #tpu.memory_space<vmem>>
      %dma_wait3A_1306 = arith.constant 0 : i32
      %dma_wait3A_1307 = arith.constant 0 : i32
      %dma_wait3A_1308 = tpu.memref_slice %arg4[%dma_wait3A_1306, %dma_wait3A_1307, %multiple_of3A_615] : memref<4x8x1000000xf32, #tpu.memory_space<hbm>> -> memref<4x8x128xf32, #tpu.memory_space<hbm>>
      tpu.wait_dma2 semaphore(%arg13 : memref<!tpu.dma_semaphore, #tpu.memory_space<semaphore_mem>>) src(%dma_wait3A_1308 : memref<4x8x128xf32, #tpu.memory_space<hbm>>) dst(%dma_wait3A_1305 : memref<4x8x128xf32, #tpu.memory_space<vmem>>)
      %dma_wait3A_1309 = arith.constant 24 : i32
      %dma_wait3A_1310 = arith.constant 0 : i32
      %dma_wait3A_1311 = arith.constant 0 : i32
      %dma_wait3A_1312 = tpu.memref_slice %arg11[%dma_wait3A_1309, %dma_wait3A_1310, %dma_wait3A_1311] : memref<32x8x128xf32, #tpu.memory_space<vmem>> -> memref<4x8x128xf32, #tpu.memory_space<vmem>>
      %dma_wait3A_1313 = arith.constant 0 : i32
      %dma_wait3A_1314 = arith.constant 0 : i32
      %dma_wait3A_1315 = tpu.memref_slice %arg3[%dma_wait3A_1313, %dma_wait3A_1314, %multiple_of3A_622] : memref<4x8x1000000xf32, #tpu.memory_space<hbm>> -> memref<4x8x128xf32, #tpu.memory_space<hbm>>
      %dma_wait3A_1316 = arith.constant 24 : i32
      %dma_wait3A_1317 = arith.constant 0 : i32
      %dma_wait3A_1318 = arith.constant 0 : i32
      %dma_wait3A_1319 = tpu.memref_slice %arg11[%dma_wait3A_1316, %dma_wait3A_1317, %dma_wait3A_1318] : memref<32x8x128xf32, #tpu.memory_space<vmem>> -> memref<4x8x128xf32, #tpu.memory_space<vmem>>
      %dma_wait3A_1320 = arith.constant 0 : i32
      %dma_wait3A_1321 = arith.constant 0 : i32
      %dma_wait3A_1322 = tpu.memref_slice %arg3[%dma_wait3A_1320, %dma_wait3A_1321, %multiple_of3A_622] : memref<4x8x1000000xf32, #tpu.memory_space<hbm>> -> memref<4x8x128xf32, #tpu.memory_space<hbm>>
      tpu.wait_dma2 semaphore(%arg13 : memref<!tpu.dma_semaphore, #tpu.memory_space<semaphore_mem>>) src(%dma_wait3A_1322 : memref<4x8x128xf32, #tpu.memory_space<hbm>>) dst(%dma_wait3A_1319 : memref<4x8x128xf32, #tpu.memory_space<vmem>>)
      %add3A_1323 = arith.constant 6 : i32
      %add3A_1324 = arith.addi %mul3A_47, %add3A_1323 : i32
      %broadcast_in_dim3A_1325 = arith.constant 24 : i32
      %broadcast_in_dim3A_1326 = vector.broadcast %broadcast_in_dim3A_1325 : i32 to vector<16xi32>
      %shift_right_arithmetic3A_1327 = arith.constant 3 : i32
      %shift_right_arithmetic3A_1328 = vector.broadcast %shift_right_arithmetic3A_1327 : i32 to vector<16xi32>
      %shift_right_arithmetic3A_1329 = arith.shrsi %iota3A, %shift_right_arithmetic3A_1328 : vector<16xi32>
      %add3A_1330 = arith.addi %broadcast_in_dim3A_1326, %shift_right_arithmetic3A_1329 : vector<16xi32>
      %add3A_1331 = arith.constant 2 : i32
      %add3A_1332 = vector.broadcast %add3A_1331 : i32 to vector<16xi32>
      %add3A_1333 = arith.addi %add3A_1330, %add3A_1332 : vector<16xi32>
      %and3A_1334 = arith.constant 7 : i32
      %and3A_1335 = vector.broadcast %and3A_1334 : i32 to vector<16xi32>
      %and3A_1336 = arith.andi %iota3A, %and3A_1335 : vector<16xi32>
      %slice3A_1337 = vector.extract_strided_slice %get3A_48 {offsets = [6], sizes = [1], strides = [1]} : vector<16xi32> to vector<1xi32>
      %squeeze3A_1338 = vector.extract %slice3A_1337[0] : i32 from vector<1xi32>
      %and3A_1339 = arith.constant 127 : i32
      %and3A_1340 = arith.andi %squeeze3A_1338, %and3A_1339 : i32
      %broadcast_in_dim3A_1341 = vector.broadcast %and3A_1340 : i32 to vector<16xi32>
      %slice3A_1342 = vector.extract_strided_slice %get3A_50 {offsets = [6], sizes = [1], strides = [1]} : vector<16xi32> to vector<1xi32>
      %squeeze3A_1343 = vector.extract %slice3A_1342[0] : i32 from vector<1xi32>
      %and3A_1344 = arith.constant 127 : i32
      %and3A_1345 = arith.andi %squeeze3A_1343, %and3A_1344 : i32
      %broadcast_in_dim3A_1346 = vector.broadcast %and3A_1345 : i32 to vector<16xi32>
      %slice3A_1347 = vector.extract_strided_slice %get3A_52 {offsets = [6], sizes = [1], strides = [1]} : vector<16xi32> to vector<1xi32>
      %squeeze3A_1348 = vector.extract %slice3A_1347[0] : i32 from vector<1xi32>
      %and3A_1349 = arith.constant 127 : i32
      %and3A_1350 = arith.andi %squeeze3A_1348, %and3A_1349 : i32
      %broadcast_in_dim3A_1351 = vector.broadcast %and3A_1350 : i32 to vector<16xi32>
      %gather3A_1352 = tpu.vector_load_idx %arg9[%add3A_1330, %and3A_1336, %broadcast_in_dim3A_1341] : memref<32x8x128xf32, #tpu.memory_space<vmem>>[vector<16xi32>, vector<16xi32>, vector<16xi32>], vector<16xf32>,
      %gather3A_1353 = tpu.vector_load_idx %arg10[%add3A_1330, %and3A_1336, %broadcast_in_dim3A_1346] : memref<32x8x128xf32, #tpu.memory_space<vmem>>[vector<16xi32>, vector<16xi32>, vector<16xi32>], vector<16xf32>,
      %mul3A_1354 = arith.mulf %gather3A_1352, %gather3A_1353 : vector<16xf32>
      %gather3A_1355 = tpu.vector_load_idx %arg11[%add3A_1330, %and3A_1336, %broadcast_in_dim3A_1351] : memref<32x8x128xf32, #tpu.memory_space<vmem>>[vector<16xi32>, vector<16xi32>, vector<16xi32>], vector<16xf32>,
      %mul3A_1356 = arith.mulf %mul3A_1354, %gather3A_1355 : vector<16xf32>
      %gather3A_1357 = tpu.vector_load_idx %arg9[%add3A_1333, %and3A_1336, %broadcast_in_dim3A_1341] : memref<32x8x128xf32, #tpu.memory_space<vmem>>[vector<16xi32>, vector<16xi32>, vector<16xi32>], vector<16xf32>,
      %gather3A_1358 = tpu.vector_load_idx %arg10[%add3A_1333, %and3A_1336, %broadcast_in_dim3A_1346] : memref<32x8x128xf32, #tpu.memory_space<vmem>>[vector<16xi32>, vector<16xi32>, vector<16xi32>], vector<16xf32>,
      %mul3A_1359 = arith.mulf %gather3A_1357, %gather3A_1358 : vector<16xf32>
      %gather3A_1360 = tpu.vector_load_idx %arg11[%add3A_1333, %and3A_1336, %broadcast_in_dim3A_1351] : memref<32x8x128xf32, #tpu.memory_space<vmem>>[vector<16xi32>, vector<16xi32>, vector<16xi32>], vector<16xf32>,
      %mul3A_1361 = arith.mulf %mul3A_1359, %gather3A_1360 : vector<16xf32>
      %add3A_1362 = arith.addf %mul3A_1356, %mul3A_1361 : vector<16xf32>
      %reduce_sum3A_1363 = arith.constant true
      %reduce_sum3A_1364 = vector.broadcast %reduce_sum3A_1363 : i1 to vector<16xi1>
      %reduce_sum3A_1365 = tpu.scan <sum>, %add3A_1362 masked %reduce_sum3A_1364 : vector<16xf32>, vector<16xi1> -> vector<16xf32>
      %reduce_sum3A_1366 = vector.extract %reduce_sum3A_1365[15] : f32 from vector<16xf32>
      %broadcast_in_dim3A_1367 = vector.broadcast %add3A_1324 : i32 to vector<16xi32>
      %broadcast_in_dim3A_1368 = vector.broadcast %reduce_sum3A_1366 : f32 to vector<16xf32>
      %eq3A_1369 = arith.constant 0 : i32
      %eq3A_1370 = vector.broadcast %eq3A_1369 : i32 to vector<16xi32>
      %eq3A_1371 = arith.cmpi eq, %iota3A, %eq3A_1370 : vector<16xi32>
      tpu.vector_store_idx %arg12[%broadcast_in_dim3A_1367], %broadcast_in_dim3A_1368 masked %eq3A_1371 : memref<512xf32, #tpu.memory_space<vmem>>[vector<16xi32>], vector<16xf32>, vector<16xi1>
      %slice3A_1372 = vector.extract_strided_slice %get3A_48 {offsets = [11], sizes = [1], strides = [1]} : vector<16xi32> to vector<1xi32>
      %squeeze3A_1373 = vector.extract %slice3A_1372[0] : i32 from vector<1xi32>
      %shift_right_arithmetic3A_1374 = arith.constant 7 : i32
      %shift_right_arithmetic3A_1375 = arith.shrsi %squeeze3A_1373, %shift_right_arithmetic3A_1374 : i32
      %mul3A_1376 = arith.constant 128 : i32
      %mul3A_1377 = arith.muli %shift_right_arithmetic3A_1375, %mul3A_1376 : i32
      %multiple_of3A_1378 = tpu.assume_multiple %mul3A_1377, 128 : i32
      %slice3A_1379 = vector.extract_strided_slice %get3A_50 {offsets = [11], sizes = [1], strides = [1]} : vector<16xi32> to vector<1xi32>
      %squeeze3A_1380 = vector.extract %slice3A_1379[0] : i32 from vector<1xi32>
      %shift_right_arithmetic3A_1381 = arith.constant 7 : i32
      %shift_right_arithmetic3A_1382 = arith.shrsi %squeeze3A_1380, %shift_right_arithmetic3A_1381 : i32
      %mul3A_1383 = arith.constant 128 : i32
      %mul3A_1384 = arith.muli %shift_right_arithmetic3A_1382, %mul3A_1383 : i32
      %multiple_of3A_1385 = tpu.assume_multiple %mul3A_1384, 128 : i32
      %slice3A_1386 = vector.extract_strided_slice %get3A_52 {offsets = [11], sizes = [1], strides = [1]} : vector<16xi32> to vector<1xi32>
      %squeeze3A_1387 = vector.extract %slice3A_1386[0] : i32 from vector<1xi32>
      %shift_right_arithmetic3A_1388 = arith.constant 7 : i32
      %shift_right_arithmetic3A_1389 = arith.shrsi %squeeze3A_1387, %shift_right_arithmetic3A_1388 : i32
      %mul3A_1390 = arith.constant 128 : i32
      %mul3A_1391 = arith.muli %shift_right_arithmetic3A_1389, %mul3A_1390 : i32
      %multiple_of3A_1392 = tpu.assume_multiple %mul3A_1391, 128 : i32
      %dma_start3A_1393 = arith.constant 12 : i32
      %dma_start3A_1394 = arith.constant 0 : i32
      %dma_start3A_1395 = arith.constant 0 : i32
      %dma_start3A_1396 = tpu.memref_slice %arg9[%dma_start3A_1393, %dma_start3A_1394, %dma_start3A_1395] : memref<32x8x128xf32, #tpu.memory_space<vmem>> -> memref<4x8x128xf32, #tpu.memory_space<vmem>>
      %dma_start3A_1397 = arith.constant 0 : i32
      %dma_start3A_1398 = arith.constant 0 : i32
      %dma_start3A_1399 = tpu.memref_slice %arg3[%dma_start3A_1397, %dma_start3A_1398, %multiple_of3A_1378] : memref<4x8x1000000xf32, #tpu.memory_space<hbm>> -> memref<4x8x128xf32, #tpu.memory_space<hbm>>
      %dma_start3A_1400 = arith.constant 12 : i32
      %dma_start3A_1401 = arith.constant 0 : i32
      %dma_start3A_1402 = arith.constant 0 : i32
      %dma_start3A_1403 = tpu.memref_slice %arg9[%dma_start3A_1400, %dma_start3A_1401, %dma_start3A_1402] : memref<32x8x128xf32, #tpu.memory_space<vmem>> -> memref<4x8x128xf32, #tpu.memory_space<vmem>>
      %dma_start3A_1404 = arith.constant 0 : i32
      %dma_start3A_1405 = arith.constant 0 : i32
      %dma_start3A_1406 = tpu.memref_slice %arg3[%dma_start3A_1404, %dma_start3A_1405, %multiple_of3A_1378] : memref<4x8x1000000xf32, #tpu.memory_space<hbm>> -> memref<4x8x128xf32, #tpu.memory_space<hbm>>
      tpu.enqueue_dma source(%dma_start3A_1406 : memref<4x8x128xf32, #tpu.memory_space<hbm>>) target(%dma_start3A_1403 : memref<4x8x128xf32, #tpu.memory_space<vmem>>) target_semaphore(%arg13 : memref<!tpu.dma_semaphore, #tpu.memory_space<semaphore_mem>>)
      %dma_start3A_1407 = arith.constant 12 : i32
      %dma_start3A_1408 = arith.constant 0 : i32
      %dma_start3A_1409 = arith.constant 0 : i32
      %dma_start3A_1410 = tpu.memref_slice %arg10[%dma_start3A_1407, %dma_start3A_1408, %dma_start3A_1409] : memref<32x8x128xf32, #tpu.memory_space<vmem>> -> memref<4x8x128xf32, #tpu.memory_space<vmem>>
      %dma_start3A_1411 = arith.constant 0 : i32
      %dma_start3A_1412 = arith.constant 0 : i32
      %dma_start3A_1413 = tpu.memref_slice %arg4[%dma_start3A_1411, %dma_start3A_1412, %multiple_of3A_1385] : memref<4x8x1000000xf32, #tpu.memory_space<hbm>> -> memref<4x8x128xf32, #tpu.memory_space<hbm>>
      %dma_start3A_1414 = arith.constant 12 : i32
      %dma_start3A_1415 = arith.constant 0 : i32
      %dma_start3A_1416 = arith.constant 0 : i32
      %dma_start3A_1417 = tpu.memref_slice %arg10[%dma_start3A_1414, %dma_start3A_1415, %dma_start3A_1416] : memref<32x8x128xf32, #tpu.memory_space<vmem>> -> memref<4x8x128xf32, #tpu.memory_space<vmem>>
      %dma_start3A_1418 = arith.constant 0 : i32
      %dma_start3A_1419 = arith.constant 0 : i32
      %dma_start3A_1420 = tpu.memref_slice %arg4[%dma_start3A_1418, %dma_start3A_1419, %multiple_of3A_1385] : memref<4x8x1000000xf32, #tpu.memory_space<hbm>> -> memref<4x8x128xf32, #tpu.memory_space<hbm>>
      tpu.enqueue_dma source(%dma_start3A_1420 : memref<4x8x128xf32, #tpu.memory_space<hbm>>) target(%dma_start3A_1417 : memref<4x8x128xf32, #tpu.memory_space<vmem>>) target_semaphore(%arg13 : memref<!tpu.dma_semaphore, #tpu.memory_space<semaphore_mem>>)
      %dma_start3A_1421 = arith.constant 12 : i32
      %dma_start3A_1422 = arith.constant 0 : i32
      %dma_start3A_1423 = arith.constant 0 : i32
      %dma_start3A_1424 = tpu.memref_slice %arg11[%dma_start3A_1421, %dma_start3A_1422, %dma_start3A_1423] : memref<32x8x128xf32, #tpu.memory_space<vmem>> -> memref<4x8x128xf32, #tpu.memory_space<vmem>>
      %dma_start3A_1425 = arith.constant 0 : i32
      %dma_start3A_1426 = arith.constant 0 : i32
      %dma_start3A_1427 = tpu.memref_slice %arg3[%dma_start3A_1425, %dma_start3A_1426, %multiple_of3A_1392] : memref<4x8x1000000xf32, #tpu.memory_space<hbm>> -> memref<4x8x128xf32, #tpu.memory_space<hbm>>
      %dma_start3A_1428 = arith.constant 12 : i32
      %dma_start3A_1429 = arith.constant 0 : i32
      %dma_start3A_1430 = arith.constant 0 : i32
      %dma_start3A_1431 = tpu.memref_slice %arg11[%dma_start3A_1428, %dma_start3A_1429, %dma_start3A_1430] : memref<32x8x128xf32, #tpu.memory_space<vmem>> -> memref<4x8x128xf32, #tpu.memory_space<vmem>>
      %dma_start3A_1432 = arith.constant 0 : i32
      %dma_start3A_1433 = arith.constant 0 : i32
      %dma_start3A_1434 = tpu.memref_slice %arg3[%dma_start3A_1432, %dma_start3A_1433, %multiple_of3A_1392] : memref<4x8x1000000xf32, #tpu.memory_space<hbm>> -> memref<4x8x128xf32, #tpu.memory_space<hbm>>
      tpu.enqueue_dma source(%dma_start3A_1434 : memref<4x8x128xf32, #tpu.memory_space<hbm>>) target(%dma_start3A_1431 : memref<4x8x128xf32, #tpu.memory_space<vmem>>) target_semaphore(%arg13 : memref<!tpu.dma_semaphore, #tpu.memory_space<semaphore_mem>>)
      %dma_wait3A_1435 = arith.constant 28 : i32
      %dma_wait3A_1436 = arith.constant 0 : i32
      %dma_wait3A_1437 = arith.constant 0 : i32
      %dma_wait3A_1438 = tpu.memref_slice %arg9[%dma_wait3A_1435, %dma_wait3A_1436, %dma_wait3A_1437] : memref<32x8x128xf32, #tpu.memory_space<vmem>> -> memref<4x8x128xf32, #tpu.memory_space<vmem>>
      %dma_wait3A_1439 = arith.constant 0 : i32
      %dma_wait3A_1440 = arith.constant 0 : i32
      %dma_wait3A_1441 = tpu.memref_slice %arg3[%dma_wait3A_1439, %dma_wait3A_1440, %multiple_of3A_762] : memref<4x8x1000000xf32, #tpu.memory_space<hbm>> -> memref<4x8x128xf32, #tpu.memory_space<hbm>>
      %dma_wait3A_1442 = arith.constant 28 : i32
      %dma_wait3A_1443 = arith.constant 0 : i32
      %dma_wait3A_1444 = arith.constant 0 : i32
      %dma_wait3A_1445 = tpu.memref_slice %arg9[%dma_wait3A_1442, %dma_wait3A_1443, %dma_wait3A_1444] : memref<32x8x128xf32, #tpu.memory_space<vmem>> -> memref<4x8x128xf32, #tpu.memory_space<vmem>>
      %dma_wait3A_1446 = arith.constant 0 : i32
      %dma_wait3A_1447 = arith.constant 0 : i32
      %dma_wait3A_1448 = tpu.memref_slice %arg3[%dma_wait3A_1446, %dma_wait3A_1447, %multiple_of3A_762] : memref<4x8x1000000xf32, #tpu.memory_space<hbm>> -> memref<4x8x128xf32, #tpu.memory_space<hbm>>
      tpu.wait_dma2 semaphore(%arg13 : memref<!tpu.dma_semaphore, #tpu.memory_space<semaphore_mem>>) src(%dma_wait3A_1448 : memref<4x8x128xf32, #tpu.memory_space<hbm>>) dst(%dma_wait3A_1445 : memref<4x8x128xf32, #tpu.memory_space<vmem>>)
      %dma_wait3A_1449 = arith.constant 28 : i32
      %dma_wait3A_1450 = arith.constant 0 : i32
      %dma_wait3A_1451 = arith.constant 0 : i32
      %dma_wait3A_1452 = tpu.memref_slice %arg10[%dma_wait3A_1449, %dma_wait3A_1450, %dma_wait3A_1451] : memref<32x8x128xf32, #tpu.memory_space<vmem>> -> memref<4x8x128xf32, #tpu.memory_space<vmem>>
      %dma_wait3A_1453 = arith.constant 0 : i32
      %dma_wait3A_1454 = arith.constant 0 : i32
      %dma_wait3A_1455 = tpu.memref_slice %arg4[%dma_wait3A_1453, %dma_wait3A_1454, %multiple_of3A_769] : memref<4x8x1000000xf32, #tpu.memory_space<hbm>> -> memref<4x8x128xf32, #tpu.memory_space<hbm>>
      %dma_wait3A_1456 = arith.constant 28 : i32
      %dma_wait3A_1457 = arith.constant 0 : i32
      %dma_wait3A_1458 = arith.constant 0 : i32
      %dma_wait3A_1459 = tpu.memref_slice %arg10[%dma_wait3A_1456, %dma_wait3A_1457, %dma_wait3A_1458] : memref<32x8x128xf32, #tpu.memory_space<vmem>> -> memref<4x8x128xf32, #tpu.memory_space<vmem>>
      %dma_wait3A_1460 = arith.constant 0 : i32
      %dma_wait3A_1461 = arith.constant 0 : i32
      %dma_wait3A_1462 = tpu.memref_slice %arg4[%dma_wait3A_1460, %dma_wait3A_1461, %multiple_of3A_769] : memref<4x8x1000000xf32, #tpu.memory_space<hbm>> -> memref<4x8x128xf32, #tpu.memory_space<hbm>>
      tpu.wait_dma2 semaphore(%arg13 : memref<!tpu.dma_semaphore, #tpu.memory_space<semaphore_mem>>) src(%dma_wait3A_1462 : memref<4x8x128xf32, #tpu.memory_space<hbm>>) dst(%dma_wait3A_1459 : memref<4x8x128xf32, #tpu.memory_space<vmem>>)
      %dma_wait3A_1463 = arith.constant 28 : i32
      %dma_wait3A_1464 = arith.constant 0 : i32
      %dma_wait3A_1465 = arith.constant 0 : i32
      %dma_wait3A_1466 = tpu.memref_slice %arg11[%dma_wait3A_1463, %dma_wait3A_1464, %dma_wait3A_1465] : memref<32x8x128xf32, #tpu.memory_space<vmem>> -> memref<4x8x128xf32, #tpu.memory_space<vmem>>
      %dma_wait3A_1467 = arith.constant 0 : i32
      %dma_wait3A_1468 = arith.constant 0 : i32
      %dma_wait3A_1469 = tpu.memref_slice %arg3[%dma_wait3A_1467, %dma_wait3A_1468, %multiple_of3A_776] : memref<4x8x1000000xf32, #tpu.memory_space<hbm>> -> memref<4x8x128xf32, #tpu.memory_space<hbm>>
      %dma_wait3A_1470 = arith.constant 28 : i32
      %dma_wait3A_1471 = arith.constant 0 : i32
      %dma_wait3A_1472 = arith.constant 0 : i32
      %dma_wait3A_1473 = tpu.memref_slice %arg11[%dma_wait3A_1470, %dma_wait3A_1471, %dma_wait3A_1472] : memref<32x8x128xf32, #tpu.memory_space<vmem>> -> memref<4x8x128xf32, #tpu.memory_space<vmem>>
      %dma_wait3A_1474 = arith.constant 0 : i32
      %dma_wait3A_1475 = arith.constant 0 : i32
      %dma_wait3A_1476 = tpu.memref_slice %arg3[%dma_wait3A_1474, %dma_wait3A_1475, %multiple_of3A_776] : memref<4x8x1000000xf32, #tpu.memory_space<hbm>> -> memref<4x8x128xf32, #tpu.memory_space<hbm>>
      tpu.wait_dma2 semaphore(%arg13 : memref<!tpu.dma_semaphore, #tpu.memory_space<semaphore_mem>>) src(%dma_wait3A_1476 : memref<4x8x128xf32, #tpu.memory_space<hbm>>) dst(%dma_wait3A_1473 : memref<4x8x128xf32, #tpu.memory_space<vmem>>)
      %add3A_1477 = arith.constant 7 : i32
      %add3A_1478 = arith.addi %mul3A_47, %add3A_1477 : i32
      %broadcast_in_dim3A_1479 = arith.constant 28 : i32
      %broadcast_in_dim3A_1480 = vector.broadcast %broadcast_in_dim3A_1479 : i32 to vector<16xi32>
      %shift_right_arithmetic3A_1481 = arith.constant 3 : i32
      %shift_right_arithmetic3A_1482 = vector.broadcast %shift_right_arithmetic3A_1481 : i32 to vector<16xi32>
      %shift_right_arithmetic3A_1483 = arith.shrsi %iota3A, %shift_right_arithmetic3A_1482 : vector<16xi32>
      %add3A_1484 = arith.addi %broadcast_in_dim3A_1480, %shift_right_arithmetic3A_1483 : vector<16xi32>
      %add3A_1485 = arith.constant 2 : i32
      %add3A_1486 = vector.broadcast %add3A_1485 : i32 to vector<16xi32>
      %add3A_1487 = arith.addi %add3A_1484, %add3A_1486 : vector<16xi32>
      %and3A_1488 = arith.constant 7 : i32
      %and3A_1489 = vector.broadcast %and3A_1488 : i32 to vector<16xi32>
      %and3A_1490 = arith.andi %iota3A, %and3A_1489 : vector<16xi32>
      %slice3A_1491 = vector.extract_strided_slice %get3A_48 {offsets = [7], sizes = [1], strides = [1]} : vector<16xi32> to vector<1xi32>
      %squeeze3A_1492 = vector.extract %slice3A_1491[0] : i32 from vector<1xi32>
      %and3A_1493 = arith.constant 127 : i32
      %and3A_1494 = arith.andi %squeeze3A_1492, %and3A_1493 : i32
      %broadcast_in_dim3A_1495 = vector.broadcast %and3A_1494 : i32 to vector<16xi32>
      %slice3A_1496 = vector.extract_strided_slice %get3A_50 {offsets = [7], sizes = [1], strides = [1]} : vector<16xi32> to vector<1xi32>
      %squeeze3A_1497 = vector.extract %slice3A_1496[0] : i32 from vector<1xi32>
      %and3A_1498 = arith.constant 127 : i32
      %and3A_1499 = arith.andi %squeeze3A_1497, %and3A_1498 : i32
      %broadcast_in_dim3A_1500 = vector.broadcast %and3A_1499 : i32 to vector<16xi32>
      %slice3A_1501 = vector.extract_strided_slice %get3A_52 {offsets = [7], sizes = [1], strides = [1]} : vector<16xi32> to vector<1xi32>
      %squeeze3A_1502 = vector.extract %slice3A_1501[0] : i32 from vector<1xi32>
      %and3A_1503 = arith.constant 127 : i32
      %and3A_1504 = arith.andi %squeeze3A_1502, %and3A_1503 : i32
      %broadcast_in_dim3A_1505 = vector.broadcast %and3A_1504 : i32 to vector<16xi32>
      %gather3A_1506 = tpu.vector_load_idx %arg9[%add3A_1484, %and3A_1490, %broadcast_in_dim3A_1495] : memref<32x8x128xf32, #tpu.memory_space<vmem>>[vector<16xi32>, vector<16xi32>, vector<16xi32>], vector<16xf32>,
      %gather3A_1507 = tpu.vector_load_idx %arg10[%add3A_1484, %and3A_1490, %broadcast_in_dim3A_1500] : memref<32x8x128xf32, #tpu.memory_space<vmem>>[vector<16xi32>, vector<16xi32>, vector<16xi32>], vector<16xf32>,
      %mul3A_1508 = arith.mulf %gather3A_1506, %gather3A_1507 : vector<16xf32>
      %gather3A_1509 = tpu.vector_load_idx %arg11[%add3A_1484, %and3A_1490, %broadcast_in_dim3A_1505] : memref<32x8x128xf32, #tpu.memory_space<vmem>>[vector<16xi32>, vector<16xi32>, vector<16xi32>], vector<16xf32>,
      %mul3A_1510 = arith.mulf %mul3A_1508, %gather3A_1509 : vector<16xf32>
      %gather3A_1511 = tpu.vector_load_idx %arg9[%add3A_1487, %and3A_1490, %broadcast_in_dim3A_1495] : memref<32x8x128xf32, #tpu.memory_space<vmem>>[vector<16xi32>, vector<16xi32>, vector<16xi32>], vector<16xf32>,
      %gather3A_1512 = tpu.vector_load_idx %arg10[%add3A_1487, %and3A_1490, %broadcast_in_dim3A_1500] : memref<32x8x128xf32, #tpu.memory_space<vmem>>[vector<16xi32>, vector<16xi32>, vector<16xi32>], vector<16xf32>,
      %mul3A_1513 = arith.mulf %gather3A_1511, %gather3A_1512 : vector<16xf32>
      %gather3A_1514 = tpu.vector_load_idx %arg11[%add3A_1487, %and3A_1490, %broadcast_in_dim3A_1505] : memref<32x8x128xf32, #tpu.memory_space<vmem>>[vector<16xi32>, vector<16xi32>, vector<16xi32>], vector<16xf32>,
      %mul3A_1515 = arith.mulf %mul3A_1513, %gather3A_1514 : vector<16xf32>
      %add3A_1516 = arith.addf %mul3A_1510, %mul3A_1515 : vector<16xf32>
      %reduce_sum3A_1517 = arith.constant true
      %reduce_sum3A_1518 = vector.broadcast %reduce_sum3A_1517 : i1 to vector<16xi1>
      %reduce_sum3A_1519 = tpu.scan <sum>, %add3A_1516 masked %reduce_sum3A_1518 : vector<16xf32>, vector<16xi1> -> vector<16xf32>
      %reduce_sum3A_1520 = vector.extract %reduce_sum3A_1519[15] : f32 from vector<16xf32>
      %broadcast_in_dim3A_1521 = vector.broadcast %add3A_1478 : i32 to vector<16xi32>
      %broadcast_in_dim3A_1522 = vector.broadcast %reduce_sum3A_1520 : f32 to vector<16xf32>
      %eq3A_1523 = arith.constant 0 : i32
      %eq3A_1524 = vector.broadcast %eq3A_1523 : i32 to vector<16xi32>
      %eq3A_1525 = arith.cmpi eq, %iota3A, %eq3A_1524 : vector<16xi32>
      tpu.vector_store_idx %arg12[%broadcast_in_dim3A_1521], %broadcast_in_dim3A_1522 masked %eq3A_1525 : memref<512xf32, #tpu.memory_space<vmem>>[vector<16xi32>], vector<16xf32>, vector<16xi1>
      %slice3A_1526 = vector.extract_strided_slice %get3A_48 {offsets = [12], sizes = [1], strides = [1]} : vector<16xi32> to vector<1xi32>
      %squeeze3A_1527 = vector.extract %slice3A_1526[0] : i32 from vector<1xi32>
      %shift_right_arithmetic3A_1528 = arith.constant 7 : i32
      %shift_right_arithmetic3A_1529 = arith.shrsi %squeeze3A_1527, %shift_right_arithmetic3A_1528 : i32
      %mul3A_1530 = arith.constant 128 : i32
      %mul3A_1531 = arith.muli %shift_right_arithmetic3A_1529, %mul3A_1530 : i32
      %multiple_of3A_1532 = tpu.assume_multiple %mul3A_1531, 128 : i32
      %slice3A_1533 = vector.extract_strided_slice %get3A_50 {offsets = [12], sizes = [1], strides = [1]} : vector<16xi32> to vector<1xi32>
      %squeeze3A_1534 = vector.extract %slice3A_1533[0] : i32 from vector<1xi32>
      %shift_right_arithmetic3A_1535 = arith.constant 7 : i32
      %shift_right_arithmetic3A_1536 = arith.shrsi %squeeze3A_1534, %shift_right_arithmetic3A_1535 : i32
      %mul3A_1537 = arith.constant 128 : i32
      %mul3A_1538 = arith.muli %shift_right_arithmetic3A_1536, %mul3A_1537 : i32
      %multiple_of3A_1539 = tpu.assume_multiple %mul3A_1538, 128 : i32
      %slice3A_1540 = vector.extract_strided_slice %get3A_52 {offsets = [12], sizes = [1], strides = [1]} : vector<16xi32> to vector<1xi32>
      %squeeze3A_1541 = vector.extract %slice3A_1540[0] : i32 from vector<1xi32>
      %shift_right_arithmetic3A_1542 = arith.constant 7 : i32
      %shift_right_arithmetic3A_1543 = arith.shrsi %squeeze3A_1541, %shift_right_arithmetic3A_1542 : i32
      %mul3A_1544 = arith.constant 128 : i32
      %mul3A_1545 = arith.muli %shift_right_arithmetic3A_1543, %mul3A_1544 : i32
      %multiple_of3A_1546 = tpu.assume_multiple %mul3A_1545, 128 : i32
      %dma_start3A_1547 = arith.constant 16 : i32
      %dma_start3A_1548 = arith.constant 0 : i32
      %dma_start3A_1549 = arith.constant 0 : i32
      %dma_start3A_1550 = tpu.memref_slice %arg9[%dma_start3A_1547, %dma_start3A_1548, %dma_start3A_1549] : memref<32x8x128xf32, #tpu.memory_space<vmem>> -> memref<4x8x128xf32, #tpu.memory_space<vmem>>
      %dma_start3A_1551 = arith.constant 0 : i32
      %dma_start3A_1552 = arith.constant 0 : i32
      %dma_start3A_1553 = tpu.memref_slice %arg3[%dma_start3A_1551, %dma_start3A_1552, %multiple_of3A_1532] : memref<4x8x1000000xf32, #tpu.memory_space<hbm>> -> memref<4x8x128xf32, #tpu.memory_space<hbm>>
      %dma_start3A_1554 = arith.constant 16 : i32
      %dma_start3A_1555 = arith.constant 0 : i32
      %dma_start3A_1556 = arith.constant 0 : i32
      %dma_start3A_1557 = tpu.memref_slice %arg9[%dma_start3A_1554, %dma_start3A_1555, %dma_start3A_1556] : memref<32x8x128xf32, #tpu.memory_space<vmem>> -> memref<4x8x128xf32, #tpu.memory_space<vmem>>
      %dma_start3A_1558 = arith.constant 0 : i32
      %dma_start3A_1559 = arith.constant 0 : i32
      %dma_start3A_1560 = tpu.memref_slice %arg3[%dma_start3A_1558, %dma_start3A_1559, %multiple_of3A_1532] : memref<4x8x1000000xf32, #tpu.memory_space<hbm>> -> memref<4x8x128xf32, #tpu.memory_space<hbm>>
      tpu.enqueue_dma source(%dma_start3A_1560 : memref<4x8x128xf32, #tpu.memory_space<hbm>>) target(%dma_start3A_1557 : memref<4x8x128xf32, #tpu.memory_space<vmem>>) target_semaphore(%arg13 : memref<!tpu.dma_semaphore, #tpu.memory_space<semaphore_mem>>)
      %dma_start3A_1561 = arith.constant 16 : i32
      %dma_start3A_1562 = arith.constant 0 : i32
      %dma_start3A_1563 = arith.constant 0 : i32
      %dma_start3A_1564 = tpu.memref_slice %arg10[%dma_start3A_1561, %dma_start3A_1562, %dma_start3A_1563] : memref<32x8x128xf32, #tpu.memory_space<vmem>> -> memref<4x8x128xf32, #tpu.memory_space<vmem>>
      %dma_start3A_1565 = arith.constant 0 : i32
      %dma_start3A_1566 = arith.constant 0 : i32
      %dma_start3A_1567 = tpu.memref_slice %arg4[%dma_start3A_1565, %dma_start3A_1566, %multiple_of3A_1539] : memref<4x8x1000000xf32, #tpu.memory_space<hbm>> -> memref<4x8x128xf32, #tpu.memory_space<hbm>>
      %dma_start3A_1568 = arith.constant 16 : i32
      %dma_start3A_1569 = arith.constant 0 : i32
      %dma_start3A_1570 = arith.constant 0 : i32
      %dma_start3A_1571 = tpu.memref_slice %arg10[%dma_start3A_1568, %dma_start3A_1569, %dma_start3A_1570] : memref<32x8x128xf32, #tpu.memory_space<vmem>> -> memref<4x8x128xf32, #tpu.memory_space<vmem>>
      %dma_start3A_1572 = arith.constant 0 : i32
      %dma_start3A_1573 = arith.constant 0 : i32
      %dma_start3A_1574 = tpu.memref_slice %arg4[%dma_start3A_1572, %dma_start3A_1573, %multiple_of3A_1539] : memref<4x8x1000000xf32, #tpu.memory_space<hbm>> -> memref<4x8x128xf32, #tpu.memory_space<hbm>>
      tpu.enqueue_dma source(%dma_start3A_1574 : memref<4x8x128xf32, #tpu.memory_space<hbm>>) target(%dma_start3A_1571 : memref<4x8x128xf32, #tpu.memory_space<vmem>>) target_semaphore(%arg13 : memref<!tpu.dma_semaphore, #tpu.memory_space<semaphore_mem>>)
      %dma_start3A_1575 = arith.constant 16 : i32
      %dma_start3A_1576 = arith.constant 0 : i32
      %dma_start3A_1577 = arith.constant 0 : i32
      %dma_start3A_1578 = tpu.memref_slice %arg11[%dma_start3A_1575, %dma_start3A_1576, %dma_start3A_1577] : memref<32x8x128xf32, #tpu.memory_space<vmem>> -> memref<4x8x128xf32, #tpu.memory_space<vmem>>
      %dma_start3A_1579 = arith.constant 0 : i32
      %dma_start3A_1580 = arith.constant 0 : i32
      %dma_start3A_1581 = tpu.memref_slice %arg3[%dma_start3A_1579, %dma_start3A_1580, %multiple_of3A_1546] : memref<4x8x1000000xf32, #tpu.memory_space<hbm>> -> memref<4x8x128xf32, #tpu.memory_space<hbm>>
      %dma_start3A_1582 = arith.constant 16 : i32
      %dma_start3A_1583 = arith.constant 0 : i32
      %dma_start3A_1584 = arith.constant 0 : i32
      %dma_start3A_1585 = tpu.memref_slice %arg11[%dma_start3A_1582, %dma_start3A_1583, %dma_start3A_1584] : memref<32x8x128xf32, #tpu.memory_space<vmem>> -> memref<4x8x128xf32, #tpu.memory_space<vmem>>
      %dma_start3A_1586 = arith.constant 0 : i32
      %dma_start3A_1587 = arith.constant 0 : i32
      %dma_start3A_1588 = tpu.memref_slice %arg3[%dma_start3A_1586, %dma_start3A_1587, %multiple_of3A_1546] : memref<4x8x1000000xf32, #tpu.memory_space<hbm>> -> memref<4x8x128xf32, #tpu.memory_space<hbm>>
      tpu.enqueue_dma source(%dma_start3A_1588 : memref<4x8x128xf32, #tpu.memory_space<hbm>>) target(%dma_start3A_1585 : memref<4x8x128xf32, #tpu.memory_space<vmem>>) target_semaphore(%arg13 : memref<!tpu.dma_semaphore, #tpu.memory_space<semaphore_mem>>)
      %dma_wait3A_1589 = arith.constant 0 : i32
      %dma_wait3A_1590 = arith.constant 0 : i32
      %dma_wait3A_1591 = arith.constant 0 : i32
      %dma_wait3A_1592 = tpu.memref_slice %arg9[%dma_wait3A_1589, %dma_wait3A_1590, %dma_wait3A_1591] : memref<32x8x128xf32, #tpu.memory_space<vmem>> -> memref<4x8x128xf32, #tpu.memory_space<vmem>>
      %dma_wait3A_1593 = arith.constant 0 : i32
      %dma_wait3A_1594 = arith.constant 0 : i32
      %dma_wait3A_1595 = tpu.memref_slice %arg3[%dma_wait3A_1593, %dma_wait3A_1594, %multiple_of3A_916] : memref<4x8x1000000xf32, #tpu.memory_space<hbm>> -> memref<4x8x128xf32, #tpu.memory_space<hbm>>
      %dma_wait3A_1596 = arith.constant 0 : i32
      %dma_wait3A_1597 = arith.constant 0 : i32
      %dma_wait3A_1598 = arith.constant 0 : i32
      %dma_wait3A_1599 = tpu.memref_slice %arg9[%dma_wait3A_1596, %dma_wait3A_1597, %dma_wait3A_1598] : memref<32x8x128xf32, #tpu.memory_space<vmem>> -> memref<4x8x128xf32, #tpu.memory_space<vmem>>
      %dma_wait3A_1600 = arith.constant 0 : i32
      %dma_wait3A_1601 = arith.constant 0 : i32
      %dma_wait3A_1602 = tpu.memref_slice %arg3[%dma_wait3A_1600, %dma_wait3A_1601, %multiple_of3A_916] : memref<4x8x1000000xf32, #tpu.memory_space<hbm>> -> memref<4x8x128xf32, #tpu.memory_space<hbm>>
      tpu.wait_dma2 semaphore(%arg13 : memref<!tpu.dma_semaphore, #tpu.memory_space<semaphore_mem>>) src(%dma_wait3A_1602 : memref<4x8x128xf32, #tpu.memory_space<hbm>>) dst(%dma_wait3A_1599 : memref<4x8x128xf32, #tpu.memory_space<vmem>>)
      %dma_wait3A_1603 = arith.constant 0 : i32
      %dma_wait3A_1604 = arith.constant 0 : i32
      %dma_wait3A_1605 = arith.constant 0 : i32
      %dma_wait3A_1606 = tpu.memref_slice %arg10[%dma_wait3A_1603, %dma_wait3A_1604, %dma_wait3A_1605] : memref<32x8x128xf32, #tpu.memory_space<vmem>> -> memref<4x8x128xf32, #tpu.memory_space<vmem>>
      %dma_wait3A_1607 = arith.constant 0 : i32
      %dma_wait3A_1608 = arith.constant 0 : i32
      %dma_wait3A_1609 = tpu.memref_slice %arg4[%dma_wait3A_1607, %dma_wait3A_1608, %multiple_of3A_923] : memref<4x8x1000000xf32, #tpu.memory_space<hbm>> -> memref<4x8x128xf32, #tpu.memory_space<hbm>>
      %dma_wait3A_1610 = arith.constant 0 : i32
      %dma_wait3A_1611 = arith.constant 0 : i32
      %dma_wait3A_1612 = arith.constant 0 : i32
      %dma_wait3A_1613 = tpu.memref_slice %arg10[%dma_wait3A_1610, %dma_wait3A_1611, %dma_wait3A_1612] : memref<32x8x128xf32, #tpu.memory_space<vmem>> -> memref<4x8x128xf32, #tpu.memory_space<vmem>>
      %dma_wait3A_1614 = arith.constant 0 : i32
      %dma_wait3A_1615 = arith.constant 0 : i32
      %dma_wait3A_1616 = tpu.memref_slice %arg4[%dma_wait3A_1614, %dma_wait3A_1615, %multiple_of3A_923] : memref<4x8x1000000xf32, #tpu.memory_space<hbm>> -> memref<4x8x128xf32, #tpu.memory_space<hbm>>
      tpu.wait_dma2 semaphore(%arg13 : memref<!tpu.dma_semaphore, #tpu.memory_space<semaphore_mem>>) src(%dma_wait3A_1616 : memref<4x8x128xf32, #tpu.memory_space<hbm>>) dst(%dma_wait3A_1613 : memref<4x8x128xf32, #tpu.memory_space<vmem>>)
      %dma_wait3A_1617 = arith.constant 0 : i32
      %dma_wait3A_1618 = arith.constant 0 : i32
      %dma_wait3A_1619 = arith.constant 0 : i32
      %dma_wait3A_1620 = tpu.memref_slice %arg11[%dma_wait3A_1617, %dma_wait3A_1618, %dma_wait3A_1619] : memref<32x8x128xf32, #tpu.memory_space<vmem>> -> memref<4x8x128xf32, #tpu.memory_space<vmem>>
      %dma_wait3A_1621 = arith.constant 0 : i32
      %dma_wait3A_1622 = arith.constant 0 : i32
      %dma_wait3A_1623 = tpu.memref_slice %arg3[%dma_wait3A_1621, %dma_wait3A_1622, %multiple_of3A_930] : memref<4x8x1000000xf32, #tpu.memory_space<hbm>> -> memref<4x8x128xf32, #tpu.memory_space<hbm>>
      %dma_wait3A_1624 = arith.constant 0 : i32
      %dma_wait3A_1625 = arith.constant 0 : i32
      %dma_wait3A_1626 = arith.constant 0 : i32
      %dma_wait3A_1627 = tpu.memref_slice %arg11[%dma_wait3A_1624, %dma_wait3A_1625, %dma_wait3A_1626] : memref<32x8x128xf32, #tpu.memory_space<vmem>> -> memref<4x8x128xf32, #tpu.memory_space<vmem>>
      %dma_wait3A_1628 = arith.constant 0 : i32
      %dma_wait3A_1629 = arith.constant 0 : i32
      %dma_wait3A_1630 = tpu.memref_slice %arg3[%dma_wait3A_1628, %dma_wait3A_1629, %multiple_of3A_930] : memref<4x8x1000000xf32, #tpu.memory_space<hbm>> -> memref<4x8x128xf32, #tpu.memory_space<hbm>>
      tpu.wait_dma2 semaphore(%arg13 : memref<!tpu.dma_semaphore, #tpu.memory_space<semaphore_mem>>) src(%dma_wait3A_1630 : memref<4x8x128xf32, #tpu.memory_space<hbm>>) dst(%dma_wait3A_1627 : memref<4x8x128xf32, #tpu.memory_space<vmem>>)
      %add3A_1631 = arith.constant 8 : i32
      %add3A_1632 = arith.addi %mul3A_47, %add3A_1631 : i32
      %broadcast_in_dim3A_1633 = arith.constant 0 : i32
      %broadcast_in_dim3A_1634 = vector.broadcast %broadcast_in_dim3A_1633 : i32 to vector<16xi32>
      %shift_right_arithmetic3A_1635 = arith.constant 3 : i32
      %shift_right_arithmetic3A_1636 = vector.broadcast %shift_right_arithmetic3A_1635 : i32 to vector<16xi32>
      %shift_right_arithmetic3A_1637 = arith.shrsi %iota3A, %shift_right_arithmetic3A_1636 : vector<16xi32>
      %add3A_1638 = arith.addi %broadcast_in_dim3A_1634, %shift_right_arithmetic3A_1637 : vector<16xi32>
      %add3A_1639 = arith.constant 2 : i32
      %add3A_1640 = vector.broadcast %add3A_1639 : i32 to vector<16xi32>
      %add3A_1641 = arith.addi %add3A_1638, %add3A_1640 : vector<16xi32>
      %and3A_1642 = arith.constant 7 : i32
      %and3A_1643 = vector.broadcast %and3A_1642 : i32 to vector<16xi32>
      %and3A_1644 = arith.andi %iota3A, %and3A_1643 : vector<16xi32>
      %slice3A_1645 = vector.extract_strided_slice %get3A_48 {offsets = [8], sizes = [1], strides = [1]} : vector<16xi32> to vector<1xi32>
      %squeeze3A_1646 = vector.extract %slice3A_1645[0] : i32 from vector<1xi32>
      %and3A_1647 = arith.constant 127 : i32
      %and3A_1648 = arith.andi %squeeze3A_1646, %and3A_1647 : i32
      %broadcast_in_dim3A_1649 = vector.broadcast %and3A_1648 : i32 to vector<16xi32>
      %slice3A_1650 = vector.extract_strided_slice %get3A_50 {offsets = [8], sizes = [1], strides = [1]} : vector<16xi32> to vector<1xi32>
      %squeeze3A_1651 = vector.extract %slice3A_1650[0] : i32 from vector<1xi32>
      %and3A_1652 = arith.constant 127 : i32
      %and3A_1653 = arith.andi %squeeze3A_1651, %and3A_1652 : i32
      %broadcast_in_dim3A_1654 = vector.broadcast %and3A_1653 : i32 to vector<16xi32>
      %slice3A_1655 = vector.extract_strided_slice %get3A_52 {offsets = [8], sizes = [1], strides = [1]} : vector<16xi32> to vector<1xi32>
      %squeeze3A_1656 = vector.extract %slice3A_1655[0] : i32 from vector<1xi32>
      %and3A_1657 = arith.constant 127 : i32
      %and3A_1658 = arith.andi %squeeze3A_1656, %and3A_1657 : i32
      %broadcast_in_dim3A_1659 = vector.broadcast %and3A_1658 : i32 to vector<16xi32>
      %gather3A_1660 = tpu.vector_load_idx %arg9[%add3A_1638, %and3A_1644, %broadcast_in_dim3A_1649] : memref<32x8x128xf32, #tpu.memory_space<vmem>>[vector<16xi32>, vector<16xi32>, vector<16xi32>], vector<16xf32>,
      %gather3A_1661 = tpu.vector_load_idx %arg10[%add3A_1638, %and3A_1644, %broadcast_in_dim3A_1654] : memref<32x8x128xf32, #tpu.memory_space<vmem>>[vector<16xi32>, vector<16xi32>, vector<16xi32>], vector<16xf32>,
      %mul3A_1662 = arith.mulf %gather3A_1660, %gather3A_1661 : vector<16xf32>
      %gather3A_1663 = tpu.vector_load_idx %arg11[%add3A_1638, %and3A_1644, %broadcast_in_dim3A_1659] : memref<32x8x128xf32, #tpu.memory_space<vmem>>[vector<16xi32>, vector<16xi32>, vector<16xi32>], vector<16xf32>,
      %mul3A_1664 = arith.mulf %mul3A_1662, %gather3A_1663 : vector<16xf32>
      %gather3A_1665 = tpu.vector_load_idx %arg9[%add3A_1641, %and3A_1644, %broadcast_in_dim3A_1649] : memref<32x8x128xf32, #tpu.memory_space<vmem>>[vector<16xi32>, vector<16xi32>, vector<16xi32>], vector<16xf32>,
      %gather3A_1666 = tpu.vector_load_idx %arg10[%add3A_1641, %and3A_1644, %broadcast_in_dim3A_1654] : memref<32x8x128xf32, #tpu.memory_space<vmem>>[vector<16xi32>, vector<16xi32>, vector<16xi32>], vector<16xf32>,
      %mul3A_1667 = arith.mulf %gather3A_1665, %gather3A_1666 : vector<16xf32>
      %gather3A_1668 = tpu.vector_load_idx %arg11[%add3A_1641, %and3A_1644, %broadcast_in_dim3A_1659] : memref<32x8x128xf32, #tpu.memory_space<vmem>>[vector<16xi32>, vector<16xi32>, vector<16xi32>], vector<16xf32>,
      %mul3A_1669 = arith.mulf %mul3A_1667, %gather3A_1668 : vector<16xf32>
      %add3A_1670 = arith.addf %mul3A_1664, %mul3A_1669 : vector<16xf32>
      %reduce_sum3A_1671 = arith.constant true
      %reduce_sum3A_1672 = vector.broadcast %reduce_sum3A_1671 : i1 to vector<16xi1>
      %reduce_sum3A_1673 = tpu.scan <sum>, %add3A_1670 masked %reduce_sum3A_1672 : vector<16xf32>, vector<16xi1> -> vector<16xf32>
      %reduce_sum3A_1674 = vector.extract %reduce_sum3A_1673[15] : f32 from vector<16xf32>
      %broadcast_in_dim3A_1675 = vector.broadcast %add3A_1632 : i32 to vector<16xi32>
      %broadcast_in_dim3A_1676 = vector.broadcast %reduce_sum3A_1674 : f32 to vector<16xf32>
      %eq3A_1677 = arith.constant 0 : i32
      %eq3A_1678 = vector.broadcast %eq3A_1677 : i32 to vector<16xi32>
      %eq3A_1679 = arith.cmpi eq, %iota3A, %eq3A_1678 : vector<16xi32>
      tpu.vector_store_idx %arg12[%broadcast_in_dim3A_1675], %broadcast_in_dim3A_1676 masked %eq3A_1679 : memref<512xf32, #tpu.memory_space<vmem>>[vector<16xi32>], vector<16xf32>, vector<16xi1>
      %slice3A_1680 = vector.extract_strided_slice %get3A_48 {offsets = [13], sizes = [1], strides = [1]} : vector<16xi32> to vector<1xi32>
      %squeeze3A_1681 = vector.extract %slice3A_1680[0] : i32 from vector<1xi32>
      %shift_right_arithmetic3A_1682 = arith.constant 7 : i32
      %shift_right_arithmetic3A_1683 = arith.shrsi %squeeze3A_1681, %shift_right_arithmetic3A_1682 : i32
      %mul3A_1684 = arith.constant 128 : i32
      %mul3A_1685 = arith.muli %shift_right_arithmetic3A_1683, %mul3A_1684 : i32
      %multiple_of3A_1686 = tpu.assume_multiple %mul3A_1685, 128 : i32
      %slice3A_1687 = vector.extract_strided_slice %get3A_50 {offsets = [13], sizes = [1], strides = [1]} : vector<16xi32> to vector<1xi32>
      %squeeze3A_1688 = vector.extract %slice3A_1687[0] : i32 from vector<1xi32>
      %shift_right_arithmetic3A_1689 = arith.constant 7 : i32
      %shift_right_arithmetic3A_1690 = arith.shrsi %squeeze3A_1688, %shift_right_arithmetic3A_1689 : i32
      %mul3A_1691 = arith.constant 128 : i32
      %mul3A_1692 = arith.muli %shift_right_arithmetic3A_1690, %mul3A_1691 : i32
      %multiple_of3A_1693 = tpu.assume_multiple %mul3A_1692, 128 : i32
      %slice3A_1694 = vector.extract_strided_slice %get3A_52 {offsets = [13], sizes = [1], strides = [1]} : vector<16xi32> to vector<1xi32>
      %squeeze3A_1695 = vector.extract %slice3A_1694[0] : i32 from vector<1xi32>
      %shift_right_arithmetic3A_1696 = arith.constant 7 : i32
      %shift_right_arithmetic3A_1697 = arith.shrsi %squeeze3A_1695, %shift_right_arithmetic3A_1696 : i32
      %mul3A_1698 = arith.constant 128 : i32
      %mul3A_1699 = arith.muli %shift_right_arithmetic3A_1697, %mul3A_1698 : i32
      %multiple_of3A_1700 = tpu.assume_multiple %mul3A_1699, 128 : i32
      %dma_start3A_1701 = arith.constant 20 : i32
      %dma_start3A_1702 = arith.constant 0 : i32
      %dma_start3A_1703 = arith.constant 0 : i32
      %dma_start3A_1704 = tpu.memref_slice %arg9[%dma_start3A_1701, %dma_start3A_1702, %dma_start3A_1703] : memref<32x8x128xf32, #tpu.memory_space<vmem>> -> memref<4x8x128xf32, #tpu.memory_space<vmem>>
      %dma_start3A_1705 = arith.constant 0 : i32
      %dma_start3A_1706 = arith.constant 0 : i32
      %dma_start3A_1707 = tpu.memref_slice %arg3[%dma_start3A_1705, %dma_start3A_1706, %multiple_of3A_1686] : memref<4x8x1000000xf32, #tpu.memory_space<hbm>> -> memref<4x8x128xf32, #tpu.memory_space<hbm>>
      %dma_start3A_1708 = arith.constant 20 : i32
      %dma_start3A_1709 = arith.constant 0 : i32
      %dma_start3A_1710 = arith.constant 0 : i32
      %dma_start3A_1711 = tpu.memref_slice %arg9[%dma_start3A_1708, %dma_start3A_1709, %dma_start3A_1710] : memref<32x8x128xf32, #tpu.memory_space<vmem>> -> memref<4x8x128xf32, #tpu.memory_space<vmem>>
      %dma_start3A_1712 = arith.constant 0 : i32
      %dma_start3A_1713 = arith.constant 0 : i32
      %dma_start3A_1714 = tpu.memref_slice %arg3[%dma_start3A_1712, %dma_start3A_1713, %multiple_of3A_1686] : memref<4x8x1000000xf32, #tpu.memory_space<hbm>> -> memref<4x8x128xf32, #tpu.memory_space<hbm>>
      tpu.enqueue_dma source(%dma_start3A_1714 : memref<4x8x128xf32, #tpu.memory_space<hbm>>) target(%dma_start3A_1711 : memref<4x8x128xf32, #tpu.memory_space<vmem>>) target_semaphore(%arg13 : memref<!tpu.dma_semaphore, #tpu.memory_space<semaphore_mem>>)
      %dma_start3A_1715 = arith.constant 20 : i32
      %dma_start3A_1716 = arith.constant 0 : i32
      %dma_start3A_1717 = arith.constant 0 : i32
      %dma_start3A_1718 = tpu.memref_slice %arg10[%dma_start3A_1715, %dma_start3A_1716, %dma_start3A_1717] : memref<32x8x128xf32, #tpu.memory_space<vmem>> -> memref<4x8x128xf32, #tpu.memory_space<vmem>>
      %dma_start3A_1719 = arith.constant 0 : i32
      %dma_start3A_1720 = arith.constant 0 : i32
      %dma_start3A_1721 = tpu.memref_slice %arg4[%dma_start3A_1719, %dma_start3A_1720, %multiple_of3A_1693] : memref<4x8x1000000xf32, #tpu.memory_space<hbm>> -> memref<4x8x128xf32, #tpu.memory_space<hbm>>
      %dma_start3A_1722 = arith.constant 20 : i32
      %dma_start3A_1723 = arith.constant 0 : i32
      %dma_start3A_1724 = arith.constant 0 : i32
      %dma_start3A_1725 = tpu.memref_slice %arg10[%dma_start3A_1722, %dma_start3A_1723, %dma_start3A_1724] : memref<32x8x128xf32, #tpu.memory_space<vmem>> -> memref<4x8x128xf32, #tpu.memory_space<vmem>>
      %dma_start3A_1726 = arith.constant 0 : i32
      %dma_start3A_1727 = arith.constant 0 : i32
      %dma_start3A_1728 = tpu.memref_slice %arg4[%dma_start3A_1726, %dma_start3A_1727, %multiple_of3A_1693] : memref<4x8x1000000xf32, #tpu.memory_space<hbm>> -> memref<4x8x128xf32, #tpu.memory_space<hbm>>
      tpu.enqueue_dma source(%dma_start3A_1728 : memref<4x8x128xf32, #tpu.memory_space<hbm>>) target(%dma_start3A_1725 : memref<4x8x128xf32, #tpu.memory_space<vmem>>) target_semaphore(%arg13 : memref<!tpu.dma_semaphore, #tpu.memory_space<semaphore_mem>>)
      %dma_start3A_1729 = arith.constant 20 : i32
      %dma_start3A_1730 = arith.constant 0 : i32
      %dma_start3A_1731 = arith.constant 0 : i32
      %dma_start3A_1732 = tpu.memref_slice %arg11[%dma_start3A_1729, %dma_start3A_1730, %dma_start3A_1731] : memref<32x8x128xf32, #tpu.memory_space<vmem>> -> memref<4x8x128xf32, #tpu.memory_space<vmem>>
      %dma_start3A_1733 = arith.constant 0 : i32
      %dma_start3A_1734 = arith.constant 0 : i32
      %dma_start3A_1735 = tpu.memref_slice %arg3[%dma_start3A_1733, %dma_start3A_1734, %multiple_of3A_1700] : memref<4x8x1000000xf32, #tpu.memory_space<hbm>> -> memref<4x8x128xf32, #tpu.memory_space<hbm>>
      %dma_start3A_1736 = arith.constant 20 : i32
      %dma_start3A_1737 = arith.constant 0 : i32
      %dma_start3A_1738 = arith.constant 0 : i32
      %dma_start3A_1739 = tpu.memref_slice %arg11[%dma_start3A_1736, %dma_start3A_1737, %dma_start3A_1738] : memref<32x8x128xf32, #tpu.memory_space<vmem>> -> memref<4x8x128xf32, #tpu.memory_space<vmem>>
      %dma_start3A_1740 = arith.constant 0 : i32
      %dma_start3A_1741 = arith.constant 0 : i32
      %dma_start3A_1742 = tpu.memref_slice %arg3[%dma_start3A_1740, %dma_start3A_1741, %multiple_of3A_1700] : memref<4x8x1000000xf32, #tpu.memory_space<hbm>> -> memref<4x8x128xf32, #tpu.memory_space<hbm>>
      tpu.enqueue_dma source(%dma_start3A_1742 : memref<4x8x128xf32, #tpu.memory_space<hbm>>) target(%dma_start3A_1739 : memref<4x8x128xf32, #tpu.memory_space<vmem>>) target_semaphore(%arg13 : memref<!tpu.dma_semaphore, #tpu.memory_space<semaphore_mem>>)
      %dma_wait3A_1743 = arith.constant 4 : i32
      %dma_wait3A_1744 = arith.constant 0 : i32
      %dma_wait3A_1745 = arith.constant 0 : i32
      %dma_wait3A_1746 = tpu.memref_slice %arg9[%dma_wait3A_1743, %dma_wait3A_1744, %dma_wait3A_1745] : memref<32x8x128xf32, #tpu.memory_space<vmem>> -> memref<4x8x128xf32, #tpu.memory_space<vmem>>
      %dma_wait3A_1747 = arith.constant 0 : i32
      %dma_wait3A_1748 = arith.constant 0 : i32
      %dma_wait3A_1749 = tpu.memref_slice %arg3[%dma_wait3A_1747, %dma_wait3A_1748, %multiple_of3A_1070] : memref<4x8x1000000xf32, #tpu.memory_space<hbm>> -> memref<4x8x128xf32, #tpu.memory_space<hbm>>
      %dma_wait3A_1750 = arith.constant 4 : i32
      %dma_wait3A_1751 = arith.constant 0 : i32
      %dma_wait3A_1752 = arith.constant 0 : i32
      %dma_wait3A_1753 = tpu.memref_slice %arg9[%dma_wait3A_1750, %dma_wait3A_1751, %dma_wait3A_1752] : memref<32x8x128xf32, #tpu.memory_space<vmem>> -> memref<4x8x128xf32, #tpu.memory_space<vmem>>
      %dma_wait3A_1754 = arith.constant 0 : i32
      %dma_wait3A_1755 = arith.constant 0 : i32
      %dma_wait3A_1756 = tpu.memref_slice %arg3[%dma_wait3A_1754, %dma_wait3A_1755, %multiple_of3A_1070] : memref<4x8x1000000xf32, #tpu.memory_space<hbm>> -> memref<4x8x128xf32, #tpu.memory_space<hbm>>
      tpu.wait_dma2 semaphore(%arg13 : memref<!tpu.dma_semaphore, #tpu.memory_space<semaphore_mem>>) src(%dma_wait3A_1756 : memref<4x8x128xf32, #tpu.memory_space<hbm>>) dst(%dma_wait3A_1753 : memref<4x8x128xf32, #tpu.memory_space<vmem>>)
      %dma_wait3A_1757 = arith.constant 4 : i32
      %dma_wait3A_1758 = arith.constant 0 : i32
      %dma_wait3A_1759 = arith.constant 0 : i32
      %dma_wait3A_1760 = tpu.memref_slice %arg10[%dma_wait3A_1757, %dma_wait3A_1758, %dma_wait3A_1759] : memref<32x8x128xf32, #tpu.memory_space<vmem>> -> memref<4x8x128xf32, #tpu.memory_space<vmem>>
      %dma_wait3A_1761 = arith.constant 0 : i32
      %dma_wait3A_1762 = arith.constant 0 : i32
      %dma_wait3A_1763 = tpu.memref_slice %arg4[%dma_wait3A_1761, %dma_wait3A_1762, %multiple_of3A_1077] : memref<4x8x1000000xf32, #tpu.memory_space<hbm>> -> memref<4x8x128xf32, #tpu.memory_space<hbm>>
      %dma_wait3A_1764 = arith.constant 4 : i32
      %dma_wait3A_1765 = arith.constant 0 : i32
      %dma_wait3A_1766 = arith.constant 0 : i32
      %dma_wait3A_1767 = tpu.memref_slice %arg10[%dma_wait3A_1764, %dma_wait3A_1765, %dma_wait3A_1766] : memref<32x8x128xf32, #tpu.memory_space<vmem>> -> memref<4x8x128xf32, #tpu.memory_space<vmem>>
      %dma_wait3A_1768 = arith.constant 0 : i32
      %dma_wait3A_1769 = arith.constant 0 : i32
      %dma_wait3A_1770 = tpu.memref_slice %arg4[%dma_wait3A_1768, %dma_wait3A_1769, %multiple_of3A_1077] : memref<4x8x1000000xf32, #tpu.memory_space<hbm>> -> memref<4x8x128xf32, #tpu.memory_space<hbm>>
      tpu.wait_dma2 semaphore(%arg13 : memref<!tpu.dma_semaphore, #tpu.memory_space<semaphore_mem>>) src(%dma_wait3A_1770 : memref<4x8x128xf32, #tpu.memory_space<hbm>>) dst(%dma_wait3A_1767 : memref<4x8x128xf32, #tpu.memory_space<vmem>>)
      %dma_wait3A_1771 = arith.constant 4 : i32
      %dma_wait3A_1772 = arith.constant 0 : i32
      %dma_wait3A_1773 = arith.constant 0 : i32
      %dma_wait3A_1774 = tpu.memref_slice %arg11[%dma_wait3A_1771, %dma_wait3A_1772, %dma_wait3A_1773] : memref<32x8x128xf32, #tpu.memory_space<vmem>> -> memref<4x8x128xf32, #tpu.memory_space<vmem>>
      %dma_wait3A_1775 = arith.constant 0 : i32
      %dma_wait3A_1776 = arith.constant 0 : i32
      %dma_wait3A_1777 = tpu.memref_slice %arg3[%dma_wait3A_1775, %dma_wait3A_1776, %multiple_of3A_1084] : memref<4x8x1000000xf32, #tpu.memory_space<hbm>> -> memref<4x8x128xf32, #tpu.memory_space<hbm>>
      %dma_wait3A_1778 = arith.constant 4 : i32
      %dma_wait3A_1779 = arith.constant 0 : i32
      %dma_wait3A_1780 = arith.constant 0 : i32
      %dma_wait3A_1781 = tpu.memref_slice %arg11[%dma_wait3A_1778, %dma_wait3A_1779, %dma_wait3A_1780] : memref<32x8x128xf32, #tpu.memory_space<vmem>> -> memref<4x8x128xf32, #tpu.memory_space<vmem>>
      %dma_wait3A_1782 = arith.constant 0 : i32
      %dma_wait3A_1783 = arith.constant 0 : i32
      %dma_wait3A_1784 = tpu.memref_slice %arg3[%dma_wait3A_1782, %dma_wait3A_1783, %multiple_of3A_1084] : memref<4x8x1000000xf32, #tpu.memory_space<hbm>> -> memref<4x8x128xf32, #tpu.memory_space<hbm>>
      tpu.wait_dma2 semaphore(%arg13 : memref<!tpu.dma_semaphore, #tpu.memory_space<semaphore_mem>>) src(%dma_wait3A_1784 : memref<4x8x128xf32, #tpu.memory_space<hbm>>) dst(%dma_wait3A_1781 : memref<4x8x128xf32, #tpu.memory_space<vmem>>)
      %add3A_1785 = arith.constant 9 : i32
      %add3A_1786 = arith.addi %mul3A_47, %add3A_1785 : i32
      %broadcast_in_dim3A_1787 = arith.constant 4 : i32
      %broadcast_in_dim3A_1788 = vector.broadcast %broadcast_in_dim3A_1787 : i32 to vector<16xi32>
      %shift_right_arithmetic3A_1789 = arith.constant 3 : i32
      %shift_right_arithmetic3A_1790 = vector.broadcast %shift_right_arithmetic3A_1789 : i32 to vector<16xi32>
      %shift_right_arithmetic3A_1791 = arith.shrsi %iota3A, %shift_right_arithmetic3A_1790 : vector<16xi32>
      %add3A_1792 = arith.addi %broadcast_in_dim3A_1788, %shift_right_arithmetic3A_1791 : vector<16xi32>
      %add3A_1793 = arith.constant 2 : i32
      %add3A_1794 = vector.broadcast %add3A_1793 : i32 to vector<16xi32>
      %add3A_1795 = arith.addi %add3A_1792, %add3A_1794 : vector<16xi32>
      %and3A_1796 = arith.constant 7 : i32
      %and3A_1797 = vector.broadcast %and3A_1796 : i32 to vector<16xi32>
      %and3A_1798 = arith.andi %iota3A, %and3A_1797 : vector<16xi32>
      %slice3A_1799 = vector.extract_strided_slice %get3A_48 {offsets = [9], sizes = [1], strides = [1]} : vector<16xi32> to vector<1xi32>
      %squeeze3A_1800 = vector.extract %slice3A_1799[0] : i32 from vector<1xi32>
      %and3A_1801 = arith.constant 127 : i32
      %and3A_1802 = arith.andi %squeeze3A_1800, %and3A_1801 : i32
      %broadcast_in_dim3A_1803 = vector.broadcast %and3A_1802 : i32 to vector<16xi32>
      %slice3A_1804 = vector.extract_strided_slice %get3A_50 {offsets = [9], sizes = [1], strides = [1]} : vector<16xi32> to vector<1xi32>
      %squeeze3A_1805 = vector.extract %slice3A_1804[0] : i32 from vector<1xi32>
      %and3A_1806 = arith.constant 127 : i32
      %and3A_1807 = arith.andi %squeeze3A_1805, %and3A_1806 : i32
      %broadcast_in_dim3A_1808 = vector.broadcast %and3A_1807 : i32 to vector<16xi32>
      %slice3A_1809 = vector.extract_strided_slice %get3A_52 {offsets = [9], sizes = [1], strides = [1]} : vector<16xi32> to vector<1xi32>
      %squeeze3A_1810 = vector.extract %slice3A_1809[0] : i32 from vector<1xi32>
      %and3A_1811 = arith.constant 127 : i32
      %and3A_1812 = arith.andi %squeeze3A_1810, %and3A_1811 : i32
      %broadcast_in_dim3A_1813 = vector.broadcast %and3A_1812 : i32 to vector<16xi32>
      %gather3A_1814 = tpu.vector_load_idx %arg9[%add3A_1792, %and3A_1798, %broadcast_in_dim3A_1803] : memref<32x8x128xf32, #tpu.memory_space<vmem>>[vector<16xi32>, vector<16xi32>, vector<16xi32>], vector<16xf32>,
      %gather3A_1815 = tpu.vector_load_idx %arg10[%add3A_1792, %and3A_1798, %broadcast_in_dim3A_1808] : memref<32x8x128xf32, #tpu.memory_space<vmem>>[vector<16xi32>, vector<16xi32>, vector<16xi32>], vector<16xf32>,
      %mul3A_1816 = arith.mulf %gather3A_1814, %gather3A_1815 : vector<16xf32>
      %gather3A_1817 = tpu.vector_load_idx %arg11[%add3A_1792, %and3A_1798, %broadcast_in_dim3A_1813] : memref<32x8x128xf32, #tpu.memory_space<vmem>>[vector<16xi32>, vector<16xi32>, vector<16xi32>], vector<16xf32>,
      %mul3A_1818 = arith.mulf %mul3A_1816, %gather3A_1817 : vector<16xf32>
      %gather3A_1819 = tpu.vector_load_idx %arg9[%add3A_1795, %and3A_1798, %broadcast_in_dim3A_1803] : memref<32x8x128xf32, #tpu.memory_space<vmem>>[vector<16xi32>, vector<16xi32>, vector<16xi32>], vector<16xf32>,
      %gather3A_1820 = tpu.vector_load_idx %arg10[%add3A_1795, %and3A_1798, %broadcast_in_dim3A_1808] : memref<32x8x128xf32, #tpu.memory_space<vmem>>[vector<16xi32>, vector<16xi32>, vector<16xi32>], vector<16xf32>,
      %mul3A_1821 = arith.mulf %gather3A_1819, %gather3A_1820 : vector<16xf32>
      %gather3A_1822 = tpu.vector_load_idx %arg11[%add3A_1795, %and3A_1798, %broadcast_in_dim3A_1813] : memref<32x8x128xf32, #tpu.memory_space<vmem>>[vector<16xi32>, vector<16xi32>, vector<16xi32>], vector<16xf32>,
      %mul3A_1823 = arith.mulf %mul3A_1821, %gather3A_1822 : vector<16xf32>
      %add3A_1824 = arith.addf %mul3A_1818, %mul3A_1823 : vector<16xf32>
      %reduce_sum3A_1825 = arith.constant true
      %reduce_sum3A_1826 = vector.broadcast %reduce_sum3A_1825 : i1 to vector<16xi1>
      %reduce_sum3A_1827 = tpu.scan <sum>, %add3A_1824 masked %reduce_sum3A_1826 : vector<16xf32>, vector<16xi1> -> vector<16xf32>
      %reduce_sum3A_1828 = vector.extract %reduce_sum3A_1827[15] : f32 from vector<16xf32>
      %broadcast_in_dim3A_1829 = vector.broadcast %add3A_1786 : i32 to vector<16xi32>
      %broadcast_in_dim3A_1830 = vector.broadcast %reduce_sum3A_1828 : f32 to vector<16xf32>
      %eq3A_1831 = arith.constant 0 : i32
      %eq3A_1832 = vector.broadcast %eq3A_1831 : i32 to vector<16xi32>
      %eq3A_1833 = arith.cmpi eq, %iota3A, %eq3A_1832 : vector<16xi32>
      tpu.vector_store_idx %arg12[%broadcast_in_dim3A_1829], %broadcast_in_dim3A_1830 masked %eq3A_1833 : memref<512xf32, #tpu.memory_space<vmem>>[vector<16xi32>], vector<16xf32>, vector<16xi1>
      %slice3A_1834 = vector.extract_strided_slice %get3A_48 {offsets = [14], sizes = [1], strides = [1]} : vector<16xi32> to vector<1xi32>
      %squeeze3A_1835 = vector.extract %slice3A_1834[0] : i32 from vector<1xi32>
      %shift_right_arithmetic3A_1836 = arith.constant 7 : i32
      %shift_right_arithmetic3A_1837 = arith.shrsi %squeeze3A_1835, %shift_right_arithmetic3A_1836 : i32
      %mul3A_1838 = arith.constant 128 : i32
      %mul3A_1839 = arith.muli %shift_right_arithmetic3A_1837, %mul3A_1838 : i32
      %multiple_of3A_1840 = tpu.assume_multiple %mul3A_1839, 128 : i32
      %slice3A_1841 = vector.extract_strided_slice %get3A_50 {offsets = [14], sizes = [1], strides = [1]} : vector<16xi32> to vector<1xi32>
      %squeeze3A_1842 = vector.extract %slice3A_1841[0] : i32 from vector<1xi32>
      %shift_right_arithmetic3A_1843 = arith.constant 7 : i32
      %shift_right_arithmetic3A_1844 = arith.shrsi %squeeze3A_1842, %shift_right_arithmetic3A_1843 : i32
      %mul3A_1845 = arith.constant 128 : i32
      %mul3A_1846 = arith.muli %shift_right_arithmetic3A_1844, %mul3A_1845 : i32
      %multiple_of3A_1847 = tpu.assume_multiple %mul3A_1846, 128 : i32
      %slice3A_1848 = vector.extract_strided_slice %get3A_52 {offsets = [14], sizes = [1], strides = [1]} : vector<16xi32> to vector<1xi32>
      %squeeze3A_1849 = vector.extract %slice3A_1848[0] : i32 from vector<1xi32>
      %shift_right_arithmetic3A_1850 = arith.constant 7 : i32
      %shift_right_arithmetic3A_1851 = arith.shrsi %squeeze3A_1849, %shift_right_arithmetic3A_1850 : i32
      %mul3A_1852 = arith.constant 128 : i32
      %mul3A_1853 = arith.muli %shift_right_arithmetic3A_1851, %mul3A_1852 : i32
      %multiple_of3A_1854 = tpu.assume_multiple %mul3A_1853, 128 : i32
      %dma_start3A_1855 = arith.constant 24 : i32
      %dma_start3A_1856 = arith.constant 0 : i32
      %dma_start3A_1857 = arith.constant 0 : i32
      %dma_start3A_1858 = tpu.memref_slice %arg9[%dma_start3A_1855, %dma_start3A_1856, %dma_start3A_1857] : memref<32x8x128xf32, #tpu.memory_space<vmem>> -> memref<4x8x128xf32, #tpu.memory_space<vmem>>
      %dma_start3A_1859 = arith.constant 0 : i32
      %dma_start3A_1860 = arith.constant 0 : i32
      %dma_start3A_1861 = tpu.memref_slice %arg3[%dma_start3A_1859, %dma_start3A_1860, %multiple_of3A_1840] : memref<4x8x1000000xf32, #tpu.memory_space<hbm>> -> memref<4x8x128xf32, #tpu.memory_space<hbm>>
      %dma_start3A_1862 = arith.constant 24 : i32
      %dma_start3A_1863 = arith.constant 0 : i32
      %dma_start3A_1864 = arith.constant 0 : i32
      %dma_start3A_1865 = tpu.memref_slice %arg9[%dma_start3A_1862, %dma_start3A_1863, %dma_start3A_1864] : memref<32x8x128xf32, #tpu.memory_space<vmem>> -> memref<4x8x128xf32, #tpu.memory_space<vmem>>
      %dma_start3A_1866 = arith.constant 0 : i32
      %dma_start3A_1867 = arith.constant 0 : i32
      %dma_start3A_1868 = tpu.memref_slice %arg3[%dma_start3A_1866, %dma_start3A_1867, %multiple_of3A_1840] : memref<4x8x1000000xf32, #tpu.memory_space<hbm>> -> memref<4x8x128xf32, #tpu.memory_space<hbm>>
      tpu.enqueue_dma source(%dma_start3A_1868 : memref<4x8x128xf32, #tpu.memory_space<hbm>>) target(%dma_start3A_1865 : memref<4x8x128xf32, #tpu.memory_space<vmem>>) target_semaphore(%arg13 : memref<!tpu.dma_semaphore, #tpu.memory_space<semaphore_mem>>)
      %dma_start3A_1869 = arith.constant 24 : i32
      %dma_start3A_1870 = arith.constant 0 : i32
      %dma_start3A_1871 = arith.constant 0 : i32
      %dma_start3A_1872 = tpu.memref_slice %arg10[%dma_start3A_1869, %dma_start3A_1870, %dma_start3A_1871] : memref<32x8x128xf32, #tpu.memory_space<vmem>> -> memref<4x8x128xf32, #tpu.memory_space<vmem>>
      %dma_start3A_1873 = arith.constant 0 : i32
      %dma_start3A_1874 = arith.constant 0 : i32
      %dma_start3A_1875 = tpu.memref_slice %arg4[%dma_start3A_1873, %dma_start3A_1874, %multiple_of3A_1847] : memref<4x8x1000000xf32, #tpu.memory_space<hbm>> -> memref<4x8x128xf32, #tpu.memory_space<hbm>>
      %dma_start3A_1876 = arith.constant 24 : i32
      %dma_start3A_1877 = arith.constant 0 : i32
      %dma_start3A_1878 = arith.constant 0 : i32
      %dma_start3A_1879 = tpu.memref_slice %arg10[%dma_start3A_1876, %dma_start3A_1877, %dma_start3A_1878] : memref<32x8x128xf32, #tpu.memory_space<vmem>> -> memref<4x8x128xf32, #tpu.memory_space<vmem>>
      %dma_start3A_1880 = arith.constant 0 : i32
      %dma_start3A_1881 = arith.constant 0 : i32
      %dma_start3A_1882 = tpu.memref_slice %arg4[%dma_start3A_1880, %dma_start3A_1881, %multiple_of3A_1847] : memref<4x8x1000000xf32, #tpu.memory_space<hbm>> -> memref<4x8x128xf32, #tpu.memory_space<hbm>>
      tpu.enqueue_dma source(%dma_start3A_1882 : memref<4x8x128xf32, #tpu.memory_space<hbm>>) target(%dma_start3A_1879 : memref<4x8x128xf32, #tpu.memory_space<vmem>>) target_semaphore(%arg13 : memref<!tpu.dma_semaphore, #tpu.memory_space<semaphore_mem>>)
      %dma_start3A_1883 = arith.constant 24 : i32
      %dma_start3A_1884 = arith.constant 0 : i32
      %dma_start3A_1885 = arith.constant 0 : i32
      %dma_start3A_1886 = tpu.memref_slice %arg11[%dma_start3A_1883, %dma_start3A_1884, %dma_start3A_1885] : memref<32x8x128xf32, #tpu.memory_space<vmem>> -> memref<4x8x128xf32, #tpu.memory_space<vmem>>
      %dma_start3A_1887 = arith.constant 0 : i32
      %dma_start3A_1888 = arith.constant 0 : i32
      %dma_start3A_1889 = tpu.memref_slice %arg3[%dma_start3A_1887, %dma_start3A_1888, %multiple_of3A_1854] : memref<4x8x1000000xf32, #tpu.memory_space<hbm>> -> memref<4x8x128xf32, #tpu.memory_space<hbm>>
      %dma_start3A_1890 = arith.constant 24 : i32
      %dma_start3A_1891 = arith.constant 0 : i32
      %dma_start3A_1892 = arith.constant 0 : i32
      %dma_start3A_1893 = tpu.memref_slice %arg11[%dma_start3A_1890, %dma_start3A_1891, %dma_start3A_1892] : memref<32x8x128xf32, #tpu.memory_space<vmem>> -> memref<4x8x128xf32, #tpu.memory_space<vmem>>
      %dma_start3A_1894 = arith.constant 0 : i32
      %dma_start3A_1895 = arith.constant 0 : i32
      %dma_start3A_1896 = tpu.memref_slice %arg3[%dma_start3A_1894, %dma_start3A_1895, %multiple_of3A_1854] : memref<4x8x1000000xf32, #tpu.memory_space<hbm>> -> memref<4x8x128xf32, #tpu.memory_space<hbm>>
      tpu.enqueue_dma source(%dma_start3A_1896 : memref<4x8x128xf32, #tpu.memory_space<hbm>>) target(%dma_start3A_1893 : memref<4x8x128xf32, #tpu.memory_space<vmem>>) target_semaphore(%arg13 : memref<!tpu.dma_semaphore, #tpu.memory_space<semaphore_mem>>)
      %dma_wait3A_1897 = arith.constant 8 : i32
      %dma_wait3A_1898 = arith.constant 0 : i32
      %dma_wait3A_1899 = arith.constant 0 : i32
      %dma_wait3A_1900 = tpu.memref_slice %arg9[%dma_wait3A_1897, %dma_wait3A_1898, %dma_wait3A_1899] : memref<32x8x128xf32, #tpu.memory_space<vmem>> -> memref<4x8x128xf32, #tpu.memory_space<vmem>>
      %dma_wait3A_1901 = arith.constant 0 : i32
      %dma_wait3A_1902 = arith.constant 0 : i32
      %dma_wait3A_1903 = tpu.memref_slice %arg3[%dma_wait3A_1901, %dma_wait3A_1902, %multiple_of3A_1224] : memref<4x8x1000000xf32, #tpu.memory_space<hbm>> -> memref<4x8x128xf32, #tpu.memory_space<hbm>>
      %dma_wait3A_1904 = arith.constant 8 : i32
      %dma_wait3A_1905 = arith.constant 0 : i32
      %dma_wait3A_1906 = arith.constant 0 : i32
      %dma_wait3A_1907 = tpu.memref_slice %arg9[%dma_wait3A_1904, %dma_wait3A_1905, %dma_wait3A_1906] : memref<32x8x128xf32, #tpu.memory_space<vmem>> -> memref<4x8x128xf32, #tpu.memory_space<vmem>>
      %dma_wait3A_1908 = arith.constant 0 : i32
      %dma_wait3A_1909 = arith.constant 0 : i32
      %dma_wait3A_1910 = tpu.memref_slice %arg3[%dma_wait3A_1908, %dma_wait3A_1909, %multiple_of3A_1224] : memref<4x8x1000000xf32, #tpu.memory_space<hbm>> -> memref<4x8x128xf32, #tpu.memory_space<hbm>>
      tpu.wait_dma2 semaphore(%arg13 : memref<!tpu.dma_semaphore, #tpu.memory_space<semaphore_mem>>) src(%dma_wait3A_1910 : memref<4x8x128xf32, #tpu.memory_space<hbm>>) dst(%dma_wait3A_1907 : memref<4x8x128xf32, #tpu.memory_space<vmem>>)
      %dma_wait3A_1911 = arith.constant 8 : i32
      %dma_wait3A_1912 = arith.constant 0 : i32
      %dma_wait3A_1913 = arith.constant 0 : i32
      %dma_wait3A_1914 = tpu.memref_slice %arg10[%dma_wait3A_1911, %dma_wait3A_1912, %dma_wait3A_1913] : memref<32x8x128xf32, #tpu.memory_space<vmem>> -> memref<4x8x128xf32, #tpu.memory_space<vmem>>
      %dma_wait3A_1915 = arith.constant 0 : i32
      %dma_wait3A_1916 = arith.constant 0 : i32
      %dma_wait3A_1917 = tpu.memref_slice %arg4[%dma_wait3A_1915, %dma_wait3A_1916, %multiple_of3A_1231] : memref<4x8x1000000xf32, #tpu.memory_space<hbm>> -> memref<4x8x128xf32, #tpu.memory_space<hbm>>
      %dma_wait3A_1918 = arith.constant 8 : i32
      %dma_wait3A_1919 = arith.constant 0 : i32
      %dma_wait3A_1920 = arith.constant 0 : i32
      %dma_wait3A_1921 = tpu.memref_slice %arg10[%dma_wait3A_1918, %dma_wait3A_1919, %dma_wait3A_1920] : memref<32x8x128xf32, #tpu.memory_space<vmem>> -> memref<4x8x128xf32, #tpu.memory_space<vmem>>
      %dma_wait3A_1922 = arith.constant 0 : i32
      %dma_wait3A_1923 = arith.constant 0 : i32
      %dma_wait3A_1924 = tpu.memref_slice %arg4[%dma_wait3A_1922, %dma_wait3A_1923, %multiple_of3A_1231] : memref<4x8x1000000xf32, #tpu.memory_space<hbm>> -> memref<4x8x128xf32, #tpu.memory_space<hbm>>
      tpu.wait_dma2 semaphore(%arg13 : memref<!tpu.dma_semaphore, #tpu.memory_space<semaphore_mem>>) src(%dma_wait3A_1924 : memref<4x8x128xf32, #tpu.memory_space<hbm>>) dst(%dma_wait3A_1921 : memref<4x8x128xf32, #tpu.memory_space<vmem>>)
      %dma_wait3A_1925 = arith.constant 8 : i32
      %dma_wait3A_1926 = arith.constant 0 : i32
      %dma_wait3A_1927 = arith.constant 0 : i32
      %dma_wait3A_1928 = tpu.memref_slice %arg11[%dma_wait3A_1925, %dma_wait3A_1926, %dma_wait3A_1927] : memref<32x8x128xf32, #tpu.memory_space<vmem>> -> memref<4x8x128xf32, #tpu.memory_space<vmem>>
      %dma_wait3A_1929 = arith.constant 0 : i32
      %dma_wait3A_1930 = arith.constant 0 : i32
      %dma_wait3A_1931 = tpu.memref_slice %arg3[%dma_wait3A_1929, %dma_wait3A_1930, %multiple_of3A_1238] : memref<4x8x1000000xf32, #tpu.memory_space<hbm>> -> memref<4x8x128xf32, #tpu.memory_space<hbm>>
      %dma_wait3A_1932 = arith.constant 8 : i32
      %dma_wait3A_1933 = arith.constant 0 : i32
      %dma_wait3A_1934 = arith.constant 0 : i32
      %dma_wait3A_1935 = tpu.memref_slice %arg11[%dma_wait3A_1932, %dma_wait3A_1933, %dma_wait3A_1934] : memref<32x8x128xf32, #tpu.memory_space<vmem>> -> memref<4x8x128xf32, #tpu.memory_space<vmem>>
      %dma_wait3A_1936 = arith.constant 0 : i32
      %dma_wait3A_1937 = arith.constant 0 : i32
      %dma_wait3A_1938 = tpu.memref_slice %arg3[%dma_wait3A_1936, %dma_wait3A_1937, %multiple_of3A_1238] : memref<4x8x1000000xf32, #tpu.memory_space<hbm>> -> memref<4x8x128xf32, #tpu.memory_space<hbm>>
      tpu.wait_dma2 semaphore(%arg13 : memref<!tpu.dma_semaphore, #tpu.memory_space<semaphore_mem>>) src(%dma_wait3A_1938 : memref<4x8x128xf32, #tpu.memory_space<hbm>>) dst(%dma_wait3A_1935 : memref<4x8x128xf32, #tpu.memory_space<vmem>>)
      %add3A_1939 = arith.constant 10 : i32
      %add3A_1940 = arith.addi %mul3A_47, %add3A_1939 : i32
      %broadcast_in_dim3A_1941 = arith.constant 8 : i32
      %broadcast_in_dim3A_1942 = vector.broadcast %broadcast_in_dim3A_1941 : i32 to vector<16xi32>
      %shift_right_arithmetic3A_1943 = arith.constant 3 : i32
      %shift_right_arithmetic3A_1944 = vector.broadcast %shift_right_arithmetic3A_1943 : i32 to vector<16xi32>
      %shift_right_arithmetic3A_1945 = arith.shrsi %iota3A, %shift_right_arithmetic3A_1944 : vector<16xi32>
      %add3A_1946 = arith.addi %broadcast_in_dim3A_1942, %shift_right_arithmetic3A_1945 : vector<16xi32>
      %add3A_1947 = arith.constant 2 : i32
      %add3A_1948 = vector.broadcast %add3A_1947 : i32 to vector<16xi32>
      %add3A_1949 = arith.addi %add3A_1946, %add3A_1948 : vector<16xi32>
      %and3A_1950 = arith.constant 7 : i32
      %and3A_1951 = vector.broadcast %and3A_1950 : i32 to vector<16xi32>
      %and3A_1952 = arith.andi %iota3A, %and3A_1951 : vector<16xi32>
      %slice3A_1953 = vector.extract_strided_slice %get3A_48 {offsets = [10], sizes = [1], strides = [1]} : vector<16xi32> to vector<1xi32>
      %squeeze3A_1954 = vector.extract %slice3A_1953[0] : i32 from vector<1xi32>
      %and3A_1955 = arith.constant 127 : i32
      %and3A_1956 = arith.andi %squeeze3A_1954, %and3A_1955 : i32
      %broadcast_in_dim3A_1957 = vector.broadcast %and3A_1956 : i32 to vector<16xi32>
      %slice3A_1958 = vector.extract_strided_slice %get3A_50 {offsets = [10], sizes = [1], strides = [1]} : vector<16xi32> to vector<1xi32>
      %squeeze3A_1959 = vector.extract %slice3A_1958[0] : i32 from vector<1xi32>
      %and3A_1960 = arith.constant 127 : i32
      %and3A_1961 = arith.andi %squeeze3A_1959, %and3A_1960 : i32
      %broadcast_in_dim3A_1962 = vector.broadcast %and3A_1961 : i32 to vector<16xi32>
      %slice3A_1963 = vector.extract_strided_slice %get3A_52 {offsets = [10], sizes = [1], strides = [1]} : vector<16xi32> to vector<1xi32>
      %squeeze3A_1964 = vector.extract %slice3A_1963[0] : i32 from vector<1xi32>
      %and3A_1965 = arith.constant 127 : i32
      %and3A_1966 = arith.andi %squeeze3A_1964, %and3A_1965 : i32
      %broadcast_in_dim3A_1967 = vector.broadcast %and3A_1966 : i32 to vector<16xi32>
      %gather3A_1968 = tpu.vector_load_idx %arg9[%add3A_1946, %and3A_1952, %broadcast_in_dim3A_1957] : memref<32x8x128xf32, #tpu.memory_space<vmem>>[vector<16xi32>, vector<16xi32>, vector<16xi32>], vector<16xf32>,
      %gather3A_1969 = tpu.vector_load_idx %arg10[%add3A_1946, %and3A_1952, %broadcast_in_dim3A_1962] : memref<32x8x128xf32, #tpu.memory_space<vmem>>[vector<16xi32>, vector<16xi32>, vector<16xi32>], vector<16xf32>,
      %mul3A_1970 = arith.mulf %gather3A_1968, %gather3A_1969 : vector<16xf32>
      %gather3A_1971 = tpu.vector_load_idx %arg11[%add3A_1946, %and3A_1952, %broadcast_in_dim3A_1967] : memref<32x8x128xf32, #tpu.memory_space<vmem>>[vector<16xi32>, vector<16xi32>, vector<16xi32>], vector<16xf32>,
      %mul3A_1972 = arith.mulf %mul3A_1970, %gather3A_1971 : vector<16xf32>
      %gather3A_1973 = tpu.vector_load_idx %arg9[%add3A_1949, %and3A_1952, %broadcast_in_dim3A_1957] : memref<32x8x128xf32, #tpu.memory_space<vmem>>[vector<16xi32>, vector<16xi32>, vector<16xi32>], vector<16xf32>,
      %gather3A_1974 = tpu.vector_load_idx %arg10[%add3A_1949, %and3A_1952, %broadcast_in_dim3A_1962] : memref<32x8x128xf32, #tpu.memory_space<vmem>>[vector<16xi32>, vector<16xi32>, vector<16xi32>], vector<16xf32>,
      %mul3A_1975 = arith.mulf %gather3A_1973, %gather3A_1974 : vector<16xf32>
      %gather3A_1976 = tpu.vector_load_idx %arg11[%add3A_1949, %and3A_1952, %broadcast_in_dim3A_1967] : memref<32x8x128xf32, #tpu.memory_space<vmem>>[vector<16xi32>, vector<16xi32>, vector<16xi32>], vector<16xf32>,
      %mul3A_1977 = arith.mulf %mul3A_1975, %gather3A_1976 : vector<16xf32>
      %add3A_1978 = arith.addf %mul3A_1972, %mul3A_1977 : vector<16xf32>
      %reduce_sum3A_1979 = arith.constant true
      %reduce_sum3A_1980 = vector.broadcast %reduce_sum3A_1979 : i1 to vector<16xi1>
      %reduce_sum3A_1981 = tpu.scan <sum>, %add3A_1978 masked %reduce_sum3A_1980 : vector<16xf32>, vector<16xi1> -> vector<16xf32>
      %reduce_sum3A_1982 = vector.extract %reduce_sum3A_1981[15] : f32 from vector<16xf32>
      %broadcast_in_dim3A_1983 = vector.broadcast %add3A_1940 : i32 to vector<16xi32>
      %broadcast_in_dim3A_1984 = vector.broadcast %reduce_sum3A_1982 : f32 to vector<16xf32>
      %eq3A_1985 = arith.constant 0 : i32
      %eq3A_1986 = vector.broadcast %eq3A_1985 : i32 to vector<16xi32>
      %eq3A_1987 = arith.cmpi eq, %iota3A, %eq3A_1986 : vector<16xi32>
      tpu.vector_store_idx %arg12[%broadcast_in_dim3A_1983], %broadcast_in_dim3A_1984 masked %eq3A_1987 : memref<512xf32, #tpu.memory_space<vmem>>[vector<16xi32>], vector<16xf32>, vector<16xi1>
      %slice3A_1988 = vector.extract_strided_slice %get3A_48 {offsets = [15], sizes = [1], strides = [1]} : vector<16xi32> to vector<1xi32>
      %squeeze3A_1989 = vector.extract %slice3A_1988[0] : i32 from vector<1xi32>
      %shift_right_arithmetic3A_1990 = arith.constant 7 : i32
      %shift_right_arithmetic3A_1991 = arith.shrsi %squeeze3A_1989, %shift_right_arithmetic3A_1990 : i32
      %mul3A_1992 = arith.constant 128 : i32
      %mul3A_1993 = arith.muli %shift_right_arithmetic3A_1991, %mul3A_1992 : i32
      %multiple_of3A_1994 = tpu.assume_multiple %mul3A_1993, 128 : i32
      %slice3A_1995 = vector.extract_strided_slice %get3A_50 {offsets = [15], sizes = [1], strides = [1]} : vector<16xi32> to vector<1xi32>
      %squeeze3A_1996 = vector.extract %slice3A_1995[0] : i32 from vector<1xi32>
      %shift_right_arithmetic3A_1997 = arith.constant 7 : i32
      %shift_right_arithmetic3A_1998 = arith.shrsi %squeeze3A_1996, %shift_right_arithmetic3A_1997 : i32
      %mul3A_1999 = arith.constant 128 : i32
      %mul3A_2000 = arith.muli %shift_right_arithmetic3A_1998, %mul3A_1999 : i32
      %multiple_of3A_2001 = tpu.assume_multiple %mul3A_2000, 128 : i32
      %slice3A_2002 = vector.extract_strided_slice %get3A_52 {offsets = [15], sizes = [1], strides = [1]} : vector<16xi32> to vector<1xi32>
      %squeeze3A_2003 = vector.extract %slice3A_2002[0] : i32 from vector<1xi32>
      %shift_right_arithmetic3A_2004 = arith.constant 7 : i32
      %shift_right_arithmetic3A_2005 = arith.shrsi %squeeze3A_2003, %shift_right_arithmetic3A_2004 : i32
      %mul3A_2006 = arith.constant 128 : i32
      %mul3A_2007 = arith.muli %shift_right_arithmetic3A_2005, %mul3A_2006 : i32
      %multiple_of3A_2008 = tpu.assume_multiple %mul3A_2007, 128 : i32
      %dma_start3A_2009 = arith.constant 28 : i32
      %dma_start3A_2010 = arith.constant 0 : i32
      %dma_start3A_2011 = arith.constant 0 : i32
      %dma_start3A_2012 = tpu.memref_slice %arg9[%dma_start3A_2009, %dma_start3A_2010, %dma_start3A_2011] : memref<32x8x128xf32, #tpu.memory_space<vmem>> -> memref<4x8x128xf32, #tpu.memory_space<vmem>>
      %dma_start3A_2013 = arith.constant 0 : i32
      %dma_start3A_2014 = arith.constant 0 : i32
      %dma_start3A_2015 = tpu.memref_slice %arg3[%dma_start3A_2013, %dma_start3A_2014, %multiple_of3A_1994] : memref<4x8x1000000xf32, #tpu.memory_space<hbm>> -> memref<4x8x128xf32, #tpu.memory_space<hbm>>
      %dma_start3A_2016 = arith.constant 28 : i32
      %dma_start3A_2017 = arith.constant 0 : i32
      %dma_start3A_2018 = arith.constant 0 : i32
      %dma_start3A_2019 = tpu.memref_slice %arg9[%dma_start3A_2016, %dma_start3A_2017, %dma_start3A_2018] : memref<32x8x128xf32, #tpu.memory_space<vmem>> -> memref<4x8x128xf32, #tpu.memory_space<vmem>>
      %dma_start3A_2020 = arith.constant 0 : i32
      %dma_start3A_2021 = arith.constant 0 : i32
      %dma_start3A_2022 = tpu.memref_slice %arg3[%dma_start3A_2020, %dma_start3A_2021, %multiple_of3A_1994] : memref<4x8x1000000xf32, #tpu.memory_space<hbm>> -> memref<4x8x128xf32, #tpu.memory_space<hbm>>
      tpu.enqueue_dma source(%dma_start3A_2022 : memref<4x8x128xf32, #tpu.memory_space<hbm>>) target(%dma_start3A_2019 : memref<4x8x128xf32, #tpu.memory_space<vmem>>) target_semaphore(%arg13 : memref<!tpu.dma_semaphore, #tpu.memory_space<semaphore_mem>>)
      %dma_start3A_2023 = arith.constant 28 : i32
      %dma_start3A_2024 = arith.constant 0 : i32
      %dma_start3A_2025 = arith.constant 0 : i32
      %dma_start3A_2026 = tpu.memref_slice %arg10[%dma_start3A_2023, %dma_start3A_2024, %dma_start3A_2025] : memref<32x8x128xf32, #tpu.memory_space<vmem>> -> memref<4x8x128xf32, #tpu.memory_space<vmem>>
      %dma_start3A_2027 = arith.constant 0 : i32
      %dma_start3A_2028 = arith.constant 0 : i32
      %dma_start3A_2029 = tpu.memref_slice %arg4[%dma_start3A_2027, %dma_start3A_2028, %multiple_of3A_2001] : memref<4x8x1000000xf32, #tpu.memory_space<hbm>> -> memref<4x8x128xf32, #tpu.memory_space<hbm>>
      %dma_start3A_2030 = arith.constant 28 : i32
      %dma_start3A_2031 = arith.constant 0 : i32
      %dma_start3A_2032 = arith.constant 0 : i32
      %dma_start3A_2033 = tpu.memref_slice %arg10[%dma_start3A_2030, %dma_start3A_2031, %dma_start3A_2032] : memref<32x8x128xf32, #tpu.memory_space<vmem>> -> memref<4x8x128xf32, #tpu.memory_space<vmem>>
      %dma_start3A_2034 = arith.constant 0 : i32
      %dma_start3A_2035 = arith.constant 0 : i32
      %dma_start3A_2036 = tpu.memref_slice %arg4[%dma_start3A_2034, %dma_start3A_2035, %multiple_of3A_2001] : memref<4x8x1000000xf32, #tpu.memory_space<hbm>> -> memref<4x8x128xf32, #tpu.memory_space<hbm>>
      tpu.enqueue_dma source(%dma_start3A_2036 : memref<4x8x128xf32, #tpu.memory_space<hbm>>) target(%dma_start3A_2033 : memref<4x8x128xf32, #tpu.memory_space<vmem>>) target_semaphore(%arg13 : memref<!tpu.dma_semaphore, #tpu.memory_space<semaphore_mem>>)
      %dma_start3A_2037 = arith.constant 28 : i32
      %dma_start3A_2038 = arith.constant 0 : i32
      %dma_start3A_2039 = arith.constant 0 : i32
      %dma_start3A_2040 = tpu.memref_slice %arg11[%dma_start3A_2037, %dma_start3A_2038, %dma_start3A_2039] : memref<32x8x128xf32, #tpu.memory_space<vmem>> -> memref<4x8x128xf32, #tpu.memory_space<vmem>>
      %dma_start3A_2041 = arith.constant 0 : i32
      %dma_start3A_2042 = arith.constant 0 : i32
      %dma_start3A_2043 = tpu.memref_slice %arg3[%dma_start3A_2041, %dma_start3A_2042, %multiple_of3A_2008] : memref<4x8x1000000xf32, #tpu.memory_space<hbm>> -> memref<4x8x128xf32, #tpu.memory_space<hbm>>
      %dma_start3A_2044 = arith.constant 28 : i32
      %dma_start3A_2045 = arith.constant 0 : i32
      %dma_start3A_2046 = arith.constant 0 : i32
      %dma_start3A_2047 = tpu.memref_slice %arg11[%dma_start3A_2044, %dma_start3A_2045, %dma_start3A_2046] : memref<32x8x128xf32, #tpu.memory_space<vmem>> -> memref<4x8x128xf32, #tpu.memory_space<vmem>>
      %dma_start3A_2048 = arith.constant 0 : i32
      %dma_start3A_2049 = arith.constant 0 : i32
      %dma_start3A_2050 = tpu.memref_slice %arg3[%dma_start3A_2048, %dma_start3A_2049, %multiple_of3A_2008] : memref<4x8x1000000xf32, #tpu.memory_space<hbm>> -> memref<4x8x128xf32, #tpu.memory_space<hbm>>
      tpu.enqueue_dma source(%dma_start3A_2050 : memref<4x8x128xf32, #tpu.memory_space<hbm>>) target(%dma_start3A_2047 : memref<4x8x128xf32, #tpu.memory_space<vmem>>) target_semaphore(%arg13 : memref<!tpu.dma_semaphore, #tpu.memory_space<semaphore_mem>>)
      %dma_wait3A_2051 = arith.constant 12 : i32
      %dma_wait3A_2052 = arith.constant 0 : i32
      %dma_wait3A_2053 = arith.constant 0 : i32
      %dma_wait3A_2054 = tpu.memref_slice %arg9[%dma_wait3A_2051, %dma_wait3A_2052, %dma_wait3A_2053] : memref<32x8x128xf32, #tpu.memory_space<vmem>> -> memref<4x8x128xf32, #tpu.memory_space<vmem>>
      %dma_wait3A_2055 = arith.constant 0 : i32
      %dma_wait3A_2056 = arith.constant 0 : i32
      %dma_wait3A_2057 = tpu.memref_slice %arg3[%dma_wait3A_2055, %dma_wait3A_2056, %multiple_of3A_1378] : memref<4x8x1000000xf32, #tpu.memory_space<hbm>> -> memref<4x8x128xf32, #tpu.memory_space<hbm>>
      %dma_wait3A_2058 = arith.constant 12 : i32
      %dma_wait3A_2059 = arith.constant 0 : i32
      %dma_wait3A_2060 = arith.constant 0 : i32
      %dma_wait3A_2061 = tpu.memref_slice %arg9[%dma_wait3A_2058, %dma_wait3A_2059, %dma_wait3A_2060] : memref<32x8x128xf32, #tpu.memory_space<vmem>> -> memref<4x8x128xf32, #tpu.memory_space<vmem>>
      %dma_wait3A_2062 = arith.constant 0 : i32
      %dma_wait3A_2063 = arith.constant 0 : i32
      %dma_wait3A_2064 = tpu.memref_slice %arg3[%dma_wait3A_2062, %dma_wait3A_2063, %multiple_of3A_1378] : memref<4x8x1000000xf32, #tpu.memory_space<hbm>> -> memref<4x8x128xf32, #tpu.memory_space<hbm>>
      tpu.wait_dma2 semaphore(%arg13 : memref<!tpu.dma_semaphore, #tpu.memory_space<semaphore_mem>>) src(%dma_wait3A_2064 : memref<4x8x128xf32, #tpu.memory_space<hbm>>) dst(%dma_wait3A_2061 : memref<4x8x128xf32, #tpu.memory_space<vmem>>)
      %dma_wait3A_2065 = arith.constant 12 : i32
      %dma_wait3A_2066 = arith.constant 0 : i32
      %dma_wait3A_2067 = arith.constant 0 : i32
      %dma_wait3A_2068 = tpu.memref_slice %arg10[%dma_wait3A_2065, %dma_wait3A_2066, %dma_wait3A_2067] : memref<32x8x128xf32, #tpu.memory_space<vmem>> -> memref<4x8x128xf32, #tpu.memory_space<vmem>>
      %dma_wait3A_2069 = arith.constant 0 : i32
      %dma_wait3A_2070 = arith.constant 0 : i32
      %dma_wait3A_2071 = tpu.memref_slice %arg4[%dma_wait3A_2069, %dma_wait3A_2070, %multiple_of3A_1385] : memref<4x8x1000000xf32, #tpu.memory_space<hbm>> -> memref<4x8x128xf32, #tpu.memory_space<hbm>>
      %dma_wait3A_2072 = arith.constant 12 : i32
      %dma_wait3A_2073 = arith.constant 0 : i32
      %dma_wait3A_2074 = arith.constant 0 : i32
      %dma_wait3A_2075 = tpu.memref_slice %arg10[%dma_wait3A_2072, %dma_wait3A_2073, %dma_wait3A_2074] : memref<32x8x128xf32, #tpu.memory_space<vmem>> -> memref<4x8x128xf32, #tpu.memory_space<vmem>>
      %dma_wait3A_2076 = arith.constant 0 : i32
      %dma_wait3A_2077 = arith.constant 0 : i32
      %dma_wait3A_2078 = tpu.memref_slice %arg4[%dma_wait3A_2076, %dma_wait3A_2077, %multiple_of3A_1385] : memref<4x8x1000000xf32, #tpu.memory_space<hbm>> -> memref<4x8x128xf32, #tpu.memory_space<hbm>>
      tpu.wait_dma2 semaphore(%arg13 : memref<!tpu.dma_semaphore, #tpu.memory_space<semaphore_mem>>) src(%dma_wait3A_2078 : memref<4x8x128xf32, #tpu.memory_space<hbm>>) dst(%dma_wait3A_2075 : memref<4x8x128xf32, #tpu.memory_space<vmem>>)
      %dma_wait3A_2079 = arith.constant 12 : i32
      %dma_wait3A_2080 = arith.constant 0 : i32
      %dma_wait3A_2081 = arith.constant 0 : i32
      %dma_wait3A_2082 = tpu.memref_slice %arg11[%dma_wait3A_2079, %dma_wait3A_2080, %dma_wait3A_2081] : memref<32x8x128xf32, #tpu.memory_space<vmem>> -> memref<4x8x128xf32, #tpu.memory_space<vmem>>
      %dma_wait3A_2083 = arith.constant 0 : i32
      %dma_wait3A_2084 = arith.constant 0 : i32
      %dma_wait3A_2085 = tpu.memref_slice %arg3[%dma_wait3A_2083, %dma_wait3A_2084, %multiple_of3A_1392] : memref<4x8x1000000xf32, #tpu.memory_space<hbm>> -> memref<4x8x128xf32, #tpu.memory_space<hbm>>
      %dma_wait3A_2086 = arith.constant 12 : i32
      %dma_wait3A_2087 = arith.constant 0 : i32
      %dma_wait3A_2088 = arith.constant 0 : i32
      %dma_wait3A_2089 = tpu.memref_slice %arg11[%dma_wait3A_2086, %dma_wait3A_2087, %dma_wait3A_2088] : memref<32x8x128xf32, #tpu.memory_space<vmem>> -> memref<4x8x128xf32, #tpu.memory_space<vmem>>
      %dma_wait3A_2090 = arith.constant 0 : i32
      %dma_wait3A_2091 = arith.constant 0 : i32
      %dma_wait3A_2092 = tpu.memref_slice %arg3[%dma_wait3A_2090, %dma_wait3A_2091, %multiple_of3A_1392] : memref<4x8x1000000xf32, #tpu.memory_space<hbm>> -> memref<4x8x128xf32, #tpu.memory_space<hbm>>
      tpu.wait_dma2 semaphore(%arg13 : memref<!tpu.dma_semaphore, #tpu.memory_space<semaphore_mem>>) src(%dma_wait3A_2092 : memref<4x8x128xf32, #tpu.memory_space<hbm>>) dst(%dma_wait3A_2089 : memref<4x8x128xf32, #tpu.memory_space<vmem>>)
      %add3A_2093 = arith.constant 11 : i32
      %add3A_2094 = arith.addi %mul3A_47, %add3A_2093 : i32
      %broadcast_in_dim3A_2095 = arith.constant 12 : i32
      %broadcast_in_dim3A_2096 = vector.broadcast %broadcast_in_dim3A_2095 : i32 to vector<16xi32>
      %shift_right_arithmetic3A_2097 = arith.constant 3 : i32
      %shift_right_arithmetic3A_2098 = vector.broadcast %shift_right_arithmetic3A_2097 : i32 to vector<16xi32>
      %shift_right_arithmetic3A_2099 = arith.shrsi %iota3A, %shift_right_arithmetic3A_2098 : vector<16xi32>
      %add3A_2100 = arith.addi %broadcast_in_dim3A_2096, %shift_right_arithmetic3A_2099 : vector<16xi32>
      %add3A_2101 = arith.constant 2 : i32
      %add3A_2102 = vector.broadcast %add3A_2101 : i32 to vector<16xi32>
      %add3A_2103 = arith.addi %add3A_2100, %add3A_2102 : vector<16xi32>
      %and3A_2104 = arith.constant 7 : i32
      %and3A_2105 = vector.broadcast %and3A_2104 : i32 to vector<16xi32>
      %and3A_2106 = arith.andi %iota3A, %and3A_2105 : vector<16xi32>
      %slice3A_2107 = vector.extract_strided_slice %get3A_48 {offsets = [11], sizes = [1], strides = [1]} : vector<16xi32> to vector<1xi32>
      %squeeze3A_2108 = vector.extract %slice3A_2107[0] : i32 from vector<1xi32>
      %and3A_2109 = arith.constant 127 : i32
      %and3A_2110 = arith.andi %squeeze3A_2108, %and3A_2109 : i32
      %broadcast_in_dim3A_2111 = vector.broadcast %and3A_2110 : i32 to vector<16xi32>
      %slice3A_2112 = vector.extract_strided_slice %get3A_50 {offsets = [11], sizes = [1], strides = [1]} : vector<16xi32> to vector<1xi32>
      %squeeze3A_2113 = vector.extract %slice3A_2112[0] : i32 from vector<1xi32>
      %and3A_2114 = arith.constant 127 : i32
      %and3A_2115 = arith.andi %squeeze3A_2113, %and3A_2114 : i32
      %broadcast_in_dim3A_2116 = vector.broadcast %and3A_2115 : i32 to vector<16xi32>
      %slice3A_2117 = vector.extract_strided_slice %get3A_52 {offsets = [11], sizes = [1], strides = [1]} : vector<16xi32> to vector<1xi32>
      %squeeze3A_2118 = vector.extract %slice3A_2117[0] : i32 from vector<1xi32>
      %and3A_2119 = arith.constant 127 : i32
      %and3A_2120 = arith.andi %squeeze3A_2118, %and3A_2119 : i32
      %broadcast_in_dim3A_2121 = vector.broadcast %and3A_2120 : i32 to vector<16xi32>
      %gather3A_2122 = tpu.vector_load_idx %arg9[%add3A_2100, %and3A_2106, %broadcast_in_dim3A_2111] : memref<32x8x128xf32, #tpu.memory_space<vmem>>[vector<16xi32>, vector<16xi32>, vector<16xi32>], vector<16xf32>,
      %gather3A_2123 = tpu.vector_load_idx %arg10[%add3A_2100, %and3A_2106, %broadcast_in_dim3A_2116] : memref<32x8x128xf32, #tpu.memory_space<vmem>>[vector<16xi32>, vector<16xi32>, vector<16xi32>], vector<16xf32>,
      %mul3A_2124 = arith.mulf %gather3A_2122, %gather3A_2123 : vector<16xf32>
      %gather3A_2125 = tpu.vector_load_idx %arg11[%add3A_2100, %and3A_2106, %broadcast_in_dim3A_2121] : memref<32x8x128xf32, #tpu.memory_space<vmem>>[vector<16xi32>, vector<16xi32>, vector<16xi32>], vector<16xf32>,
      %mul3A_2126 = arith.mulf %mul3A_2124, %gather3A_2125 : vector<16xf32>
      %gather3A_2127 = tpu.vector_load_idx %arg9[%add3A_2103, %and3A_2106, %broadcast_in_dim3A_2111] : memref<32x8x128xf32, #tpu.memory_space<vmem>>[vector<16xi32>, vector<16xi32>, vector<16xi32>], vector<16xf32>,
      %gather3A_2128 = tpu.vector_load_idx %arg10[%add3A_2103, %and3A_2106, %broadcast_in_dim3A_2116] : memref<32x8x128xf32, #tpu.memory_space<vmem>>[vector<16xi32>, vector<16xi32>, vector<16xi32>], vector<16xf32>,
      %mul3A_2129 = arith.mulf %gather3A_2127, %gather3A_2128 : vector<16xf32>
      %gather3A_2130 = tpu.vector_load_idx %arg11[%add3A_2103, %and3A_2106, %broadcast_in_dim3A_2121] : memref<32x8x128xf32, #tpu.memory_space<vmem>>[vector<16xi32>, vector<16xi32>, vector<16xi32>], vector<16xf32>,
      %mul3A_2131 = arith.mulf %mul3A_2129, %gather3A_2130 : vector<16xf32>
      %add3A_2132 = arith.addf %mul3A_2126, %mul3A_2131 : vector<16xf32>
      %reduce_sum3A_2133 = arith.constant true
      %reduce_sum3A_2134 = vector.broadcast %reduce_sum3A_2133 : i1 to vector<16xi1>
      %reduce_sum3A_2135 = tpu.scan <sum>, %add3A_2132 masked %reduce_sum3A_2134 : vector<16xf32>, vector<16xi1> -> vector<16xf32>
      %reduce_sum3A_2136 = vector.extract %reduce_sum3A_2135[15] : f32 from vector<16xf32>
      %broadcast_in_dim3A_2137 = vector.broadcast %add3A_2094 : i32 to vector<16xi32>
      %broadcast_in_dim3A_2138 = vector.broadcast %reduce_sum3A_2136 : f32 to vector<16xf32>
      %eq3A_2139 = arith.constant 0 : i32
      %eq3A_2140 = vector.broadcast %eq3A_2139 : i32 to vector<16xi32>
      %eq3A_2141 = arith.cmpi eq, %iota3A, %eq3A_2140 : vector<16xi32>
      tpu.vector_store_idx %arg12[%broadcast_in_dim3A_2137], %broadcast_in_dim3A_2138 masked %eq3A_2141 : memref<512xf32, #tpu.memory_space<vmem>>[vector<16xi32>], vector<16xf32>, vector<16xi1>
      %dma_wait3A_2142 = arith.constant 16 : i32
      %dma_wait3A_2143 = arith.constant 0 : i32
      %dma_wait3A_2144 = arith.constant 0 : i32
      %dma_wait3A_2145 = tpu.memref_slice %arg9[%dma_wait3A_2142, %dma_wait3A_2143, %dma_wait3A_2144] : memref<32x8x128xf32, #tpu.memory_space<vmem>> -> memref<4x8x128xf32, #tpu.memory_space<vmem>>
      %dma_wait3A_2146 = arith.constant 0 : i32
      %dma_wait3A_2147 = arith.constant 0 : i32
      %dma_wait3A_2148 = tpu.memref_slice %arg3[%dma_wait3A_2146, %dma_wait3A_2147, %multiple_of3A_1532] : memref<4x8x1000000xf32, #tpu.memory_space<hbm>> -> memref<4x8x128xf32, #tpu.memory_space<hbm>>
      %dma_wait3A_2149 = arith.constant 16 : i32
      %dma_wait3A_2150 = arith.constant 0 : i32
      %dma_wait3A_2151 = arith.constant 0 : i32
      %dma_wait3A_2152 = tpu.memref_slice %arg9[%dma_wait3A_2149, %dma_wait3A_2150, %dma_wait3A_2151] : memref<32x8x128xf32, #tpu.memory_space<vmem>> -> memref<4x8x128xf32, #tpu.memory_space<vmem>>
      %dma_wait3A_2153 = arith.constant 0 : i32
      %dma_wait3A_2154 = arith.constant 0 : i32
      %dma_wait3A_2155 = tpu.memref_slice %arg3[%dma_wait3A_2153, %dma_wait3A_2154, %multiple_of3A_1532] : memref<4x8x1000000xf32, #tpu.memory_space<hbm>> -> memref<4x8x128xf32, #tpu.memory_space<hbm>>
      tpu.wait_dma2 semaphore(%arg13 : memref<!tpu.dma_semaphore, #tpu.memory_space<semaphore_mem>>) src(%dma_wait3A_2155 : memref<4x8x128xf32, #tpu.memory_space<hbm>>) dst(%dma_wait3A_2152 : memref<4x8x128xf32, #tpu.memory_space<vmem>>)
      %dma_wait3A_2156 = arith.constant 16 : i32
      %dma_wait3A_2157 = arith.constant 0 : i32
      %dma_wait3A_2158 = arith.constant 0 : i32
      %dma_wait3A_2159 = tpu.memref_slice %arg10[%dma_wait3A_2156, %dma_wait3A_2157, %dma_wait3A_2158] : memref<32x8x128xf32, #tpu.memory_space<vmem>> -> memref<4x8x128xf32, #tpu.memory_space<vmem>>
      %dma_wait3A_2160 = arith.constant 0 : i32
      %dma_wait3A_2161 = arith.constant 0 : i32
      %dma_wait3A_2162 = tpu.memref_slice %arg4[%dma_wait3A_2160, %dma_wait3A_2161, %multiple_of3A_1539] : memref<4x8x1000000xf32, #tpu.memory_space<hbm>> -> memref<4x8x128xf32, #tpu.memory_space<hbm>>
      %dma_wait3A_2163 = arith.constant 16 : i32
      %dma_wait3A_2164 = arith.constant 0 : i32
      %dma_wait3A_2165 = arith.constant 0 : i32
      %dma_wait3A_2166 = tpu.memref_slice %arg10[%dma_wait3A_2163, %dma_wait3A_2164, %dma_wait3A_2165] : memref<32x8x128xf32, #tpu.memory_space<vmem>> -> memref<4x8x128xf32, #tpu.memory_space<vmem>>
      %dma_wait3A_2167 = arith.constant 0 : i32
      %dma_wait3A_2168 = arith.constant 0 : i32
      %dma_wait3A_2169 = tpu.memref_slice %arg4[%dma_wait3A_2167, %dma_wait3A_2168, %multiple_of3A_1539] : memref<4x8x1000000xf32, #tpu.memory_space<hbm>> -> memref<4x8x128xf32, #tpu.memory_space<hbm>>
      tpu.wait_dma2 semaphore(%arg13 : memref<!tpu.dma_semaphore, #tpu.memory_space<semaphore_mem>>) src(%dma_wait3A_2169 : memref<4x8x128xf32, #tpu.memory_space<hbm>>) dst(%dma_wait3A_2166 : memref<4x8x128xf32, #tpu.memory_space<vmem>>)
      %dma_wait3A_2170 = arith.constant 16 : i32
      %dma_wait3A_2171 = arith.constant 0 : i32
      %dma_wait3A_2172 = arith.constant 0 : i32
      %dma_wait3A_2173 = tpu.memref_slice %arg11[%dma_wait3A_2170, %dma_wait3A_2171, %dma_wait3A_2172] : memref<32x8x128xf32, #tpu.memory_space<vmem>> -> memref<4x8x128xf32, #tpu.memory_space<vmem>>
      %dma_wait3A_2174 = arith.constant 0 : i32
      %dma_wait3A_2175 = arith.constant 0 : i32
      %dma_wait3A_2176 = tpu.memref_slice %arg3[%dma_wait3A_2174, %dma_wait3A_2175, %multiple_of3A_1546] : memref<4x8x1000000xf32, #tpu.memory_space<hbm>> -> memref<4x8x128xf32, #tpu.memory_space<hbm>>
      %dma_wait3A_2177 = arith.constant 16 : i32
      %dma_wait3A_2178 = arith.constant 0 : i32
      %dma_wait3A_2179 = arith.constant 0 : i32
      %dma_wait3A_2180 = tpu.memref_slice %arg11[%dma_wait3A_2177, %dma_wait3A_2178, %dma_wait3A_2179] : memref<32x8x128xf32, #tpu.memory_space<vmem>> -> memref<4x8x128xf32, #tpu.memory_space<vmem>>
      %dma_wait3A_2181 = arith.constant 0 : i32
      %dma_wait3A_2182 = arith.constant 0 : i32
      %dma_wait3A_2183 = tpu.memref_slice %arg3[%dma_wait3A_2181, %dma_wait3A_2182, %multiple_of3A_1546] : memref<4x8x1000000xf32, #tpu.memory_space<hbm>> -> memref<4x8x128xf32, #tpu.memory_space<hbm>>
      tpu.wait_dma2 semaphore(%arg13 : memref<!tpu.dma_semaphore, #tpu.memory_space<semaphore_mem>>) src(%dma_wait3A_2183 : memref<4x8x128xf32, #tpu.memory_space<hbm>>) dst(%dma_wait3A_2180 : memref<4x8x128xf32, #tpu.memory_space<vmem>>)
      %add3A_2184 = arith.constant 12 : i32
      %add3A_2185 = arith.addi %mul3A_47, %add3A_2184 : i32
      %broadcast_in_dim3A_2186 = arith.constant 16 : i32
      %broadcast_in_dim3A_2187 = vector.broadcast %broadcast_in_dim3A_2186 : i32 to vector<16xi32>
      %shift_right_arithmetic3A_2188 = arith.constant 3 : i32
      %shift_right_arithmetic3A_2189 = vector.broadcast %shift_right_arithmetic3A_2188 : i32 to vector<16xi32>
      %shift_right_arithmetic3A_2190 = arith.shrsi %iota3A, %shift_right_arithmetic3A_2189 : vector<16xi32>
      %add3A_2191 = arith.addi %broadcast_in_dim3A_2187, %shift_right_arithmetic3A_2190 : vector<16xi32>
      %add3A_2192 = arith.constant 2 : i32
      %add3A_2193 = vector.broadcast %add3A_2192 : i32 to vector<16xi32>
      %add3A_2194 = arith.addi %add3A_2191, %add3A_2193 : vector<16xi32>
      %and3A_2195 = arith.constant 7 : i32
      %and3A_2196 = vector.broadcast %and3A_2195 : i32 to vector<16xi32>
      %and3A_2197 = arith.andi %iota3A, %and3A_2196 : vector<16xi32>
      %slice3A_2198 = vector.extract_strided_slice %get3A_48 {offsets = [12], sizes = [1], strides = [1]} : vector<16xi32> to vector<1xi32>
      %squeeze3A_2199 = vector.extract %slice3A_2198[0] : i32 from vector<1xi32>
      %and3A_2200 = arith.constant 127 : i32
      %and3A_2201 = arith.andi %squeeze3A_2199, %and3A_2200 : i32
      %broadcast_in_dim3A_2202 = vector.broadcast %and3A_2201 : i32 to vector<16xi32>
      %slice3A_2203 = vector.extract_strided_slice %get3A_50 {offsets = [12], sizes = [1], strides = [1]} : vector<16xi32> to vector<1xi32>
      %squeeze3A_2204 = vector.extract %slice3A_2203[0] : i32 from vector<1xi32>
      %and3A_2205 = arith.constant 127 : i32
      %and3A_2206 = arith.andi %squeeze3A_2204, %and3A_2205 : i32
      %broadcast_in_dim3A_2207 = vector.broadcast %and3A_2206 : i32 to vector<16xi32>
      %slice3A_2208 = vector.extract_strided_slice %get3A_52 {offsets = [12], sizes = [1], strides = [1]} : vector<16xi32> to vector<1xi32>
      %squeeze3A_2209 = vector.extract %slice3A_2208[0] : i32 from vector<1xi32>
      %and3A_2210 = arith.constant 127 : i32
      %and3A_2211 = arith.andi %squeeze3A_2209, %and3A_2210 : i32
      %broadcast_in_dim3A_2212 = vector.broadcast %and3A_2211 : i32 to vector<16xi32>
      %gather3A_2213 = tpu.vector_load_idx %arg9[%add3A_2191, %and3A_2197, %broadcast_in_dim3A_2202] : memref<32x8x128xf32, #tpu.memory_space<vmem>>[vector<16xi32>, vector<16xi32>, vector<16xi32>], vector<16xf32>,
      %gather3A_2214 = tpu.vector_load_idx %arg10[%add3A_2191, %and3A_2197, %broadcast_in_dim3A_2207] : memref<32x8x128xf32, #tpu.memory_space<vmem>>[vector<16xi32>, vector<16xi32>, vector<16xi32>], vector<16xf32>,
      %mul3A_2215 = arith.mulf %gather3A_2213, %gather3A_2214 : vector<16xf32>
      %gather3A_2216 = tpu.vector_load_idx %arg11[%add3A_2191, %and3A_2197, %broadcast_in_dim3A_2212] : memref<32x8x128xf32, #tpu.memory_space<vmem>>[vector<16xi32>, vector<16xi32>, vector<16xi32>], vector<16xf32>,
      %mul3A_2217 = arith.mulf %mul3A_2215, %gather3A_2216 : vector<16xf32>
      %gather3A_2218 = tpu.vector_load_idx %arg9[%add3A_2194, %and3A_2197, %broadcast_in_dim3A_2202] : memref<32x8x128xf32, #tpu.memory_space<vmem>>[vector<16xi32>, vector<16xi32>, vector<16xi32>], vector<16xf32>,
      %gather3A_2219 = tpu.vector_load_idx %arg10[%add3A_2194, %and3A_2197, %broadcast_in_dim3A_2207] : memref<32x8x128xf32, #tpu.memory_space<vmem>>[vector<16xi32>, vector<16xi32>, vector<16xi32>], vector<16xf32>,
      %mul3A_2220 = arith.mulf %gather3A_2218, %gather3A_2219 : vector<16xf32>
      %gather3A_2221 = tpu.vector_load_idx %arg11[%add3A_2194, %and3A_2197, %broadcast_in_dim3A_2212] : memref<32x8x128xf32, #tpu.memory_space<vmem>>[vector<16xi32>, vector<16xi32>, vector<16xi32>], vector<16xf32>,
      %mul3A_2222 = arith.mulf %mul3A_2220, %gather3A_2221 : vector<16xf32>
      %add3A_2223 = arith.addf %mul3A_2217, %mul3A_2222 : vector<16xf32>
      %reduce_sum3A_2224 = arith.constant true
      %reduce_sum3A_2225 = vector.broadcast %reduce_sum3A_2224 : i1 to vector<16xi1>
      %reduce_sum3A_2226 = tpu.scan <sum>, %add3A_2223 masked %reduce_sum3A_2225 : vector<16xf32>, vector<16xi1> -> vector<16xf32>
      %reduce_sum3A_2227 = vector.extract %reduce_sum3A_2226[15] : f32 from vector<16xf32>
      %broadcast_in_dim3A_2228 = vector.broadcast %add3A_2185 : i32 to vector<16xi32>
      %broadcast_in_dim3A_2229 = vector.broadcast %reduce_sum3A_2227 : f32 to vector<16xf32>
      %eq3A_2230 = arith.constant 0 : i32
      %eq3A_2231 = vector.broadcast %eq3A_2230 : i32 to vector<16xi32>
      %eq3A_2232 = arith.cmpi eq, %iota3A, %eq3A_2231 : vector<16xi32>
      tpu.vector_store_idx %arg12[%broadcast_in_dim3A_2228], %broadcast_in_dim3A_2229 masked %eq3A_2232 : memref<512xf32, #tpu.memory_space<vmem>>[vector<16xi32>], vector<16xf32>, vector<16xi1>
      %dma_wait3A_2233 = arith.constant 20 : i32
      %dma_wait3A_2234 = arith.constant 0 : i32
      %dma_wait3A_2235 = arith.constant 0 : i32
      %dma_wait3A_2236 = tpu.memref_slice %arg9[%dma_wait3A_2233, %dma_wait3A_2234, %dma_wait3A_2235] : memref<32x8x128xf32, #tpu.memory_space<vmem>> -> memref<4x8x128xf32, #tpu.memory_space<vmem>>
      %dma_wait3A_2237 = arith.constant 0 : i32
      %dma_wait3A_2238 = arith.constant 0 : i32
      %dma_wait3A_2239 = tpu.memref_slice %arg3[%dma_wait3A_2237, %dma_wait3A_2238, %multiple_of3A_1686] : memref<4x8x1000000xf32, #tpu.memory_space<hbm>> -> memref<4x8x128xf32, #tpu.memory_space<hbm>>
      %dma_wait3A_2240 = arith.constant 20 : i32
      %dma_wait3A_2241 = arith.constant 0 : i32
      %dma_wait3A_2242 = arith.constant 0 : i32
      %dma_wait3A_2243 = tpu.memref_slice %arg9[%dma_wait3A_2240, %dma_wait3A_2241, %dma_wait3A_2242] : memref<32x8x128xf32, #tpu.memory_space<vmem>> -> memref<4x8x128xf32, #tpu.memory_space<vmem>>
      %dma_wait3A_2244 = arith.constant 0 : i32
      %dma_wait3A_2245 = arith.constant 0 : i32
      %dma_wait3A_2246 = tpu.memref_slice %arg3[%dma_wait3A_2244, %dma_wait3A_2245, %multiple_of3A_1686] : memref<4x8x1000000xf32, #tpu.memory_space<hbm>> -> memref<4x8x128xf32, #tpu.memory_space<hbm>>
      tpu.wait_dma2 semaphore(%arg13 : memref<!tpu.dma_semaphore, #tpu.memory_space<semaphore_mem>>) src(%dma_wait3A_2246 : memref<4x8x128xf32, #tpu.memory_space<hbm>>) dst(%dma_wait3A_2243 : memref<4x8x128xf32, #tpu.memory_space<vmem>>)
      %dma_wait3A_2247 = arith.constant 20 : i32
      %dma_wait3A_2248 = arith.constant 0 : i32
      %dma_wait3A_2249 = arith.constant 0 : i32
      %dma_wait3A_2250 = tpu.memref_slice %arg10[%dma_wait3A_2247, %dma_wait3A_2248, %dma_wait3A_2249] : memref<32x8x128xf32, #tpu.memory_space<vmem>> -> memref<4x8x128xf32, #tpu.memory_space<vmem>>
      %dma_wait3A_2251 = arith.constant 0 : i32
      %dma_wait3A_2252 = arith.constant 0 : i32
      %dma_wait3A_2253 = tpu.memref_slice %arg4[%dma_wait3A_2251, %dma_wait3A_2252, %multiple_of3A_1693] : memref<4x8x1000000xf32, #tpu.memory_space<hbm>> -> memref<4x8x128xf32, #tpu.memory_space<hbm>>
      %dma_wait3A_2254 = arith.constant 20 : i32
      %dma_wait3A_2255 = arith.constant 0 : i32
      %dma_wait3A_2256 = arith.constant 0 : i32
      %dma_wait3A_2257 = tpu.memref_slice %arg10[%dma_wait3A_2254, %dma_wait3A_2255, %dma_wait3A_2256] : memref<32x8x128xf32, #tpu.memory_space<vmem>> -> memref<4x8x128xf32, #tpu.memory_space<vmem>>
      %dma_wait3A_2258 = arith.constant 0 : i32
      %dma_wait3A_2259 = arith.constant 0 : i32
      %dma_wait3A_2260 = tpu.memref_slice %arg4[%dma_wait3A_2258, %dma_wait3A_2259, %multiple_of3A_1693] : memref<4x8x1000000xf32, #tpu.memory_space<hbm>> -> memref<4x8x128xf32, #tpu.memory_space<hbm>>
      tpu.wait_dma2 semaphore(%arg13 : memref<!tpu.dma_semaphore, #tpu.memory_space<semaphore_mem>>) src(%dma_wait3A_2260 : memref<4x8x128xf32, #tpu.memory_space<hbm>>) dst(%dma_wait3A_2257 : memref<4x8x128xf32, #tpu.memory_space<vmem>>)
      %dma_wait3A_2261 = arith.constant 20 : i32
      %dma_wait3A_2262 = arith.constant 0 : i32
      %dma_wait3A_2263 = arith.constant 0 : i32
      %dma_wait3A_2264 = tpu.memref_slice %arg11[%dma_wait3A_2261, %dma_wait3A_2262, %dma_wait3A_2263] : memref<32x8x128xf32, #tpu.memory_space<vmem>> -> memref<4x8x128xf32, #tpu.memory_space<vmem>>
      %dma_wait3A_2265 = arith.constant 0 : i32
      %dma_wait3A_2266 = arith.constant 0 : i32
      %dma_wait3A_2267 = tpu.memref_slice %arg3[%dma_wait3A_2265, %dma_wait3A_2266, %multiple_of3A_1700] : memref<4x8x1000000xf32, #tpu.memory_space<hbm>> -> memref<4x8x128xf32, #tpu.memory_space<hbm>>
      %dma_wait3A_2268 = arith.constant 20 : i32
      %dma_wait3A_2269 = arith.constant 0 : i32
      %dma_wait3A_2270 = arith.constant 0 : i32
      %dma_wait3A_2271 = tpu.memref_slice %arg11[%dma_wait3A_2268, %dma_wait3A_2269, %dma_wait3A_2270] : memref<32x8x128xf32, #tpu.memory_space<vmem>> -> memref<4x8x128xf32, #tpu.memory_space<vmem>>
      %dma_wait3A_2272 = arith.constant 0 : i32
      %dma_wait3A_2273 = arith.constant 0 : i32
      %dma_wait3A_2274 = tpu.memref_slice %arg3[%dma_wait3A_2272, %dma_wait3A_2273, %multiple_of3A_1700] : memref<4x8x1000000xf32, #tpu.memory_space<hbm>> -> memref<4x8x128xf32, #tpu.memory_space<hbm>>
      tpu.wait_dma2 semaphore(%arg13 : memref<!tpu.dma_semaphore, #tpu.memory_space<semaphore_mem>>) src(%dma_wait3A_2274 : memref<4x8x128xf32, #tpu.memory_space<hbm>>) dst(%dma_wait3A_2271 : memref<4x8x128xf32, #tpu.memory_space<vmem>>)
      %add3A_2275 = arith.constant 13 : i32
      %add3A_2276 = arith.addi %mul3A_47, %add3A_2275 : i32
      %broadcast_in_dim3A_2277 = arith.constant 20 : i32
      %broadcast_in_dim3A_2278 = vector.broadcast %broadcast_in_dim3A_2277 : i32 to vector<16xi32>
      %shift_right_arithmetic3A_2279 = arith.constant 3 : i32
      %shift_right_arithmetic3A_2280 = vector.broadcast %shift_right_arithmetic3A_2279 : i32 to vector<16xi32>
      %shift_right_arithmetic3A_2281 = arith.shrsi %iota3A, %shift_right_arithmetic3A_2280 : vector<16xi32>
      %add3A_2282 = arith.addi %broadcast_in_dim3A_2278, %shift_right_arithmetic3A_2281 : vector<16xi32>
      %add3A_2283 = arith.constant 2 : i32
      %add3A_2284 = vector.broadcast %add3A_2283 : i32 to vector<16xi32>
      %add3A_2285 = arith.addi %add3A_2282, %add3A_2284 : vector<16xi32>
      %and3A_2286 = arith.constant 7 : i32
      %and3A_2287 = vector.broadcast %and3A_2286 : i32 to vector<16xi32>
      %and3A_2288 = arith.andi %iota3A, %and3A_2287 : vector<16xi32>
      %slice3A_2289 = vector.extract_strided_slice %get3A_48 {offsets = [13], sizes = [1], strides = [1]} : vector<16xi32> to vector<1xi32>
      %squeeze3A_2290 = vector.extract %slice3A_2289[0] : i32 from vector<1xi32>
      %and3A_2291 = arith.constant 127 : i32
      %and3A_2292 = arith.andi %squeeze3A_2290, %and3A_2291 : i32
      %broadcast_in_dim3A_2293 = vector.broadcast %and3A_2292 : i32 to vector<16xi32>
      %slice3A_2294 = vector.extract_strided_slice %get3A_50 {offsets = [13], sizes = [1], strides = [1]} : vector<16xi32> to vector<1xi32>
      %squeeze3A_2295 = vector.extract %slice3A_2294[0] : i32 from vector<1xi32>
      %and3A_2296 = arith.constant 127 : i32
      %and3A_2297 = arith.andi %squeeze3A_2295, %and3A_2296 : i32
      %broadcast_in_dim3A_2298 = vector.broadcast %and3A_2297 : i32 to vector<16xi32>
      %slice3A_2299 = vector.extract_strided_slice %get3A_52 {offsets = [13], sizes = [1], strides = [1]} : vector<16xi32> to vector<1xi32>
      %squeeze3A_2300 = vector.extract %slice3A_2299[0] : i32 from vector<1xi32>
      %and3A_2301 = arith.constant 127 : i32
      %and3A_2302 = arith.andi %squeeze3A_2300, %and3A_2301 : i32
      %broadcast_in_dim3A_2303 = vector.broadcast %and3A_2302 : i32 to vector<16xi32>
      %gather3A_2304 = tpu.vector_load_idx %arg9[%add3A_2282, %and3A_2288, %broadcast_in_dim3A_2293] : memref<32x8x128xf32, #tpu.memory_space<vmem>>[vector<16xi32>, vector<16xi32>, vector<16xi32>], vector<16xf32>,
      %gather3A_2305 = tpu.vector_load_idx %arg10[%add3A_2282, %and3A_2288, %broadcast_in_dim3A_2298] : memref<32x8x128xf32, #tpu.memory_space<vmem>>[vector<16xi32>, vector<16xi32>, vector<16xi32>], vector<16xf32>,
      %mul3A_2306 = arith.mulf %gather3A_2304, %gather3A_2305 : vector<16xf32>
      %gather3A_2307 = tpu.vector_load_idx %arg11[%add3A_2282, %and3A_2288, %broadcast_in_dim3A_2303] : memref<32x8x128xf32, #tpu.memory_space<vmem>>[vector<16xi32>, vector<16xi32>, vector<16xi32>], vector<16xf32>,
      %mul3A_2308 = arith.mulf %mul3A_2306, %gather3A_2307 : vector<16xf32>
      %gather3A_2309 = tpu.vector_load_idx %arg9[%add3A_2285, %and3A_2288, %broadcast_in_dim3A_2293] : memref<32x8x128xf32, #tpu.memory_space<vmem>>[vector<16xi32>, vector<16xi32>, vector<16xi32>], vector<16xf32>,
      %gather3A_2310 = tpu.vector_load_idx %arg10[%add3A_2285, %and3A_2288, %broadcast_in_dim3A_2298] : memref<32x8x128xf32, #tpu.memory_space<vmem>>[vector<16xi32>, vector<16xi32>, vector<16xi32>], vector<16xf32>,
      %mul3A_2311 = arith.mulf %gather3A_2309, %gather3A_2310 : vector<16xf32>
      %gather3A_2312 = tpu.vector_load_idx %arg11[%add3A_2285, %and3A_2288, %broadcast_in_dim3A_2303] : memref<32x8x128xf32, #tpu.memory_space<vmem>>[vector<16xi32>, vector<16xi32>, vector<16xi32>], vector<16xf32>,
      %mul3A_2313 = arith.mulf %mul3A_2311, %gather3A_2312 : vector<16xf32>
      %add3A_2314 = arith.addf %mul3A_2308, %mul3A_2313 : vector<16xf32>
      %reduce_sum3A_2315 = arith.constant true
      %reduce_sum3A_2316 = vector.broadcast %reduce_sum3A_2315 : i1 to vector<16xi1>
      %reduce_sum3A_2317 = tpu.scan <sum>, %add3A_2314 masked %reduce_sum3A_2316 : vector<16xf32>, vector<16xi1> -> vector<16xf32>
      %reduce_sum3A_2318 = vector.extract %reduce_sum3A_2317[15] : f32 from vector<16xf32>
      %broadcast_in_dim3A_2319 = vector.broadcast %add3A_2276 : i32 to vector<16xi32>
      %broadcast_in_dim3A_2320 = vector.broadcast %reduce_sum3A_2318 : f32 to vector<16xf32>
      %eq3A_2321 = arith.constant 0 : i32
      %eq3A_2322 = vector.broadcast %eq3A_2321 : i32 to vector<16xi32>
      %eq3A_2323 = arith.cmpi eq, %iota3A, %eq3A_2322 : vector<16xi32>
      tpu.vector_store_idx %arg12[%broadcast_in_dim3A_2319], %broadcast_in_dim3A_2320 masked %eq3A_2323 : memref<512xf32, #tpu.memory_space<vmem>>[vector<16xi32>], vector<16xf32>, vector<16xi1>
      %dma_wait3A_2324 = arith.constant 24 : i32
      %dma_wait3A_2325 = arith.constant 0 : i32
      %dma_wait3A_2326 = arith.constant 0 : i32
      %dma_wait3A_2327 = tpu.memref_slice %arg9[%dma_wait3A_2324, %dma_wait3A_2325, %dma_wait3A_2326] : memref<32x8x128xf32, #tpu.memory_space<vmem>> -> memref<4x8x128xf32, #tpu.memory_space<vmem>>
      %dma_wait3A_2328 = arith.constant 0 : i32
      %dma_wait3A_2329 = arith.constant 0 : i32
      %dma_wait3A_2330 = tpu.memref_slice %arg3[%dma_wait3A_2328, %dma_wait3A_2329, %multiple_of3A_1840] : memref<4x8x1000000xf32, #tpu.memory_space<hbm>> -> memref<4x8x128xf32, #tpu.memory_space<hbm>>
      %dma_wait3A_2331 = arith.constant 24 : i32
      %dma_wait3A_2332 = arith.constant 0 : i32
      %dma_wait3A_2333 = arith.constant 0 : i32
      %dma_wait3A_2334 = tpu.memref_slice %arg9[%dma_wait3A_2331, %dma_wait3A_2332, %dma_wait3A_2333] : memref<32x8x128xf32, #tpu.memory_space<vmem>> -> memref<4x8x128xf32, #tpu.memory_space<vmem>>
      %dma_wait3A_2335 = arith.constant 0 : i32
      %dma_wait3A_2336 = arith.constant 0 : i32
      %dma_wait3A_2337 = tpu.memref_slice %arg3[%dma_wait3A_2335, %dma_wait3A_2336, %multiple_of3A_1840] : memref<4x8x1000000xf32, #tpu.memory_space<hbm>> -> memref<4x8x128xf32, #tpu.memory_space<hbm>>
      tpu.wait_dma2 semaphore(%arg13 : memref<!tpu.dma_semaphore, #tpu.memory_space<semaphore_mem>>) src(%dma_wait3A_2337 : memref<4x8x128xf32, #tpu.memory_space<hbm>>) dst(%dma_wait3A_2334 : memref<4x8x128xf32, #tpu.memory_space<vmem>>)
      %dma_wait3A_2338 = arith.constant 24 : i32
      %dma_wait3A_2339 = arith.constant 0 : i32
      %dma_wait3A_2340 = arith.constant 0 : i32
      %dma_wait3A_2341 = tpu.memref_slice %arg10[%dma_wait3A_2338, %dma_wait3A_2339, %dma_wait3A_2340] : memref<32x8x128xf32, #tpu.memory_space<vmem>> -> memref<4x8x128xf32, #tpu.memory_space<vmem>>
      %dma_wait3A_2342 = arith.constant 0 : i32
      %dma_wait3A_2343 = arith.constant 0 : i32
      %dma_wait3A_2344 = tpu.memref_slice %arg4[%dma_wait3A_2342, %dma_wait3A_2343, %multiple_of3A_1847] : memref<4x8x1000000xf32, #tpu.memory_space<hbm>> -> memref<4x8x128xf32, #tpu.memory_space<hbm>>
      %dma_wait3A_2345 = arith.constant 24 : i32
      %dma_wait3A_2346 = arith.constant 0 : i32
      %dma_wait3A_2347 = arith.constant 0 : i32
      %dma_wait3A_2348 = tpu.memref_slice %arg10[%dma_wait3A_2345, %dma_wait3A_2346, %dma_wait3A_2347] : memref<32x8x128xf32, #tpu.memory_space<vmem>> -> memref<4x8x128xf32, #tpu.memory_space<vmem>>
      %dma_wait3A_2349 = arith.constant 0 : i32
      %dma_wait3A_2350 = arith.constant 0 : i32
      %dma_wait3A_2351 = tpu.memref_slice %arg4[%dma_wait3A_2349, %dma_wait3A_2350, %multiple_of3A_1847] : memref<4x8x1000000xf32, #tpu.memory_space<hbm>> -> memref<4x8x128xf32, #tpu.memory_space<hbm>>
      tpu.wait_dma2 semaphore(%arg13 : memref<!tpu.dma_semaphore, #tpu.memory_space<semaphore_mem>>) src(%dma_wait3A_2351 : memref<4x8x128xf32, #tpu.memory_space<hbm>>) dst(%dma_wait3A_2348 : memref<4x8x128xf32, #tpu.memory_space<vmem>>)
      %dma_wait3A_2352 = arith.constant 24 : i32
      %dma_wait3A_2353 = arith.constant 0 : i32
      %dma_wait3A_2354 = arith.constant 0 : i32
      %dma_wait3A_2355 = tpu.memref_slice %arg11[%dma_wait3A_2352, %dma_wait3A_2353, %dma_wait3A_2354] : memref<32x8x128xf32, #tpu.memory_space<vmem>> -> memref<4x8x128xf32, #tpu.memory_space<vmem>>
      %dma_wait3A_2356 = arith.constant 0 : i32
      %dma_wait3A_2357 = arith.constant 0 : i32
      %dma_wait3A_2358 = tpu.memref_slice %arg3[%dma_wait3A_2356, %dma_wait3A_2357, %multiple_of3A_1854] : memref<4x8x1000000xf32, #tpu.memory_space<hbm>> -> memref<4x8x128xf32, #tpu.memory_space<hbm>>
      %dma_wait3A_2359 = arith.constant 24 : i32
      %dma_wait3A_2360 = arith.constant 0 : i32
      %dma_wait3A_2361 = arith.constant 0 : i32
      %dma_wait3A_2362 = tpu.memref_slice %arg11[%dma_wait3A_2359, %dma_wait3A_2360, %dma_wait3A_2361] : memref<32x8x128xf32, #tpu.memory_space<vmem>> -> memref<4x8x128xf32, #tpu.memory_space<vmem>>
      %dma_wait3A_2363 = arith.constant 0 : i32
      %dma_wait3A_2364 = arith.constant 0 : i32
      %dma_wait3A_2365 = tpu.memref_slice %arg3[%dma_wait3A_2363, %dma_wait3A_2364, %multiple_of3A_1854] : memref<4x8x1000000xf32, #tpu.memory_space<hbm>> -> memref<4x8x128xf32, #tpu.memory_space<hbm>>
      tpu.wait_dma2 semaphore(%arg13 : memref<!tpu.dma_semaphore, #tpu.memory_space<semaphore_mem>>) src(%dma_wait3A_2365 : memref<4x8x128xf32, #tpu.memory_space<hbm>>) dst(%dma_wait3A_2362 : memref<4x8x128xf32, #tpu.memory_space<vmem>>)
      %add3A_2366 = arith.constant 14 : i32
      %add3A_2367 = arith.addi %mul3A_47, %add3A_2366 : i32
      %broadcast_in_dim3A_2368 = arith.constant 24 : i32
      %broadcast_in_dim3A_2369 = vector.broadcast %broadcast_in_dim3A_2368 : i32 to vector<16xi32>
      %shift_right_arithmetic3A_2370 = arith.constant 3 : i32
      %shift_right_arithmetic3A_2371 = vector.broadcast %shift_right_arithmetic3A_2370 : i32 to vector<16xi32>
      %shift_right_arithmetic3A_2372 = arith.shrsi %iota3A, %shift_right_arithmetic3A_2371 : vector<16xi32>
      %add3A_2373 = arith.addi %broadcast_in_dim3A_2369, %shift_right_arithmetic3A_2372 : vector<16xi32>
      %add3A_2374 = arith.constant 2 : i32
      %add3A_2375 = vector.broadcast %add3A_2374 : i32 to vector<16xi32>
      %add3A_2376 = arith.addi %add3A_2373, %add3A_2375 : vector<16xi32>
      %and3A_2377 = arith.constant 7 : i32
      %and3A_2378 = vector.broadcast %and3A_2377 : i32 to vector<16xi32>
      %and3A_2379 = arith.andi %iota3A, %and3A_2378 : vector<16xi32>
      %slice3A_2380 = vector.extract_strided_slice %get3A_48 {offsets = [14], sizes = [1], strides = [1]} : vector<16xi32> to vector<1xi32>
      %squeeze3A_2381 = vector.extract %slice3A_2380[0] : i32 from vector<1xi32>
      %and3A_2382 = arith.constant 127 : i32
      %and3A_2383 = arith.andi %squeeze3A_2381, %and3A_2382 : i32
      %broadcast_in_dim3A_2384 = vector.broadcast %and3A_2383 : i32 to vector<16xi32>
      %slice3A_2385 = vector.extract_strided_slice %get3A_50 {offsets = [14], sizes = [1], strides = [1]} : vector<16xi32> to vector<1xi32>
      %squeeze3A_2386 = vector.extract %slice3A_2385[0] : i32 from vector<1xi32>
      %and3A_2387 = arith.constant 127 : i32
      %and3A_2388 = arith.andi %squeeze3A_2386, %and3A_2387 : i32
      %broadcast_in_dim3A_2389 = vector.broadcast %and3A_2388 : i32 to vector<16xi32>
      %slice3A_2390 = vector.extract_strided_slice %get3A_52 {offsets = [14], sizes = [1], strides = [1]} : vector<16xi32> to vector<1xi32>
      %squeeze3A_2391 = vector.extract %slice3A_2390[0] : i32 from vector<1xi32>
      %and3A_2392 = arith.constant 127 : i32
      %and3A_2393 = arith.andi %squeeze3A_2391, %and3A_2392 : i32
      %broadcast_in_dim3A_2394 = vector.broadcast %and3A_2393 : i32 to vector<16xi32>
      %gather3A_2395 = tpu.vector_load_idx %arg9[%add3A_2373, %and3A_2379, %broadcast_in_dim3A_2384] : memref<32x8x128xf32, #tpu.memory_space<vmem>>[vector<16xi32>, vector<16xi32>, vector<16xi32>], vector<16xf32>,
      %gather3A_2396 = tpu.vector_load_idx %arg10[%add3A_2373, %and3A_2379, %broadcast_in_dim3A_2389] : memref<32x8x128xf32, #tpu.memory_space<vmem>>[vector<16xi32>, vector<16xi32>, vector<16xi32>], vector<16xf32>,
      %mul3A_2397 = arith.mulf %gather3A_2395, %gather3A_2396 : vector<16xf32>
      %gather3A_2398 = tpu.vector_load_idx %arg11[%add3A_2373, %and3A_2379, %broadcast_in_dim3A_2394] : memref<32x8x128xf32, #tpu.memory_space<vmem>>[vector<16xi32>, vector<16xi32>, vector<16xi32>], vector<16xf32>,
      %mul3A_2399 = arith.mulf %mul3A_2397, %gather3A_2398 : vector<16xf32>
      %gather3A_2400 = tpu.vector_load_idx %arg9[%add3A_2376, %and3A_2379, %broadcast_in_dim3A_2384] : memref<32x8x128xf32, #tpu.memory_space<vmem>>[vector<16xi32>, vector<16xi32>, vector<16xi32>], vector<16xf32>,
      %gather3A_2401 = tpu.vector_load_idx %arg10[%add3A_2376, %and3A_2379, %broadcast_in_dim3A_2389] : memref<32x8x128xf32, #tpu.memory_space<vmem>>[vector<16xi32>, vector<16xi32>, vector<16xi32>], vector<16xf32>,
      %mul3A_2402 = arith.mulf %gather3A_2400, %gather3A_2401 : vector<16xf32>
      %gather3A_2403 = tpu.vector_load_idx %arg11[%add3A_2376, %and3A_2379, %broadcast_in_dim3A_2394] : memref<32x8x128xf32, #tpu.memory_space<vmem>>[vector<16xi32>, vector<16xi32>, vector<16xi32>], vector<16xf32>,
      %mul3A_2404 = arith.mulf %mul3A_2402, %gather3A_2403 : vector<16xf32>
      %add3A_2405 = arith.addf %mul3A_2399, %mul3A_2404 : vector<16xf32>
      %reduce_sum3A_2406 = arith.constant true
      %reduce_sum3A_2407 = vector.broadcast %reduce_sum3A_2406 : i1 to vector<16xi1>
      %reduce_sum3A_2408 = tpu.scan <sum>, %add3A_2405 masked %reduce_sum3A_2407 : vector<16xf32>, vector<16xi1> -> vector<16xf32>
      %reduce_sum3A_2409 = vector.extract %reduce_sum3A_2408[15] : f32 from vector<16xf32>
      %broadcast_in_dim3A_2410 = vector.broadcast %add3A_2367 : i32 to vector<16xi32>
      %broadcast_in_dim3A_2411 = vector.broadcast %reduce_sum3A_2409 : f32 to vector<16xf32>
      %eq3A_2412 = arith.constant 0 : i32
      %eq3A_2413 = vector.broadcast %eq3A_2412 : i32 to vector<16xi32>
      %eq3A_2414 = arith.cmpi eq, %iota3A, %eq3A_2413 : vector<16xi32>
      tpu.vector_store_idx %arg12[%broadcast_in_dim3A_2410], %broadcast_in_dim3A_2411 masked %eq3A_2414 : memref<512xf32, #tpu.memory_space<vmem>>[vector<16xi32>], vector<16xf32>, vector<16xi1>
      %dma_wait3A_2415 = arith.constant 28 : i32
      %dma_wait3A_2416 = arith.constant 0 : i32
      %dma_wait3A_2417 = arith.constant 0 : i32
      %dma_wait3A_2418 = tpu.memref_slice %arg9[%dma_wait3A_2415, %dma_wait3A_2416, %dma_wait3A_2417] : memref<32x8x128xf32, #tpu.memory_space<vmem>> -> memref<4x8x128xf32, #tpu.memory_space<vmem>>
      %dma_wait3A_2419 = arith.constant 0 : i32
      %dma_wait3A_2420 = arith.constant 0 : i32
      %dma_wait3A_2421 = tpu.memref_slice %arg3[%dma_wait3A_2419, %dma_wait3A_2420, %multiple_of3A_1994] : memref<4x8x1000000xf32, #tpu.memory_space<hbm>> -> memref<4x8x128xf32, #tpu.memory_space<hbm>>
      %dma_wait3A_2422 = arith.constant 28 : i32
      %dma_wait3A_2423 = arith.constant 0 : i32
      %dma_wait3A_2424 = arith.constant 0 : i32
      %dma_wait3A_2425 = tpu.memref_slice %arg9[%dma_wait3A_2422, %dma_wait3A_2423, %dma_wait3A_2424] : memref<32x8x128xf32, #tpu.memory_space<vmem>> -> memref<4x8x128xf32, #tpu.memory_space<vmem>>
      %dma_wait3A_2426 = arith.constant 0 : i32
      %dma_wait3A_2427 = arith.constant 0 : i32
      %dma_wait3A_2428 = tpu.memref_slice %arg3[%dma_wait3A_2426, %dma_wait3A_2427, %multiple_of3A_1994] : memref<4x8x1000000xf32, #tpu.memory_space<hbm>> -> memref<4x8x128xf32, #tpu.memory_space<hbm>>
      tpu.wait_dma2 semaphore(%arg13 : memref<!tpu.dma_semaphore, #tpu.memory_space<semaphore_mem>>) src(%dma_wait3A_2428 : memref<4x8x128xf32, #tpu.memory_space<hbm>>) dst(%dma_wait3A_2425 : memref<4x8x128xf32, #tpu.memory_space<vmem>>)
      %dma_wait3A_2429 = arith.constant 28 : i32
      %dma_wait3A_2430 = arith.constant 0 : i32
      %dma_wait3A_2431 = arith.constant 0 : i32
      %dma_wait3A_2432 = tpu.memref_slice %arg10[%dma_wait3A_2429, %dma_wait3A_2430, %dma_wait3A_2431] : memref<32x8x128xf32, #tpu.memory_space<vmem>> -> memref<4x8x128xf32, #tpu.memory_space<vmem>>
      %dma_wait3A_2433 = arith.constant 0 : i32
      %dma_wait3A_2434 = arith.constant 0 : i32
      %dma_wait3A_2435 = tpu.memref_slice %arg4[%dma_wait3A_2433, %dma_wait3A_2434, %multiple_of3A_2001] : memref<4x8x1000000xf32, #tpu.memory_space<hbm>> -> memref<4x8x128xf32, #tpu.memory_space<hbm>>
      %dma_wait3A_2436 = arith.constant 28 : i32
      %dma_wait3A_2437 = arith.constant 0 : i32
      %dma_wait3A_2438 = arith.constant 0 : i32
      %dma_wait3A_2439 = tpu.memref_slice %arg10[%dma_wait3A_2436, %dma_wait3A_2437, %dma_wait3A_2438] : memref<32x8x128xf32, #tpu.memory_space<vmem>> -> memref<4x8x128xf32, #tpu.memory_space<vmem>>
      %dma_wait3A_2440 = arith.constant 0 : i32
      %dma_wait3A_2441 = arith.constant 0 : i32
      %dma_wait3A_2442 = tpu.memref_slice %arg4[%dma_wait3A_2440, %dma_wait3A_2441, %multiple_of3A_2001] : memref<4x8x1000000xf32, #tpu.memory_space<hbm>> -> memref<4x8x128xf32, #tpu.memory_space<hbm>>
      tpu.wait_dma2 semaphore(%arg13 : memref<!tpu.dma_semaphore, #tpu.memory_space<semaphore_mem>>) src(%dma_wait3A_2442 : memref<4x8x128xf32, #tpu.memory_space<hbm>>) dst(%dma_wait3A_2439 : memref<4x8x128xf32, #tpu.memory_space<vmem>>)
      %dma_wait3A_2443 = arith.constant 28 : i32
      %dma_wait3A_2444 = arith.constant 0 : i32
      %dma_wait3A_2445 = arith.constant 0 : i32
      %dma_wait3A_2446 = tpu.memref_slice %arg11[%dma_wait3A_2443, %dma_wait3A_2444, %dma_wait3A_2445] : memref<32x8x128xf32, #tpu.memory_space<vmem>> -> memref<4x8x128xf32, #tpu.memory_space<vmem>>
      %dma_wait3A_2447 = arith.constant 0 : i32
      %dma_wait3A_2448 = arith.constant 0 : i32
      %dma_wait3A_2449 = tpu.memref_slice %arg3[%dma_wait3A_2447, %dma_wait3A_2448, %multiple_of3A_2008] : memref<4x8x1000000xf32, #tpu.memory_space<hbm>> -> memref<4x8x128xf32, #tpu.memory_space<hbm>>
      %dma_wait3A_2450 = arith.constant 28 : i32
      %dma_wait3A_2451 = arith.constant 0 : i32
      %dma_wait3A_2452 = arith.constant 0 : i32
      %dma_wait3A_2453 = tpu.memref_slice %arg11[%dma_wait3A_2450, %dma_wait3A_2451, %dma_wait3A_2452] : memref<32x8x128xf32, #tpu.memory_space<vmem>> -> memref<4x8x128xf32, #tpu.memory_space<vmem>>
      %dma_wait3A_2454 = arith.constant 0 : i32
      %dma_wait3A_2455 = arith.constant 0 : i32
      %dma_wait3A_2456 = tpu.memref_slice %arg3[%dma_wait3A_2454, %dma_wait3A_2455, %multiple_of3A_2008] : memref<4x8x1000000xf32, #tpu.memory_space<hbm>> -> memref<4x8x128xf32, #tpu.memory_space<hbm>>
      tpu.wait_dma2 semaphore(%arg13 : memref<!tpu.dma_semaphore, #tpu.memory_space<semaphore_mem>>) src(%dma_wait3A_2456 : memref<4x8x128xf32, #tpu.memory_space<hbm>>) dst(%dma_wait3A_2453 : memref<4x8x128xf32, #tpu.memory_space<vmem>>)
      %add3A_2457 = arith.constant 15 : i32
      %add3A_2458 = arith.addi %mul3A_47, %add3A_2457 : i32
      %broadcast_in_dim3A_2459 = arith.constant 28 : i32
      %broadcast_in_dim3A_2460 = vector.broadcast %broadcast_in_dim3A_2459 : i32 to vector<16xi32>
      %shift_right_arithmetic3A_2461 = arith.constant 3 : i32
      %shift_right_arithmetic3A_2462 = vector.broadcast %shift_right_arithmetic3A_2461 : i32 to vector<16xi32>
      %shift_right_arithmetic3A_2463 = arith.shrsi %iota3A, %shift_right_arithmetic3A_2462 : vector<16xi32>
      %add3A_2464 = arith.addi %broadcast_in_dim3A_2460, %shift_right_arithmetic3A_2463 : vector<16xi32>
      %add3A_2465 = arith.constant 2 : i32
      %add3A_2466 = vector.broadcast %add3A_2465 : i32 to vector<16xi32>
      %add3A_2467 = arith.addi %add3A_2464, %add3A_2466 : vector<16xi32>
      %and3A_2468 = arith.constant 7 : i32
      %and3A_2469 = vector.broadcast %and3A_2468 : i32 to vector<16xi32>
      %and3A_2470 = arith.andi %iota3A, %and3A_2469 : vector<16xi32>
      %slice3A_2471 = vector.extract_strided_slice %get3A_48 {offsets = [15], sizes = [1], strides = [1]} : vector<16xi32> to vector<1xi32>
      %squeeze3A_2472 = vector.extract %slice3A_2471[0] : i32 from vector<1xi32>
      %and3A_2473 = arith.constant 127 : i32
      %and3A_2474 = arith.andi %squeeze3A_2472, %and3A_2473 : i32
      %broadcast_in_dim3A_2475 = vector.broadcast %and3A_2474 : i32 to vector<16xi32>
      %slice3A_2476 = vector.extract_strided_slice %get3A_50 {offsets = [15], sizes = [1], strides = [1]} : vector<16xi32> to vector<1xi32>
      %squeeze3A_2477 = vector.extract %slice3A_2476[0] : i32 from vector<1xi32>
      %and3A_2478 = arith.constant 127 : i32
      %and3A_2479 = arith.andi %squeeze3A_2477, %and3A_2478 : i32
      %broadcast_in_dim3A_2480 = vector.broadcast %and3A_2479 : i32 to vector<16xi32>
      %slice3A_2481 = vector.extract_strided_slice %get3A_52 {offsets = [15], sizes = [1], strides = [1]} : vector<16xi32> to vector<1xi32>
      %squeeze3A_2482 = vector.extract %slice3A_2481[0] : i32 from vector<1xi32>
      %and3A_2483 = arith.constant 127 : i32
      %and3A_2484 = arith.andi %squeeze3A_2482, %and3A_2483 : i32
      %broadcast_in_dim3A_2485 = vector.broadcast %and3A_2484 : i32 to vector<16xi32>
      %gather3A_2486 = tpu.vector_load_idx %arg9[%add3A_2464, %and3A_2470, %broadcast_in_dim3A_2475] : memref<32x8x128xf32, #tpu.memory_space<vmem>>[vector<16xi32>, vector<16xi32>, vector<16xi32>], vector<16xf32>,
      %gather3A_2487 = tpu.vector_load_idx %arg10[%add3A_2464, %and3A_2470, %broadcast_in_dim3A_2480] : memref<32x8x128xf32, #tpu.memory_space<vmem>>[vector<16xi32>, vector<16xi32>, vector<16xi32>], vector<16xf32>,
      %mul3A_2488 = arith.mulf %gather3A_2486, %gather3A_2487 : vector<16xf32>
      %gather3A_2489 = tpu.vector_load_idx %arg11[%add3A_2464, %and3A_2470, %broadcast_in_dim3A_2485] : memref<32x8x128xf32, #tpu.memory_space<vmem>>[vector<16xi32>, vector<16xi32>, vector<16xi32>], vector<16xf32>,
      %mul3A_2490 = arith.mulf %mul3A_2488, %gather3A_2489 : vector<16xf32>
      %gather3A_2491 = tpu.vector_load_idx %arg9[%add3A_2467, %and3A_2470, %broadcast_in_dim3A_2475] : memref<32x8x128xf32, #tpu.memory_space<vmem>>[vector<16xi32>, vector<16xi32>, vector<16xi32>], vector<16xf32>,
      %gather3A_2492 = tpu.vector_load_idx %arg10[%add3A_2467, %and3A_2470, %broadcast_in_dim3A_2480] : memref<32x8x128xf32, #tpu.memory_space<vmem>>[vector<16xi32>, vector<16xi32>, vector<16xi32>], vector<16xf32>,
      %mul3A_2493 = arith.mulf %gather3A_2491, %gather3A_2492 : vector<16xf32>
      %gather3A_2494 = tpu.vector_load_idx %arg11[%add3A_2467, %and3A_2470, %broadcast_in_dim3A_2485] : memref<32x8x128xf32, #tpu.memory_space<vmem>>[vector<16xi32>, vector<16xi32>, vector<16xi32>], vector<16xf32>,
      %mul3A_2495 = arith.mulf %mul3A_2493, %gather3A_2494 : vector<16xf32>
      %add3A_2496 = arith.addf %mul3A_2490, %mul3A_2495 : vector<16xf32>
      %reduce_sum3A_2497 = arith.constant true
      %reduce_sum3A_2498 = vector.broadcast %reduce_sum3A_2497 : i1 to vector<16xi1>
      %reduce_sum3A_2499 = tpu.scan <sum>, %add3A_2496 masked %reduce_sum3A_2498 : vector<16xf32>, vector<16xi1> -> vector<16xf32>
      %reduce_sum3A_2500 = vector.extract %reduce_sum3A_2499[15] : f32 from vector<16xf32>
      %broadcast_in_dim3A_2501 = vector.broadcast %add3A_2458 : i32 to vector<16xi32>
      %broadcast_in_dim3A_2502 = vector.broadcast %reduce_sum3A_2500 : f32 to vector<16xf32>
      %eq3A_2503 = arith.constant 0 : i32
      %eq3A_2504 = vector.broadcast %eq3A_2503 : i32 to vector<16xi32>
      %eq3A_2505 = arith.cmpi eq, %iota3A, %eq3A_2504 : vector<16xi32>
      tpu.vector_store_idx %arg12[%broadcast_in_dim3A_2501], %broadcast_in_dim3A_2502 masked %eq3A_2505 : memref<512xf32, #tpu.memory_space<vmem>>[vector<16xi32>], vector<16xf32>, vector<16xi1>
    }
    %scan3A_44 = arith.constant 32 : i32
    "tpu.region"() ({
      %run_scoped3A_45 = tpu.sem_alloc : memref<!tpu.dma_semaphore, #tpu.memory_space<semaphore_mem>>
      %dma_start3A = tpu.memref_slice %arg5[%mul3A_2] : memref<16384xf32, #tpu.memory_space<hbm>> -> memref<512xf32, #tpu.memory_space<hbm>>
      %dma_start3A_46 = tpu.memref_slice %arg5[%mul3A_2] : memref<16384xf32, #tpu.memory_space<hbm>> -> memref<512xf32, #tpu.memory_space<hbm>>
      tpu.enqueue_dma source(%arg12 : memref<512xf32, #tpu.memory_space<vmem>>) target(%dma_start3A_46 : memref<512xf32, #tpu.memory_space<hbm>>) target_semaphore(%run_scoped3A_45 : memref<!tpu.dma_semaphore, #tpu.memory_space<semaphore_mem>>)
      %dma_wait3A = tpu.memref_slice %arg5[%mul3A_2] : memref<16384xf32, #tpu.memory_space<hbm>> -> memref<512xf32, #tpu.memory_space<hbm>>
      %dma_wait3A_47 = tpu.memref_slice %arg5[%mul3A_2] : memref<16384xf32, #tpu.memory_space<hbm>> -> memref<512xf32, #tpu.memory_space<hbm>>
      tpu.wait_dma2 semaphore(%run_scoped3A_45 : memref<!tpu.dma_semaphore, #tpu.memory_space<semaphore_mem>>) src(%arg12 : memref<512xf32, #tpu.memory_space<vmem>>) dst(%dma_wait3A_47 : memref<512xf32, #tpu.memory_space<hbm>>)
      tpu.yield
    }) : () -> ()
    return
  }
}

</mosaic_0001>

<sc_bundles>
// kernel: _score.3.cloned.1.call-start
scs
__scs_entry_jumppad:
0x0: {  	(pc) =	sbr.rel $0x88, $3  }
0x1: {  	(tag) =	ssettag $0x0;
	lr =	simm.s32 $0x1  }
0x2: {  	[smem:$0x3F9E] =	sst lr;
	_ =	strace $0xD0000000  }
0x3: {  	_ = 	snop  }
0x4: {  	_ = 	snop  }
0x5: {  	_ = 	snop  }
0x6: {  	_ = 	snop  }
0x7: {  	_ = 	snop  }
__scs_overlays_trampoline_lowered:
0x8: {  	[smem:$0x3FAD] =	sst s0  }
0x9: {  	[smem:$0x3FAE] =	sst s1  }
0xa: {  	[smem:$0x3FAF] =	sst s2  }
0xb: {  	[smem:$0x3FB0] =	sst s3  }
0xc: {  	[smem:$0x3FB1] =	sst s4  }
0xd: {  	[smem:$0x3FB2] =	sst s5  }
0xe: {  	[smem:$0x3FB3] =	sst s6  }
0xf: {  	[smem:$0x3FB4] =	sst s7  }
0x10: {  	[smem:$0x3FB5] =	sst s8  }
0x11: {  	[smem:$0x3FB6] =	sst s9;
	s0 =	simm.s32 @!p0 $0x0  }
0x12: {  	s1 =	sld [smem:$0x3F9C];
	s0 =	simm.s32 @p0 $0x1  }
0x13: {  	[smem:$0x3FB7] =	sst s0;
	s0 =	simm.s32 @!p1 $0x0  }
0x14: {  	s2 =	sld [smem:$0x3F9B];
	s0 =	simm.s32 @p1 $0x1  }
0x15: {  	[smem:$0x3FB8] =	sst s0;
	s0 =	simm.s32 @!p2 $0x0  }
0x16: {  	s3 =	sld [smem:$0x3FDB];
	s0 =	simm.s32 @p2 $0x1  }
0x17: {  	s4 =	simm.s32 $0x1BF5;
	[smem:$0x3FBA] =	sst s0  }
0x18: {  	s0 =	sld [smem:$0x3F9D];
	_ =	swait.ge [sflag:s4], $0x0  }
0x19: {  	s7 =	sld [smem:$0x3F9E]  }
0x1a: {  	s8 =	sadd.s32 $0xFFFFE003, lr  }
0x1b: {  	s9 =	sadd.s32 $0xFFFFFEF7, lr;
	s5 =	simm.s32 $0xFFFFFFFF;
	p2 =	slt.u32 s8, $0xFFFFF086  }
0x1c: {  	p1 =	slt.u32 s9, $0xF7A;
	s5 =	simm.s32 @!p2 $0x0  }
0x1d: {  	s5 =	simm.s32 @p1 $0x1;
	p0 =	seq.s32 s7, s2  }
0x1e: {  	s7 =	smul.u32 @!p0 $0xF7A, s2;
	p2 =	seq.s32 @!p0 s5, $0x0  }
0x1f: {  	s9 =	smul.u32 $0xF7A, s1;
	s8 =	simm.s32 @!p0 $0x1BF5;
	p2 =	por !p2, p0  }
0x20: {  	[sflag:s8] =	ssyncset.s32 @!p0 $0xFFFFF086;
	s6 =	sadd.s32 @!p0 s3, s7;
	s7 =	simm.s32 @!p0 $0x108  }
0x21: {  	s3 =	sadd.s32 s3, s9;
	s6 =	sadd.s32 @!p0 $0x88, s6;
	s7 =	simm.s32 @p2 $0x1082  }
0x22: {  	[simem:s7], [sflag:s8] =	dma.local @!p0 [hbm:s6], $0xF7A  }
0x23: {  	s9 =	sor.u32 $0xD0000000, s2;
	s6 =	simm.s32 $0x108;
	_ =	swait.ge @!p0 [sflag:s8], $0x0  }
0x24: {  	s3 =	sadd.s32 $0x88, s3;
	s6 =	simm.s32 @!p1 $0x1082;
	[sflag:s4] =	ssyncset.s32 $0xFFFFF086  }
0x25: {  	[simem:s6], [sflag:s4] =	dma.local [hbm:s3], $0xF7A  }
0x26: {  	[smem:$0x3F9E] =	sst s1;
	(tag) =	ssettag s2;
	_ =	strace s9  }
0x27: {  	s1 =	sld [smem:$0x3FAE]  }
0x28: {  	s2 =	sld [smem:$0x3FAF]  }
0x29: {  	s4 =	sld [smem:$0x3FB1]  }
0x2a: {  	p0 =	seq.s32 s5, $0x0;
	s5 =	sld [smem:$0x3FB2]  }
0x2b: {  	s6 =	sld [smem:$0x3FB3]  }
0x2c: {  	s7 =	sld [smem:$0x3FB4]  }
0x2d: {  	s3 =	simm.s32 $0x108;
	s8 =	sld [smem:$0x3FB5]  }
0x2e: {  	s3 =	simm.s32 @!p0 $0x1082;
	s9 =	sld [smem:$0x3FB6]  }
0x2f: {  	lr =	sadd.s32 s0, s3;
	s0 =	sld [smem:$0x3FAD]  }
0x30: {  	s3 =	sld [smem:$0x3FB0]  }
0x31: {  	[smem:$0x3FB9] =	sst s10  }
0x32: {  	s10 =	sld [smem:$0x3FB7];
	_ =	sdelay $0x3  }
0x33: {  	p0 =	seq.s32 s10, $0x1;
	s10 =	sld [smem:$0x3FB9];
	_ =	sdelay $0x3  }
0x34: {  	[smem:$0x3FB9] =	sst s10  }
0x35: {  	s10 =	sld [smem:$0x3FB8];
	_ =	sdelay $0x3  }
0x36: {  	p1 =	seq.s32 s10, $0x1;
	s10 =	sld [smem:$0x3FB9];
	_ =	sdelay $0x3  }
0x37: {  	[smem:$0x3FB9] =	sst s10  }
0x38: {  	s10 =	sld [smem:$0x3FBA]  }
0x39: {  	_ = 	snop;
	(pc) =	sbr.ind lr, $3  }
0x3a: {  	_ = 	snop  }
0x3b: {  	_ = 	snop  }
0x3c: {  	p2 =	seq.s32 s10, $0x1;
	s10 =	sld [smem:$0x3FB9]  }
0x3d: {  	_ =	shalt  }
0x3e: {  	_ =	shalt  }
0x3f: {  	_ =	shalt  }
0x40: {  	_ =	shalt  }
0x41: {  	_ =	shalt  }
0x42: {  	_ =	shalt  }
0x43: {  	_ =	shalt  }
0x44: {  	_ =	shalt  }
0x45: {  	_ =	shalt  }
0x46: {  	_ =	shalt  }
0x47: {  	_ =	shalt  }
0x48: {  	_ =	shalt  }
0x49: {  	_ =	shalt  }
0x4a: {  	_ =	shalt  }
0x4b: {  	_ =	shalt  }
0x4c: {  	_ =	shalt  }
0x4d: {  	_ =	shalt  }
0x4e: {  	_ =	shalt  }
0x4f: {  	_ =	shalt  }
0x50: {  	_ =	shalt  }
0x51: {  	_ =	shalt  }
0x52: {  	_ =	shalt  }
0x53: {  	_ =	shalt  }
0x54: {  	_ =	shalt  }
0x55: {  	_ =	shalt  }
0x56: {  	_ =	shalt  }
0x57: {  	_ =	shalt  }
0x58: {  	_ =	shalt  }
0x59: {  	_ =	shalt  }
0x5a: {  	_ =	shalt  }
0x5b: {  	_ =	shalt  }
0x5c: {  	_ =	shalt  }
0x5d: {  	_ =	shalt  }
0x5e: {  	_ =	shalt  }
0x5f: {  	_ =	shalt  }
0x60: {  	_ =	shalt  }
0x61: {  	_ =	shalt  }
0x62: {  	_ =	shalt  }
0x63: {  	_ =	shalt  }
0x64: {  	_ =	shalt  }
0x65: {  	_ =	shalt  }
0x66: {  	_ =	shalt  }
0x67: {  	_ =	shalt  }
0x68: {  	_ =	shalt  }
0x69: {  	_ =	shalt  }
0x6a: {  	_ =	shalt  }
0x6b: {  	_ =	shalt  }
0x6c: {  	_ =	shalt  }
0x6d: {  	_ =	shalt  }
0x6e: {  	_ =	shalt  }
0x6f: {  	_ =	shalt  }
0x70: {  	_ =	shalt  }
0x71: {  	_ =	shalt  }
0x72: {  	_ =	shalt  }
0x73: {  	_ =	shalt  }
0x74: {  	_ =	shalt  }
0x75: {  	_ =	shalt  }
0x76: {  	_ =	shalt  }
0x77: {  	_ =	shalt  }
0x78: {  	_ =	shalt  }
0x79: {  	_ =	shalt  }
0x7a: {  	_ =	shalt  }
0x7b: {  	_ =	shalt  }
0x7c: {  	_ =	shalt  }
0x7d: {  	_ =	shalt  }
0x7e: {  	_ =	shalt  }
0x7f: {  	_ =	shalt  }
0x80: {  	_ =	shalt  }
0x81: {  	_ =	shalt  }
0x82: {  	_ =	shalt  }
0x83: {  	_ =	shalt  }
0x84: {  	_ =	shalt  }
0x85: {  	_ =	shalt  }
0x86: {  	_ =	shalt  }
0x87: {  	_ =	shalt  }
.Lfunc_end0:
.L_simem_size_0:
called_computation_lowered:
.L_overlay_start_0:
0x88: {  	s2 =	sld [smem:$0x3FD9]  }
0x89: {  	s3 =	sld [smem:$0x3FFE];
	_ =	sdelay $0x1  }
0x8a: {  	s1 =	srdreg.scid  }
0x8b: {  	s0 =	sand.u32 $0x1, s1  }
0x8c: {  	s18 =	sshll.u32 s0, $0xA;
	s2 =	sadd.s32 s3, s2  }
0x8d: {  	s2 =	sadd.s32 s2, s18  }
0x8e: {  	[smem:$0x3FC5] =	sst s2  }
0x8f: {  	_ = 	snop  }
0x90: {  	s2 =	sld [smem:$0x3FC9]  }
0x91: {  	s19 =	sld [smem:$0x3FC8]  }
0x92: {  	s4 =	sld [smem:$0x3FC7]  }
0x93: {  	s5 =	sld [smem:$0x3FD0];
	(tm) =	ssettm $0x1  }
0x94: {  	s6 =	sld [smem:$0x3FFB];
	_ =	sdelay $0x3  }
0x95: {  	_ =	strace s6  }
0x96: {  	s6 =	sld [smem:$0x3FFC];
	_ =	sdelay $0x3  }
0x97: {  	_ =	strace s6  }
0x98: {  	s6 =	sld [smem:$0x3FFD];
	_ =	sdelay $0x3  }
0x99: {  	_ =	strace s6  }
0x9a: {  	_ =	strace $0x8FFFFFFF  }
0x9b: {  	s20 =	sld [smem:$0x3FDB];
	_ =	sdelay $0x1  }
0x9c: {  	s7 =	simm.s32 $_scs_section_size  }
0x9d: {  	s8 =	simm.s32 $_size__tile_overlayer_lowered;
	s9 =	simm.s32 $_tile_overlayer_lowered  }
0x9e: {  	s23 =	simm.s32 $0x1BFF;
	s22 =	sshll.u32 s9, $0x1;
	s6 =	sadd.s32 s7, s20  }
0x9f: {  	s10 =	simm.s32 $0x0;
	s21 =	sshll.u32 s8, $0x1;
	s8 =	sadd.s32 s22, s6  }
0xa0: {  	[timem:s10], [sflag:s23] =	dma.local [hbm:s8], s21  }
0xa1: {  	_ =	swait.ge [sflag:s23], s21  }
0xa2: {  	s7 =	ssub.s32 $0x0, s21;
	[sflag:s23] =	ssyncset.done $0x0  }
0xa3: {  	[sflag:s23] =	ssyncadd.s32 s7;
	_ =	sdelay $0x1  }
0xa4: {  	s24 =	simm.s32 $0x1B8B  }
0xa5: {  	_ =	swait.ge [sflag:s24], $0x1  }
0xa6: {  	[sflag:s24] =	ssyncset.done $0x0  }
0xa7: {  	s25 =	simm.s32 $0x1B8E;
	[sflag:s24] =	ssyncadd.s32 $0xFFFFFFFF  }
0xa8: {  	s26 =	simm.s32 $execute0_lowered;
	[smem:$0x3FD2] =	sst s25  }
0xa9: {  	s7 =	sshll.u32 s26, $0x1;
	_ =	strace $0x80000046;
	[dreg:$0x1] =	wrdreg $0xFFFFFFFF  }
0xaa: {  	s28 =	simm.s32 $_size_execute0_lowered;
	s6 =	sadd.s32 s6, s7;
	[dreg:$0x0] =	wrdreg $0x0  }
0xab: {  	s7 =	sshll.u32 s28, $0x1;
	[dreg:$0x2] =	wrdreg s6  }
0xac: {  	[dreg:$0x3] =	wrdreg s7  }
0xad: {  	[dreg:$0x4] =	wrdreg $0xC0  }
0xae: {  	_ =	task [dreg:s10], $0x5FFFF  }
0xaf: {  	[dreg:$0x1] =	wrdreg $0xFFFFFFFF  }
0xb0: {  	[dreg:$0x0] =	wrdreg $0x60  }
0xb1: {  	[dreg:$0x2] =	wrdreg s2  }
0xb2: {  	[dreg:$0x3] =	wrdreg s19  }
0xb3: {  	[dreg:$0x4] =	wrdreg s4  }
0xb4: {  	[dreg:$0x5] =	wrdreg s5  }
0xb5: {  	[dreg:$0x6] =	wrdreg $0x9  }
0xb6: {  	_ =	task.clear_ibuf [dreg:s10], $0x7FFFF;
	_ =	strace $0x90000046  }
0xb7: {  	s29 =	simm.s32 $0x9;
	_ =	strace $0x80000048  }
0xb8: {  	_ =	swait.ge [sflag:s29], $0x1  }
0xb9: {  	[sflag:s29] =	ssyncadd.s32 $0xFFFFFFFF  }
0xba: {  	_ =	strace $0x90000048  }
0xbb: {  	_ =	sfence  }
0xbc: {  	s30 =	sld [smem:$0x0];
	_ =	sdelay $0x2  }
0xbd: {  	s31 =	sshll.u32 s1, $0xD;
	s1 =	sshrl.u32 s1, $0x2  }
0xbe: {  	s3 =	sand.u32 $0x4000, s31;
	s1 =	sadd.s32 s1, s30  }
0xbf: {  	s0 =	sor.u32 s3, s0;
	s1 =	sshll.u32 s1, $0x11  }
0xc0: {  	s0 =	sor.u32 s1, s0  }
0xc1: {  	s0 =	sadd.s32 $0x8F2B, s0  }
0xc2: {  	[sflag:s0] =	ssyncadd.remote.s32 $0x1  }
0xc3: {  	_ =	sfence.sel $0xFFFF  }
0xc4: {  	[dreg:$0x0] =	wrdreg $0xFFFFFFFF;
	(pc) =	sbr.abs _section_cstart, $3  }
0xc5: {  	[dreg:$0x1] =	wrdreg $0xFFFFFFFF  }
0xc6: {  	_ =	task.clear_ibuf [dreg:s10], $0x2FFFF;
	_ =	strace $0x9FFFFFFF  }
0xc7: {  	(tm) =	ssettm $0x7FFFFFFF  }
tec
execute0_lowered:
.L_overlay_start_1:
0x0: {  	(tag) =	ssettag $0x1  }
0x1: {  	s0 =	rddreg [dreg:$0x0]  }
0x2: {  	s1 =	rddreg [dreg:$0x1]  }
0x3: {  	s3 =	rddreg [dreg:$0x2]  }
0x4: {  	s2 =	rddreg [dreg:$0x3];
	s4 =	srdreg.scid  }
0x5: {  	s14 =	stileid.u32;
	s15 =	simm.s32 $0x0;
	s30 =	simm.s32 $0x400  }
0x6: {  	s31 =	simm.s32 $0x7A1400;
	s29 =	simm.s32 $0xB600;
	s4 =	sand.u32 $0x1, s4  }
0x7: {  	s6 =	sshll.u32 s14, $0xA;
	[smem:$0x7FF] =	sst s15;
	s5 =	sshll.u32 s4, $0x9  }
0x8: {  	s7 =	ssub.s32 $0x2, s4;
	_ =	strace $0x80000047;
	s24 =	sor.u32 $0x4000, s6  }
0x9: {  	s10 =	sor.u32 $0x8000, s6;
	s4 =	sshll.u32 s4, $0x6;
	s8 =	sor.u32 s5, s6  }
0xa: {  	s9 =	sshrl.u32 s7, $0x1;
	s25 =	sor.u32 s5, s24;
	s11 =	sor.u32 $0x80, s5  }
0xb: {  	s12 =	sor.u32 s5, s10;
	s17 =	sor.u32 $0x100, s5;
	s5 =	sor.u32 $0x180, s5  }
0xc: {  	s2 =	sadd.s32 s2, s4;
	s4 =	simm.s32 $0x11600;
	s8 =	sshrl.u32 s8, $0x3  }
0xd: {  	s7 =	ssub.s32 s7, s9;
	s9 =	sshrl.u32 s25, $0x3;
	s13 =	sor.u32 s6, s11  }
0xe: {  	s26 =	sshrl.u32 s12, $0x3;
	s16 =	sor.u32 s11, s24;
	s11 =	sor.u32 s11, s10  }
0xf: {  	s19 =	sor.u32 s6, s17;
	s21 =	sor.u32 s17, s24;
	s23 =	sor.u32 s17, s10  }
0x10: {  	s6 =	sor.u32 s6, s5;
	s25 =	sshll.u32 s14, $0x7;
	s12 =	simm.s32 $0xA600  }
0x11: {  	s8 =	sadd.s32 s0, s8;
	s9 =	sadd.s32 s0, s9;
	s28 =	sshrl.u32 s13, $0x3  }
0x12: {  	s18 =	sshrl.u32 s11, $0x3;
	s20 =	sshrl.u32 s19, $0x3;
	s22 =	sshrl.u32 s21, $0x3  }
0x13: {  	s6 =	sshrl.u32 s6, $0x3;
	s11 =	simm.s32 $0x2600;
	[dreg:$0x5] =	wrdreg s8  }
0x14: {  	[dreg:$0x6] =	wrdreg s9;
	s9 =	sadd.s32 s0, s26;
	s13 =	sadd.s32 s0, s28  }
0x15: {  	s8 =	sor.u32 s5, s24;
	s6 =	sadd.s32 s0, s6;
	[dreg:$0x7] =	wrdreg s9  }
0x16: {  	s5 =	sor.u32 s5, s10;
	s26 =	sadd.s32 s25, s2;
	[dreg:$0x8] =	wrdreg s13  }
0x17: {  	s28 =	smax.u32 s7, $0x1;
	s2 =	simm.s32 $0x8600;
	[dreg:$0xe] =	wrdreg s6  }
0x18: {  	s10 =	simm.s32 $0x18600;
	s9 =	sshrl.u32 s16, $0x3;
	[dreg:$0x11] =	wrdreg s26  }
0x19: {  	s24 =	sshrl.u32 s8, $0x3;
	[dreg:$0x12] =	wrdreg s28;
	s9 =	sadd.s32 s0, s9  }
0x1a: {  	v0 =	vlaneseq.u32;
	s7 =	simm.s32 $0x0;
	s6 =	sadd.s32 s0, s24;
	[dreg:$0x9] =	wrdreg s9  }
0x1b: {  	v0 =	vmul.u32 $0x80, v0;
	s5 =	sshrl.u32 s5, $0x3;
	s9 =	sadd.s32 s0, s18;
	[dreg:$0xf] =	wrdreg s6  }
0x1c: {  	s8 =	simm.s32 $0x1600;
	[dreg:$0xa] =	wrdreg s9;
	s9 =	sadd.s32 s0, s20  }
0x1d: {  	v1 =	vor.u32 $0x800, v0;
	v2 =	vor.u32 $0x1000, v0;
	v3 =	vor.u32 $0x1800, v0;
	s16 =	simm.s32 $0x12600;
	[dreg:$0xb] =	wrdreg s9;
	s9 =	sadd.s32 s0, s22  }
0x1e: {  	v4 =	vor.u32 $0x2000, v0;
	v5 =	vor.u32 $0x2800, v0;
	v6 =	vor.u32 $0x3000, v0;
	s24 =	simm.s32 $0x3600;
	[dreg:$0xc] =	wrdreg s9;
	s9 =	sshrl.u32 s23, $0x3  }
0x1f: {  	v7 =	vor.u32 $0x3800, v0;
	v8 =	vor.u32 $0x4000, v0;
	v9 =	vor.u32 $0x4800, v0;
	s6 =	simm.s32 $0x2;
	s18 =	simm.s32 $0x9600;
	s9 =	sadd.s32 s0, s9  }
0x20: {  	v10 =	vor.u32 $0x5000, v0;
	v11 =	vor.u32 $0x5800, v0;
	v12 =	vor.u32 $0x6000, v0;
	s20 =	simm.s32 $0x10600;
	s0 =	sadd.s32 s0, s5;
	[dreg:$0xd] =	wrdreg s9  }
0x21: {  	v13 =	vor.u32 $0x6800, v0;
	v14 =	vor.u32 $0x7000, v0;
	v15 =	vor.u32 $0x7800, v0;
	[dreg:$0x10] =	wrdreg s0;
	s0 =	simm.s32 $0x600;
	s9 =	simm.s32 $0x1  }
.LBB2_1:
0x22: {  	[dreg:$0x13] =	wrdreg s7  }
0x23: {  	s5 =	rddreg [dreg:$0x5]  }
0x24: {  	[tilespmem:s15], [sflag:$0x2] =	stream.linear.gather [hbm4b:s5+s15], $0x80, $0x38;
	[tilespmem:$0x18800] =	vst v63  }
0x25: {  	_ =	swait.ge [sflag:s6], $0x80  }
0x26: {  	[sflag:s6] =	ssyncset.done $0x0  }
0x27: {  	s19 =	simm.s32 $0x200;
	s7 =	rddreg [dreg:$0x6];
	[sflag:s6] =	ssyncadd.s32 $0xFFFFFF80  }
0x28: {  	[tilespmem:s19], [sflag:$0x2] =	stream.linear.gather [hbm4b:s7+s15], $0x80, $0x38;
	[tilespmem:$0x18800] =	vst v63  }
0x29: {  	_ =	swait.ge [sflag:s6], $0x80  }
0x2a: {  	[sflag:s6] =	ssyncset.done $0x0  }
0x2b: {  	s13 =	rddreg [dreg:$0x7];
	[sflag:s6] =	ssyncadd.s32 $0xFFFFFF80  }
0x2c: {  	[tilespmem:s30], [sflag:$0x2] =	stream.linear.gather [hbm4b:s13+s15], $0x80, $0x38;
	[tilespmem:$0x18800] =	vst v63  }
0x2d: {  	_ =	swait.ge [sflag:s6], $0x80  }
0x2e: {  	[sflag:s6] =	ssyncset.done $0x0  }
0x2f: {  	s17 =	simm.s32 $0x80;
	s14 =	rddreg [dreg:$0x8];
	[sflag:s6] =	ssyncadd.s32 $0xFFFFFF80  }
0x30: {  	[tilespmem:s17], [sflag:$0x2] =	stream.linear.gather [hbm4b:s14+s15], $0x80, $0x38;
	[tilespmem:$0x18800] =	vst v63  }
0x31: {  	_ =	swait.ge [sflag:s6], $0x80  }
0x32: {  	[sflag:s6] =	ssyncset.done $0x0  }
0x33: {  	s22 =	simm.s32 $0x280;
	s21 =	rddreg [dreg:$0x9];
	[sflag:s6] =	ssyncadd.s32 $0xFFFFFF80  }
0x34: {  	[tilespmem:s22], [sflag:$0x2] =	stream.linear.gather [hbm4b:s21+s15], $0x80, $0x38;
	[tilespmem:$0x18800] =	vst v63  }
0x35: {  	_ =	swait.ge [sflag:s6], $0x80  }
0x36: {  	[sflag:s6] =	ssyncset.done $0x0  }
0x37: {  	s25 =	simm.s32 $0x480;
	s23 =	rddreg [dreg:$0xa];
	[sflag:s6] =	ssyncadd.s32 $0xFFFFFF80  }
0x38: {  	[tilespmem:s25], [sflag:$0x2] =	stream.linear.gather [hbm4b:s23+s15], $0x80, $0x38;
	[tilespmem:$0x18800] =	vst v63  }
0x39: {  	_ =	swait.ge [sflag:s6], $0x80  }
0x3a: {  	[sflag:s6] =	ssyncset.done $0x0  }
0x3b: {  	s28 =	simm.s32 $0x100;
	s26 =	rddreg [dreg:$0xb];
	[sflag:s6] =	ssyncadd.s32 $0xFFFFFF80  }
0x3c: {  	[tilespmem:s28], [sflag:$0x2] =	stream.linear.gather [hbm4b:s26+s15], $0x80, $0x38;
	[tilespmem:$0x18800] =	vst v63  }
0x3d: {  	_ =	swait.ge [sflag:s6], $0x80  }
0x3e: {  	[sflag:s6] =	ssyncset.done $0x0  }
0x3f: {  	s13 =	simm.s32 $0x300;
	s7 =	rddreg [dreg:$0xc];
	[sflag:s6] =	ssyncadd.s32 $0xFFFFFF80  }
0x40: {  	[tilespmem:s13], [sflag:$0x2] =	stream.linear.gather [hbm4b:s7+s15], $0x80, $0x38;
	[tilespmem:$0x18800] =	vst v63  }
0x41: {  	_ =	swait.ge [sflag:s6], $0x80  }
0x42: {  	[sflag:s6] =	ssyncset.done $0x0  }
0x43: {  	s17 =	simm.s32 $0x500;
	s14 =	rddreg [dreg:$0xd];
	[sflag:s6] =	ssyncadd.s32 $0xFFFFFF80  }
0x44: {  	[tilespmem:s17], [sflag:$0x2] =	stream.linear.gather [hbm4b:s14+s15], $0x80, $0x38;
	[tilespmem:$0x18800] =	vst v63  }
0x45: {  	_ =	swait.ge [sflag:s6], $0x80  }
0x46: {  	[sflag:s6] =	ssyncset.done $0x0  }
0x47: {  	s22 =	simm.s32 $0x180;
	s21 =	rddreg [dreg:$0xe];
	[sflag:s6] =	ssyncadd.s32 $0xFFFFFF80  }
0x48: {  	[tilespmem:s22], [sflag:$0x2] =	stream.linear.gather [hbm4b:s21+s15], $0x80, $0x38;
	[tilespmem:$0x18800] =	vst v63  }
0x49: {  	_ =	swait.ge [sflag:s6], $0x80  }
0x4a: {  	[sflag:s6] =	ssyncset.done $0x0  }
0x4b: {  	s25 =	simm.s32 $0x380;
	s23 =	rddreg [dreg:$0xf];
	[sflag:s6] =	ssyncadd.s32 $0xFFFFFF80  }
0x4c: {  	[tilespmem:s25], [sflag:$0x2] =	stream.linear.gather [hbm4b:s23+s15], $0x80, $0x38;
	[tilespmem:$0x18800] =	vst v63  }
0x4d: {  	_ =	swait.ge [sflag:s6], $0x80  }
0x4e: {  	[sflag:s6] =	ssyncset.done $0x0  }
0x4f: {  	s28 =	simm.s32 $0x580;
	s26 =	rddreg [dreg:$0x10];
	[sflag:s6] =	ssyncadd.s32 $0xFFFFFF80  }
0x50: {  	[tilespmem:s28], [sflag:$0x2] =	stream.linear.gather [hbm4b:s26+s15], $0x80, $0x38;
	[tilespmem:$0x18800] =	vst v63  }
0x51: {  	_ =	swait.ge [sflag:s6], $0x80  }
0x52: {  	s21 =	simm.s32 $0xF;
	[sflag:s6] =	ssyncset.done $0x0  }
0x53: {  	s22 =	simm.s32 $0x400;
	s23 =	simm.s32 $0x0;
	[sflag:s6] =	ssyncadd.s32 $0xFFFFFF80  }
.LBB2_2:
0x54: {  	v18 =	vld [tilespmem:s23+$0x0];
	_ =	sdelay $0x1  }
0x55: {  	v17 =	vld [tilespmem:s19+$0x0];
	_ =	sdelay $0x1  }
0x56: {  	v16 =	vld [tilespmem:s22+$0x0]  }
0x57: {  	(v2sf) =	vpush v18, $0x0;
	_ =	sdelay $0x1  }
0x58: {  	(v2sf) =	vpush v17, $0x0;
	_ =	sdelay $0x1  }
0x59: {  	(v2sf) =	vpush v16, $0x0;
	_ =	sdelay $0x1  }
0x5a: {  	(v2sf) =	vpush v18, $0x1;
	_ =	sdelay $0x3  }
0x5b: {  	(v2sf) =	vpush v17, $0x1;
	_ =	sdelay $0x4  }
0x5c: {  	s13 =	spop (v2sf);
	(v2sf) =	vpush v16, $0x1;
	_ =	sdelay $0x1  }
0x5d: {  	s25 =	spop (v2sf);
	(v2sf) =	vpush v18, $0x2  }
0x5e: {  	s5 =	sand.u32 $0xFFFFF80, s13  }
0x5f: {  	s5 =	sadd.s32 s1, s5;
	s26 =	sand.u32 $0xFFFFF80, s25;
	s6 =	spop (v2sf)  }
0x60: {  	[tilespmem:s0], [sflag:$0x1] =	stream.strided.gather [hbm4b:s5+s30], $0x1000, s31, s30, $0x38;
	[tilespmem:$0x18800] =	vst v63  }
0x61: {  	s5 =	sadd.s32 s3, s26;
	s28 =	sand.u32 $0xFFFFF80, s6;
	s14 =	spop (v2sf)  }
0x62: {  	[tilespmem:s2], [sflag:$0x1] =	stream.strided.gather [hbm4b:s5+s30], $0x1000, s31, s30, $0x38;
	[tilespmem:$0x18800] =	vst v63  }
0x63: {  	(v2sf) =	vpush v17, $0x2;
	s7 =	sand.u32 $0xFFFFF80, s14;
	s5 =	sadd.s32 s1, s28  }
0x64: {  	(v2sf) =	vpush v16, $0x2;
	[tilespmem:s20], [sflag:$0x1] =	stream.strided.gather [hbm4b:s5+s30], $0x1000, s31, s30, $0x38;
	[tilespmem:$0x18800] =	vst v63  }
0x65: {  	s26 =	spop (v2sf);
	s5 =	sadd.s32 s1, s7  }
0x66: {  	[tilespmem:s8], [sflag:$0x1] =	stream.strided.gather [hbm4b:s5+s30], $0x1000, s31, s30, $0x38;
	[tilespmem:$0x18800] =	vst v63  }
0x67: {  	s8 =	sand.u32 $0xFFFFF80, s26  }
0x68: {  	s5 =	sadd.s32 s3, s8  }
0x69: {  	[tilespmem:s18], [sflag:$0x1] =	stream.strided.gather [hbm4b:s5+s30], $0x1000, s31, s30, $0x38;
	[tilespmem:$0x18800] =	vst v63  }
0x6a: {  	s7 =	spop (v2sf);
	(v2sf) =	vpush v18, $0x3  }
0x6b: {  	s15 =	sand.u32 $0xFFFFF80, s7;
	(v2sf) =	vpush v17, $0x3  }
0x6c: {  	s5 =	sadd.s32 s1, s15;
	s15 =	spop (v2sf);
	(v2sf) =	vpush v16, $0x3;
	_ =	sdelay $0x4  }
0x6d: {  	[tilespmem:s4], [sflag:$0x1] =	stream.strided.gather [hbm4b:s5+s30], $0x1000, s31, s30, $0x38;
	[tilespmem:$0x18800] =	vst v63  }
0x6e: {  	s17 =	sand.u32 $0xFFFFF80, s15;
	s28 =	spop (v2sf);
	(v2sf) =	vpush v18, $0x4  }
0x6f: {  	s5 =	sadd.s32 s1, s17;
	s18 =	sand.u32 $0xFFFFF80, s28;
	s8 =	spop (v2sf)  }
0x70: {  	(v2sf) =	vpush v17, $0x4;
	[tilespmem:s11], [sflag:$0x1] =	stream.strided.gather [hbm4b:s5+s30], $0x1000, s31, s30, $0x38;
	[tilespmem:$0x18800] =	vst v63  }
0x71: {  	s5 =	sadd.s32 s3, s18;
	s4 =	sand.u32 $0xFFFFF80, s8  }
0x72: {  	[tilespmem:s12], [sflag:$0x1] =	stream.strided.gather [hbm4b:s5+s30], $0x1000, s31, s30, $0x38;
	[tilespmem:$0x18800] =	vst v63  }
0x73: {  	s5 =	sadd.s32 s1, s4  }
0x74: {  	[tilespmem:s16], [sflag:$0x1] =	stream.strided.gather [hbm4b:s5+s30], $0x1000, s31, s30, $0x38;
	[tilespmem:$0x18800] =	vst v63  }
0x75: {  	s16 =	spop (v2sf);
	(v2sf) =	vpush v16, $0x4  }
0x76: {  	s11 =	sand.u32 $0xFFFFF80, s16;
	s17 =	spop (v2sf)  }
0x77: {  	s5 =	sadd.s32 s1, s11;
	s12 =	sand.u32 $0xFFFFF80, s17;
	s11 =	spop (v2sf)  }
0x78: {  	[tilespmem:s24], [sflag:$0x1] =	stream.strided.gather [hbm4b:s5+s30], $0x1000, s31, s30, $0x38;
	[tilespmem:$0x18800] =	vst v63  }
0x79: {  	s5 =	sadd.s32 s3, s12;
	s18 =	sand.u32 $0xFFFFF80, s11  }
0x7a: {  	[tilespmem:s29], [sflag:$0x1] =	stream.strided.gather [hbm4b:s5+s30], $0x1000, s31, s30, $0x38;
	[tilespmem:$0x18800] =	vst v63  }
0x7b: {  	s24 =	simm.s32 $0x13600;
	s5 =	sadd.s32 s1, s18  }
0x7c: {  	[tilespmem:s24], [sflag:$0x1] =	stream.strided.gather [hbm4b:s5+s30], $0x1000, s31, s30, $0x38;
	[tilespmem:$0x18800] =	vst v63  }
0x7d: {  	s5 =	spop (v2sf)  }
0x7e: {  	s18 =	sand.u32 $0xFFFFF80, s5  }
0x7f: {  	s29 =	simm.s32 $0x4600;
	s12 =	spop (v2sf);
	s24 =	sadd.s32 s1, s18  }
0x80: {  	[tilespmem:s29], [sflag:$0x1] =	stream.strided.gather [hbm4b:s24+s30], $0x1000, s31, s30, $0x38;
	[tilespmem:$0x18800] =	vst v63  }
0x81: {  	s29 =	sand.u32 $0xFFFFF80, s12  }
0x82: {  	s18 =	simm.s32 $0xC600;
	s29 =	sadd.s32 s3, s29  }
0x83: {  	[tilespmem:s18], [sflag:$0x1] =	stream.strided.gather [hbm4b:s29+s30], $0x1000, s31, s30, $0x38;
	[tilespmem:$0x18800] =	vst v63  }
0x84: {  	s24 =	spop (v2sf)  }
0x85: {  	s29 =	sand.u32 $0xFFFFF80, s24  }
0x86: {  	s18 =	simm.s32 $0x14600;
	s29 =	sadd.s32 s1, s29  }
0x87: {  	[tilespmem:s18], [sflag:$0x1] =	stream.strided.gather [hbm4b:s29+s30], $0x1000, s31, s30, $0x38;
	[tilespmem:$0x18800] =	vst v63  }
0x88: {  	_ =	swait.ge [sflag:s9], $0x1000  }
0x89: {  	[sflag:s9] =	ssyncset.done $0x0  }
0x8a: {  	[sflag:s9] =	ssyncadd.s32 $0xFFFFF000  }
0x8b: {  	s13 =	sand.u32 $0x7F, s13;
	_ =	swait.ge [sflag:s9], $0x1000  }
0x8c: {  	s25 =	sand.u32 $0x7F, s25;
	v19 =	vor.u32 s13, v0;
	[sflag:s9] =	ssyncset.done $0x0  }
0x8d: {  	v20 =	vor.u32 s25, v0;
	[sflag:s9] =	ssyncadd.s32 $0xFFFFF000  }
0x8e: {  	v21 =	vor.u32 s13, v1;
	_ =	swait.ge [sflag:s9], $0x1000  }
0x8f: {  	s6 =	sand.u32 $0x7F, s6;
	v22 =	vor.u32 s25, v1;
	[sflag:s9] =	ssyncset.done $0x0  }
0x90: {  	v23 =	vor.u32 s6, v0;
	[sflag:s9] =	ssyncadd.s32 $0xFFFFF000  }
0x91: {  	v24 =	vor.u32 s6, v1;
	v19 =	vld.idx.msk [tilespmem:v19+s0+$0x0], $0xffff  }
0x92: {  	v20 =	vld.idx.msk [tilespmem:v20+s2+$0x0], $0xffff  }
0x93: {  	v21 =	vld.idx.msk [tilespmem:v21+s0+$0x0], $0xffff  }
0x94: {  	v22 =	vld.idx.msk [tilespmem:v22+s2+$0x0], $0xffff  }
0x95: {  	v23 =	vld.idx.msk [tilespmem:v23+s20+$0x0], $0xffff  }
0x96: {  	v24 =	vld.idx.msk [tilespmem:v24+s20+$0x0], $0xffff;
	_ =	sdelay $0x2  }
0x97: {  	v19 =	vmul.f32 v20, v19;
	v28 =	vmul.f32 v22, v21;
	_ =	sdelay $0x1  }
0x98: {  	(v2sf) =	vpush v18, $0x5;
	v19 =	vmul.f32 v23, v19;
	v20 =	vmul.f32 v24, v28  }
0x99: {  	(v2sf) =	vpush v17, $0x5  }
0x9a: {  	v19 =	vadd.f32 v20, v19;
	_ =	sdelay $0x1  }
0x9b: {  	(v2sf) =	vpush v16, $0x5;
	(xrf2) =	vadd.scan.msk.f32 $0xffff, v19;
	_ =	sdelay $0x3  }
0x9c: {  	s13 =	sadd.s32 $0xFFFFFFF1, s21  }
0x9d: {  	v29 =	vmov s13  }
0x9e: {  	v19 =	vand.u32 $0xFFFFFFF0, v29  }
0x9f: {  	v19 =	vbroadcast v19, $0x0;
	_ =	sdelay $0x2  }
0xa0: {  	v30, _, _ =	vpop (xrf2)  }
0xa1: {  	s6 =	spop (v2sf);
	v20 =	vbroadcast v30, $0xF  }
0xa2: {  	s18 =	sand.u32 $0xFFFFF80, s6;
	s13 =	spop (v2sf)  }
0xa3: {  	s25 =	sadd.s32 s1, s18;
	s18 =	simm.s32 $0x5600;
	s29 =	sand.u32 $0xFFFFF80, s13;
	[tilespmem:v19+s10+$0x0] =	vst.idx.msk $0x1, v20  }
0xa4: {  	[tilespmem:s18], [sflag:$0x1] =	stream.strided.gather [hbm4b:s25+s30], $0x1000, s31, s30, $0x38;
	[tilespmem:$0x18800] =	vst v63  }
0xa5: {  	s29 =	sadd.s32 s3, s29;
	s25 =	spop (v2sf);
	s18 =	simm.s32 $0xD600  }
0xa6: {  	[tilespmem:s18], [sflag:$0x1] =	stream.strided.gather [hbm4b:s29+s30], $0x1000, s31, s30, $0x38;
	[tilespmem:$0x18800] =	vst v63  }
0xa7: {  	s29 =	sand.u32 $0xFFFFF80, s25  }
0xa8: {  	s18 =	simm.s32 $0x15600;
	s29 =	sadd.s32 s1, s29  }
0xa9: {  	[tilespmem:s18], [sflag:$0x1] =	stream.strided.gather [hbm4b:s29+s30], $0x1000, s31, s30, $0x38;
	[tilespmem:$0x18800] =	vst v63  }
0xaa: {  	_ =	swait.ge [sflag:s9], $0x1000  }
0xab: {  	[sflag:s9] =	ssyncset.done $0x0  }
0xac: {  	[sflag:s9] =	ssyncadd.s32 $0xFFFFF000  }
0xad: {  	s14 =	sand.u32 $0x7F, s14;
	_ =	swait.ge [sflag:s9], $0x1000  }
0xae: {  	v31 =	vor.u32 s14, v2;
	s26 =	sand.u32 $0x7F, s26;
	[sflag:s9] =	ssyncset.done $0x0  }
0xaf: {  	v32 =	vor.u32 s26, v2;
	[sflag:s9] =	ssyncadd.s32 $0xFFFFF000  }
0xb0: {  	v33 =	vor.u32 s14, v3;
	_ =	swait.ge [sflag:s9], $0x1000  }
0xb1: {  	v34 =	vor.u32 s26, v3;
	s7 =	sand.u32 $0x7F, s7;
	[sflag:s9] =	ssyncset.done $0x0  }
0xb2: {  	v35 =	vor.u32 s7, v2;
	[sflag:s9] =	ssyncadd.s32 $0xFFFFF000  }
0xb3: {  	v36 =	vor.u32 s7, v3;
	v19 =	vld.idx.msk [tilespmem:v31+s0+$0x0], $0xffff  }
0xb4: {  	v20 =	vld.idx.msk [tilespmem:v32+s2+$0x0], $0xffff  }
0xb5: {  	v21 =	vld.idx.msk [tilespmem:v33+s0+$0x0], $0xffff  }
0xb6: {  	v22 =	vld.idx.msk [tilespmem:v34+s2+$0x0], $0xffff  }
0xb7: {  	v23 =	vld.idx.msk [tilespmem:v35+s20+$0x0], $0xffff  }
0xb8: {  	v24 =	vld.idx.msk [tilespmem:v36+s20+$0x0], $0xffff;
	_ =	sdelay $0x2  }
0xb9: {  	v19 =	vmul.f32 v20, v19;
	v37 =	vmul.f32 v22, v21;
	_ =	sdelay $0x1  }
0xba: {  	(v2sf) =	vpush v18, $0x6;
	v19 =	vmul.f32 v23, v19;
	v20 =	vmul.f32 v24, v37  }
0xbb: {  	(v2sf) =	vpush v17, $0x6  }
0xbc: {  	v19 =	vadd.f32 v20, v19;
	_ =	sdelay $0x1  }
0xbd: {  	(v2sf) =	vpush v16, $0x6;
	(xrf2) =	vadd.scan.msk.f32 $0xffff, v19;
	_ =	sdelay $0x3  }
0xbe: {  	s14 =	sadd.s32 $0xFFFFFFF2, s21  }
0xbf: {  	v38 =	vmov s14  }
0xc0: {  	v19 =	vand.u32 $0xFFFFFFF1, v38  }
0xc1: {  	v19 =	vbroadcast v19, $0x0;
	_ =	sdelay $0x2  }
0xc2: {  	v39, _, _ =	vpop (xrf2)  }
0xc3: {  	s7 =	spop (v2sf);
	v20 =	vbroadcast v39, $0xF  }
0xc4: {  	s18 =	sand.u32 $0xFFFFF80, s7;
	s14 =	spop (v2sf)  }
0xc5: {  	s26 =	sadd.s32 s1, s18;
	s18 =	simm.s32 $0x6600;
	s29 =	sand.u32 $0xFFFFF80, s14;
	[tilespmem:v19+s10+$0x0] =	vst.idx.msk $0x1, v20  }
0xc6: {  	[tilespmem:s18], [sflag:$0x1] =	stream.strided.gather [hbm4b:s26+s30], $0x1000, s31, s30, $0x38;
	[tilespmem:$0x18800] =	vst v63  }
0xc7: {  	s29 =	sadd.s32 s3, s29;
	s26 =	spop (v2sf);
	s18 =	simm.s32 $0xE600  }
0xc8: {  	[tilespmem:s18], [sflag:$0x1] =	stream.strided.gather [hbm4b:s29+s30], $0x1000, s31, s30, $0x38;
	[tilespmem:$0x18800] =	vst v63  }
0xc9: {  	s29 =	sand.u32 $0xFFFFF80, s26  }
0xca: {  	s18 =	simm.s32 $0x16600;
	s29 =	sadd.s32 s1, s29  }
0xcb: {  	[tilespmem:s18], [sflag:$0x1] =	stream.strided.gather [hbm4b:s29+s30], $0x1000, s31, s30, $0x38;
	[tilespmem:$0x18800] =	vst v63  }
0xcc: {  	_ =	swait.ge [sflag:s9], $0x1000  }
0xcd: {  	[sflag:s9] =	ssyncset.done $0x0  }
0xce: {  	[sflag:s9] =	ssyncadd.s32 $0xFFFFF000  }
0xcf: {  	s15 =	sand.u32 $0x7F, s15;
	_ =	swait.ge [sflag:s9], $0x1000  }
0xd0: {  	s28 =	sand.u32 $0x7F, s28;
	v40 =	vor.u32 s15, v4;
	[sflag:s9] =	ssyncset.done $0x0  }
0xd1: {  	v41 =	vor.u32 s28, v4;
	[sflag:s9] =	ssyncadd.s32 $0xFFFFF000  }
0xd2: {  	v42 =	vor.u32 s15, v5;
	_ =	swait.ge [sflag:s9], $0x1000  }
0xd3: {  	s8 =	sand.u32 $0x7F, s8;
	v43 =	vor.u32 s28, v5;
	[sflag:s9] =	ssyncset.done $0x0  }
0xd4: {  	v44 =	vor.u32 s8, v4;
	[sflag:s9] =	ssyncadd.s32 $0xFFFFF000  }
0xd5: {  	v45 =	vor.u32 s8, v5;
	v19 =	vld.idx.msk [tilespmem:v40+s0+$0x0], $0xffff  }
0xd6: {  	v20 =	vld.idx.msk [tilespmem:v41+s2+$0x0], $0xffff  }
0xd7: {  	v21 =	vld.idx.msk [tilespmem:v42+s0+$0x0], $0xffff  }
0xd8: {  	v22 =	vld.idx.msk [tilespmem:v43+s2+$0x0], $0xffff  }
0xd9: {  	v23 =	vld.idx.msk [tilespmem:v44+s20+$0x0], $0xffff  }
0xda: {  	v24 =	vld.idx.msk [tilespmem:v45+s20+$0x0], $0xffff;
	_ =	sdelay $0x2  }
0xdb: {  	v19 =	vmul.f32 v20, v19;
	v46 =	vmul.f32 v22, v21;
	_ =	sdelay $0x1  }
0xdc: {  	(v2sf) =	vpush v18, $0x7;
	v19 =	vmul.f32 v23, v19;
	v20 =	vmul.f32 v24, v46  }
0xdd: {  	(v2sf) =	vpush v17, $0x7  }
0xde: {  	v19 =	vadd.f32 v20, v19;
	_ =	sdelay $0x1  }
0xdf: {  	(v2sf) =	vpush v16, $0x7;
	(xrf2) =	vadd.scan.msk.f32 $0xffff, v19;
	_ =	sdelay $0x3  }
0xe0: {  	s15 =	sadd.s32 $0xFFFFFFF3, s21  }
0xe1: {  	v47 =	vmov s15  }
0xe2: {  	v19 =	vand.u32 $0xFFFFFFF2, v47  }
0xe3: {  	v19 =	vbroadcast v19, $0x0;
	_ =	sdelay $0x2  }
0xe4: {  	v48, _, _ =	vpop (xrf2)  }
0xe5: {  	s8 =	spop (v2sf);
	v20 =	vbroadcast v48, $0xF  }
0xe6: {  	s18 =	sand.u32 $0xFFFFF80, s8;
	s15 =	spop (v2sf)  }
0xe7: {  	s28 =	sadd.s32 s1, s18;
	s18 =	simm.s32 $0x7600;
	s29 =	sand.u32 $0xFFFFF80, s15;
	[tilespmem:v19+s10+$0x0] =	vst.idx.msk $0x1, v20  }
0xe8: {  	[tilespmem:s18], [sflag:$0x1] =	stream.strided.gather [hbm4b:s28+s30], $0x1000, s31, s30, $0x38;
	[tilespmem:$0x18800] =	vst v63  }
0xe9: {  	s29 =	sadd.s32 s3, s29;
	s28 =	spop (v2sf);
	s18 =	simm.s32 $0xF600  }
0xea: {  	[tilespmem:s18], [sflag:$0x1] =	stream.strided.gather [hbm4b:s29+s30], $0x1000, s31, s30, $0x38;
	[tilespmem:$0x18800] =	vst v63  }
0xeb: {  	s29 =	sand.u32 $0xFFFFF80, s28  }
0xec: {  	s18 =	simm.s32 $0x17600;
	s29 =	sadd.s32 s1, s29  }
0xed: {  	[tilespmem:s18], [sflag:$0x1] =	stream.strided.gather [hbm4b:s29+s30], $0x1000, s31, s30, $0x38;
	[tilespmem:$0x18800] =	vst v63  }
0xee: {  	_ =	swait.ge [sflag:s9], $0x1000  }
0xef: {  	[sflag:s9] =	ssyncset.done $0x0  }
0xf0: {  	[sflag:s9] =	ssyncadd.s32 $0xFFFFF000  }
0xf1: {  	s16 =	sand.u32 $0x7F, s16;
	_ =	swait.ge [sflag:s9], $0x1000  }
0xf2: {  	s17 =	sand.u32 $0x7F, s17;
	v49 =	vor.u32 s16, v6;
	[sflag:s9] =	ssyncset.done $0x0  }
0xf3: {  	v50 =	vor.u32 s17, v6;
	[sflag:s9] =	ssyncadd.s32 $0xFFFFF000  }
0xf4: {  	v51 =	vor.u32 s16, v7;
	_ =	swait.ge [sflag:s9], $0x1000  }
0xf5: {  	s11 =	sand.u32 $0x7F, s11;
	v52 =	vor.u32 s17, v7;
	[sflag:s9] =	ssyncset.done $0x0  }
0xf6: {  	v53 =	vor.u32 s11, v6;
	[sflag:s9] =	ssyncadd.s32 $0xFFFFF000  }
0xf7: {  	v54 =	vor.u32 s11, v7;
	v19 =	vld.idx.msk [tilespmem:v49+s0+$0x0], $0xffff  }
0xf8: {  	v20 =	vld.idx.msk [tilespmem:v50+s2+$0x0], $0xffff  }
0xf9: {  	v21 =	vld.idx.msk [tilespmem:v51+s0+$0x0], $0xffff  }
0xfa: {  	v22 =	vld.idx.msk [tilespmem:v52+s2+$0x0], $0xffff  }
0xfb: {  	v23 =	vld.idx.msk [tilespmem:v53+s20+$0x0], $0xffff  }
0xfc: {  	v24 =	vld.idx.msk [tilespmem:v54+s20+$0x0], $0xffff;
	_ =	sdelay $0x2  }
0xfd: {  	v19 =	vmul.f32 v20, v19;
	v55 =	vmul.f32 v22, v21;
	_ =	sdelay $0x1  }
0xfe: {  	(v2sf) =	vpush v18, $0x8;
	v19 =	vmul.f32 v23, v19;
	v20 =	vmul.f32 v24, v55  }
0xff: {  	(v2sf) =	vpush v17, $0x8  }
0x100: {  	(v2sf) =	vpush v16, $0x8;
	v19 =	vadd.f32 v20, v19;
	_ =	sdelay $0x1  }
0x101: {  	(xrf2) =	vadd.scan.msk.f32 $0xffff, v19;
	_ =	sdelay $0x3  }
0x102: {  	s17 =	sadd.s32 $0xFFFFFFF4, s21  }
0x103: {  	v56 =	vmov s17  }
0x104: {  	v19 =	vand.u32 $0xFFFFFFF3, v56  }
0x105: {  	v19 =	vbroadcast v19, $0x0;
	_ =	sdelay $0x2  }
0x106: {  	v57, _, _ =	vpop (xrf2)  }
0x107: {  	s11 =	spop (v2sf);
	v20 =	vbroadcast v57, $0xF  }
0x108: {  	s18 =	sand.u32 $0xFFFFF80, s11;
	s16 =	spop (v2sf)  }
0x109: {  	s17 =	sadd.s32 s1, s18;
	s18 =	sand.u32 $0xFFFFF80, s16;
	s29 =	spop (v2sf);
	[tilespmem:v19+s10+$0x0] =	vst.idx.msk $0x1, v20  }
0x10a: {  	[tilespmem:s0], [sflag:$0x1] =	stream.strided.gather [hbm4b:s17+s30], $0x1000, s31, s30, $0x38;
	[tilespmem:$0x18800] =	vst v63  }
0x10b: {  	s17 =	sadd.s32 s3, s18;
	s18 =	sand.u32 $0xFFFFF80, s29  }
0x10c: {  	[tilespmem:s2], [sflag:$0x1] =	stream.strided.gather [hbm4b:s17+s30], $0x1000, s31, s30, $0x38;
	[tilespmem:$0x18800] =	vst v63  }
0x10d: {  	s17 =	sadd.s32 s1, s18  }
0x10e: {  	[tilespmem:s20], [sflag:$0x1] =	stream.strided.gather [hbm4b:s17+s30], $0x1000, s31, s30, $0x38;
	[tilespmem:$0x18800] =	vst v63  }
0x10f: {  	_ =	swait.ge [sflag:s9], $0x1000  }
0x110: {  	[sflag:s9] =	ssyncset.done $0x0  }
0x111: {  	[sflag:s9] =	ssyncadd.s32 $0xFFFFF000  }
0x112: {  	s5 =	sand.u32 $0x7F, s5;
	_ =	swait.ge [sflag:s9], $0x1000  }
0x113: {  	v58 =	vor.u32 s5, v8;
	s12 =	sand.u32 $0x7F, s12;
	[sflag:s9] =	ssyncset.done $0x0  }
0x114: {  	v59 =	vor.u32 s12, v8;
	[sflag:s9] =	ssyncadd.s32 $0xFFFFF000  }
0x115: {  	v60 =	vor.u32 s5, v9;
	_ =	swait.ge [sflag:s9], $0x1000  }
0x116: {  	v61 =	vor.u32 s12, v9;
	s24 =	sand.u32 $0x7F, s24;
	[sflag:s9] =	ssyncset.done $0x0  }
0x117: {  	v62 =	vor.u32 s24, v8;
	[sflag:s9] =	ssyncadd.s32 $0xFFFFF000  }
0x118: {  	v63 =	vor.u32 s24, v9;
	v19 =	vld.idx.msk [tilespmem:v58+s0+$0x0], $0xffff  }
0x119: {  	v20 =	vld.idx.msk [tilespmem:v59+s2+$0x0], $0xffff  }
0x11a: {  	v21 =	vld.idx.msk [tilespmem:v60+s0+$0x0], $0xffff  }
0x11b: {  	v22 =	vld.idx.msk [tilespmem:v61+s2+$0x0], $0xffff  }
0x11c: {  	v23 =	vld.idx.msk [tilespmem:v62+s20+$0x0], $0xffff  }
0x11d: {  	v24 =	vld.idx.msk [tilespmem:v63+s20+$0x0], $0xffff;
	_ =	sdelay $0x2  }
0x11e: {  	v19 =	vmul.f32 v20, v19;
	v27 =	vmul.f32 v22, v21;
	_ =	sdelay $0x1  }
0x11f: {  	(v2sf) =	vpush v18, $0x9;
	v19 =	vmul.f32 v23, v19;
	v20 =	vmul.f32 v24, v27;
	_ =	sdelay $0x1  }
0x120: {  	(v2sf) =	vpush v17, $0x9;
	v19 =	vadd.f32 v20, v19;
	_ =	sdelay $0x1  }
0x121: {  	(xrf2) =	vadd.scan.msk.f32 $0xffff, v19  }
0x122: {  	(v2sf) =	vpush v16, $0x9;
	_ =	sdelay $0x2  }
0x123: {  	s17 =	sadd.s32 $0xFFFFFFF5, s21  }
0x124: {  	v28 =	vmov s17  }
0x125: {  	v19 =	vand.u32 $0xFFFFFFF4, v28  }
0x126: {  	v19 =	vbroadcast v19, $0x0;
	_ =	sdelay $0x2  }
0x127: {  	v29, _, _ =	vpop (xrf2)  }
0x128: {  	s12 =	spop (v2sf);
	v20 =	vbroadcast v29, $0xF  }
0x129: {  	s18 =	sand.u32 $0xFFFFF80, s12  }
0x12a: {  	s24 =	simm.s32 $0x1600;
	s17 =	spop (v2sf);
	s5 =	sadd.s32 s1, s18;
	[tilespmem:v19+s10+$0x0] =	vst.idx.msk $0x1, v20  }
0x12b: {  	[tilespmem:s24], [sflag:$0x1] =	stream.strided.gather [hbm4b:s5+s30], $0x1000, s31, s30, $0x38;
	[tilespmem:$0x18800] =	vst v63  }
0x12c: {  	s24 =	sand.u32 $0xFFFFF80, s17  }
0x12d: {  	s18 =	simm.s32 $0x9600;
	s5 =	spop (v2sf);
	s24 =	sadd.s32 s3, s24  }
0x12e: {  	[tilespmem:s18], [sflag:$0x1] =	stream.strided.gather [hbm4b:s24+s30], $0x1000, s31, s30, $0x38;
	[tilespmem:$0x18800] =	vst v63  }
0x12f: {  	s24 =	sand.u32 $0xFFFFF80, s5  }
0x130: {  	s4 =	simm.s32 $0x11600;
	s24 =	sadd.s32 s1, s24  }
0x131: {  	[tilespmem:s4], [sflag:$0x1] =	stream.strided.gather [hbm4b:s24+s30], $0x1000, s31, s30, $0x38;
	[tilespmem:$0x18800] =	vst v63  }
0x132: {  	_ =	swait.ge [sflag:s9], $0x1000  }
0x133: {  	[sflag:s9] =	ssyncset.done $0x0  }
0x134: {  	[sflag:s9] =	ssyncadd.s32 $0xFFFFF000  }
0x135: {  	s6 =	sand.u32 $0x7F, s6;
	_ =	swait.ge [sflag:s9], $0x1000  }
0x136: {  	s13 =	sand.u32 $0x7F, s13;
	v30 =	vor.u32 s6, v10;
	[sflag:s9] =	ssyncset.done $0x0  }
0x137: {  	v31 =	vor.u32 s13, v10;
	[sflag:s9] =	ssyncadd.s32 $0xFFFFF000  }
0x138: {  	v32 =	vor.u32 s6, v11;
	_ =	swait.ge [sflag:s9], $0x1000  }
0x139: {  	v33 =	vor.u32 s13, v11;
	s24 =	sand.u32 $0x7F, s25;
	[sflag:s9] =	ssyncset.done $0x0  }
0x13a: {  	v34 =	vor.u32 s24, v10;
	[sflag:s9] =	ssyncadd.s32 $0xFFFFF000  }
0x13b: {  	v35 =	vor.u32 s24, v11;
	v19 =	vld.idx.msk [tilespmem:v30+s0+$0x0], $0xffff  }
0x13c: {  	v20 =	vld.idx.msk [tilespmem:v31+s2+$0x0], $0xffff  }
0x13d: {  	v21 =	vld.idx.msk [tilespmem:v32+s0+$0x0], $0xffff  }
0x13e: {  	v22 =	vld.idx.msk [tilespmem:v33+s2+$0x0], $0xffff  }
0x13f: {  	v23 =	vld.idx.msk [tilespmem:v34+s20+$0x0], $0xffff  }
0x140: {  	v24 =	vld.idx.msk [tilespmem:v35+s20+$0x0], $0xffff;
	_ =	sdelay $0x2  }
0x141: {  	v19 =	vmul.f32 v20, v19;
	v36 =	vmul.f32 v22, v21;
	_ =	sdelay $0x1  }
0x142: {  	(v2sf) =	vpush v18, $0xA;
	v19 =	vmul.f32 v23, v19;
	v20 =	vmul.f32 v24, v36  }
0x143: {  	(v2sf) =	vpush v17, $0xA  }
0x144: {  	v19 =	vadd.f32 v20, v19;
	_ =	sdelay $0x1  }
0x145: {  	(v2sf) =	vpush v16, $0xA;
	(xrf2) =	vadd.scan.msk.f32 $0xffff, v19;
	_ =	sdelay $0x3  }
0x146: {  	s25 =	sadd.s32 $0xFFFFFFF6, s21  }
0x147: {  	v37 =	vmov s25  }
0x148: {  	v19 =	vand.u32 $0xFFFFFFF5, v37  }
0x149: {  	v19 =	vbroadcast v19, $0x0;
	_ =	sdelay $0x2  }
0x14a: {  	v38, _, _ =	vpop (xrf2)  }
0x14b: {  	s6 =	spop (v2sf);
	v20 =	vbroadcast v38, $0xF  }
0x14c: {  	s4 =	sand.u32 $0xFFFFF80, s6;
	s13 =	spop (v2sf)  }
0x14d: {  	s25 =	simm.s32 $0x2600;
	s24 =	sadd.s32 s1, s4;
	s4 =	sand.u32 $0xFFFFF80, s13;
	[tilespmem:v19+s10+$0x0] =	vst.idx.msk $0x1, v20  }
0x14e: {  	[tilespmem:s25], [sflag:$0x1] =	stream.strided.gather [hbm4b:s24+s30], $0x1000, s31, s30, $0x38;
	[tilespmem:$0x18800] =	vst v63  }
0x14f: {  	s25 =	spop (v2sf);
	s24 =	sadd.s32 s3, s4;
	s4 =	simm.s32 $0xA600  }
0x150: {  	[tilespmem:s4], [sflag:$0x1] =	stream.strided.gather [hbm4b:s24+s30], $0x1000, s31, s30, $0x38;
	[tilespmem:$0x18800] =	vst v63  }
0x151: {  	s4 =	sand.u32 $0xFFFFF80, s25  }
0x152: {  	s24 =	sadd.s32 s1, s4;
	s4 =	simm.s32 $0x12600  }
0x153: {  	[tilespmem:s4], [sflag:$0x1] =	stream.strided.gather [hbm4b:s24+s30], $0x1000, s31, s30, $0x38;
	[tilespmem:$0x18800] =	vst v63  }
0x154: {  	_ =	swait.ge [sflag:s9], $0x1000  }
0x155: {  	[sflag:s9] =	ssyncset.done $0x0  }
0x156: {  	[sflag:s9] =	ssyncadd.s32 $0xFFFFF000  }
0x157: {  	s7 =	sand.u32 $0x7F, s7;
	_ =	swait.ge [sflag:s9], $0x1000  }
0x158: {  	s14 =	sand.u32 $0x7F, s14;
	v39 =	vor.u32 s7, v12;
	[sflag:s9] =	ssyncset.done $0x0  }
0x159: {  	v40 =	vor.u32 s14, v12;
	[sflag:s9] =	ssyncadd.s32 $0xFFFFF000  }
0x15a: {  	v41 =	vor.u32 s7, v13;
	_ =	swait.ge [sflag:s9], $0x1000  }
0x15b: {  	v42 =	vor.u32 s14, v13;
	s24 =	sand.u32 $0x7F, s26;
	[sflag:s9] =	ssyncset.done $0x0  }
0x15c: {  	v43 =	vor.u32 s24, v12;
	[sflag:s9] =	ssyncadd.s32 $0xFFFFF000  }
0x15d: {  	v44 =	vor.u32 s24, v13;
	v19 =	vld.idx.msk [tilespmem:v39+s0+$0x0], $0xffff  }
0x15e: {  	v20 =	vld.idx.msk [tilespmem:v40+s2+$0x0], $0xffff  }
0x15f: {  	v21 =	vld.idx.msk [tilespmem:v41+s0+$0x0], $0xffff  }
0x160: {  	v22 =	vld.idx.msk [tilespmem:v42+s2+$0x0], $0xffff  }
0x161: {  	v23 =	vld.idx.msk [tilespmem:v43+s20+$0x0], $0xffff  }
0x162: {  	v24 =	vld.idx.msk [tilespmem:v44+s20+$0x0], $0xffff;
	_ =	sdelay $0x2  }
0x163: {  	v19 =	vmul.f32 v20, v19;
	v45 =	vmul.f32 v22, v21;
	_ =	sdelay $0x1  }
0x164: {  	(v2sf) =	vpush v18, $0xB;
	v19 =	vmul.f32 v23, v19;
	v20 =	vmul.f32 v24, v45  }
0x165: {  	(v2sf) =	vpush v17, $0xB  }
0x166: {  	v19 =	vadd.f32 v20, v19;
	_ =	sdelay $0x1  }
0x167: {  	(v2sf) =	vpush v16, $0xB;
	(xrf2) =	vadd.scan.msk.f32 $0xffff, v19;
	_ =	sdelay $0x3  }
0x168: {  	s26 =	sadd.s32 $0xFFFFFFF7, s21  }
0x169: {  	v46 =	vmov s26  }
0x16a: {  	v19 =	vand.u32 $0xFFFFFFF6, v46  }
0x16b: {  	v19 =	vbroadcast v19, $0x0;
	_ =	sdelay $0x2  }
0x16c: {  	v47, _, _ =	vpop (xrf2)  }
0x16d: {  	s7 =	spop (v2sf);
	v20 =	vbroadcast v47, $0xF  }
0x16e: {  	s4 =	sand.u32 $0xFFFFF80, s7;
	s14 =	spop (v2sf)  }
0x16f: {  	s26 =	simm.s32 $0x3600;
	s24 =	sadd.s32 s1, s4;
	s4 =	sand.u32 $0xFFFFF80, s14;
	[tilespmem:v19+s10+$0x0] =	vst.idx.msk $0x1, v20  }
0x170: {  	[tilespmem:s26], [sflag:$0x1] =	stream.strided.gather [hbm4b:s24+s30], $0x1000, s31, s30, $0x38;
	[tilespmem:$0x18800] =	vst v63  }
0x171: {  	s24 =	spop (v2sf);
	s26 =	sadd.s32 s3, s4;
	s4 =	simm.s32 $0xB600  }
0x172: {  	[tilespmem:s4], [sflag:$0x1] =	stream.strided.gather [hbm4b:s26+s30], $0x1000, s31, s30, $0x38;
	[tilespmem:$0x18800] =	vst v63  }
0x173: {  	s4 =	sand.u32 $0xFFFFF80, s24  }
0x174: {  	s26 =	sadd.s32 s1, s4;
	s4 =	simm.s32 $0x13600  }
0x175: {  	[tilespmem:s4], [sflag:$0x1] =	stream.strided.gather [hbm4b:s26+s30], $0x1000, s31, s30, $0x38;
	[tilespmem:$0x18800] =	vst v63  }
0x176: {  	_ =	swait.ge [sflag:s9], $0x1000  }
0x177: {  	[sflag:s9] =	ssyncset.done $0x0  }
0x178: {  	[sflag:s9] =	ssyncadd.s32 $0xFFFFF000  }
0x179: {  	s8 =	sand.u32 $0x7F, s8;
	_ =	swait.ge [sflag:s9], $0x1000  }
0x17a: {  	s15 =	sand.u32 $0x7F, s15;
	v48 =	vor.u32 s8, v14;
	[sflag:s9] =	ssyncset.done $0x0  }
0x17b: {  	v49 =	vor.u32 s15, v14;
	[sflag:s9] =	ssyncadd.s32 $0xFFFFF000  }
0x17c: {  	v50 =	vor.u32 s8, v15;
	_ =	swait.ge [sflag:s9], $0x1000  }
0x17d: {  	v51 =	vor.u32 s15, v15;
	s26 =	sand.u32 $0x7F, s28;
	[sflag:s9] =	ssyncset.done $0x0  }
0x17e: {  	v52 =	vor.u32 s26, v14;
	[sflag:s9] =	ssyncadd.s32 $0xFFFFF000  }
0x17f: {  	v53 =	vor.u32 s26, v15;
	v19 =	vld.idx.msk [tilespmem:v48+s0+$0x0], $0xffff  }
0x180: {  	v20 =	vld.idx.msk [tilespmem:v49+s2+$0x0], $0xffff  }
0x181: {  	v21 =	vld.idx.msk [tilespmem:v50+s0+$0x0], $0xffff  }
0x182: {  	v22 =	vld.idx.msk [tilespmem:v51+s2+$0x0], $0xffff  }
0x183: {  	v23 =	vld.idx.msk [tilespmem:v52+s20+$0x0], $0xffff  }
0x184: {  	v24 =	vld.idx.msk [tilespmem:v53+s20+$0x0], $0xffff;
	_ =	sdelay $0x2  }
0x185: {  	v19 =	vmul.f32 v20, v19;
	v54 =	vmul.f32 v22, v21;
	_ =	sdelay $0x1  }
0x186: {  	(v2sf) =	vpush v18, $0xC;
	v19 =	vmul.f32 v23, v19;
	v20 =	vmul.f32 v24, v54  }
0x187: {  	(v2sf) =	vpush v17, $0xC  }
0x188: {  	v19 =	vadd.f32 v20, v19;
	_ =	sdelay $0x1  }
0x189: {  	(v2sf) =	vpush v16, $0xC;
	(xrf2) =	vadd.scan.msk.f32 $0xffff, v19;
	_ =	sdelay $0x3  }
0x18a: {  	s28 =	sadd.s32 $0xFFFFFFF8, s21  }
0x18b: {  	v55 =	vmov s28  }
0x18c: {  	v19 =	vand.u32 $0xFFFFFFF7, v55  }
0x18d: {  	v19 =	vbroadcast v19, $0x0;
	_ =	sdelay $0x2  }
0x18e: {  	v56, _, _ =	vpop (xrf2)  }
0x18f: {  	s15 =	spop (v2sf);
	v20 =	vbroadcast v56, $0xF  }
0x190: {  	s4 =	sand.u32 $0xFFFFF80, s15;
	s26 =	spop (v2sf)  }
0x191: {  	s28 =	simm.s32 $0x4600;
	s8 =	sadd.s32 s1, s4;
	s4 =	sand.u32 $0xFFFFF80, s26;
	[tilespmem:v19+s10+$0x0] =	vst.idx.msk $0x1, v20  }
0x192: {  	[tilespmem:s28], [sflag:$0x1] =	stream.strided.gather [hbm4b:s8+s30], $0x1000, s31, s30, $0x38;
	[tilespmem:$0x18800] =	vst v63  }
0x193: {  	s8 =	spop (v2sf);
	s28 =	sadd.s32 s3, s4;
	s4 =	simm.s32 $0xC600  }
0x194: {  	[tilespmem:s4], [sflag:$0x1] =	stream.strided.gather [hbm4b:s28+s30], $0x1000, s31, s30, $0x38;
	[tilespmem:$0x18800] =	vst v63  }
0x195: {  	s4 =	sand.u32 $0xFFFFF80, s8  }
0x196: {  	s28 =	sadd.s32 s1, s4;
	s4 =	simm.s32 $0x14600  }
0x197: {  	[tilespmem:s4], [sflag:$0x1] =	stream.strided.gather [hbm4b:s28+s30], $0x1000, s31, s30, $0x38;
	[tilespmem:$0x18800] =	vst v63  }
0x198: {  	_ =	swait.ge [sflag:s9], $0x1000  }
0x199: {  	[sflag:s9] =	ssyncset.done $0x0  }
0x19a: {  	[sflag:s9] =	ssyncadd.s32 $0xFFFFF000  }
0x19b: {  	s11 =	sand.u32 $0x7F, s11;
	_ =	swait.ge [sflag:s9], $0x1000  }
0x19c: {  	s16 =	sand.u32 $0x7F, s16;
	v57 =	vor.u32 s11, v0;
	[sflag:s9] =	ssyncset.done $0x0  }
0x19d: {  	v58 =	vor.u32 s16, v0;
	[sflag:s9] =	ssyncadd.s32 $0xFFFFF000  }
0x19e: {  	v59 =	vor.u32 s11, v1;
	_ =	swait.ge [sflag:s9], $0x1000  }
0x19f: {  	v60 =	vor.u32 s16, v1;
	s4 =	sand.u32 $0x7F, s29;
	[sflag:s9] =	ssyncset.done $0x0  }
0x1a0: {  	v61 =	vor.u32 s4, v0;
	[sflag:s9] =	ssyncadd.s32 $0xFFFFF000  }
0x1a1: {  	v62 =	vor.u32 s4, v1;
	v19 =	vld.idx.msk [tilespmem:v57+s0+$0x0], $0xffff  }
0x1a2: {  	v20 =	vld.idx.msk [tilespmem:v58+s2+$0x0], $0xffff  }
0x1a3: {  	v21 =	vld.idx.msk [tilespmem:v59+s0+$0x0], $0xffff  }
0x1a4: {  	v22 =	vld.idx.msk [tilespmem:v60+s2+$0x0], $0xffff  }
0x1a5: {  	v23 =	vld.idx.msk [tilespmem:v61+s20+$0x0], $0xffff  }
0x1a6: {  	v24 =	vld.idx.msk [tilespmem:v62+s20+$0x0], $0xffff;
	_ =	sdelay $0x2  }
0x1a7: {  	v19 =	vmul.f32 v20, v19;
	v63 =	vmul.f32 v22, v21;
	_ =	sdelay $0x1  }
0x1a8: {  	(v2sf) =	vpush v18, $0xD;
	v19 =	vmul.f32 v23, v19;
	v20 =	vmul.f32 v24, v63  }
0x1a9: {  	(v2sf) =	vpush v17, $0xD  }
0x1aa: {  	v19 =	vadd.f32 v20, v19;
	_ =	sdelay $0x1  }
0x1ab: {  	(v2sf) =	vpush v16, $0xD;
	(xrf2) =	vadd.scan.msk.f32 $0xffff, v19;
	_ =	sdelay $0x3  }
0x1ac: {  	s28 =	sadd.s32 $0xFFFFFFF9, s21  }
0x1ad: {  	v25 =	vmov s28  }
0x1ae: {  	v19 =	vand.u32 $0xFFFFFFF8, v25  }
0x1af: {  	v19 =	vbroadcast v19, $0x0;
	_ =	sdelay $0x2  }
0x1b0: {  	v26, _, _ =	vpop (xrf2)  }
0x1b1: {  	s16 =	spop (v2sf);
	v20 =	vbroadcast v26, $0xF  }
0x1b2: {  	s4 =	sand.u32 $0xFFFFF80, s16;
	s28 =	spop (v2sf)  }
0x1b3: {  	s11 =	sadd.s32 s1, s4;
	s4 =	simm.s32 $0x5600;
	s29 =	sand.u32 $0xFFFFF80, s28;
	[tilespmem:v19+s10+$0x0] =	vst.idx.msk $0x1, v20  }
0x1b4: {  	[tilespmem:s4], [sflag:$0x1] =	stream.strided.gather [hbm4b:s11+s30], $0x1000, s31, s30, $0x38;
	[tilespmem:$0x18800] =	vst v63  }
0x1b5: {  	s29 =	sadd.s32 s3, s29;
	s11 =	spop (v2sf);
	s4 =	simm.s32 $0xD600  }
0x1b6: {  	[tilespmem:s4], [sflag:$0x1] =	stream.strided.gather [hbm4b:s29+s30], $0x1000, s31, s30, $0x38;
	[tilespmem:$0x18800] =	vst v63  }
0x1b7: {  	s29 =	sand.u32 $0xFFFFF80, s11  }
0x1b8: {  	s4 =	simm.s32 $0x15600;
	s29 =	sadd.s32 s1, s29  }
0x1b9: {  	[tilespmem:s4], [sflag:$0x1] =	stream.strided.gather [hbm4b:s29+s30], $0x1000, s31, s30, $0x38;
	[tilespmem:$0x18800] =	vst v63  }
0x1ba: {  	_ =	swait.ge [sflag:s9], $0x1000  }
0x1bb: {  	[sflag:s9] =	ssyncset.done $0x0  }
0x1bc: {  	[sflag:s9] =	ssyncadd.s32 $0xFFFFF000  }
0x1bd: {  	s12 =	sand.u32 $0x7F, s12;
	_ =	swait.ge [sflag:s9], $0x1000  }
0x1be: {  	v27 =	vor.u32 s12, v2;
	s17 =	sand.u32 $0x7F, s17;
	[sflag:s9] =	ssyncset.done $0x0  }
0x1bf: {  	v28 =	vor.u32 s17, v2;
	[sflag:s9] =	ssyncadd.s32 $0xFFFFF000  }
0x1c0: {  	v29 =	vor.u32 s12, v3;
	_ =	swait.ge [sflag:s9], $0x1000  }
0x1c1: {  	s5 =	sand.u32 $0x7F, s5;
	v30 =	vor.u32 s17, v3;
	[sflag:s9] =	ssyncset.done $0x0  }
0x1c2: {  	v31 =	vor.u32 s5, v2;
	[sflag:s9] =	ssyncadd.s32 $0xFFFFF000  }
0x1c3: {  	v32 =	vor.u32 s5, v3;
	v19 =	vld.idx.msk [tilespmem:v27+s0+$0x0], $0xffff  }
0x1c4: {  	v20 =	vld.idx.msk [tilespmem:v28+s2+$0x0], $0xffff  }
0x1c5: {  	v21 =	vld.idx.msk [tilespmem:v29+s0+$0x0], $0xffff  }
0x1c6: {  	v22 =	vld.idx.msk [tilespmem:v30+s2+$0x0], $0xffff  }
0x1c7: {  	v23 =	vld.idx.msk [tilespmem:v31+s20+$0x0], $0xffff  }
0x1c8: {  	v24 =	vld.idx.msk [tilespmem:v32+s20+$0x0], $0xffff;
	_ =	sdelay $0x2  }
0x1c9: {  	v19 =	vmul.f32 v20, v19;
	v33 =	vmul.f32 v22, v21;
	_ =	sdelay $0x1  }
0x1ca: {  	(v2sf) =	vpush v18, $0xE;
	v19 =	vmul.f32 v23, v19;
	v20 =	vmul.f32 v24, v33  }
0x1cb: {  	(v2sf) =	vpush v17, $0xE  }
0x1cc: {  	v19 =	vadd.f32 v20, v19;
	_ =	sdelay $0x1  }
0x1cd: {  	(v2sf) =	vpush v16, $0xE;
	(xrf2) =	vadd.scan.msk.f32 $0xffff, v19;
	_ =	sdelay $0x3  }
0x1ce: {  	s17 =	sadd.s32 $0xFFFFFFFA, s21  }
0x1cf: {  	v34 =	vmov s17  }
0x1d0: {  	v19 =	vand.u32 $0xFFFFFFF9, v34  }
0x1d1: {  	v19 =	vbroadcast v19, $0x0;
	_ =	sdelay $0x2  }
0x1d2: {  	v35, _, _ =	vpop (xrf2)  }
0x1d3: {  	s12 =	spop (v2sf);
	v20 =	vbroadcast v35, $0xF  }
0x1d4: {  	s4 =	sand.u32 $0xFFFFF80, s12;
	s17 =	spop (v2sf)  }
0x1d5: {  	s5 =	sadd.s32 s1, s4;
	s4 =	simm.s32 $0x6600;
	s29 =	sand.u32 $0xFFFFF80, s17;
	[tilespmem:v19+s10+$0x0] =	vst.idx.msk $0x1, v20  }
0x1d6: {  	[tilespmem:s4], [sflag:$0x1] =	stream.strided.gather [hbm4b:s5+s30], $0x1000, s31, s30, $0x38;
	[tilespmem:$0x18800] =	vst v63  }
0x1d7: {  	s29 =	sadd.s32 s3, s29;
	s5 =	spop (v2sf);
	s4 =	simm.s32 $0xE600  }
0x1d8: {  	[tilespmem:s4], [sflag:$0x1] =	stream.strided.gather [hbm4b:s29+s30], $0x1000, s31, s30, $0x38;
	[tilespmem:$0x18800] =	vst v63  }
0x1d9: {  	s29 =	sand.u32 $0xFFFFF80, s5  }
0x1da: {  	s4 =	simm.s32 $0x16600;
	s29 =	sadd.s32 s1, s29  }
0x1db: {  	[tilespmem:s4], [sflag:$0x1] =	stream.strided.gather [hbm4b:s29+s30], $0x1000, s31, s30, $0x38;
	[tilespmem:$0x18800] =	vst v63  }
0x1dc: {  	_ =	swait.ge [sflag:s9], $0x1000  }
0x1dd: {  	[sflag:s9] =	ssyncset.done $0x0  }
0x1de: {  	[sflag:s9] =	ssyncadd.s32 $0xFFFFF000  }
0x1df: {  	s6 =	sand.u32 $0x7F, s6;
	_ =	swait.ge [sflag:s9], $0x1000  }
0x1e0: {  	s13 =	sand.u32 $0x7F, s13;
	v36 =	vor.u32 s6, v4;
	[sflag:s9] =	ssyncset.done $0x0  }
0x1e1: {  	v37 =	vor.u32 s13, v4;
	[sflag:s9] =	ssyncadd.s32 $0xFFFFF000  }
0x1e2: {  	v38 =	vor.u32 s6, v5;
	_ =	swait.ge [sflag:s9], $0x1000  }
0x1e3: {  	v39 =	vor.u32 s13, v5;
	s4 =	sand.u32 $0x7F, s25;
	[sflag:s9] =	ssyncset.done $0x0  }
0x1e4: {  	v40 =	vor.u32 s4, v4;
	[sflag:s9] =	ssyncadd.s32 $0xFFFFF000  }
0x1e5: {  	v41 =	vor.u32 s4, v5;
	v19 =	vld.idx.msk [tilespmem:v36+s0+$0x0], $0xffff  }
0x1e6: {  	v20 =	vld.idx.msk [tilespmem:v37+s2+$0x0], $0xffff  }
0x1e7: {  	v21 =	vld.idx.msk [tilespmem:v38+s0+$0x0], $0xffff  }
0x1e8: {  	v22 =	vld.idx.msk [tilespmem:v39+s2+$0x0], $0xffff  }
0x1e9: {  	v23 =	vld.idx.msk [tilespmem:v40+s20+$0x0], $0xffff  }
0x1ea: {  	v24 =	vld.idx.msk [tilespmem:v41+s20+$0x0], $0xffff;
	_ =	sdelay $0x2  }
0x1eb: {  	v19 =	vmul.f32 v20, v19;
	v42 =	vmul.f32 v22, v21;
	_ =	sdelay $0x1  }
0x1ec: {  	(v2sf) =	vpush v18, $0xF;
	v19 =	vmul.f32 v23, v19;
	v20 =	vmul.f32 v24, v42  }
0x1ed: {  	(v2sf) =	vpush v17, $0xF  }
0x1ee: {  	v43 =	vadd.f32 v20, v19;
	_ =	sdelay $0x1  }
0x1ef: {  	(v2sf) =	vpush v16, $0xF;
	(xrf2) =	vadd.scan.msk.f32 $0xffff, v43;
	_ =	sdelay $0x3  }
0x1f0: {  	s25 =	sadd.s32 $0xFFFFFFFB, s21  }
0x1f1: {  	v16 =	vmov s25  }
0x1f2: {  	v16 =	vand.u32 $0xFFFFFFFA, v16  }
0x1f3: {  	v16 =	vbroadcast v16, $0x0;
	_ =	sdelay $0x2  }
0x1f4: {  	v17, _, _ =	vpop (xrf2)  }
0x1f5: {  	s13 =	spop (v2sf);
	v17 =	vbroadcast v17, $0xF  }
0x1f6: {  	s4 =	sand.u32 $0xFFFFF80, s13;
	s25 =	spop (v2sf)  }
0x1f7: {  	s6 =	sadd.s32 s1, s4;
	s4 =	simm.s32 $0x7600;
	s29 =	sand.u32 $0xFFFFF80, s25;
	[tilespmem:v16+s10+$0x0] =	vst.idx.msk $0x1, v17  }
0x1f8: {  	[tilespmem:s4], [sflag:$0x1] =	stream.strided.gather [hbm4b:s6+s30], $0x1000, s31, s30, $0x38;
	[tilespmem:$0x18800] =	vst v63  }
0x1f9: {  	s29 =	sadd.s32 s3, s29;
	s6 =	spop (v2sf);
	s4 =	simm.s32 $0xF600  }
0x1fa: {  	[tilespmem:s4], [sflag:$0x1] =	stream.strided.gather [hbm4b:s29+s30], $0x1000, s31, s30, $0x38;
	[tilespmem:$0x18800] =	vst v63  }
0x1fb: {  	s29 =	sand.u32 $0xFFFFF80, s6  }
0x1fc: {  	s4 =	simm.s32 $0x17600;
	s29 =	sadd.s32 s1, s29  }
0x1fd: {  	[tilespmem:s4], [sflag:$0x1] =	stream.strided.gather [hbm4b:s29+s30], $0x1000, s31, s30, $0x38;
	[tilespmem:$0x18800] =	vst v63  }
0x1fe: {  	_ =	swait.ge [sflag:s9], $0x1000  }
0x1ff: {  	[sflag:s9] =	ssyncset.done $0x0  }
0x200: {  	[sflag:s9] =	ssyncadd.s32 $0xFFFFF000  }
0x201: {  	s7 =	sand.u32 $0x7F, s7;
	_ =	swait.ge [sflag:s9], $0x1000  }
0x202: {  	s14 =	sand.u32 $0x7F, s14;
	v16 =	vor.u32 s7, v6;
	[sflag:s9] =	ssyncset.done $0x0  }
0x203: {  	v17 =	vor.u32 s14, v6;
	[sflag:s9] =	ssyncadd.s32 $0xFFFFF000  }
0x204: {  	v44 =	vor.u32 s7, v7;
	_ =	swait.ge [sflag:s9], $0x1000  }
0x205: {  	v45 =	vor.u32 s14, v7;
	s4 =	sand.u32 $0x7F, s24;
	[sflag:s9] =	ssyncset.done $0x0  }
0x206: {  	v46 =	vor.u32 s4, v6;
	[sflag:s9] =	ssyncadd.s32 $0xFFFFF000  }
0x207: {  	v47 =	vor.u32 s4, v7;
	v16 =	vld.idx.msk [tilespmem:v16+s0+$0x0], $0xffff  }
0x208: {  	v17 =	vld.idx.msk [tilespmem:v17+s2+$0x0], $0xffff  }
0x209: {  	v18 =	vld.idx.msk [tilespmem:v44+s0+$0x0], $0xffff  }
0x20a: {  	v19 =	vld.idx.msk [tilespmem:v45+s2+$0x0], $0xffff  }
0x20b: {  	v20 =	vld.idx.msk [tilespmem:v46+s20+$0x0], $0xffff  }
0x20c: {  	v21 =	vld.idx.msk [tilespmem:v47+s20+$0x0], $0xffff;
	_ =	sdelay $0x2  }
0x20d: {  	v16 =	vmul.f32 v17, v16;
	v17 =	vmul.f32 v19, v18;
	_ =	sdelay $0x1  }
0x20e: {  	v16 =	vmul.f32 v20, v16;
	v17 =	vmul.f32 v21, v17;
	_ =	sdelay $0x1  }
0x20f: {  	v16 =	vadd.f32 v17, v16;
	_ =	sdelay $0x1  }
0x210: {  	(xrf2) =	vadd.scan.msk.f32 $0xffff, v16;
	_ =	sdelay $0x3  }
0x211: {  	s14 =	sadd.s32 $0xFFFFFFFC, s21  }
0x212: {  	v16 =	vmov s14  }
0x213: {  	v16 =	vand.u32 $0xFFFFFFFB, v16  }
0x214: {  	v16 =	vbroadcast v16, $0x0;
	_ =	sdelay $0x2  }
0x215: {  	v17, _, _ =	vpop (xrf2)  }
0x216: {  	v17 =	vbroadcast v17, $0xF;
	_ =	sdelay $0x1  }
0x217: {  	[tilespmem:v16+s10+$0x0] =	vst.idx.msk $0x1, v17  }
0x218: {  	_ =	swait.ge [sflag:s9], $0x1000  }
0x219: {  	[sflag:s9] =	ssyncset.done $0x0  }
0x21a: {  	[sflag:s9] =	ssyncadd.s32 $0xFFFFF000  }
0x21b: {  	s15 =	sand.u32 $0x7F, s15;
	_ =	swait.ge [sflag:s9], $0x1000  }
0x21c: {  	s26 =	sand.u32 $0x7F, s26;
	v16 =	vor.u32 s15, v8;
	[sflag:s9] =	ssyncset.done $0x0  }
0x21d: {  	v17 =	vor.u32 s26, v8;
	[sflag:s9] =	ssyncadd.s32 $0xFFFFF000  }
0x21e: {  	v48 =	vor.u32 s15, v9;
	_ =	swait.ge [sflag:s9], $0x1000  }
0x21f: {  	v49 =	vor.u32 s26, v9;
	s4 =	sand.u32 $0x7F, s8;
	[sflag:s9] =	ssyncset.done $0x0  }
0x220: {  	v50 =	vor.u32 s4, v8;
	[sflag:s9] =	ssyncadd.s32 $0xFFFFF000  }
0x221: {  	v51 =	vor.u32 s4, v9;
	v16 =	vld.idx.msk [tilespmem:v16+s0+$0x0], $0xffff  }
0x222: {  	v17 =	vld.idx.msk [tilespmem:v17+s2+$0x0], $0xffff  }
0x223: {  	v18 =	vld.idx.msk [tilespmem:v48+s0+$0x0], $0xffff  }
0x224: {  	v19 =	vld.idx.msk [tilespmem:v49+s2+$0x0], $0xffff  }
0x225: {  	v20 =	vld.idx.msk [tilespmem:v50+s20+$0x0], $0xffff  }
0x226: {  	v21 =	vld.idx.msk [tilespmem:v51+s20+$0x0], $0xffff;
	_ =	sdelay $0x2  }
0x227: {  	v16 =	vmul.f32 v17, v16;
	v17 =	vmul.f32 v19, v18;
	_ =	sdelay $0x1  }
0x228: {  	v16 =	vmul.f32 v20, v16;
	v17 =	vmul.f32 v21, v17;
	_ =	sdelay $0x1  }
0x229: {  	v16 =	vadd.f32 v17, v16;
	_ =	sdelay $0x1  }
0x22a: {  	(xrf2) =	vadd.scan.msk.f32 $0xffff, v16;
	_ =	sdelay $0x3  }
0x22b: {  	s8 =	sadd.s32 $0xFFFFFFFD, s21  }
0x22c: {  	v16 =	vmov s8  }
0x22d: {  	v16 =	vand.u32 $0xFFFFFFFC, v16  }
0x22e: {  	v16 =	vbroadcast v16, $0x0;
	_ =	sdelay $0x2  }
0x22f: {  	v17, _, _ =	vpop (xrf2)  }
0x230: {  	v17 =	vbroadcast v17, $0xF;
	_ =	sdelay $0x1  }
0x231: {  	[tilespmem:v16+s10+$0x0] =	vst.idx.msk $0x1, v17  }
0x232: {  	_ =	swait.ge [sflag:s9], $0x1000  }
0x233: {  	[sflag:s9] =	ssyncset.done $0x0  }
0x234: {  	[sflag:s9] =	ssyncadd.s32 $0xFFFFF000  }
0x235: {  	s14 =	sand.u32 $0x7F, s16;
	_ =	swait.ge [sflag:s9], $0x1000  }
0x236: {  	s15 =	sand.u32 $0x7F, s28;
	v16 =	vor.u32 s14, v10;
	[sflag:s9] =	ssyncset.done $0x0  }
0x237: {  	v17 =	vor.u32 s15, v10;
	[sflag:s9] =	ssyncadd.s32 $0xFFFFF000  }
0x238: {  	v52 =	vor.u32 s14, v11;
	_ =	swait.ge [sflag:s9], $0x1000  }
0x239: {  	s26 =	sand.u32 $0x7F, s11;
	v53 =	vor.u32 s15, v11;
	[sflag:s9] =	ssyncset.done $0x0  }
0x23a: {  	v54 =	vor.u32 s26, v10;
	[sflag:s9] =	ssyncadd.s32 $0xFFFFF000  }
0x23b: {  	v55 =	vor.u32 s26, v11;
	v16 =	vld.idx.msk [tilespmem:v16+s0+$0x0], $0xffff  }
0x23c: {  	v17 =	vld.idx.msk [tilespmem:v17+s2+$0x0], $0xffff  }
0x23d: {  	v18 =	vld.idx.msk [tilespmem:v52+s0+$0x0], $0xffff  }
0x23e: {  	v19 =	vld.idx.msk [tilespmem:v53+s2+$0x0], $0xffff  }
0x23f: {  	v20 =	vld.idx.msk [tilespmem:v54+s20+$0x0], $0xffff  }
0x240: {  	v21 =	vld.idx.msk [tilespmem:v55+s20+$0x0], $0xffff;
	_ =	sdelay $0x2  }
0x241: {  	v16 =	vmul.f32 v17, v16;
	v17 =	vmul.f32 v19, v18;
	_ =	sdelay $0x1  }
0x242: {  	v16 =	vmul.f32 v20, v16;
	v17 =	vmul.f32 v21, v17;
	_ =	sdelay $0x1  }
0x243: {  	v16 =	vadd.f32 v17, v16;
	_ =	sdelay $0x1  }
0x244: {  	(xrf2) =	vadd.scan.msk.f32 $0xffff, v16;
	_ =	sdelay $0x3  }
0x245: {  	s28 =	sadd.s32 $0xFFFFFFFE, s21  }
0x246: {  	v16 =	vmov s28  }
0x247: {  	v16 =	vand.u32 $0xFFFFFFFD, v16  }
0x248: {  	v16 =	vbroadcast v16, $0x0;
	_ =	sdelay $0x2  }
0x249: {  	v17, _, _ =	vpop (xrf2)  }
0x24a: {  	v17 =	vbroadcast v17, $0xF;
	_ =	sdelay $0x1  }
0x24b: {  	[tilespmem:v16+s10+$0x0] =	vst.idx.msk $0x1, v17  }
0x24c: {  	_ =	swait.ge [sflag:s9], $0x1000  }
0x24d: {  	[sflag:s9] =	ssyncset.done $0x0  }
0x24e: {  	[sflag:s9] =	ssyncadd.s32 $0xFFFFF000  }
0x24f: {  	s8 =	sand.u32 $0x7F, s12;
	_ =	swait.ge [sflag:s9], $0x1000  }
0x250: {  	s14 =	sand.u32 $0x7F, s17;
	v16 =	vor.u32 s8, v12;
	[sflag:s9] =	ssyncset.done $0x0  }
0x251: {  	v17 =	vor.u32 s14, v12;
	[sflag:s9] =	ssyncadd.s32 $0xFFFFF000  }
0x252: {  	v56 =	vor.u32 s8, v13;
	_ =	swait.ge [sflag:s9], $0x1000  }
0x253: {  	s5 =	sand.u32 $0x7F, s5;
	v57 =	vor.u32 s14, v13;
	[sflag:s9] =	ssyncset.done $0x0  }
0x254: {  	v58 =	vor.u32 s5, v12;
	[sflag:s9] =	ssyncadd.s32 $0xFFFFF000  }
0x255: {  	v59 =	vor.u32 s5, v13;
	v16 =	vld.idx.msk [tilespmem:v16+s0+$0x0], $0xffff  }
0x256: {  	v17 =	vld.idx.msk [tilespmem:v17+s2+$0x0], $0xffff  }
0x257: {  	v18 =	vld.idx.msk [tilespmem:v56+s0+$0x0], $0xffff  }
0x258: {  	v19 =	vld.idx.msk [tilespmem:v57+s2+$0x0], $0xffff  }
0x259: {  	v20 =	vld.idx.msk [tilespmem:v58+s20+$0x0], $0xffff  }
0x25a: {  	v21 =	vld.idx.msk [tilespmem:v59+s20+$0x0], $0xffff;
	_ =	sdelay $0x2  }
0x25b: {  	v16 =	vmul.f32 v17, v16;
	v17 =	vmul.f32 v19, v18;
	_ =	sdelay $0x1  }
0x25c: {  	v16 =	vmul.f32 v20, v16;
	v17 =	vmul.f32 v21, v17;
	_ =	sdelay $0x1  }
0x25d: {  	v16 =	vadd.f32 v17, v16;
	_ =	sdelay $0x1  }
0x25e: {  	(xrf2) =	vadd.scan.msk.f32 $0xffff, v16;
	_ =	sdelay $0x3  }
0x25f: {  	s15 =	sadd.s32 $0xFFFFFFFF, s21  }
0x260: {  	v16 =	vmov s15  }
0x261: {  	v16 =	vand.u32 $0xFFFFFFFE, v16  }
0x262: {  	v16 =	vbroadcast v16, $0x0;
	_ =	sdelay $0x2  }
0x263: {  	v17, _, _ =	vpop (xrf2)  }
0x264: {  	v17 =	vbroadcast v17, $0xF;
	_ =	sdelay $0x1  }
0x265: {  	[tilespmem:v16+s10+$0x0] =	vst.idx.msk $0x1, v17  }
0x266: {  	_ =	swait.ge [sflag:s9], $0x1000  }
0x267: {  	[sflag:s9] =	ssyncset.done $0x0  }
0x268: {  	[sflag:s9] =	ssyncadd.s32 $0xFFFFF000  }
0x269: {  	s17 =	sand.u32 $0x7F, s13;
	_ =	swait.ge [sflag:s9], $0x1000  }
0x26a: {  	s26 =	sand.u32 $0x7F, s25;
	v16 =	vor.u32 s17, v14;
	[sflag:s9] =	ssyncset.done $0x0  }
0x26b: {  	v17 =	vor.u32 s26, v14;
	[sflag:s9] =	ssyncadd.s32 $0xFFFFF000  }
0x26c: {  	v60 =	vor.u32 s17, v15;
	_ =	swait.ge [sflag:s9], $0x1000  }
0x26d: {  	v61 =	vor.u32 s26, v15;
	s28 =	sand.u32 $0x7F, s6;
	[sflag:s9] =	ssyncset.done $0x0  }
0x26e: {  	v62 =	vor.u32 s28, v14;
	[sflag:s9] =	ssyncadd.s32 $0xFFFFF000  }
0x26f: {  	v63 =	vor.u32 s28, v15;
	v16 =	vld.idx.msk [tilespmem:v16+s0+$0x0], $0xffff  }
0x270: {  	v17 =	vld.idx.msk [tilespmem:v17+s2+$0x0], $0xffff  }
0x271: {  	v18 =	vld.idx.msk [tilespmem:v60+s0+$0x0], $0xffff  }
0x272: {  	v19 =	vld.idx.msk [tilespmem:v61+s2+$0x0], $0xffff  }
0x273: {  	v20 =	vld.idx.msk [tilespmem:v62+s20+$0x0], $0xffff  }
0x274: {  	v21 =	vld.idx.msk [tilespmem:v63+s20+$0x0], $0xffff;
	_ =	sdelay $0x2  }
0x275: {  	v16 =	vmul.f32 v17, v16;
	v17 =	vmul.f32 v19, v18;
	_ =	sdelay $0x1  }
0x276: {  	v16 =	vmul.f32 v20, v16;
	v17 =	vmul.f32 v21, v17;
	_ =	sdelay $0x1  }
0x277: {  	v16 =	vadd.f32 v17, v16;
	_ =	sdelay $0x1  }
0x278: {  	(xrf2) =	vadd.scan.msk.f32 $0xffff, v16;
	_ =	sdelay $0x7  }
0x279: {  	p0 =	sne.s32 s21, $0x1FF;
	v16 =	vmov s21  }
.Ltmp0:
0x27a: {  	_ = 	snop;
	(pc) =	sbr.rel @p0 .LBB2_2-.Ltmp0, $4  }
0x27b: {  	s23 =	sadd.s32 $0x10, s23;
	s19 =	sadd.s32 $0x10, s19;
	v17, _, _ =	vpop (xrf2)  }
0x27c: {  	s22 =	sadd.s32 $0x10, s22;
	s29 =	simm.s32 $0xB600;
	s24 =	simm.s32 $0x3600;
	v17 =	vbroadcast v17, $0xF  }
0x27d: {  	s4 =	simm.s32 $0x11600;
	s16 =	simm.s32 $0x12600;
	s11 =	simm.s32 $0x2600  }
0x27e: {  	s12 =	simm.s32 $0xA600;
	s8 =	simm.s32 $0x1600;
	s21 =	sadd.s32 $0x10, s21;
	[tilespmem:v16+s10+$0x0] =	vst.idx.msk $0x1, v17  }
0x27f: {  	s15 =	simm.s32 $0x0;
	s5 =	rddreg [dreg:$0x11];
	s6 =	simm.s32 $0x2  }
0x280: {  	[hbm4b:s5+s15] =	stream.linear.scatter [tilespmem:s10], [sflag:$0x2], $0x200, $0x38;
	[tilespmem:$0x18800] =	vst v63  }
0x281: {  	_ =	swait.ge [sflag:s6], $0x200  }
0x282: {  	s7 =	rddreg [dreg:$0x13]  }
0x283: {  	s28 =	rddreg [dreg:$0x12];
	s7 =	sadd.s32 $0x1, s7  }
0x284: {  	p0 =	sne.s32 s7, s28  }
.Ltmp1:
0x285: {  	_ = 	snop;
	(pc) =	sbr.rel @p0 .LBB2_1-.Ltmp1, $3  }
0x286: {  	_ =	sdelay $0x1  }
0x287: {  	[sflag:s6] =	ssyncset.done $0x0  }
0x288: {  	[sflag:s6] =	ssyncadd.s32 $0xFFFFFE00  }
0x289: {  	_ =	sfence.sel $0x180000  }
0x28a: {  	[bflag:$0x0] =	sbarrier.arrive $0xFFFF  }
0x28b: {  	_ =	strace $0x90000047  }
0x28c: {  	s0 =	stileid.u32;
	[bflag:$0x2] =	sbarrier.arrive $0xFFFF  }
0x28d: {  	p0 =	sne.s32 s0, $0x0;
	s0 =	rddreg [dreg:$0x4]  }
0x28e: {  	s0 =	sadd.s32 @!p0 $0x100000, s0  }
0x28f: {  	[sflag:s0] =	ssyncadd.tile.s32 @!p0 $0x1;
	_ =	shalt  }
.Lfunc_end2:
_tile_overlayer_lowered:
.L_overlay_start_2:
0x290: {  	(tag) =	ssettag $0x2  }
0x291: {  	s0 =	rddreg [dreg:$0x0];
	s2 =	stileid.u32  }
0x292: {  	s1 =	rddreg [dreg:$0x1];
	p0 =	sne.s32 s2, $0x0  }
0x293: {  	s3 =	rddreg [dreg:$0x2];
	[bflag:$0x3] =	sbarrier.arrive $0xFFFF;
	s2 =	simm.s32 @!p0 $0x1C02  }
0x294: {  	[timem:s3], [sflag:s2] =	dma.local @!p0 [hbm:s0], s1  }
0x295: {  	s0 =	simm.s32 @!p0 $0x2  }
0x296: {  	_ =	swait.ge @!p0 [sflag:s0], s1  }
0x297: {  	s1 =	ssub.s32 @!p0 $0x0, s1;
	[sflag:s0] =	ssyncset.done @!p0 $0x0  }
0x298: {  	[sflag:s0] =	ssyncadd.s32 @!p0 s1  }
0x299: {  	[bflag:$0x3] =	sbarrier.arrive $0xFFFF  }
0x29a: {  	_ =	shalt  }

</sc_bundles>
